<compile_context>
chip_gen: v7x
topology: tpu7x:2x2x1
jax: 0.10.2.dev20260603
libtpu: 0.0.44.dev20260713+nightly
codegen_flags: <defaults>
</compile_context>

<pallas_src>
import functools

import jax
import jax.numpy as jnp
from jax import lax
from jax.experimental import pallas as pl
from jax.experimental.pallas import tpu as pltpu
from jax.experimental.pallas import tpu_sc as plsc

B, P, R, D, T = 1024, 20, 8, 128, 10000
N = B * P
NC, NS, L = 2, 16, 16
NW = NC * NS
ROWS_W = N // NW
CH = 16
NCHUNK = ROWS_W // CH
NPAIR = NCHUNK // 2
GATH = CH * R
NEG_BIG = -1e30


def _han_body(x_hbm, t_hbm, packed_hbm,
              out_hbm,
              packed_v, refidx_v, titleidx_v,
              focal_v, ref_v, title_v, outb_v,
              sem_r0, sem_r1, sem_t0, sem_t1, sem_f0, sem_f1,
              sem_o0, sem_o1):
  cid = lax.axis_index("c")
  sid = lax.axis_index("s")
  wid = sid * NC + cid
  row0 = wid * ROWS_W

  pltpu.sync_copy(packed_hbm.at[pl.ds(row0 * R, ROWS_W * R)], packed_v)

  @plsc.parallel_loop(0, ROWS_W * R // L, unroll=4)
  def _unpack_idx(j):
    v = packed_v[pl.ds(j * L, L)]
    refidx_v[pl.ds(j * L, L)] = v & 0x7FFF
    titleidx_v[pl.ds(j * L, L)] = (v >> 15) & 0x3FFF

  lane = lax.iota(jnp.int32, L)

  sem_r = (sem_r0, sem_r1)
  sem_t = (sem_t0, sem_t1)
  sem_f = (sem_f0, sem_f1)
  sem_o = (sem_o0, sem_o1)

  def gather_ops(ci, p):
    base = row0 + ci * CH
    return (
        (x_hbm.at[refidx_v.at[pl.ds(ci * GATH, GATH)]],
         ref_v.at[pl.ds(p * GATH, GATH)], sem_r[p]),
        (t_hbm.at[titleidx_v.at[pl.ds(ci * GATH, GATH)]],
         title_v.at[pl.ds(p * GATH, GATH)], sem_t[p]),
        (x_hbm.at[pl.ds(base, CH)],
         focal_v.at[pl.ds(p * CH, CH)], sem_f[p]),
    )

  def issue(ci, p):
    for a in gather_ops(ci, p):
      pltpu.async_copy(*a)

  def wait_gathers(ci, p):
    for a in gather_ops(ci, p):
      pltpu.make_async_copy(*a).wait()

  def out_op(ci, p):
    base = row0 + ci * CH
    return (outb_v.at[pl.ds(p * CH, CH)], out_hbm.at[pl.ds(base, CH)],
            sem_o[p])

  def compute(ci, p):
    def row_body(i):
      ib = p * CH + i
      rbase = p * GATH + i * R
      f = [focal_v[ib, pl.ds(k * L, L)] for k in range(D // L)]
      sv = jnp.full((L,), NEG_BIG, jnp.float32)
      for r in range(R):
        acc_a = f[0] * ref_v[rbase + r, pl.ds(0, L)]
        acc_b = f[1] * ref_v[rbase + r, pl.ds(L, L)]
        for k in range(2, D // L, 2):
          acc_a = acc_a + f[k] * ref_v[rbase + r, pl.ds(k * L, L)]
          acc_b = acc_b + f[k + 1] * ref_v[rbase + r, pl.ds((k + 1) * L, L)]
        sv = jnp.where(lane == r, jnp.sum(acc_a + acc_b), sv)
      e = jnp.exp(sv)
      denom = jnp.sum(e)
      eyv = plsc.load_gather(
          packed_v,
          [jnp.broadcast_to((ci * CH + i) * R, (L,)).astype(jnp.int32)])
      mval = jnp.where((eyv >> 29) != 0, 1.0, 0.0)
      sim = (e / denom) * mval
      w = [sim[r] for r in range(R)]
      for k in range(D // L):
        outb_v[ib, pl.ds(k * L, L)] = f[k]
      for k in range(D // L):
        ga = w[0] * title_v[rbase, pl.ds(k * L, L)]
        gb = w[1] * title_v[rbase + 1, pl.ds(k * L, L)]
        for r in range(2, R, 2):
          ga = ga + w[r] * title_v[rbase + r, pl.ds(k * L, L)]
          gb = gb + w[r + 1] * title_v[rbase + r + 1, pl.ds(k * L, L)]
        outb_v[ib, pl.ds(D + k * L, L)] = ga + gb

    plsc.parallel_loop(0, CH, unroll=3)(row_body)

  issue(0, 0)

  def pair_body(cj, carry):
    ci0 = 2 * cj
    issue(ci0 + 1, 1)
    wait_gathers(ci0, 0)

    @pl.when(cj > 0)
    def _():
      pltpu.make_async_copy(*out_op(ci0 - 2, 0)).wait()

    compute(ci0, 0)
    pltpu.async_copy(*out_op(ci0, 0))

    @pl.when(cj < NPAIR - 1)
    def _():
      issue(ci0 + 2, 0)

    wait_gathers(ci0 + 1, 1)

    @pl.when(cj > 0)
    def _():
      pltpu.make_async_copy(*out_op(ci0 - 1, 1)).wait()

    compute(ci0 + 1, 1)
    pltpu.async_copy(*out_op(ci0 + 1, 1))
    return carry

  lax.fori_loop(0, NPAIR, pair_body, 0)
  pltpu.make_async_copy(*out_op(NCHUNK - 2, 0)).wait()
  pltpu.make_async_copy(*out_op(NCHUNK - 1, 1)).wait()


_han_sc = functools.partial(
    pl.kernel,
    mesh=plsc.VectorSubcoreMesh(core_axis_name="c", subcore_axis_name="s"),
    out_type=jax.ShapeDtypeStruct((N, 2 * D), jnp.float32),
    compiler_params=pltpu.CompilerParams(needs_layout_passes=False),
    scratch_types=[
        pltpu.VMEM((ROWS_W * R,), jnp.int32),
        pltpu.VMEM((ROWS_W * R,), jnp.int32),
        pltpu.VMEM((ROWS_W * R,), jnp.int32),
        pltpu.VMEM((2 * CH, D), jnp.float32),
        pltpu.VMEM((2 * GATH, D), jnp.float32),
        pltpu.VMEM((2 * GATH, D), jnp.float32),
        pltpu.VMEM((2 * CH, 2 * D), jnp.float32),
        pltpu.SemaphoreType.DMA,
        pltpu.SemaphoreType.DMA,
        pltpu.SemaphoreType.DMA,
        pltpu.SemaphoreType.DMA,
        pltpu.SemaphoreType.DMA,
        pltpu.SemaphoreType.DMA,
        pltpu.SemaphoreType.DMA,
        pltpu.SemaphoreType.DMA,
    ],
)(_han_body)


def kernel(title_emb_mat, emp_ids, end_yrs, batch_label, inputs,
           ref_batch_pos, ref_job_idx, ref_title_idx):
  del emp_ids, batch_label
  x = inputs.reshape(N, D)
  refidx = (ref_batch_pos.astype(jnp.int32) * P
            + ref_job_idx.astype(jnp.int32))
  packed = (refidx
            | (ref_title_idx.astype(jnp.int32) << 15)
            | ((end_yrs != 0).astype(jnp.int32)[:, :, None] << 29))
  return _han_sc(x, title_emb_mat, packed.reshape(N * R))

# --- scband reference (transcript-rebuilt; emitter-appended) ---
"""Pipeline reference for scband-hanmeta-1649267442137 (READ-ONLY COPY).

The authoritative reference and input builder live on the scoring server;
editing this copy changes nothing except your own understanding.
"""

import jax, jax.numpy as jnp
import numpy as np


def setup_inputs(seed: int = 0) -> dict:
    key = jax.random.key(seed)
    ks = jax.random.split(key, 8)
    B, P, R, d, T, Td = 1024, 20, 8, 128, 10000, 128
    inputs = jax.random.normal(ks[0], (B, P, d), dtype=jnp.float32)
    title_emb_mat = jax.random.normal(ks[1], (T, Td), dtype=jnp.float32)
    emp_ids = jax.random.randint(ks[2], (B,), 0, 100000)
    end_yrs = jax.random.randint(ks[3], (B, P), 0, 5)
    batch_label = jax.random.normal(ks[4], (B,), dtype=jnp.float32)
    ref_batch_pos = jax.random.randint(ks[5], (B, P, R), 0, B)
    ref_job_idx = jax.random.randint(ks[6], (B, P, R), 0, P)
    ref_title_idx = jax.random.randint(ks[7], (B, P, R), 0, T)
    return {
        'title_emb_mat': title_emb_mat,
        'emp_ids': emp_ids,
        'end_yrs': end_yrs,
        'batch_label': batch_label,
        'inputs': inputs,
        'ref_batch_pos': ref_batch_pos,
        'ref_job_idx': ref_job_idx,
        'ref_title_idx': ref_title_idx,
    }


def reference(title_emb_mat, emp_ids, end_yrs, batch_label, inputs,
              ref_batch_pos, ref_job_idx, ref_title_idx):
    # Tensorized HAN metapath aggregation.
    # For each focal (i, pos): gather R reference job embeddings from other
    # batch members via (BatchPos, Job_Index) pairs, attention-weight them
    # (exp / sum, exactly as the original raw softmax), gather their target
    # title embeddings, mix, mask out positions with end_yr == 0, and concat
    # with the original position embedding.
    B, P, d = inputs.shape
    Td = title_emb_mat.shape[1]
    # gather reference embeddings: inputs[BatchPos, Job_Index] -> [B, P, R, d]
    ref_embs = inputs[ref_batch_pos, ref_job_idx]
    focal = inputs[:, :, None, :]                       # [B, P, 1, d]
    raw_s = jnp.sum(focal * ref_embs, axis=-1)          # [B, P, R]
    e = jnp.exp(raw_s)
    sim = e / jnp.sum(e, axis=-1, keepdims=True)        # [B, P, R]
    ref_t_embs = jnp.take(title_emb_mat, ref_title_idx, axis=0)  # [B, P, R, Td]
    graph_t_emb = jnp.einsum('bpr,bprt->bpt', sim, ref_t_embs)   # [B, P, Td]
    mask = (end_yrs != 0).astype(inputs.dtype)[:, :, None]
    graph_concat = graph_t_emb * mask                   # zeros where yr == 0
    out = jnp.concatenate([inputs, graph_concat], axis=-1)  # [B, P, d+Td]
    return out.reshape(B * P, d + Td)

if __name__ == "__main__":
    import jax
    _d = setup_inputs()
    print(jax.jit(kernel)(*tuple(_d.values())))

</pallas_src>

<mosaic_0001>
#map = affine_map<(d0, d1) -> (0, 0)>
#map1 = affine_map<(d0, d1) -> (0)>
module attributes {stable_mosaic.version = 14 : i64} {
  func.func @_han_body(%arg0: i32, %arg1: i32, %arg2: memref<20480x128xf32, #tpu.memory_space<hbm>>, %arg3: memref<10000x128xf32, #tpu.memory_space<hbm>>, %arg4: memref<163840xi32, #tpu.memory_space<hbm>>, %arg5: memref<20480x256xf32, #tpu.memory_space<hbm>>, %arg6: memref<5120xi32, #tpu.memory_space<vmem>>, %arg7: memref<5120xi32, #tpu.memory_space<vmem>>, %arg8: memref<5120xi32, #tpu.memory_space<vmem>>, %arg9: memref<32x128xf32, #tpu.memory_space<vmem>>, %arg10: memref<256x128xf32, #tpu.memory_space<vmem>>, %arg11: memref<256x128xf32, #tpu.memory_space<vmem>>, %arg12: memref<32x256xf32, #tpu.memory_space<vmem>>, %arg13: memref<!tpu.dma_semaphore, #tpu.memory_space<semaphore_mem>>, %arg14: memref<!tpu.dma_semaphore, #tpu.memory_space<semaphore_mem>>, %arg15: memref<!tpu.dma_semaphore, #tpu.memory_space<semaphore_mem>>, %arg16: memref<!tpu.dma_semaphore, #tpu.memory_space<semaphore_mem>>, %arg17: memref<!tpu.dma_semaphore, #tpu.memory_space<semaphore_mem>>, %arg18: memref<!tpu.dma_semaphore, #tpu.memory_space<semaphore_mem>>, %arg19: memref<!tpu.dma_semaphore, #tpu.memory_space<semaphore_mem>>, %arg20: memref<!tpu.dma_semaphore, #tpu.memory_space<semaphore_mem>>) attributes {dimension_semantics = [#tpu.dimension_semantics<core_parallel>, #tpu.dimension_semantics<subcore_parallel>], iteration_bounds = array<i64: 2, 16>, scalar_prefetch = 0 : i64, scratch_operands = 15 : i64, tpu.core_type = #tpu.core_type<sc_vector_subcore>, window_params = [{transform_indices = #map}, {transform_indices = #map}, {transform_indices = #map1}, {transform_indices = #map}]} {
    %mul3A = arith.constant 2 : i32
    %mul3A_0 = arith.muli %arg1, %mul3A : i32
    %add3A = arith.addi %mul3A_0, %arg0 : i32
    %mul3A_1 = arith.constant 640 : i32
    %mul3A_2 = arith.muli %add3A, %mul3A_1 : i32
    %mul3A_3 = arith.constant 8 : i32
    %mul3A_4 = arith.muli %mul3A_2, %mul3A_3 : i32
    "tpu.region"() ({
      %run_scoped3A = tpu.sem_alloc : memref<!tpu.dma_semaphore, #tpu.memory_space<semaphore_mem>>
      %dma_start3A_62 = tpu.memref_slice %arg4[%mul3A_4] : memref<163840xi32, #tpu.memory_space<hbm>> -> memref<5120xi32, #tpu.memory_space<hbm>>
      %dma_start3A_63 = tpu.memref_slice %arg4[%mul3A_4] : memref<163840xi32, #tpu.memory_space<hbm>> -> memref<5120xi32, #tpu.memory_space<hbm>>
      tpu.enqueue_dma source(%dma_start3A_63 : memref<5120xi32, #tpu.memory_space<hbm>>) target(%arg6 : memref<5120xi32, #tpu.memory_space<vmem>>) target_semaphore(%run_scoped3A : memref<!tpu.dma_semaphore, #tpu.memory_space<semaphore_mem>>)
      %dma_wait3A_64 = tpu.memref_slice %arg4[%mul3A_4] : memref<163840xi32, #tpu.memory_space<hbm>> -> memref<5120xi32, #tpu.memory_space<hbm>>
      %dma_wait3A_65 = tpu.memref_slice %arg4[%mul3A_4] : memref<163840xi32, #tpu.memory_space<hbm>> -> memref<5120xi32, #tpu.memory_space<hbm>>
      tpu.wait_dma2 semaphore(%run_scoped3A : memref<!tpu.dma_semaphore, #tpu.memory_space<semaphore_mem>>) src(%dma_wait3A_65 : memref<5120xi32, #tpu.memory_space<hbm>>) dst(%arg6 : memref<5120xi32, #tpu.memory_space<vmem>>)
      tpu.yield
    }) : () -> ()
    %parallel_loop3A = arith.constant 0 : i32
    %parallel_loop3A_5 = arith.constant 320 : i32
    %parallel_loop3A_6 = arith.constant 1 : i32
    scf.for %parallel_loop3A_62 = %parallel_loop3A to %parallel_loop3A_5 step %parallel_loop3A_6  : i32 {
      %parallel_loop3A_63 = arith.constant 16 : i32
      %parallel_loop3A_64 = arith.muli %parallel_loop3A_62, %parallel_loop3A_63 : i32
      %parallel_loop3A_65 = arith.index_cast %parallel_loop3A_64 : i32 to index
      %parallel_loop3A_66 = tpu.vector_load %arg6[%parallel_loop3A_65] {strides = array<i32>} : memref<5120xi32, #tpu.memory_space<vmem>>, vector<16xi32>,
      %parallel_loop3A_67 = arith.constant 32767 : i32
      %parallel_loop3A_68 = vector.broadcast %parallel_loop3A_67 : i32 to vector<16xi32>
      %parallel_loop3A_69 = arith.andi %parallel_loop3A_66, %parallel_loop3A_68 : vector<16xi32>
      %parallel_loop3A_70 = arith.constant 16 : i32
      %parallel_loop3A_71 = arith.muli %parallel_loop3A_62, %parallel_loop3A_70 : i32
      %parallel_loop3A_72 = arith.index_cast %parallel_loop3A_71 : i32 to index
      %parallel_loop3A_73 = tpu.vector_load %arg7[%parallel_loop3A_72] {strides = array<i32>} : memref<5120xi32, #tpu.memory_space<vmem>>, vector<16xi32>,
      tpu.vector_store %arg7[%parallel_loop3A_72], %parallel_loop3A_69 {strides = array<i32>} : memref<5120xi32, #tpu.memory_space<vmem>>, vector<16xi32>,
      %parallel_loop3A_74 = arith.constant 15 : i32
      %parallel_loop3A_75 = vector.broadcast %parallel_loop3A_74 : i32 to vector<16xi32>
      %parallel_loop3A_76 = arith.shrsi %parallel_loop3A_66, %parallel_loop3A_75 : vector<16xi32>
      %parallel_loop3A_77 = arith.constant 16383 : i32
      %parallel_loop3A_78 = vector.broadcast %parallel_loop3A_77 : i32 to vector<16xi32>
      %parallel_loop3A_79 = arith.andi %parallel_loop3A_76, %parallel_loop3A_78 : vector<16xi32>
      %parallel_loop3A_80 = arith.constant 16 : i32
      %parallel_loop3A_81 = arith.muli %parallel_loop3A_62, %parallel_loop3A_80 : i32
      %parallel_loop3A_82 = arith.index_cast %parallel_loop3A_81 : i32 to index
      %parallel_loop3A_83 = tpu.vector_load %arg8[%parallel_loop3A_82] {strides = array<i32>} : memref<5120xi32, #tpu.memory_space<vmem>>, vector<16xi32>,
      tpu.vector_store %arg8[%parallel_loop3A_82], %parallel_loop3A_79 {strides = array<i32>} : memref<5120xi32, #tpu.memory_space<vmem>>, vector<16xi32>,
    } {sc.loop_unroll_factor = 4 : i64, sc.parallel_access}
    %iota3A = tpu.iota {dimensions = array<i32: 0>} : vector<16xi32>
    %add3A_7 = arith.constant 0 : i32
    %add3A_8 = arith.addi %mul3A_2, %add3A_7 : i32
    %dma_start3A = arith.constant 0 : i32
    %dma_start3A_9 = arith.constant 0 : i32
    %dma_start3A_10 = tpu.memref_slice %arg10[%dma_start3A, %dma_start3A_9] : memref<256x128xf32, #tpu.memory_space<vmem>> -> memref<128x128xf32, #tpu.memory_space<vmem>>
    %dma_start3A_11 = arith.constant 0 : i32
    %dma_start3A_12 = tpu.memref_slice %arg7[%dma_start3A_11] : memref<5120xi32, #tpu.memory_space<vmem>> -> memref<128xi32, #tpu.memory_space<vmem>>
    %dma_start3A_13 = arith.constant 0 : i32
    %dma_start3A_14 = arith.constant 0 : i32
    %dma_start3A_15 = tpu.memref_slice %arg2[%dma_start3A_13, %dma_start3A_14] : memref<20480x128xf32, #tpu.memory_space<hbm>> -> memref<20480x128xf32, #tpu.memory_space<hbm>>
    tpu.enqueue_indirect_dma source(%dma_start3A_15 : memref<20480x128xf32, #tpu.memory_space<hbm>>) target(%dma_start3A_10 : memref<128x128xf32, #tpu.memory_space<vmem>>) offsets(%dma_start3A_12 : memref<128xi32, #tpu.memory_space<vmem>>) semaphore(%arg13 : memref<!tpu.dma_semaphore, #tpu.memory_space<semaphore_mem>>)
    %dma_start3A_16 = arith.constant 0 : i32
    %dma_start3A_17 = arith.constant 0 : i32
    %dma_start3A_18 = tpu.memref_slice %arg11[%dma_start3A_16, %dma_start3A_17] : memref<256x128xf32, #tpu.memory_space<vmem>> -> memref<128x128xf32, #tpu.memory_space<vmem>>
    %dma_start3A_19 = arith.constant 0 : i32
    %dma_start3A_20 = tpu.memref_slice %arg8[%dma_start3A_19] : memref<5120xi32, #tpu.memory_space<vmem>> -> memref<128xi32, #tpu.memory_space<vmem>>
    %dma_start3A_21 = arith.constant 0 : i32
    %dma_start3A_22 = arith.constant 0 : i32
    %dma_start3A_23 = tpu.memref_slice %arg3[%dma_start3A_21, %dma_start3A_22] : memref<10000x128xf32, #tpu.memory_space<hbm>> -> memref<10000x128xf32, #tpu.memory_space<hbm>>
    tpu.enqueue_indirect_dma source(%dma_start3A_23 : memref<10000x128xf32, #tpu.memory_space<hbm>>) target(%dma_start3A_18 : memref<128x128xf32, #tpu.memory_space<vmem>>) offsets(%dma_start3A_20 : memref<128xi32, #tpu.memory_space<vmem>>) semaphore(%arg15 : memref<!tpu.dma_semaphore, #tpu.memory_space<semaphore_mem>>)
    %dma_start3A_24 = arith.constant 0 : i32
    %dma_start3A_25 = arith.constant 0 : i32
    %dma_start3A_26 = tpu.memref_slice %arg9[%dma_start3A_24, %dma_start3A_25] : memref<32x128xf32, #tpu.memory_space<vmem>> -> memref<16x128xf32, #tpu.memory_space<vmem>>
    %dma_start3A_27 = arith.constant 0 : i32
    %dma_start3A_28 = tpu.memref_slice %arg2[%add3A_8, %dma_start3A_27] : memref<20480x128xf32, #tpu.memory_space<hbm>> -> memref<16x128xf32, #tpu.memory_space<hbm>>
    %dma_start3A_29 = arith.constant 0 : i32
    %dma_start3A_30 = arith.constant 0 : i32
    %dma_start3A_31 = tpu.memref_slice %arg9[%dma_start3A_29, %dma_start3A_30] : memref<32x128xf32, #tpu.memory_space<vmem>> -> memref<16x128xf32, #tpu.memory_space<vmem>>
    %dma_start3A_32 = arith.constant 0 : i32
    %dma_start3A_33 = tpu.memref_slice %arg2[%add3A_8, %dma_start3A_32] : memref<20480x128xf32, #tpu.memory_space<hbm>> -> memref<16x128xf32, #tpu.memory_space<hbm>>
    tpu.enqueue_dma source(%dma_start3A_33 : memref<16x128xf32, #tpu.memory_space<hbm>>) target(%dma_start3A_31 : memref<16x128xf32, #tpu.memory_space<vmem>>) target_semaphore(%arg17 : memref<!tpu.dma_semaphore, #tpu.memory_space<semaphore_mem>>)
    %scan3A = arith.constant 0 : i32
    %scan3A_34 = arith.constant 0 : i32
    %scan3A_35 = arith.constant 20 : i32
    %scan3A_36 = arith.addi %scan3A_34, %scan3A_35 : i32
    %scan3A_37 = arith.constant 1 : i32
    scf.for %scan3A_62 = %scan3A_34 to %scan3A_36 step %scan3A_37  : i32 {
      %mul3A_63 = arith.constant 2 : i32
      %mul3A_64 = arith.muli %mul3A_63, %scan3A_62 : i32
      %add3A_65 = arith.constant 1 : i32
      %add3A_66 = arith.addi %mul3A_64, %add3A_65 : i32
      %mul3A_67 = arith.constant 16 : i32
      %mul3A_68 = arith.muli %add3A_66, %mul3A_67 : i32
      %add3A_69 = arith.addi %mul3A_2, %mul3A_68 : i32
      %mul3A_70 = arith.constant 128 : i32
      %mul3A_71 = arith.muli %add3A_66, %mul3A_70 : i32
      %mul3A_72 = arith.constant 128 : i32
      %mul3A_73 = arith.muli %add3A_66, %mul3A_72 : i32
      %dma_start3A_74 = arith.constant 128 : i32
      %dma_start3A_75 = arith.constant 0 : i32
      %dma_start3A_76 = tpu.memref_slice %arg10[%dma_start3A_74, %dma_start3A_75] : memref<256x128xf32, #tpu.memory_space<vmem>> -> memref<128x128xf32, #tpu.memory_space<vmem>>
      %dma_start3A_77 = tpu.memref_slice %arg7[%mul3A_71] : memref<5120xi32, #tpu.memory_space<vmem>> -> memref<128xi32, #tpu.memory_space<vmem>>
      %dma_start3A_78 = arith.constant 0 : i32
      %dma_start3A_79 = arith.constant 0 : i32
      %dma_start3A_80 = tpu.memref_slice %arg2[%dma_start3A_78, %dma_start3A_79] : memref<20480x128xf32, #tpu.memory_space<hbm>> -> memref<20480x128xf32, #tpu.memory_space<hbm>>
      tpu.enqueue_indirect_dma source(%dma_start3A_80 : memref<20480x128xf32, #tpu.memory_space<hbm>>) target(%dma_start3A_76 : memref<128x128xf32, #tpu.memory_space<vmem>>) offsets(%dma_start3A_77 : memref<128xi32, #tpu.memory_space<vmem>>) semaphore(%arg14 : memref<!tpu.dma_semaphore, #tpu.memory_space<semaphore_mem>>)
      %dma_start3A_81 = arith.constant 128 : i32
      %dma_start3A_82 = arith.constant 0 : i32
      %dma_start3A_83 = tpu.memref_slice %arg11[%dma_start3A_81, %dma_start3A_82] : memref<256x128xf32, #tpu.memory_space<vmem>> -> memref<128x128xf32, #tpu.memory_space<vmem>>
      %dma_start3A_84 = tpu.memref_slice %arg8[%mul3A_73] : memref<5120xi32, #tpu.memory_space<vmem>> -> memref<128xi32, #tpu.memory_space<vmem>>
      %dma_start3A_85 = arith.constant 0 : i32
      %dma_start3A_86 = arith.constant 0 : i32
      %dma_start3A_87 = tpu.memref_slice %arg3[%dma_start3A_85, %dma_start3A_86] : memref<10000x128xf32, #tpu.memory_space<hbm>> -> memref<10000x128xf32, #tpu.memory_space<hbm>>
      tpu.enqueue_indirect_dma source(%dma_start3A_87 : memref<10000x128xf32, #tpu.memory_space<hbm>>) target(%dma_start3A_83 : memref<128x128xf32, #tpu.memory_space<vmem>>) offsets(%dma_start3A_84 : memref<128xi32, #tpu.memory_space<vmem>>) semaphore(%arg16 : memref<!tpu.dma_semaphore, #tpu.memory_space<semaphore_mem>>)
      %dma_start3A_88 = arith.constant 16 : i32
      %dma_start3A_89 = arith.constant 0 : i32
      %dma_start3A_90 = tpu.memref_slice %arg9[%dma_start3A_88, %dma_start3A_89] : memref<32x128xf32, #tpu.memory_space<vmem>> -> memref<16x128xf32, #tpu.memory_space<vmem>>
      %dma_start3A_91 = arith.constant 0 : i32
      %dma_start3A_92 = tpu.memref_slice %arg2[%add3A_69, %dma_start3A_91] : memref<20480x128xf32, #tpu.memory_space<hbm>> -> memref<16x128xf32, #tpu.memory_space<hbm>>
      %dma_start3A_93 = arith.constant 16 : i32
      %dma_start3A_94 = arith.constant 0 : i32
      %dma_start3A_95 = tpu.memref_slice %arg9[%dma_start3A_93, %dma_start3A_94] : memref<32x128xf32, #tpu.memory_space<vmem>> -> memref<16x128xf32, #tpu.memory_space<vmem>>
      %dma_start3A_96 = arith.constant 0 : i32
      %dma_start3A_97 = tpu.memref_slice %arg2[%add3A_69, %dma_start3A_96] : memref<20480x128xf32, #tpu.memory_space<hbm>> -> memref<16x128xf32, #tpu.memory_space<hbm>>
      tpu.enqueue_dma source(%dma_start3A_97 : memref<16x128xf32, #tpu.memory_space<hbm>>) target(%dma_start3A_95 : memref<16x128xf32, #tpu.memory_space<vmem>>) target_semaphore(%arg18 : memref<!tpu.dma_semaphore, #tpu.memory_space<semaphore_mem>>)
      %mul3A_98 = arith.constant 16 : i32
      %mul3A_99 = arith.muli %mul3A_64, %mul3A_98 : i32
      %add3A_100 = arith.addi %mul3A_2, %mul3A_99 : i32
      %mul3A_101 = arith.constant 128 : i32
      %mul3A_102 = arith.muli %mul3A_64, %mul3A_101 : i32
      %mul3A_103 = arith.constant 128 : i32
      %mul3A_104 = arith.muli %mul3A_64, %mul3A_103 : i32
      %dma_wait3A_105 = arith.constant 0 : i32
      %dma_wait3A_106 = arith.constant 0 : i32
      %dma_wait3A_107 = tpu.memref_slice %arg10[%dma_wait3A_105, %dma_wait3A_106] : memref<256x128xf32, #tpu.memory_space<vmem>> -> memref<128x128xf32, #tpu.memory_space<vmem>>
      %dma_wait3A_108 = tpu.memref_slice %arg7[%mul3A_102] : memref<5120xi32, #tpu.memory_space<vmem>> -> memref<128xi32, #tpu.memory_space<vmem>>
      %dma_wait3A_109 = arith.constant 0 : i32
      %dma_wait3A_110 = arith.constant 0 : i32
      %dma_wait3A_111 = tpu.memref_slice %arg2[%dma_wait3A_109, %dma_wait3A_110] : memref<20480x128xf32, #tpu.memory_space<hbm>> -> memref<20480x128xf32, #tpu.memory_space<hbm>>
      tpu.wait_indirect_dma semaphore(%arg13 : memref<!tpu.dma_semaphore, #tpu.memory_space<semaphore_mem>>) src(%dma_wait3A_111 : memref<20480x128xf32, #tpu.memory_space<hbm>>) dst(%dma_wait3A_107 : memref<128x128xf32, #tpu.memory_space<vmem>>)
      %dma_wait3A_112 = arith.constant 0 : i32
      %dma_wait3A_113 = arith.constant 0 : i32
      %dma_wait3A_114 = tpu.memref_slice %arg11[%dma_wait3A_112, %dma_wait3A_113] : memref<256x128xf32, #tpu.memory_space<vmem>> -> memref<128x128xf32, #tpu.memory_space<vmem>>
      %dma_wait3A_115 = tpu.memref_slice %arg8[%mul3A_104] : memref<5120xi32, #tpu.memory_space<vmem>> -> memref<128xi32, #tpu.memory_space<vmem>>
      %dma_wait3A_116 = arith.constant 0 : i32
      %dma_wait3A_117 = arith.constant 0 : i32
      %dma_wait3A_118 = tpu.memref_slice %arg3[%dma_wait3A_116, %dma_wait3A_117] : memref<10000x128xf32, #tpu.memory_space<hbm>> -> memref<10000x128xf32, #tpu.memory_space<hbm>>
      tpu.wait_indirect_dma semaphore(%arg15 : memref<!tpu.dma_semaphore, #tpu.memory_space<semaphore_mem>>) src(%dma_wait3A_118 : memref<10000x128xf32, #tpu.memory_space<hbm>>) dst(%dma_wait3A_114 : memref<128x128xf32, #tpu.memory_space<vmem>>)
      %dma_wait3A_119 = arith.constant 0 : i32
      %dma_wait3A_120 = arith.constant 0 : i32
      %dma_wait3A_121 = tpu.memref_slice %arg9[%dma_wait3A_119, %dma_wait3A_120] : memref<32x128xf32, #tpu.memory_space<vmem>> -> memref<16x128xf32, #tpu.memory_space<vmem>>
      %dma_wait3A_122 = arith.constant 0 : i32
      %dma_wait3A_123 = tpu.memref_slice %arg2[%add3A_100, %dma_wait3A_122] : memref<20480x128xf32, #tpu.memory_space<hbm>> -> memref<16x128xf32, #tpu.memory_space<hbm>>
      %dma_wait3A_124 = arith.constant 0 : i32
      %dma_wait3A_125 = arith.constant 0 : i32
      %dma_wait3A_126 = tpu.memref_slice %arg9[%dma_wait3A_124, %dma_wait3A_125] : memref<32x128xf32, #tpu.memory_space<vmem>> -> memref<16x128xf32, #tpu.memory_space<vmem>>
      %dma_wait3A_127 = arith.constant 0 : i32
      %dma_wait3A_128 = tpu.memref_slice %arg2[%add3A_100, %dma_wait3A_127] : memref<20480x128xf32, #tpu.memory_space<hbm>> -> memref<16x128xf32, #tpu.memory_space<hbm>>
      tpu.wait_dma2 semaphore(%arg17 : memref<!tpu.dma_semaphore, #tpu.memory_space<semaphore_mem>>) src(%dma_wait3A_128 : memref<16x128xf32, #tpu.memory_space<hbm>>) dst(%dma_wait3A_126 : memref<16x128xf32, #tpu.memory_space<vmem>>)
      %gt3A = arith.constant 0 : i32
      %gt3A_129 = arith.cmpi sgt, %scan3A_62, %gt3A : i32
      %convert_element_type3A = arith.extui %gt3A_129 : i1 to i32
      %cond3A = arith.constant 0 : i32
      %cond3A_130 = arith.cmpi ne, %convert_element_type3A, %cond3A : i32
      scf.if %cond3A_130 {
        %sub3A = arith.constant 2 : i32
        %sub3A_209 = arith.subi %mul3A_64, %sub3A : i32
        %mul3A_210 = arith.constant 16 : i32
        %mul3A_211 = arith.muli %sub3A_209, %mul3A_210 : i32
        %add3A_212 = arith.addi %mul3A_2, %mul3A_211 : i32
        %dma_wait3A_213 = arith.constant 0 : i32
        %dma_wait3A_214 = arith.constant 0 : i32
        %dma_wait3A_215 = tpu.memref_slice %arg12[%dma_wait3A_213, %dma_wait3A_214] : memref<32x256xf32, #tpu.memory_space<vmem>> -> memref<16x256xf32, #tpu.memory_space<vmem>>
        %dma_wait3A_216 = arith.constant 0 : i32
        %dma_wait3A_217 = tpu.memref_slice %arg5[%add3A_212, %dma_wait3A_216] : memref<20480x256xf32, #tpu.memory_space<hbm>> -> memref<16x256xf32, #tpu.memory_space<hbm>>
        %dma_wait3A_218 = arith.constant 0 : i32
        %dma_wait3A_219 = tpu.memref_slice %arg5[%add3A_212, %dma_wait3A_218] : memref<20480x256xf32, #tpu.memory_space<hbm>> -> memref<16x256xf32, #tpu.memory_space<hbm>>
        %dma_wait3A_220 = arith.constant 0 : i32
        %dma_wait3A_221 = arith.constant 0 : i32
        %dma_wait3A_222 = tpu.memref_slice %arg12[%dma_wait3A_220, %dma_wait3A_221] : memref<32x256xf32, #tpu.memory_space<vmem>> -> memref<16x256xf32, #tpu.memory_space<vmem>>
        tpu.wait_dma2 semaphore(%arg19 : memref<!tpu.dma_semaphore, #tpu.memory_space<semaphore_mem>>) src(%dma_wait3A_222 : memref<16x256xf32, #tpu.memory_space<vmem>>) dst(%dma_wait3A_219 : memref<16x256xf32, #tpu.memory_space<hbm>>)
      } else {
      }
      %parallel_loop3A_131 = arith.constant 0 : i32
      %parallel_loop3A_132 = arith.constant 16 : i32
      %parallel_loop3A_133 = arith.constant 1 : i32
      scf.for %parallel_loop3A_209 = %parallel_loop3A_131 to %parallel_loop3A_132 step %parallel_loop3A_133  : i32 {
        %parallel_loop3A_210 = arith.constant 0 : i32
        %parallel_loop3A_211 = arith.addi %parallel_loop3A_210, %parallel_loop3A_209 : i32
        %parallel_loop3A_212 = arith.constant 8 : i32
        %parallel_loop3A_213 = arith.muli %parallel_loop3A_209, %parallel_loop3A_212 : i32
        %parallel_loop3A_214 = arith.constant 0 : i32
        %parallel_loop3A_215 = arith.addi %parallel_loop3A_214, %parallel_loop3A_213 : i32
        %parallel_loop3A_216 = arith.index_cast %parallel_loop3A_211 : i32 to index
        %parallel_loop3A_217 = arith.constant 0 : index
        %parallel_loop3A_218 = tpu.vector_load %arg9[%parallel_loop3A_216, %parallel_loop3A_217] {strides = array<i32>} : memref<32x128xf32, #tpu.memory_space<vmem>>, vector<16xf32>,
        %parallel_loop3A_219 = arith.index_cast %parallel_loop3A_211 : i32 to index
        %parallel_loop3A_220 = arith.constant 16 : index
        %parallel_loop3A_221 = tpu.vector_load %arg9[%parallel_loop3A_219, %parallel_loop3A_220] {strides = array<i32>} : memref<32x128xf32, #tpu.memory_space<vmem>>, vector<16xf32>,
        %parallel_loop3A_222 = arith.index_cast %parallel_loop3A_211 : i32 to index
        %parallel_loop3A_223 = arith.constant 32 : index
        %parallel_loop3A_224 = tpu.vector_load %arg9[%parallel_loop3A_222, %parallel_loop3A_223] {strides = array<i32>} : memref<32x128xf32, #tpu.memory_space<vmem>>, vector<16xf32>,
        %parallel_loop3A_225 = arith.index_cast %parallel_loop3A_211 : i32 to index
        %parallel_loop3A_226 = arith.constant 48 : index
        %parallel_loop3A_227 = tpu.vector_load %arg9[%parallel_loop3A_225, %parallel_loop3A_226] {strides = array<i32>} : memref<32x128xf32, #tpu.memory_space<vmem>>, vector<16xf32>,
        %parallel_loop3A_228 = arith.index_cast %parallel_loop3A_211 : i32 to index
        %parallel_loop3A_229 = arith.constant 64 : index
        %parallel_loop3A_230 = tpu.vector_load %arg9[%parallel_loop3A_228, %parallel_loop3A_229] {strides = array<i32>} : memref<32x128xf32, #tpu.memory_space<vmem>>, vector<16xf32>,
        %parallel_loop3A_231 = arith.index_cast %parallel_loop3A_211 : i32 to index
        %parallel_loop3A_232 = arith.constant 80 : index
        %parallel_loop3A_233 = tpu.vector_load %arg9[%parallel_loop3A_231, %parallel_loop3A_232] {strides = array<i32>} : memref<32x128xf32, #tpu.memory_space<vmem>>, vector<16xf32>,
        %parallel_loop3A_234 = arith.index_cast %parallel_loop3A_211 : i32 to index
        %parallel_loop3A_235 = arith.constant 96 : index
        %parallel_loop3A_236 = tpu.vector_load %arg9[%parallel_loop3A_234, %parallel_loop3A_235] {strides = array<i32>} : memref<32x128xf32, #tpu.memory_space<vmem>>, vector<16xf32>,
        %parallel_loop3A_237 = arith.index_cast %parallel_loop3A_211 : i32 to index
        %parallel_loop3A_238 = arith.constant 112 : index
        %parallel_loop3A_239 = tpu.vector_load %arg9[%parallel_loop3A_237, %parallel_loop3A_238] {strides = array<i32>} : memref<32x128xf32, #tpu.memory_space<vmem>>, vector<16xf32>,
        %parallel_loop3A_240 = arith.constant -1.000000e+30 : f32
        %parallel_loop3A_241 = vector.broadcast %parallel_loop3A_240 : f32 to vector<16xf32>
        %parallel_loop3A_242 = arith.constant 0 : i32
        %parallel_loop3A_243 = arith.addi %parallel_loop3A_215, %parallel_loop3A_242 : i32
        %parallel_loop3A_244 = arith.index_cast %parallel_loop3A_243 : i32 to index
        %parallel_loop3A_245 = arith.constant 0 : index
        %parallel_loop3A_246 = tpu.vector_load %arg10[%parallel_loop3A_244, %parallel_loop3A_245] {strides = array<i32>} : memref<256x128xf32, #tpu.memory_space<vmem>>, vector<16xf32>,
        %parallel_loop3A_247 = arith.mulf %parallel_loop3A_218, %parallel_loop3A_246 : vector<16xf32>
        %parallel_loop3A_248 = arith.constant 0 : i32
        %parallel_loop3A_249 = arith.addi %parallel_loop3A_215, %parallel_loop3A_248 : i32
        %parallel_loop3A_250 = arith.index_cast %parallel_loop3A_249 : i32 to index
        %parallel_loop3A_251 = arith.constant 16 : index
        %parallel_loop3A_252 = tpu.vector_load %arg10[%parallel_loop3A_250, %parallel_loop3A_251] {strides = array<i32>} : memref<256x128xf32, #tpu.memory_space<vmem>>, vector<16xf32>,
        %parallel_loop3A_253 = arith.mulf %parallel_loop3A_221, %parallel_loop3A_252 : vector<16xf32>
        %parallel_loop3A_254 = arith.constant 0 : i32
        %parallel_loop3A_255 = arith.addi %parallel_loop3A_215, %parallel_loop3A_254 : i32
        %parallel_loop3A_256 = arith.index_cast %parallel_loop3A_255 : i32 to index
        %parallel_loop3A_257 = arith.constant 32 : index
        %parallel_loop3A_258 = tpu.vector_load %arg10[%parallel_loop3A_256, %parallel_loop3A_257] {strides = array<i32>} : memref<256x128xf32, #tpu.memory_space<vmem>>, vector<16xf32>,
        %parallel_loop3A_259 = arith.mulf %parallel_loop3A_224, %parallel_loop3A_258 : vector<16xf32>
        %parallel_loop3A_260 = arith.addf %parallel_loop3A_247, %parallel_loop3A_259 : vector<16xf32>
        %parallel_loop3A_261 = arith.constant 0 : i32
        %parallel_loop3A_262 = arith.addi %parallel_loop3A_215, %parallel_loop3A_261 : i32
        %parallel_loop3A_263 = arith.index_cast %parallel_loop3A_262 : i32 to index
        %parallel_loop3A_264 = arith.constant 48 : index
        %parallel_loop3A_265 = tpu.vector_load %arg10[%parallel_loop3A_263, %parallel_loop3A_264] {strides = array<i32>} : memref<256x128xf32, #tpu.memory_space<vmem>>, vector<16xf32>,
        %parallel_loop3A_266 = arith.mulf %parallel_loop3A_227, %parallel_loop3A_265 : vector<16xf32>
        %parallel_loop3A_267 = arith.addf %parallel_loop3A_253, %parallel_loop3A_266 : vector<16xf32>
        %parallel_loop3A_268 = arith.constant 0 : i32
        %parallel_loop3A_269 = arith.addi %parallel_loop3A_215, %parallel_loop3A_268 : i32
        %parallel_loop3A_270 = arith.index_cast %parallel_loop3A_269 : i32 to index
        %parallel_loop3A_271 = arith.constant 64 : index
        %parallel_loop3A_272 = tpu.vector_load %arg10[%parallel_loop3A_270, %parallel_loop3A_271] {strides = array<i32>} : memref<256x128xf32, #tpu.memory_space<vmem>>, vector<16xf32>,
        %parallel_loop3A_273 = arith.mulf %parallel_loop3A_230, %parallel_loop3A_272 : vector<16xf32>
        %parallel_loop3A_274 = arith.addf %parallel_loop3A_260, %parallel_loop3A_273 : vector<16xf32>
        %parallel_loop3A_275 = arith.constant 0 : i32
        %parallel_loop3A_276 = arith.addi %parallel_loop3A_215, %parallel_loop3A_275 : i32
        %parallel_loop3A_277 = arith.index_cast %parallel_loop3A_276 : i32 to index
        %parallel_loop3A_278 = arith.constant 80 : index
        %parallel_loop3A_279 = tpu.vector_load %arg10[%parallel_loop3A_277, %parallel_loop3A_278] {strides = array<i32>} : memref<256x128xf32, #tpu.memory_space<vmem>>, vector<16xf32>,
        %parallel_loop3A_280 = arith.mulf %parallel_loop3A_233, %parallel_loop3A_279 : vector<16xf32>
        %parallel_loop3A_281 = arith.addf %parallel_loop3A_267, %parallel_loop3A_280 : vector<16xf32>
        %parallel_loop3A_282 = arith.constant 0 : i32
        %parallel_loop3A_283 = arith.addi %parallel_loop3A_215, %parallel_loop3A_282 : i32
        %parallel_loop3A_284 = arith.index_cast %parallel_loop3A_283 : i32 to index
        %parallel_loop3A_285 = arith.constant 96 : index
        %parallel_loop3A_286 = tpu.vector_load %arg10[%parallel_loop3A_284, %parallel_loop3A_285] {strides = array<i32>} : memref<256x128xf32, #tpu.memory_space<vmem>>, vector<16xf32>,
        %parallel_loop3A_287 = arith.mulf %parallel_loop3A_236, %parallel_loop3A_286 : vector<16xf32>
        %parallel_loop3A_288 = arith.addf %parallel_loop3A_274, %parallel_loop3A_287 : vector<16xf32>
        %parallel_loop3A_289 = arith.constant 0 : i32
        %parallel_loop3A_290 = arith.addi %parallel_loop3A_215, %parallel_loop3A_289 : i32
        %parallel_loop3A_291 = arith.index_cast %parallel_loop3A_290 : i32 to index
        %parallel_loop3A_292 = arith.constant 112 : index
        %parallel_loop3A_293 = tpu.vector_load %arg10[%parallel_loop3A_291, %parallel_loop3A_292] {strides = array<i32>} : memref<256x128xf32, #tpu.memory_space<vmem>>, vector<16xf32>,
        %parallel_loop3A_294 = arith.mulf %parallel_loop3A_239, %parallel_loop3A_293 : vector<16xf32>
        %parallel_loop3A_295 = arith.addf %parallel_loop3A_281, %parallel_loop3A_294 : vector<16xf32>
        %parallel_loop3A_296 = arith.constant 0 : i32
        %parallel_loop3A_297 = vector.broadcast %parallel_loop3A_296 : i32 to vector<16xi32>
        %parallel_loop3A_298 = arith.cmpi eq, %iota3A, %parallel_loop3A_297 : vector<16xi32>
        %parallel_loop3A_299 = arith.addf %parallel_loop3A_288, %parallel_loop3A_295 : vector<16xf32>
        %parallel_loop3A_300 = arith.constant true
        %parallel_loop3A_301 = vector.broadcast %parallel_loop3A_300 : i1 to vector<16xi1>
        %parallel_loop3A_302 = tpu.scan <sum>, %parallel_loop3A_299 masked %parallel_loop3A_301 : vector<16xf32>, vector<16xi1> -> vector<16xf32>
        %parallel_loop3A_303 = vector.extract %parallel_loop3A_302[15] : f32 from vector<16xf32>
        %parallel_loop3A_304 = vector.broadcast %parallel_loop3A_303 : f32 to vector<16xf32>
        %parallel_loop3A_305 = arith.select %parallel_loop3A_298, %parallel_loop3A_304, %parallel_loop3A_241 : vector<16xi1>, vector<16xf32>
        %parallel_loop3A_306 = arith.constant 1 : i32
        %parallel_loop3A_307 = arith.addi %parallel_loop3A_215, %parallel_loop3A_306 : i32
        %parallel_loop3A_308 = arith.index_cast %parallel_loop3A_307 : i32 to index
        %parallel_loop3A_309 = arith.constant 0 : index
        %parallel_loop3A_310 = tpu.vector_load %arg10[%parallel_loop3A_308, %parallel_loop3A_309] {strides = array<i32>} : memref<256x128xf32, #tpu.memory_space<vmem>>, vector<16xf32>,
        %parallel_loop3A_311 = arith.mulf %parallel_loop3A_218, %parallel_loop3A_310 : vector<16xf32>
        %parallel_loop3A_312 = arith.constant 1 : i32
        %parallel_loop3A_313 = arith.addi %parallel_loop3A_215, %parallel_loop3A_312 : i32
        %parallel_loop3A_314 = arith.index_cast %parallel_loop3A_313 : i32 to index
        %parallel_loop3A_315 = arith.constant 16 : index
        %parallel_loop3A_316 = tpu.vector_load %arg10[%parallel_loop3A_314, %parallel_loop3A_315] {strides = array<i32>} : memref<256x128xf32, #tpu.memory_space<vmem>>, vector<16xf32>,
        %parallel_loop3A_317 = arith.mulf %parallel_loop3A_221, %parallel_loop3A_316 : vector<16xf32>
        %parallel_loop3A_318 = arith.constant 1 : i32
        %parallel_loop3A_319 = arith.addi %parallel_loop3A_215, %parallel_loop3A_318 : i32
        %parallel_loop3A_320 = arith.index_cast %parallel_loop3A_319 : i32 to index
        %parallel_loop3A_321 = arith.constant 32 : index
        %parallel_loop3A_322 = tpu.vector_load %arg10[%parallel_loop3A_320, %parallel_loop3A_321] {strides = array<i32>} : memref<256x128xf32, #tpu.memory_space<vmem>>, vector<16xf32>,
        %parallel_loop3A_323 = arith.mulf %parallel_loop3A_224, %parallel_loop3A_322 : vector<16xf32>
        %parallel_loop3A_324 = arith.addf %parallel_loop3A_311, %parallel_loop3A_323 : vector<16xf32>
        %parallel_loop3A_325 = arith.constant 1 : i32
        %parallel_loop3A_326 = arith.addi %parallel_loop3A_215, %parallel_loop3A_325 : i32
        %parallel_loop3A_327 = arith.index_cast %parallel_loop3A_326 : i32 to index
        %parallel_loop3A_328 = arith.constant 48 : index
        %parallel_loop3A_329 = tpu.vector_load %arg10[%parallel_loop3A_327, %parallel_loop3A_328] {strides = array<i32>} : memref<256x128xf32, #tpu.memory_space<vmem>>, vector<16xf32>,
        %parallel_loop3A_330 = arith.mulf %parallel_loop3A_227, %parallel_loop3A_329 : vector<16xf32>
        %parallel_loop3A_331 = arith.addf %parallel_loop3A_317, %parallel_loop3A_330 : vector<16xf32>
        %parallel_loop3A_332 = arith.constant 1 : i32
        %parallel_loop3A_333 = arith.addi %parallel_loop3A_215, %parallel_loop3A_332 : i32
        %parallel_loop3A_334 = arith.index_cast %parallel_loop3A_333 : i32 to index
        %parallel_loop3A_335 = arith.constant 64 : index
        %parallel_loop3A_336 = tpu.vector_load %arg10[%parallel_loop3A_334, %parallel_loop3A_335] {strides = array<i32>} : memref<256x128xf32, #tpu.memory_space<vmem>>, vector<16xf32>,
        %parallel_loop3A_337 = arith.mulf %parallel_loop3A_230, %parallel_loop3A_336 : vector<16xf32>
        %parallel_loop3A_338 = arith.addf %parallel_loop3A_324, %parallel_loop3A_337 : vector<16xf32>
        %parallel_loop3A_339 = arith.constant 1 : i32
        %parallel_loop3A_340 = arith.addi %parallel_loop3A_215, %parallel_loop3A_339 : i32
        %parallel_loop3A_341 = arith.index_cast %parallel_loop3A_340 : i32 to index
        %parallel_loop3A_342 = arith.constant 80 : index
        %parallel_loop3A_343 = tpu.vector_load %arg10[%parallel_loop3A_341, %parallel_loop3A_342] {strides = array<i32>} : memref<256x128xf32, #tpu.memory_space<vmem>>, vector<16xf32>,
        %parallel_loop3A_344 = arith.mulf %parallel_loop3A_233, %parallel_loop3A_343 : vector<16xf32>
        %parallel_loop3A_345 = arith.addf %parallel_loop3A_331, %parallel_loop3A_344 : vector<16xf32>
        %parallel_loop3A_346 = arith.constant 1 : i32
        %parallel_loop3A_347 = arith.addi %parallel_loop3A_215, %parallel_loop3A_346 : i32
        %parallel_loop3A_348 = arith.index_cast %parallel_loop3A_347 : i32 to index
        %parallel_loop3A_349 = arith.constant 96 : index
        %parallel_loop3A_350 = tpu.vector_load %arg10[%parallel_loop3A_348, %parallel_loop3A_349] {strides = array<i32>} : memref<256x128xf32, #tpu.memory_space<vmem>>, vector<16xf32>,
        %parallel_loop3A_351 = arith.mulf %parallel_loop3A_236, %parallel_loop3A_350 : vector<16xf32>
        %parallel_loop3A_352 = arith.addf %parallel_loop3A_338, %parallel_loop3A_351 : vector<16xf32>
        %parallel_loop3A_353 = arith.constant 1 : i32
        %parallel_loop3A_354 = arith.addi %parallel_loop3A_215, %parallel_loop3A_353 : i32
        %parallel_loop3A_355 = arith.index_cast %parallel_loop3A_354 : i32 to index
        %parallel_loop3A_356 = arith.constant 112 : index
        %parallel_loop3A_357 = tpu.vector_load %arg10[%parallel_loop3A_355, %parallel_loop3A_356] {strides = array<i32>} : memref<256x128xf32, #tpu.memory_space<vmem>>, vector<16xf32>,
        %parallel_loop3A_358 = arith.mulf %parallel_loop3A_239, %parallel_loop3A_357 : vector<16xf32>
        %parallel_loop3A_359 = arith.addf %parallel_loop3A_345, %parallel_loop3A_358 : vector<16xf32>
        %parallel_loop3A_360 = arith.constant 1 : i32
        %parallel_loop3A_361 = vector.broadcast %parallel_loop3A_360 : i32 to vector<16xi32>
        %parallel_loop3A_362 = arith.cmpi eq, %iota3A, %parallel_loop3A_361 : vector<16xi32>
        %parallel_loop3A_363 = arith.addf %parallel_loop3A_352, %parallel_loop3A_359 : vector<16xf32>
        %parallel_loop3A_364 = arith.constant true
        %parallel_loop3A_365 = vector.broadcast %parallel_loop3A_364 : i1 to vector<16xi1>
        %parallel_loop3A_366 = tpu.scan <sum>, %parallel_loop3A_363 masked %parallel_loop3A_365 : vector<16xf32>, vector<16xi1> -> vector<16xf32>
        %parallel_loop3A_367 = vector.extract %parallel_loop3A_366[15] : f32 from vector<16xf32>
        %parallel_loop3A_368 = vector.broadcast %parallel_loop3A_367 : f32 to vector<16xf32>
        %parallel_loop3A_369 = arith.select %parallel_loop3A_362, %parallel_loop3A_368, %parallel_loop3A_305 : vector<16xi1>, vector<16xf32>
        %parallel_loop3A_370 = arith.constant 2 : i32
        %parallel_loop3A_371 = arith.addi %parallel_loop3A_215, %parallel_loop3A_370 : i32
        %parallel_loop3A_372 = arith.index_cast %parallel_loop3A_371 : i32 to index
        %parallel_loop3A_373 = arith.constant 0 : index
        %parallel_loop3A_374 = tpu.vector_load %arg10[%parallel_loop3A_372, %parallel_loop3A_373] {strides = array<i32>} : memref<256x128xf32, #tpu.memory_space<vmem>>, vector<16xf32>,
        %parallel_loop3A_375 = arith.mulf %parallel_loop3A_218, %parallel_loop3A_374 : vector<16xf32>
        %parallel_loop3A_376 = arith.constant 2 : i32
        %parallel_loop3A_377 = arith.addi %parallel_loop3A_215, %parallel_loop3A_376 : i32
        %parallel_loop3A_378 = arith.index_cast %parallel_loop3A_377 : i32 to index
        %parallel_loop3A_379 = arith.constant 16 : index
        %parallel_loop3A_380 = tpu.vector_load %arg10[%parallel_loop3A_378, %parallel_loop3A_379] {strides = array<i32>} : memref<256x128xf32, #tpu.memory_space<vmem>>, vector<16xf32>,
        %parallel_loop3A_381 = arith.mulf %parallel_loop3A_221, %parallel_loop3A_380 : vector<16xf32>
        %parallel_loop3A_382 = arith.constant 2 : i32
        %parallel_loop3A_383 = arith.addi %parallel_loop3A_215, %parallel_loop3A_382 : i32
        %parallel_loop3A_384 = arith.index_cast %parallel_loop3A_383 : i32 to index
        %parallel_loop3A_385 = arith.constant 32 : index
        %parallel_loop3A_386 = tpu.vector_load %arg10[%parallel_loop3A_384, %parallel_loop3A_385] {strides = array<i32>} : memref<256x128xf32, #tpu.memory_space<vmem>>, vector<16xf32>,
        %parallel_loop3A_387 = arith.mulf %parallel_loop3A_224, %parallel_loop3A_386 : vector<16xf32>
        %parallel_loop3A_388 = arith.addf %parallel_loop3A_375, %parallel_loop3A_387 : vector<16xf32>
        %parallel_loop3A_389 = arith.constant 2 : i32
        %parallel_loop3A_390 = arith.addi %parallel_loop3A_215, %parallel_loop3A_389 : i32
        %parallel_loop3A_391 = arith.index_cast %parallel_loop3A_390 : i32 to index
        %parallel_loop3A_392 = arith.constant 48 : index
        %parallel_loop3A_393 = tpu.vector_load %arg10[%parallel_loop3A_391, %parallel_loop3A_392] {strides = array<i32>} : memref<256x128xf32, #tpu.memory_space<vmem>>, vector<16xf32>,
        %parallel_loop3A_394 = arith.mulf %parallel_loop3A_227, %parallel_loop3A_393 : vector<16xf32>
        %parallel_loop3A_395 = arith.addf %parallel_loop3A_381, %parallel_loop3A_394 : vector<16xf32>
        %parallel_loop3A_396 = arith.constant 2 : i32
        %parallel_loop3A_397 = arith.addi %parallel_loop3A_215, %parallel_loop3A_396 : i32
        %parallel_loop3A_398 = arith.index_cast %parallel_loop3A_397 : i32 to index
        %parallel_loop3A_399 = arith.constant 64 : index
        %parallel_loop3A_400 = tpu.vector_load %arg10[%parallel_loop3A_398, %parallel_loop3A_399] {strides = array<i32>} : memref<256x128xf32, #tpu.memory_space<vmem>>, vector<16xf32>,
        %parallel_loop3A_401 = arith.mulf %parallel_loop3A_230, %parallel_loop3A_400 : vector<16xf32>
        %parallel_loop3A_402 = arith.addf %parallel_loop3A_388, %parallel_loop3A_401 : vector<16xf32>
        %parallel_loop3A_403 = arith.constant 2 : i32
        %parallel_loop3A_404 = arith.addi %parallel_loop3A_215, %parallel_loop3A_403 : i32
        %parallel_loop3A_405 = arith.index_cast %parallel_loop3A_404 : i32 to index
        %parallel_loop3A_406 = arith.constant 80 : index
        %parallel_loop3A_407 = tpu.vector_load %arg10[%parallel_loop3A_405, %parallel_loop3A_406] {strides = array<i32>} : memref<256x128xf32, #tpu.memory_space<vmem>>, vector<16xf32>,
        %parallel_loop3A_408 = arith.mulf %parallel_loop3A_233, %parallel_loop3A_407 : vector<16xf32>
        %parallel_loop3A_409 = arith.addf %parallel_loop3A_395, %parallel_loop3A_408 : vector<16xf32>
        %parallel_loop3A_410 = arith.constant 2 : i32
        %parallel_loop3A_411 = arith.addi %parallel_loop3A_215, %parallel_loop3A_410 : i32
        %parallel_loop3A_412 = arith.index_cast %parallel_loop3A_411 : i32 to index
        %parallel_loop3A_413 = arith.constant 96 : index
        %parallel_loop3A_414 = tpu.vector_load %arg10[%parallel_loop3A_412, %parallel_loop3A_413] {strides = array<i32>} : memref<256x128xf32, #tpu.memory_space<vmem>>, vector<16xf32>,
        %parallel_loop3A_415 = arith.mulf %parallel_loop3A_236, %parallel_loop3A_414 : vector<16xf32>
        %parallel_loop3A_416 = arith.addf %parallel_loop3A_402, %parallel_loop3A_415 : vector<16xf32>
        %parallel_loop3A_417 = arith.constant 2 : i32
        %parallel_loop3A_418 = arith.addi %parallel_loop3A_215, %parallel_loop3A_417 : i32
        %parallel_loop3A_419 = arith.index_cast %parallel_loop3A_418 : i32 to index
        %parallel_loop3A_420 = arith.constant 112 : index
        %parallel_loop3A_421 = tpu.vector_load %arg10[%parallel_loop3A_419, %parallel_loop3A_420] {strides = array<i32>} : memref<256x128xf32, #tpu.memory_space<vmem>>, vector<16xf32>,
        %parallel_loop3A_422 = arith.mulf %parallel_loop3A_239, %parallel_loop3A_421 : vector<16xf32>
        %parallel_loop3A_423 = arith.addf %parallel_loop3A_409, %parallel_loop3A_422 : vector<16xf32>
        %parallel_loop3A_424 = arith.constant 2 : i32
        %parallel_loop3A_425 = vector.broadcast %parallel_loop3A_424 : i32 to vector<16xi32>
        %parallel_loop3A_426 = arith.cmpi eq, %iota3A, %parallel_loop3A_425 : vector<16xi32>
        %parallel_loop3A_427 = arith.addf %parallel_loop3A_416, %parallel_loop3A_423 : vector<16xf32>
        %parallel_loop3A_428 = arith.constant true
        %parallel_loop3A_429 = vector.broadcast %parallel_loop3A_428 : i1 to vector<16xi1>
        %parallel_loop3A_430 = tpu.scan <sum>, %parallel_loop3A_427 masked %parallel_loop3A_429 : vector<16xf32>, vector<16xi1> -> vector<16xf32>
        %parallel_loop3A_431 = vector.extract %parallel_loop3A_430[15] : f32 from vector<16xf32>
        %parallel_loop3A_432 = vector.broadcast %parallel_loop3A_431 : f32 to vector<16xf32>
        %parallel_loop3A_433 = arith.select %parallel_loop3A_426, %parallel_loop3A_432, %parallel_loop3A_369 : vector<16xi1>, vector<16xf32>
        %parallel_loop3A_434 = arith.constant 3 : i32
        %parallel_loop3A_435 = arith.addi %parallel_loop3A_215, %parallel_loop3A_434 : i32
        %parallel_loop3A_436 = arith.index_cast %parallel_loop3A_435 : i32 to index
        %parallel_loop3A_437 = arith.constant 0 : index
        %parallel_loop3A_438 = tpu.vector_load %arg10[%parallel_loop3A_436, %parallel_loop3A_437] {strides = array<i32>} : memref<256x128xf32, #tpu.memory_space<vmem>>, vector<16xf32>,
        %parallel_loop3A_439 = arith.mulf %parallel_loop3A_218, %parallel_loop3A_438 : vector<16xf32>
        %parallel_loop3A_440 = arith.constant 3 : i32
        %parallel_loop3A_441 = arith.addi %parallel_loop3A_215, %parallel_loop3A_440 : i32
        %parallel_loop3A_442 = arith.index_cast %parallel_loop3A_441 : i32 to index
        %parallel_loop3A_443 = arith.constant 16 : index
        %parallel_loop3A_444 = tpu.vector_load %arg10[%parallel_loop3A_442, %parallel_loop3A_443] {strides = array<i32>} : memref<256x128xf32, #tpu.memory_space<vmem>>, vector<16xf32>,
        %parallel_loop3A_445 = arith.mulf %parallel_loop3A_221, %parallel_loop3A_444 : vector<16xf32>
        %parallel_loop3A_446 = arith.constant 3 : i32
        %parallel_loop3A_447 = arith.addi %parallel_loop3A_215, %parallel_loop3A_446 : i32
        %parallel_loop3A_448 = arith.index_cast %parallel_loop3A_447 : i32 to index
        %parallel_loop3A_449 = arith.constant 32 : index
        %parallel_loop3A_450 = tpu.vector_load %arg10[%parallel_loop3A_448, %parallel_loop3A_449] {strides = array<i32>} : memref<256x128xf32, #tpu.memory_space<vmem>>, vector<16xf32>,
        %parallel_loop3A_451 = arith.mulf %parallel_loop3A_224, %parallel_loop3A_450 : vector<16xf32>
        %parallel_loop3A_452 = arith.addf %parallel_loop3A_439, %parallel_loop3A_451 : vector<16xf32>
        %parallel_loop3A_453 = arith.constant 3 : i32
        %parallel_loop3A_454 = arith.addi %parallel_loop3A_215, %parallel_loop3A_453 : i32
        %parallel_loop3A_455 = arith.index_cast %parallel_loop3A_454 : i32 to index
        %parallel_loop3A_456 = arith.constant 48 : index
        %parallel_loop3A_457 = tpu.vector_load %arg10[%parallel_loop3A_455, %parallel_loop3A_456] {strides = array<i32>} : memref<256x128xf32, #tpu.memory_space<vmem>>, vector<16xf32>,
        %parallel_loop3A_458 = arith.mulf %parallel_loop3A_227, %parallel_loop3A_457 : vector<16xf32>
        %parallel_loop3A_459 = arith.addf %parallel_loop3A_445, %parallel_loop3A_458 : vector<16xf32>
        %parallel_loop3A_460 = arith.constant 3 : i32
        %parallel_loop3A_461 = arith.addi %parallel_loop3A_215, %parallel_loop3A_460 : i32
        %parallel_loop3A_462 = arith.index_cast %parallel_loop3A_461 : i32 to index
        %parallel_loop3A_463 = arith.constant 64 : index
        %parallel_loop3A_464 = tpu.vector_load %arg10[%parallel_loop3A_462, %parallel_loop3A_463] {strides = array<i32>} : memref<256x128xf32, #tpu.memory_space<vmem>>, vector<16xf32>,
        %parallel_loop3A_465 = arith.mulf %parallel_loop3A_230, %parallel_loop3A_464 : vector<16xf32>
        %parallel_loop3A_466 = arith.addf %parallel_loop3A_452, %parallel_loop3A_465 : vector<16xf32>
        %parallel_loop3A_467 = arith.constant 3 : i32
        %parallel_loop3A_468 = arith.addi %parallel_loop3A_215, %parallel_loop3A_467 : i32
        %parallel_loop3A_469 = arith.index_cast %parallel_loop3A_468 : i32 to index
        %parallel_loop3A_470 = arith.constant 80 : index
        %parallel_loop3A_471 = tpu.vector_load %arg10[%parallel_loop3A_469, %parallel_loop3A_470] {strides = array<i32>} : memref<256x128xf32, #tpu.memory_space<vmem>>, vector<16xf32>,
        %parallel_loop3A_472 = arith.mulf %parallel_loop3A_233, %parallel_loop3A_471 : vector<16xf32>
        %parallel_loop3A_473 = arith.addf %parallel_loop3A_459, %parallel_loop3A_472 : vector<16xf32>
        %parallel_loop3A_474 = arith.constant 3 : i32
        %parallel_loop3A_475 = arith.addi %parallel_loop3A_215, %parallel_loop3A_474 : i32
        %parallel_loop3A_476 = arith.index_cast %parallel_loop3A_475 : i32 to index
        %parallel_loop3A_477 = arith.constant 96 : index
        %parallel_loop3A_478 = tpu.vector_load %arg10[%parallel_loop3A_476, %parallel_loop3A_477] {strides = array<i32>} : memref<256x128xf32, #tpu.memory_space<vmem>>, vector<16xf32>,
        %parallel_loop3A_479 = arith.mulf %parallel_loop3A_236, %parallel_loop3A_478 : vector<16xf32>
        %parallel_loop3A_480 = arith.addf %parallel_loop3A_466, %parallel_loop3A_479 : vector<16xf32>
        %parallel_loop3A_481 = arith.constant 3 : i32
        %parallel_loop3A_482 = arith.addi %parallel_loop3A_215, %parallel_loop3A_481 : i32
        %parallel_loop3A_483 = arith.index_cast %parallel_loop3A_482 : i32 to index
        %parallel_loop3A_484 = arith.constant 112 : index
        %parallel_loop3A_485 = tpu.vector_load %arg10[%parallel_loop3A_483, %parallel_loop3A_484] {strides = array<i32>} : memref<256x128xf32, #tpu.memory_space<vmem>>, vector<16xf32>,
        %parallel_loop3A_486 = arith.mulf %parallel_loop3A_239, %parallel_loop3A_485 : vector<16xf32>
        %parallel_loop3A_487 = arith.addf %parallel_loop3A_473, %parallel_loop3A_486 : vector<16xf32>
        %parallel_loop3A_488 = arith.constant 3 : i32
        %parallel_loop3A_489 = vector.broadcast %parallel_loop3A_488 : i32 to vector<16xi32>
        %parallel_loop3A_490 = arith.cmpi eq, %iota3A, %parallel_loop3A_489 : vector<16xi32>
        %parallel_loop3A_491 = arith.addf %parallel_loop3A_480, %parallel_loop3A_487 : vector<16xf32>
        %parallel_loop3A_492 = arith.constant true
        %parallel_loop3A_493 = vector.broadcast %parallel_loop3A_492 : i1 to vector<16xi1>
        %parallel_loop3A_494 = tpu.scan <sum>, %parallel_loop3A_491 masked %parallel_loop3A_493 : vector<16xf32>, vector<16xi1> -> vector<16xf32>
        %parallel_loop3A_495 = vector.extract %parallel_loop3A_494[15] : f32 from vector<16xf32>
        %parallel_loop3A_496 = vector.broadcast %parallel_loop3A_495 : f32 to vector<16xf32>
        %parallel_loop3A_497 = arith.select %parallel_loop3A_490, %parallel_loop3A_496, %parallel_loop3A_433 : vector<16xi1>, vector<16xf32>
        %parallel_loop3A_498 = arith.constant 4 : i32
        %parallel_loop3A_499 = arith.addi %parallel_loop3A_215, %parallel_loop3A_498 : i32
        %parallel_loop3A_500 = arith.index_cast %parallel_loop3A_499 : i32 to index
        %parallel_loop3A_501 = arith.constant 0 : index
        %parallel_loop3A_502 = tpu.vector_load %arg10[%parallel_loop3A_500, %parallel_loop3A_501] {strides = array<i32>} : memref<256x128xf32, #tpu.memory_space<vmem>>, vector<16xf32>,
        %parallel_loop3A_503 = arith.mulf %parallel_loop3A_218, %parallel_loop3A_502 : vector<16xf32>
        %parallel_loop3A_504 = arith.constant 4 : i32
        %parallel_loop3A_505 = arith.addi %parallel_loop3A_215, %parallel_loop3A_504 : i32
        %parallel_loop3A_506 = arith.index_cast %parallel_loop3A_505 : i32 to index
        %parallel_loop3A_507 = arith.constant 16 : index
        %parallel_loop3A_508 = tpu.vector_load %arg10[%parallel_loop3A_506, %parallel_loop3A_507] {strides = array<i32>} : memref<256x128xf32, #tpu.memory_space<vmem>>, vector<16xf32>,
        %parallel_loop3A_509 = arith.mulf %parallel_loop3A_221, %parallel_loop3A_508 : vector<16xf32>
        %parallel_loop3A_510 = arith.constant 4 : i32
        %parallel_loop3A_511 = arith.addi %parallel_loop3A_215, %parallel_loop3A_510 : i32
        %parallel_loop3A_512 = arith.index_cast %parallel_loop3A_511 : i32 to index
        %parallel_loop3A_513 = arith.constant 32 : index
        %parallel_loop3A_514 = tpu.vector_load %arg10[%parallel_loop3A_512, %parallel_loop3A_513] {strides = array<i32>} : memref<256x128xf32, #tpu.memory_space<vmem>>, vector<16xf32>,
        %parallel_loop3A_515 = arith.mulf %parallel_loop3A_224, %parallel_loop3A_514 : vector<16xf32>
        %parallel_loop3A_516 = arith.addf %parallel_loop3A_503, %parallel_loop3A_515 : vector<16xf32>
        %parallel_loop3A_517 = arith.constant 4 : i32
        %parallel_loop3A_518 = arith.addi %parallel_loop3A_215, %parallel_loop3A_517 : i32
        %parallel_loop3A_519 = arith.index_cast %parallel_loop3A_518 : i32 to index
        %parallel_loop3A_520 = arith.constant 48 : index
        %parallel_loop3A_521 = tpu.vector_load %arg10[%parallel_loop3A_519, %parallel_loop3A_520] {strides = array<i32>} : memref<256x128xf32, #tpu.memory_space<vmem>>, vector<16xf32>,
        %parallel_loop3A_522 = arith.mulf %parallel_loop3A_227, %parallel_loop3A_521 : vector<16xf32>
        %parallel_loop3A_523 = arith.addf %parallel_loop3A_509, %parallel_loop3A_522 : vector<16xf32>
        %parallel_loop3A_524 = arith.constant 4 : i32
        %parallel_loop3A_525 = arith.addi %parallel_loop3A_215, %parallel_loop3A_524 : i32
        %parallel_loop3A_526 = arith.index_cast %parallel_loop3A_525 : i32 to index
        %parallel_loop3A_527 = arith.constant 64 : index
        %parallel_loop3A_528 = tpu.vector_load %arg10[%parallel_loop3A_526, %parallel_loop3A_527] {strides = array<i32>} : memref<256x128xf32, #tpu.memory_space<vmem>>, vector<16xf32>,
        %parallel_loop3A_529 = arith.mulf %parallel_loop3A_230, %parallel_loop3A_528 : vector<16xf32>
        %parallel_loop3A_530 = arith.addf %parallel_loop3A_516, %parallel_loop3A_529 : vector<16xf32>
        %parallel_loop3A_531 = arith.constant 4 : i32
        %parallel_loop3A_532 = arith.addi %parallel_loop3A_215, %parallel_loop3A_531 : i32
        %parallel_loop3A_533 = arith.index_cast %parallel_loop3A_532 : i32 to index
        %parallel_loop3A_534 = arith.constant 80 : index
        %parallel_loop3A_535 = tpu.vector_load %arg10[%parallel_loop3A_533, %parallel_loop3A_534] {strides = array<i32>} : memref<256x128xf32, #tpu.memory_space<vmem>>, vector<16xf32>,
        %parallel_loop3A_536 = arith.mulf %parallel_loop3A_233, %parallel_loop3A_535 : vector<16xf32>
        %parallel_loop3A_537 = arith.addf %parallel_loop3A_523, %parallel_loop3A_536 : vector<16xf32>
        %parallel_loop3A_538 = arith.constant 4 : i32
        %parallel_loop3A_539 = arith.addi %parallel_loop3A_215, %parallel_loop3A_538 : i32
        %parallel_loop3A_540 = arith.index_cast %parallel_loop3A_539 : i32 to index
        %parallel_loop3A_541 = arith.constant 96 : index
        %parallel_loop3A_542 = tpu.vector_load %arg10[%parallel_loop3A_540, %parallel_loop3A_541] {strides = array<i32>} : memref<256x128xf32, #tpu.memory_space<vmem>>, vector<16xf32>,
        %parallel_loop3A_543 = arith.mulf %parallel_loop3A_236, %parallel_loop3A_542 : vector<16xf32>
        %parallel_loop3A_544 = arith.addf %parallel_loop3A_530, %parallel_loop3A_543 : vector<16xf32>
        %parallel_loop3A_545 = arith.constant 4 : i32
        %parallel_loop3A_546 = arith.addi %parallel_loop3A_215, %parallel_loop3A_545 : i32
        %parallel_loop3A_547 = arith.index_cast %parallel_loop3A_546 : i32 to index
        %parallel_loop3A_548 = arith.constant 112 : index
        %parallel_loop3A_549 = tpu.vector_load %arg10[%parallel_loop3A_547, %parallel_loop3A_548] {strides = array<i32>} : memref<256x128xf32, #tpu.memory_space<vmem>>, vector<16xf32>,
        %parallel_loop3A_550 = arith.mulf %parallel_loop3A_239, %parallel_loop3A_549 : vector<16xf32>
        %parallel_loop3A_551 = arith.addf %parallel_loop3A_537, %parallel_loop3A_550 : vector<16xf32>
        %parallel_loop3A_552 = arith.constant 4 : i32
        %parallel_loop3A_553 = vector.broadcast %parallel_loop3A_552 : i32 to vector<16xi32>
        %parallel_loop3A_554 = arith.cmpi eq, %iota3A, %parallel_loop3A_553 : vector<16xi32>
        %parallel_loop3A_555 = arith.addf %parallel_loop3A_544, %parallel_loop3A_551 : vector<16xf32>
        %parallel_loop3A_556 = arith.constant true
        %parallel_loop3A_557 = vector.broadcast %parallel_loop3A_556 : i1 to vector<16xi1>
        %parallel_loop3A_558 = tpu.scan <sum>, %parallel_loop3A_555 masked %parallel_loop3A_557 : vector<16xf32>, vector<16xi1> -> vector<16xf32>
        %parallel_loop3A_559 = vector.extract %parallel_loop3A_558[15] : f32 from vector<16xf32>
        %parallel_loop3A_560 = vector.broadcast %parallel_loop3A_559 : f32 to vector<16xf32>
        %parallel_loop3A_561 = arith.select %parallel_loop3A_554, %parallel_loop3A_560, %parallel_loop3A_497 : vector<16xi1>, vector<16xf32>
        %parallel_loop3A_562 = arith.constant 5 : i32
        %parallel_loop3A_563 = arith.addi %parallel_loop3A_215, %parallel_loop3A_562 : i32
        %parallel_loop3A_564 = arith.index_cast %parallel_loop3A_563 : i32 to index
        %parallel_loop3A_565 = arith.constant 0 : index
        %parallel_loop3A_566 = tpu.vector_load %arg10[%parallel_loop3A_564, %parallel_loop3A_565] {strides = array<i32>} : memref<256x128xf32, #tpu.memory_space<vmem>>, vector<16xf32>,
        %parallel_loop3A_567 = arith.mulf %parallel_loop3A_218, %parallel_loop3A_566 : vector<16xf32>
        %parallel_loop3A_568 = arith.constant 5 : i32
        %parallel_loop3A_569 = arith.addi %parallel_loop3A_215, %parallel_loop3A_568 : i32
        %parallel_loop3A_570 = arith.index_cast %parallel_loop3A_569 : i32 to index
        %parallel_loop3A_571 = arith.constant 16 : index
        %parallel_loop3A_572 = tpu.vector_load %arg10[%parallel_loop3A_570, %parallel_loop3A_571] {strides = array<i32>} : memref<256x128xf32, #tpu.memory_space<vmem>>, vector<16xf32>,
        %parallel_loop3A_573 = arith.mulf %parallel_loop3A_221, %parallel_loop3A_572 : vector<16xf32>
        %parallel_loop3A_574 = arith.constant 5 : i32
        %parallel_loop3A_575 = arith.addi %parallel_loop3A_215, %parallel_loop3A_574 : i32
        %parallel_loop3A_576 = arith.index_cast %parallel_loop3A_575 : i32 to index
        %parallel_loop3A_577 = arith.constant 32 : index
        %parallel_loop3A_578 = tpu.vector_load %arg10[%parallel_loop3A_576, %parallel_loop3A_577] {strides = array<i32>} : memref<256x128xf32, #tpu.memory_space<vmem>>, vector<16xf32>,
        %parallel_loop3A_579 = arith.mulf %parallel_loop3A_224, %parallel_loop3A_578 : vector<16xf32>
        %parallel_loop3A_580 = arith.addf %parallel_loop3A_567, %parallel_loop3A_579 : vector<16xf32>
        %parallel_loop3A_581 = arith.constant 5 : i32
        %parallel_loop3A_582 = arith.addi %parallel_loop3A_215, %parallel_loop3A_581 : i32
        %parallel_loop3A_583 = arith.index_cast %parallel_loop3A_582 : i32 to index
        %parallel_loop3A_584 = arith.constant 48 : index
        %parallel_loop3A_585 = tpu.vector_load %arg10[%parallel_loop3A_583, %parallel_loop3A_584] {strides = array<i32>} : memref<256x128xf32, #tpu.memory_space<vmem>>, vector<16xf32>,
        %parallel_loop3A_586 = arith.mulf %parallel_loop3A_227, %parallel_loop3A_585 : vector<16xf32>
        %parallel_loop3A_587 = arith.addf %parallel_loop3A_573, %parallel_loop3A_586 : vector<16xf32>
        %parallel_loop3A_588 = arith.constant 5 : i32
        %parallel_loop3A_589 = arith.addi %parallel_loop3A_215, %parallel_loop3A_588 : i32
        %parallel_loop3A_590 = arith.index_cast %parallel_loop3A_589 : i32 to index
        %parallel_loop3A_591 = arith.constant 64 : index
        %parallel_loop3A_592 = tpu.vector_load %arg10[%parallel_loop3A_590, %parallel_loop3A_591] {strides = array<i32>} : memref<256x128xf32, #tpu.memory_space<vmem>>, vector<16xf32>,
        %parallel_loop3A_593 = arith.mulf %parallel_loop3A_230, %parallel_loop3A_592 : vector<16xf32>
        %parallel_loop3A_594 = arith.addf %parallel_loop3A_580, %parallel_loop3A_593 : vector<16xf32>
        %parallel_loop3A_595 = arith.constant 5 : i32
        %parallel_loop3A_596 = arith.addi %parallel_loop3A_215, %parallel_loop3A_595 : i32
        %parallel_loop3A_597 = arith.index_cast %parallel_loop3A_596 : i32 to index
        %parallel_loop3A_598 = arith.constant 80 : index
        %parallel_loop3A_599 = tpu.vector_load %arg10[%parallel_loop3A_597, %parallel_loop3A_598] {strides = array<i32>} : memref<256x128xf32, #tpu.memory_space<vmem>>, vector<16xf32>,
        %parallel_loop3A_600 = arith.mulf %parallel_loop3A_233, %parallel_loop3A_599 : vector<16xf32>
        %parallel_loop3A_601 = arith.addf %parallel_loop3A_587, %parallel_loop3A_600 : vector<16xf32>
        %parallel_loop3A_602 = arith.constant 5 : i32
        %parallel_loop3A_603 = arith.addi %parallel_loop3A_215, %parallel_loop3A_602 : i32
        %parallel_loop3A_604 = arith.index_cast %parallel_loop3A_603 : i32 to index
        %parallel_loop3A_605 = arith.constant 96 : index
        %parallel_loop3A_606 = tpu.vector_load %arg10[%parallel_loop3A_604, %parallel_loop3A_605] {strides = array<i32>} : memref<256x128xf32, #tpu.memory_space<vmem>>, vector<16xf32>,
        %parallel_loop3A_607 = arith.mulf %parallel_loop3A_236, %parallel_loop3A_606 : vector<16xf32>
        %parallel_loop3A_608 = arith.addf %parallel_loop3A_594, %parallel_loop3A_607 : vector<16xf32>
        %parallel_loop3A_609 = arith.constant 5 : i32
        %parallel_loop3A_610 = arith.addi %parallel_loop3A_215, %parallel_loop3A_609 : i32
        %parallel_loop3A_611 = arith.index_cast %parallel_loop3A_610 : i32 to index
        %parallel_loop3A_612 = arith.constant 112 : index
        %parallel_loop3A_613 = tpu.vector_load %arg10[%parallel_loop3A_611, %parallel_loop3A_612] {strides = array<i32>} : memref<256x128xf32, #tpu.memory_space<vmem>>, vector<16xf32>,
        %parallel_loop3A_614 = arith.mulf %parallel_loop3A_239, %parallel_loop3A_613 : vector<16xf32>
        %parallel_loop3A_615 = arith.addf %parallel_loop3A_601, %parallel_loop3A_614 : vector<16xf32>
        %parallel_loop3A_616 = arith.constant 5 : i32
        %parallel_loop3A_617 = vector.broadcast %parallel_loop3A_616 : i32 to vector<16xi32>
        %parallel_loop3A_618 = arith.cmpi eq, %iota3A, %parallel_loop3A_617 : vector<16xi32>
        %parallel_loop3A_619 = arith.addf %parallel_loop3A_608, %parallel_loop3A_615 : vector<16xf32>
        %parallel_loop3A_620 = arith.constant true
        %parallel_loop3A_621 = vector.broadcast %parallel_loop3A_620 : i1 to vector<16xi1>
        %parallel_loop3A_622 = tpu.scan <sum>, %parallel_loop3A_619 masked %parallel_loop3A_621 : vector<16xf32>, vector<16xi1> -> vector<16xf32>
        %parallel_loop3A_623 = vector.extract %parallel_loop3A_622[15] : f32 from vector<16xf32>
        %parallel_loop3A_624 = vector.broadcast %parallel_loop3A_623 : f32 to vector<16xf32>
        %parallel_loop3A_625 = arith.select %parallel_loop3A_618, %parallel_loop3A_624, %parallel_loop3A_561 : vector<16xi1>, vector<16xf32>
        %parallel_loop3A_626 = arith.constant 6 : i32
        %parallel_loop3A_627 = arith.addi %parallel_loop3A_215, %parallel_loop3A_626 : i32
        %parallel_loop3A_628 = arith.index_cast %parallel_loop3A_627 : i32 to index
        %parallel_loop3A_629 = arith.constant 0 : index
        %parallel_loop3A_630 = tpu.vector_load %arg10[%parallel_loop3A_628, %parallel_loop3A_629] {strides = array<i32>} : memref<256x128xf32, #tpu.memory_space<vmem>>, vector<16xf32>,
        %parallel_loop3A_631 = arith.mulf %parallel_loop3A_218, %parallel_loop3A_630 : vector<16xf32>
        %parallel_loop3A_632 = arith.constant 6 : i32
        %parallel_loop3A_633 = arith.addi %parallel_loop3A_215, %parallel_loop3A_632 : i32
        %parallel_loop3A_634 = arith.index_cast %parallel_loop3A_633 : i32 to index
        %parallel_loop3A_635 = arith.constant 16 : index
        %parallel_loop3A_636 = tpu.vector_load %arg10[%parallel_loop3A_634, %parallel_loop3A_635] {strides = array<i32>} : memref<256x128xf32, #tpu.memory_space<vmem>>, vector<16xf32>,
        %parallel_loop3A_637 = arith.mulf %parallel_loop3A_221, %parallel_loop3A_636 : vector<16xf32>
        %parallel_loop3A_638 = arith.constant 6 : i32
        %parallel_loop3A_639 = arith.addi %parallel_loop3A_215, %parallel_loop3A_638 : i32
        %parallel_loop3A_640 = arith.index_cast %parallel_loop3A_639 : i32 to index
        %parallel_loop3A_641 = arith.constant 32 : index
        %parallel_loop3A_642 = tpu.vector_load %arg10[%parallel_loop3A_640, %parallel_loop3A_641] {strides = array<i32>} : memref<256x128xf32, #tpu.memory_space<vmem>>, vector<16xf32>,
        %parallel_loop3A_643 = arith.mulf %parallel_loop3A_224, %parallel_loop3A_642 : vector<16xf32>
        %parallel_loop3A_644 = arith.addf %parallel_loop3A_631, %parallel_loop3A_643 : vector<16xf32>
        %parallel_loop3A_645 = arith.constant 6 : i32
        %parallel_loop3A_646 = arith.addi %parallel_loop3A_215, %parallel_loop3A_645 : i32
        %parallel_loop3A_647 = arith.index_cast %parallel_loop3A_646 : i32 to index
        %parallel_loop3A_648 = arith.constant 48 : index
        %parallel_loop3A_649 = tpu.vector_load %arg10[%parallel_loop3A_647, %parallel_loop3A_648] {strides = array<i32>} : memref<256x128xf32, #tpu.memory_space<vmem>>, vector<16xf32>,
        %parallel_loop3A_650 = arith.mulf %parallel_loop3A_227, %parallel_loop3A_649 : vector<16xf32>
        %parallel_loop3A_651 = arith.addf %parallel_loop3A_637, %parallel_loop3A_650 : vector<16xf32>
        %parallel_loop3A_652 = arith.constant 6 : i32
        %parallel_loop3A_653 = arith.addi %parallel_loop3A_215, %parallel_loop3A_652 : i32
        %parallel_loop3A_654 = arith.index_cast %parallel_loop3A_653 : i32 to index
        %parallel_loop3A_655 = arith.constant 64 : index
        %parallel_loop3A_656 = tpu.vector_load %arg10[%parallel_loop3A_654, %parallel_loop3A_655] {strides = array<i32>} : memref<256x128xf32, #tpu.memory_space<vmem>>, vector<16xf32>,
        %parallel_loop3A_657 = arith.mulf %parallel_loop3A_230, %parallel_loop3A_656 : vector<16xf32>
        %parallel_loop3A_658 = arith.addf %parallel_loop3A_644, %parallel_loop3A_657 : vector<16xf32>
        %parallel_loop3A_659 = arith.constant 6 : i32
        %parallel_loop3A_660 = arith.addi %parallel_loop3A_215, %parallel_loop3A_659 : i32
        %parallel_loop3A_661 = arith.index_cast %parallel_loop3A_660 : i32 to index
        %parallel_loop3A_662 = arith.constant 80 : index
        %parallel_loop3A_663 = tpu.vector_load %arg10[%parallel_loop3A_661, %parallel_loop3A_662] {strides = array<i32>} : memref<256x128xf32, #tpu.memory_space<vmem>>, vector<16xf32>,
        %parallel_loop3A_664 = arith.mulf %parallel_loop3A_233, %parallel_loop3A_663 : vector<16xf32>
        %parallel_loop3A_665 = arith.addf %parallel_loop3A_651, %parallel_loop3A_664 : vector<16xf32>
        %parallel_loop3A_666 = arith.constant 6 : i32
        %parallel_loop3A_667 = arith.addi %parallel_loop3A_215, %parallel_loop3A_666 : i32
        %parallel_loop3A_668 = arith.index_cast %parallel_loop3A_667 : i32 to index
        %parallel_loop3A_669 = arith.constant 96 : index
        %parallel_loop3A_670 = tpu.vector_load %arg10[%parallel_loop3A_668, %parallel_loop3A_669] {strides = array<i32>} : memref<256x128xf32, #tpu.memory_space<vmem>>, vector<16xf32>,
        %parallel_loop3A_671 = arith.mulf %parallel_loop3A_236, %parallel_loop3A_670 : vector<16xf32>
        %parallel_loop3A_672 = arith.addf %parallel_loop3A_658, %parallel_loop3A_671 : vector<16xf32>
        %parallel_loop3A_673 = arith.constant 6 : i32
        %parallel_loop3A_674 = arith.addi %parallel_loop3A_215, %parallel_loop3A_673 : i32
        %parallel_loop3A_675 = arith.index_cast %parallel_loop3A_674 : i32 to index
        %parallel_loop3A_676 = arith.constant 112 : index
        %parallel_loop3A_677 = tpu.vector_load %arg10[%parallel_loop3A_675, %parallel_loop3A_676] {strides = array<i32>} : memref<256x128xf32, #tpu.memory_space<vmem>>, vector<16xf32>,
        %parallel_loop3A_678 = arith.mulf %parallel_loop3A_239, %parallel_loop3A_677 : vector<16xf32>
        %parallel_loop3A_679 = arith.addf %parallel_loop3A_665, %parallel_loop3A_678 : vector<16xf32>
        %parallel_loop3A_680 = arith.constant 6 : i32
        %parallel_loop3A_681 = vector.broadcast %parallel_loop3A_680 : i32 to vector<16xi32>
        %parallel_loop3A_682 = arith.cmpi eq, %iota3A, %parallel_loop3A_681 : vector<16xi32>
        %parallel_loop3A_683 = arith.addf %parallel_loop3A_672, %parallel_loop3A_679 : vector<16xf32>
        %parallel_loop3A_684 = arith.constant true
        %parallel_loop3A_685 = vector.broadcast %parallel_loop3A_684 : i1 to vector<16xi1>
        %parallel_loop3A_686 = tpu.scan <sum>, %parallel_loop3A_683 masked %parallel_loop3A_685 : vector<16xf32>, vector<16xi1> -> vector<16xf32>
        %parallel_loop3A_687 = vector.extract %parallel_loop3A_686[15] : f32 from vector<16xf32>
        %parallel_loop3A_688 = vector.broadcast %parallel_loop3A_687 : f32 to vector<16xf32>
        %parallel_loop3A_689 = arith.select %parallel_loop3A_682, %parallel_loop3A_688, %parallel_loop3A_625 : vector<16xi1>, vector<16xf32>
        %parallel_loop3A_690 = arith.constant 7 : i32
        %parallel_loop3A_691 = arith.addi %parallel_loop3A_215, %parallel_loop3A_690 : i32
        %parallel_loop3A_692 = arith.index_cast %parallel_loop3A_691 : i32 to index
        %parallel_loop3A_693 = arith.constant 0 : index
        %parallel_loop3A_694 = tpu.vector_load %arg10[%parallel_loop3A_692, %parallel_loop3A_693] {strides = array<i32>} : memref<256x128xf32, #tpu.memory_space<vmem>>, vector<16xf32>,
        %parallel_loop3A_695 = arith.mulf %parallel_loop3A_218, %parallel_loop3A_694 : vector<16xf32>
        %parallel_loop3A_696 = arith.constant 7 : i32
        %parallel_loop3A_697 = arith.addi %parallel_loop3A_215, %parallel_loop3A_696 : i32
        %parallel_loop3A_698 = arith.index_cast %parallel_loop3A_697 : i32 to index
        %parallel_loop3A_699 = arith.constant 16 : index
        %parallel_loop3A_700 = tpu.vector_load %arg10[%parallel_loop3A_698, %parallel_loop3A_699] {strides = array<i32>} : memref<256x128xf32, #tpu.memory_space<vmem>>, vector<16xf32>,
        %parallel_loop3A_701 = arith.mulf %parallel_loop3A_221, %parallel_loop3A_700 : vector<16xf32>
        %parallel_loop3A_702 = arith.constant 7 : i32
        %parallel_loop3A_703 = arith.addi %parallel_loop3A_215, %parallel_loop3A_702 : i32
        %parallel_loop3A_704 = arith.index_cast %parallel_loop3A_703 : i32 to index
        %parallel_loop3A_705 = arith.constant 32 : index
        %parallel_loop3A_706 = tpu.vector_load %arg10[%parallel_loop3A_704, %parallel_loop3A_705] {strides = array<i32>} : memref<256x128xf32, #tpu.memory_space<vmem>>, vector<16xf32>,
        %parallel_loop3A_707 = arith.mulf %parallel_loop3A_224, %parallel_loop3A_706 : vector<16xf32>
        %parallel_loop3A_708 = arith.addf %parallel_loop3A_695, %parallel_loop3A_707 : vector<16xf32>
        %parallel_loop3A_709 = arith.constant 7 : i32
        %parallel_loop3A_710 = arith.addi %parallel_loop3A_215, %parallel_loop3A_709 : i32
        %parallel_loop3A_711 = arith.index_cast %parallel_loop3A_710 : i32 to index
        %parallel_loop3A_712 = arith.constant 48 : index
        %parallel_loop3A_713 = tpu.vector_load %arg10[%parallel_loop3A_711, %parallel_loop3A_712] {strides = array<i32>} : memref<256x128xf32, #tpu.memory_space<vmem>>, vector<16xf32>,
        %parallel_loop3A_714 = arith.mulf %parallel_loop3A_227, %parallel_loop3A_713 : vector<16xf32>
        %parallel_loop3A_715 = arith.addf %parallel_loop3A_701, %parallel_loop3A_714 : vector<16xf32>
        %parallel_loop3A_716 = arith.constant 7 : i32
        %parallel_loop3A_717 = arith.addi %parallel_loop3A_215, %parallel_loop3A_716 : i32
        %parallel_loop3A_718 = arith.index_cast %parallel_loop3A_717 : i32 to index
        %parallel_loop3A_719 = arith.constant 64 : index
        %parallel_loop3A_720 = tpu.vector_load %arg10[%parallel_loop3A_718, %parallel_loop3A_719] {strides = array<i32>} : memref<256x128xf32, #tpu.memory_space<vmem>>, vector<16xf32>,
        %parallel_loop3A_721 = arith.mulf %parallel_loop3A_230, %parallel_loop3A_720 : vector<16xf32>
        %parallel_loop3A_722 = arith.addf %parallel_loop3A_708, %parallel_loop3A_721 : vector<16xf32>
        %parallel_loop3A_723 = arith.constant 7 : i32
        %parallel_loop3A_724 = arith.addi %parallel_loop3A_215, %parallel_loop3A_723 : i32
        %parallel_loop3A_725 = arith.index_cast %parallel_loop3A_724 : i32 to index
        %parallel_loop3A_726 = arith.constant 80 : index
        %parallel_loop3A_727 = tpu.vector_load %arg10[%parallel_loop3A_725, %parallel_loop3A_726] {strides = array<i32>} : memref<256x128xf32, #tpu.memory_space<vmem>>, vector<16xf32>,
        %parallel_loop3A_728 = arith.mulf %parallel_loop3A_233, %parallel_loop3A_727 : vector<16xf32>
        %parallel_loop3A_729 = arith.addf %parallel_loop3A_715, %parallel_loop3A_728 : vector<16xf32>
        %parallel_loop3A_730 = arith.constant 7 : i32
        %parallel_loop3A_731 = arith.addi %parallel_loop3A_215, %parallel_loop3A_730 : i32
        %parallel_loop3A_732 = arith.index_cast %parallel_loop3A_731 : i32 to index
        %parallel_loop3A_733 = arith.constant 96 : index
        %parallel_loop3A_734 = tpu.vector_load %arg10[%parallel_loop3A_732, %parallel_loop3A_733] {strides = array<i32>} : memref<256x128xf32, #tpu.memory_space<vmem>>, vector<16xf32>,
        %parallel_loop3A_735 = arith.mulf %parallel_loop3A_236, %parallel_loop3A_734 : vector<16xf32>
        %parallel_loop3A_736 = arith.addf %parallel_loop3A_722, %parallel_loop3A_735 : vector<16xf32>
        %parallel_loop3A_737 = arith.constant 7 : i32
        %parallel_loop3A_738 = arith.addi %parallel_loop3A_215, %parallel_loop3A_737 : i32
        %parallel_loop3A_739 = arith.index_cast %parallel_loop3A_738 : i32 to index
        %parallel_loop3A_740 = arith.constant 112 : index
        %parallel_loop3A_741 = tpu.vector_load %arg10[%parallel_loop3A_739, %parallel_loop3A_740] {strides = array<i32>} : memref<256x128xf32, #tpu.memory_space<vmem>>, vector<16xf32>,
        %parallel_loop3A_742 = arith.mulf %parallel_loop3A_239, %parallel_loop3A_741 : vector<16xf32>
        %parallel_loop3A_743 = arith.addf %parallel_loop3A_729, %parallel_loop3A_742 : vector<16xf32>
        %parallel_loop3A_744 = arith.constant 7 : i32
        %parallel_loop3A_745 = vector.broadcast %parallel_loop3A_744 : i32 to vector<16xi32>
        %parallel_loop3A_746 = arith.cmpi eq, %iota3A, %parallel_loop3A_745 : vector<16xi32>
        %parallel_loop3A_747 = arith.addf %parallel_loop3A_736, %parallel_loop3A_743 : vector<16xf32>
        %parallel_loop3A_748 = arith.constant true
        %parallel_loop3A_749 = vector.broadcast %parallel_loop3A_748 : i1 to vector<16xi1>
        %parallel_loop3A_750 = tpu.scan <sum>, %parallel_loop3A_747 masked %parallel_loop3A_749 : vector<16xf32>, vector<16xi1> -> vector<16xf32>
        %parallel_loop3A_751 = vector.extract %parallel_loop3A_750[15] : f32 from vector<16xf32>
        %parallel_loop3A_752 = vector.broadcast %parallel_loop3A_751 : f32 to vector<16xf32>
        %parallel_loop3A_753 = arith.select %parallel_loop3A_746, %parallel_loop3A_752, %parallel_loop3A_689 : vector<16xi1>, vector<16xf32>
        %parallel_loop3A_754 = math.exp %parallel_loop3A_753 : vector<16xf32>
        %parallel_loop3A_755 = arith.constant true
        %parallel_loop3A_756 = vector.broadcast %parallel_loop3A_755 : i1 to vector<16xi1>
        %parallel_loop3A_757 = tpu.scan <sum>, %parallel_loop3A_754 masked %parallel_loop3A_756 : vector<16xf32>, vector<16xi1> -> vector<16xf32>
        %parallel_loop3A_758 = vector.extract %parallel_loop3A_757[15] : f32 from vector<16xf32>
        %parallel_loop3A_759 = arith.constant 16 : i32
        %parallel_loop3A_760 = arith.muli %mul3A_64, %parallel_loop3A_759 : i32
        %parallel_loop3A_761 = arith.addi %parallel_loop3A_760, %parallel_loop3A_209 : i32
        %parallel_loop3A_762 = arith.constant 8 : i32
        %parallel_loop3A_763 = arith.muli %parallel_loop3A_761, %parallel_loop3A_762 : i32
        %parallel_loop3A_764 = vector.broadcast %parallel_loop3A_763 : i32 to vector<16xi32>
        %parallel_loop3A_765 = tpu.vector_load_idx %arg6[%parallel_loop3A_764] : memref<5120xi32, #tpu.memory_space<vmem>>[vector<16xi32>], vector<16xi32>,
        %parallel_loop3A_766 = arith.constant 29 : i32
        %parallel_loop3A_767 = vector.broadcast %parallel_loop3A_766 : i32 to vector<16xi32>
        %parallel_loop3A_768 = arith.shrsi %parallel_loop3A_765, %parallel_loop3A_767 : vector<16xi32>
        %parallel_loop3A_769 = arith.constant 0 : i32
        %parallel_loop3A_770 = vector.broadcast %parallel_loop3A_769 : i32 to vector<16xi32>
        %parallel_loop3A_771 = arith.cmpi ne, %parallel_loop3A_768, %parallel_loop3A_770 : vector<16xi32>
        %parallel_loop3A_772 = arith.constant 1.000000e+00 : f32
        %parallel_loop3A_773 = arith.constant 0.000000e+00 : f32
        %parallel_loop3A_774 = vector.broadcast %parallel_loop3A_772 : f32 to vector<16xf32>
        %parallel_loop3A_775 = vector.broadcast %parallel_loop3A_773 : f32 to vector<16xf32>
        %parallel_loop3A_776 = arith.select %parallel_loop3A_771, %parallel_loop3A_774, %parallel_loop3A_775 : vector<16xi1>, vector<16xf32>
        %parallel_loop3A_777 = vector.broadcast %parallel_loop3A_758 : f32 to vector<16xf32>
        %parallel_loop3A_778 = arith.divf %parallel_loop3A_754, %parallel_loop3A_777 : vector<16xf32>
        %parallel_loop3A_779 = arith.mulf %parallel_loop3A_778, %parallel_loop3A_776 : vector<16xf32>
        %parallel_loop3A_780 = vector.extract_strided_slice %parallel_loop3A_779 {offsets = [0], sizes = [1], strides = [1]} : vector<16xf32> to vector<1xf32>
        %parallel_loop3A_781 = vector.extract %parallel_loop3A_780[0] : f32 from vector<1xf32>
        %parallel_loop3A_782 = vector.extract_strided_slice %parallel_loop3A_779 {offsets = [1], sizes = [1], strides = [1]} : vector<16xf32> to vector<1xf32>
        %parallel_loop3A_783 = vector.extract %parallel_loop3A_782[0] : f32 from vector<1xf32>
        %parallel_loop3A_784 = vector.extract_strided_slice %parallel_loop3A_779 {offsets = [2], sizes = [1], strides = [1]} : vector<16xf32> to vector<1xf32>
        %parallel_loop3A_785 = vector.extract %parallel_loop3A_784[0] : f32 from vector<1xf32>
        %parallel_loop3A_786 = vector.extract_strided_slice %parallel_loop3A_779 {offsets = [3], sizes = [1], strides = [1]} : vector<16xf32> to vector<1xf32>
        %parallel_loop3A_787 = vector.extract %parallel_loop3A_786[0] : f32 from vector<1xf32>
        %parallel_loop3A_788 = vector.extract_strided_slice %parallel_loop3A_779 {offsets = [4], sizes = [1], strides = [1]} : vector<16xf32> to vector<1xf32>
        %parallel_loop3A_789 = vector.extract %parallel_loop3A_788[0] : f32 from vector<1xf32>
        %parallel_loop3A_790 = vector.extract_strided_slice %parallel_loop3A_779 {offsets = [5], sizes = [1], strides = [1]} : vector<16xf32> to vector<1xf32>
        %parallel_loop3A_791 = vector.extract %parallel_loop3A_790[0] : f32 from vector<1xf32>
        %parallel_loop3A_792 = vector.extract_strided_slice %parallel_loop3A_779 {offsets = [6], sizes = [1], strides = [1]} : vector<16xf32> to vector<1xf32>
        %parallel_loop3A_793 = vector.extract %parallel_loop3A_792[0] : f32 from vector<1xf32>
        %parallel_loop3A_794 = vector.extract_strided_slice %parallel_loop3A_779 {offsets = [7], sizes = [1], strides = [1]} : vector<16xf32> to vector<1xf32>
        %parallel_loop3A_795 = vector.extract %parallel_loop3A_794[0] : f32 from vector<1xf32>
        %parallel_loop3A_796 = arith.index_cast %parallel_loop3A_211 : i32 to index
        %parallel_loop3A_797 = arith.constant 0 : index
        %parallel_loop3A_798 = tpu.vector_load %arg12[%parallel_loop3A_796, %parallel_loop3A_797] {strides = array<i32>} : memref<32x256xf32, #tpu.memory_space<vmem>>, vector<16xf32>,
        tpu.vector_store %arg12[%parallel_loop3A_796, %parallel_loop3A_797], %parallel_loop3A_218 {strides = array<i32>} : memref<32x256xf32, #tpu.memory_space<vmem>>, vector<16xf32>,
        %parallel_loop3A_799 = arith.index_cast %parallel_loop3A_211 : i32 to index
        %parallel_loop3A_800 = arith.constant 16 : index
        %parallel_loop3A_801 = tpu.vector_load %arg12[%parallel_loop3A_799, %parallel_loop3A_800] {strides = array<i32>} : memref<32x256xf32, #tpu.memory_space<vmem>>, vector<16xf32>,
        tpu.vector_store %arg12[%parallel_loop3A_799, %parallel_loop3A_800], %parallel_loop3A_221 {strides = array<i32>} : memref<32x256xf32, #tpu.memory_space<vmem>>, vector<16xf32>,
        %parallel_loop3A_802 = arith.index_cast %parallel_loop3A_211 : i32 to index
        %parallel_loop3A_803 = arith.constant 32 : index
        %parallel_loop3A_804 = tpu.vector_load %arg12[%parallel_loop3A_802, %parallel_loop3A_803] {strides = array<i32>} : memref<32x256xf32, #tpu.memory_space<vmem>>, vector<16xf32>,
        tpu.vector_store %arg12[%parallel_loop3A_802, %parallel_loop3A_803], %parallel_loop3A_224 {strides = array<i32>} : memref<32x256xf32, #tpu.memory_space<vmem>>, vector<16xf32>,
        %parallel_loop3A_805 = arith.index_cast %parallel_loop3A_211 : i32 to index
        %parallel_loop3A_806 = arith.constant 48 : index
        %parallel_loop3A_807 = tpu.vector_load %arg12[%parallel_loop3A_805, %parallel_loop3A_806] {strides = array<i32>} : memref<32x256xf32, #tpu.memory_space<vmem>>, vector<16xf32>,
        tpu.vector_store %arg12[%parallel_loop3A_805, %parallel_loop3A_806], %parallel_loop3A_227 {strides = array<i32>} : memref<32x256xf32, #tpu.memory_space<vmem>>, vector<16xf32>,
        %parallel_loop3A_808 = arith.index_cast %parallel_loop3A_211 : i32 to index
        %parallel_loop3A_809 = arith.constant 64 : index
        %parallel_loop3A_810 = tpu.vector_load %arg12[%parallel_loop3A_808, %parallel_loop3A_809] {strides = array<i32>} : memref<32x256xf32, #tpu.memory_space<vmem>>, vector<16xf32>,
        tpu.vector_store %arg12[%parallel_loop3A_808, %parallel_loop3A_809], %parallel_loop3A_230 {strides = array<i32>} : memref<32x256xf32, #tpu.memory_space<vmem>>, vector<16xf32>,
        %parallel_loop3A_811 = arith.index_cast %parallel_loop3A_211 : i32 to index
        %parallel_loop3A_812 = arith.constant 80 : index
        %parallel_loop3A_813 = tpu.vector_load %arg12[%parallel_loop3A_811, %parallel_loop3A_812] {strides = array<i32>} : memref<32x256xf32, #tpu.memory_space<vmem>>, vector<16xf32>,
        tpu.vector_store %arg12[%parallel_loop3A_811, %parallel_loop3A_812], %parallel_loop3A_233 {strides = array<i32>} : memref<32x256xf32, #tpu.memory_space<vmem>>, vector<16xf32>,
        %parallel_loop3A_814 = arith.index_cast %parallel_loop3A_211 : i32 to index
        %parallel_loop3A_815 = arith.constant 96 : index
        %parallel_loop3A_816 = tpu.vector_load %arg12[%parallel_loop3A_814, %parallel_loop3A_815] {strides = array<i32>} : memref<32x256xf32, #tpu.memory_space<vmem>>, vector<16xf32>,
        tpu.vector_store %arg12[%parallel_loop3A_814, %parallel_loop3A_815], %parallel_loop3A_236 {strides = array<i32>} : memref<32x256xf32, #tpu.memory_space<vmem>>, vector<16xf32>,
        %parallel_loop3A_817 = arith.index_cast %parallel_loop3A_211 : i32 to index
        %parallel_loop3A_818 = arith.constant 112 : index
        %parallel_loop3A_819 = tpu.vector_load %arg12[%parallel_loop3A_817, %parallel_loop3A_818] {strides = array<i32>} : memref<32x256xf32, #tpu.memory_space<vmem>>, vector<16xf32>,
        tpu.vector_store %arg12[%parallel_loop3A_817, %parallel_loop3A_818], %parallel_loop3A_239 {strides = array<i32>} : memref<32x256xf32, #tpu.memory_space<vmem>>, vector<16xf32>,
        %parallel_loop3A_820 = arith.index_cast %parallel_loop3A_215 : i32 to index
        %parallel_loop3A_821 = arith.constant 0 : index
        %parallel_loop3A_822 = tpu.vector_load %arg11[%parallel_loop3A_820, %parallel_loop3A_821] {strides = array<i32>} : memref<256x128xf32, #tpu.memory_space<vmem>>, vector<16xf32>,
        %parallel_loop3A_823 = vector.broadcast %parallel_loop3A_781 : f32 to vector<16xf32>
        %parallel_loop3A_824 = arith.mulf %parallel_loop3A_823, %parallel_loop3A_822 : vector<16xf32>
        %parallel_loop3A_825 = arith.constant 1 : i32
        %parallel_loop3A_826 = arith.addi %parallel_loop3A_215, %parallel_loop3A_825 : i32
        %parallel_loop3A_827 = arith.index_cast %parallel_loop3A_826 : i32 to index
        %parallel_loop3A_828 = arith.constant 0 : index
        %parallel_loop3A_829 = tpu.vector_load %arg11[%parallel_loop3A_827, %parallel_loop3A_828] {strides = array<i32>} : memref<256x128xf32, #tpu.memory_space<vmem>>, vector<16xf32>,
        %parallel_loop3A_830 = vector.broadcast %parallel_loop3A_783 : f32 to vector<16xf32>
        %parallel_loop3A_831 = arith.mulf %parallel_loop3A_830, %parallel_loop3A_829 : vector<16xf32>
        %parallel_loop3A_832 = arith.constant 2 : i32
        %parallel_loop3A_833 = arith.addi %parallel_loop3A_215, %parallel_loop3A_832 : i32
        %parallel_loop3A_834 = arith.index_cast %parallel_loop3A_833 : i32 to index
        %parallel_loop3A_835 = arith.constant 0 : index
        %parallel_loop3A_836 = tpu.vector_load %arg11[%parallel_loop3A_834, %parallel_loop3A_835] {strides = array<i32>} : memref<256x128xf32, #tpu.memory_space<vmem>>, vector<16xf32>,
        %parallel_loop3A_837 = vector.broadcast %parallel_loop3A_785 : f32 to vector<16xf32>
        %parallel_loop3A_838 = arith.mulf %parallel_loop3A_837, %parallel_loop3A_836 : vector<16xf32>
        %parallel_loop3A_839 = arith.addf %parallel_loop3A_824, %parallel_loop3A_838 : vector<16xf32>
        %parallel_loop3A_840 = arith.constant 2 : i32
        %parallel_loop3A_841 = arith.addi %parallel_loop3A_215, %parallel_loop3A_840 : i32
        %parallel_loop3A_842 = arith.constant 1 : i32
        %parallel_loop3A_843 = arith.addi %parallel_loop3A_841, %parallel_loop3A_842 : i32
        %parallel_loop3A_844 = arith.index_cast %parallel_loop3A_843 : i32 to index
        %parallel_loop3A_845 = arith.constant 0 : index
        %parallel_loop3A_846 = tpu.vector_load %arg11[%parallel_loop3A_844, %parallel_loop3A_845] {strides = array<i32>} : memref<256x128xf32, #tpu.memory_space<vmem>>, vector<16xf32>,
        %parallel_loop3A_847 = vector.broadcast %parallel_loop3A_787 : f32 to vector<16xf32>
        %parallel_loop3A_848 = arith.mulf %parallel_loop3A_847, %parallel_loop3A_846 : vector<16xf32>
        %parallel_loop3A_849 = arith.addf %parallel_loop3A_831, %parallel_loop3A_848 : vector<16xf32>
        %parallel_loop3A_850 = arith.constant 4 : i32
        %parallel_loop3A_851 = arith.addi %parallel_loop3A_215, %parallel_loop3A_850 : i32
        %parallel_loop3A_852 = arith.index_cast %parallel_loop3A_851 : i32 to index
        %parallel_loop3A_853 = arith.constant 0 : index
        %parallel_loop3A_854 = tpu.vector_load %arg11[%parallel_loop3A_852, %parallel_loop3A_853] {strides = array<i32>} : memref<256x128xf32, #tpu.memory_space<vmem>>, vector<16xf32>,
        %parallel_loop3A_855 = vector.broadcast %parallel_loop3A_789 : f32 to vector<16xf32>
        %parallel_loop3A_856 = arith.mulf %parallel_loop3A_855, %parallel_loop3A_854 : vector<16xf32>
        %parallel_loop3A_857 = arith.addf %parallel_loop3A_839, %parallel_loop3A_856 : vector<16xf32>
        %parallel_loop3A_858 = arith.constant 4 : i32
        %parallel_loop3A_859 = arith.addi %parallel_loop3A_215, %parallel_loop3A_858 : i32
        %parallel_loop3A_860 = arith.constant 1 : i32
        %parallel_loop3A_861 = arith.addi %parallel_loop3A_859, %parallel_loop3A_860 : i32
        %parallel_loop3A_862 = arith.index_cast %parallel_loop3A_861 : i32 to index
        %parallel_loop3A_863 = arith.constant 0 : index
        %parallel_loop3A_864 = tpu.vector_load %arg11[%parallel_loop3A_862, %parallel_loop3A_863] {strides = array<i32>} : memref<256x128xf32, #tpu.memory_space<vmem>>, vector<16xf32>,
        %parallel_loop3A_865 = vector.broadcast %parallel_loop3A_791 : f32 to vector<16xf32>
        %parallel_loop3A_866 = arith.mulf %parallel_loop3A_865, %parallel_loop3A_864 : vector<16xf32>
        %parallel_loop3A_867 = arith.addf %parallel_loop3A_849, %parallel_loop3A_866 : vector<16xf32>
        %parallel_loop3A_868 = arith.constant 6 : i32
        %parallel_loop3A_869 = arith.addi %parallel_loop3A_215, %parallel_loop3A_868 : i32
        %parallel_loop3A_870 = arith.index_cast %parallel_loop3A_869 : i32 to index
        %parallel_loop3A_871 = arith.constant 0 : index
        %parallel_loop3A_872 = tpu.vector_load %arg11[%parallel_loop3A_870, %parallel_loop3A_871] {strides = array<i32>} : memref<256x128xf32, #tpu.memory_space<vmem>>, vector<16xf32>,
        %parallel_loop3A_873 = vector.broadcast %parallel_loop3A_793 : f32 to vector<16xf32>
        %parallel_loop3A_874 = arith.mulf %parallel_loop3A_873, %parallel_loop3A_872 : vector<16xf32>
        %parallel_loop3A_875 = arith.addf %parallel_loop3A_857, %parallel_loop3A_874 : vector<16xf32>
        %parallel_loop3A_876 = arith.constant 6 : i32
        %parallel_loop3A_877 = arith.addi %parallel_loop3A_215, %parallel_loop3A_876 : i32
        %parallel_loop3A_878 = arith.constant 1 : i32
        %parallel_loop3A_879 = arith.addi %parallel_loop3A_877, %parallel_loop3A_878 : i32
        %parallel_loop3A_880 = arith.index_cast %parallel_loop3A_879 : i32 to index
        %parallel_loop3A_881 = arith.constant 0 : index
        %parallel_loop3A_882 = tpu.vector_load %arg11[%parallel_loop3A_880, %parallel_loop3A_881] {strides = array<i32>} : memref<256x128xf32, #tpu.memory_space<vmem>>, vector<16xf32>,
        %parallel_loop3A_883 = vector.broadcast %parallel_loop3A_795 : f32 to vector<16xf32>
        %parallel_loop3A_884 = arith.mulf %parallel_loop3A_883, %parallel_loop3A_882 : vector<16xf32>
        %parallel_loop3A_885 = arith.addf %parallel_loop3A_867, %parallel_loop3A_884 : vector<16xf32>
        %parallel_loop3A_886 = arith.addf %parallel_loop3A_875, %parallel_loop3A_885 : vector<16xf32>
        %parallel_loop3A_887 = arith.index_cast %parallel_loop3A_211 : i32 to index
        %parallel_loop3A_888 = arith.constant 128 : index
        %parallel_loop3A_889 = tpu.vector_load %arg12[%parallel_loop3A_887, %parallel_loop3A_888] {strides = array<i32>} : memref<32x256xf32, #tpu.memory_space<vmem>>, vector<16xf32>,
        tpu.vector_store %arg12[%parallel_loop3A_887, %parallel_loop3A_888], %parallel_loop3A_886 {strides = array<i32>} : memref<32x256xf32, #tpu.memory_space<vmem>>, vector<16xf32>,
        %parallel_loop3A_890 = arith.index_cast %parallel_loop3A_215 : i32 to index
        %parallel_loop3A_891 = arith.constant 16 : index
        %parallel_loop3A_892 = tpu.vector_load %arg11[%parallel_loop3A_890, %parallel_loop3A_891] {strides = array<i32>} : memref<256x128xf32, #tpu.memory_space<vmem>>, vector<16xf32>,
        %parallel_loop3A_893 = vector.broadcast %parallel_loop3A_781 : f32 to vector<16xf32>
        %parallel_loop3A_894 = arith.mulf %parallel_loop3A_893, %parallel_loop3A_892 : vector<16xf32>
        %parallel_loop3A_895 = arith.constant 1 : i32
        %parallel_loop3A_896 = arith.addi %parallel_loop3A_215, %parallel_loop3A_895 : i32
        %parallel_loop3A_897 = arith.index_cast %parallel_loop3A_896 : i32 to index
        %parallel_loop3A_898 = arith.constant 16 : index
        %parallel_loop3A_899 = tpu.vector_load %arg11[%parallel_loop3A_897, %parallel_loop3A_898] {strides = array<i32>} : memref<256x128xf32, #tpu.memory_space<vmem>>, vector<16xf32>,
        %parallel_loop3A_900 = vector.broadcast %parallel_loop3A_783 : f32 to vector<16xf32>
        %parallel_loop3A_901 = arith.mulf %parallel_loop3A_900, %parallel_loop3A_899 : vector<16xf32>
        %parallel_loop3A_902 = arith.constant 2 : i32
        %parallel_loop3A_903 = arith.addi %parallel_loop3A_215, %parallel_loop3A_902 : i32
        %parallel_loop3A_904 = arith.index_cast %parallel_loop3A_903 : i32 to index
        %parallel_loop3A_905 = arith.constant 16 : index
        %parallel_loop3A_906 = tpu.vector_load %arg11[%parallel_loop3A_904, %parallel_loop3A_905] {strides = array<i32>} : memref<256x128xf32, #tpu.memory_space<vmem>>, vector<16xf32>,
        %parallel_loop3A_907 = vector.broadcast %parallel_loop3A_785 : f32 to vector<16xf32>
        %parallel_loop3A_908 = arith.mulf %parallel_loop3A_907, %parallel_loop3A_906 : vector<16xf32>
        %parallel_loop3A_909 = arith.addf %parallel_loop3A_894, %parallel_loop3A_908 : vector<16xf32>
        %parallel_loop3A_910 = arith.constant 2 : i32
        %parallel_loop3A_911 = arith.addi %parallel_loop3A_215, %parallel_loop3A_910 : i32
        %parallel_loop3A_912 = arith.constant 1 : i32
        %parallel_loop3A_913 = arith.addi %parallel_loop3A_911, %parallel_loop3A_912 : i32
        %parallel_loop3A_914 = arith.index_cast %parallel_loop3A_913 : i32 to index
        %parallel_loop3A_915 = arith.constant 16 : index
        %parallel_loop3A_916 = tpu.vector_load %arg11[%parallel_loop3A_914, %parallel_loop3A_915] {strides = array<i32>} : memref<256x128xf32, #tpu.memory_space<vmem>>, vector<16xf32>,
        %parallel_loop3A_917 = vector.broadcast %parallel_loop3A_787 : f32 to vector<16xf32>
        %parallel_loop3A_918 = arith.mulf %parallel_loop3A_917, %parallel_loop3A_916 : vector<16xf32>
        %parallel_loop3A_919 = arith.addf %parallel_loop3A_901, %parallel_loop3A_918 : vector<16xf32>
        %parallel_loop3A_920 = arith.constant 4 : i32
        %parallel_loop3A_921 = arith.addi %parallel_loop3A_215, %parallel_loop3A_920 : i32
        %parallel_loop3A_922 = arith.index_cast %parallel_loop3A_921 : i32 to index
        %parallel_loop3A_923 = arith.constant 16 : index
        %parallel_loop3A_924 = tpu.vector_load %arg11[%parallel_loop3A_922, %parallel_loop3A_923] {strides = array<i32>} : memref<256x128xf32, #tpu.memory_space<vmem>>, vector<16xf32>,
        %parallel_loop3A_925 = vector.broadcast %parallel_loop3A_789 : f32 to vector<16xf32>
        %parallel_loop3A_926 = arith.mulf %parallel_loop3A_925, %parallel_loop3A_924 : vector<16xf32>
        %parallel_loop3A_927 = arith.addf %parallel_loop3A_909, %parallel_loop3A_926 : vector<16xf32>
        %parallel_loop3A_928 = arith.constant 4 : i32
        %parallel_loop3A_929 = arith.addi %parallel_loop3A_215, %parallel_loop3A_928 : i32
        %parallel_loop3A_930 = arith.constant 1 : i32
        %parallel_loop3A_931 = arith.addi %parallel_loop3A_929, %parallel_loop3A_930 : i32
        %parallel_loop3A_932 = arith.index_cast %parallel_loop3A_931 : i32 to index
        %parallel_loop3A_933 = arith.constant 16 : index
        %parallel_loop3A_934 = tpu.vector_load %arg11[%parallel_loop3A_932, %parallel_loop3A_933] {strides = array<i32>} : memref<256x128xf32, #tpu.memory_space<vmem>>, vector<16xf32>,
        %parallel_loop3A_935 = vector.broadcast %parallel_loop3A_791 : f32 to vector<16xf32>
        %parallel_loop3A_936 = arith.mulf %parallel_loop3A_935, %parallel_loop3A_934 : vector<16xf32>
        %parallel_loop3A_937 = arith.addf %parallel_loop3A_919, %parallel_loop3A_936 : vector<16xf32>
        %parallel_loop3A_938 = arith.constant 6 : i32
        %parallel_loop3A_939 = arith.addi %parallel_loop3A_215, %parallel_loop3A_938 : i32
        %parallel_loop3A_940 = arith.index_cast %parallel_loop3A_939 : i32 to index
        %parallel_loop3A_941 = arith.constant 16 : index
        %parallel_loop3A_942 = tpu.vector_load %arg11[%parallel_loop3A_940, %parallel_loop3A_941] {strides = array<i32>} : memref<256x128xf32, #tpu.memory_space<vmem>>, vector<16xf32>,
        %parallel_loop3A_943 = vector.broadcast %parallel_loop3A_793 : f32 to vector<16xf32>
        %parallel_loop3A_944 = arith.mulf %parallel_loop3A_943, %parallel_loop3A_942 : vector<16xf32>
        %parallel_loop3A_945 = arith.addf %parallel_loop3A_927, %parallel_loop3A_944 : vector<16xf32>
        %parallel_loop3A_946 = arith.constant 6 : i32
        %parallel_loop3A_947 = arith.addi %parallel_loop3A_215, %parallel_loop3A_946 : i32
        %parallel_loop3A_948 = arith.constant 1 : i32
        %parallel_loop3A_949 = arith.addi %parallel_loop3A_947, %parallel_loop3A_948 : i32
        %parallel_loop3A_950 = arith.index_cast %parallel_loop3A_949 : i32 to index
        %parallel_loop3A_951 = arith.constant 16 : index
        %parallel_loop3A_952 = tpu.vector_load %arg11[%parallel_loop3A_950, %parallel_loop3A_951] {strides = array<i32>} : memref<256x128xf32, #tpu.memory_space<vmem>>, vector<16xf32>,
        %parallel_loop3A_953 = vector.broadcast %parallel_loop3A_795 : f32 to vector<16xf32>
        %parallel_loop3A_954 = arith.mulf %parallel_loop3A_953, %parallel_loop3A_952 : vector<16xf32>
        %parallel_loop3A_955 = arith.addf %parallel_loop3A_937, %parallel_loop3A_954 : vector<16xf32>
        %parallel_loop3A_956 = arith.addf %parallel_loop3A_945, %parallel_loop3A_955 : vector<16xf32>
        %parallel_loop3A_957 = arith.index_cast %parallel_loop3A_211 : i32 to index
        %parallel_loop3A_958 = arith.constant 144 : index
        %parallel_loop3A_959 = tpu.vector_load %arg12[%parallel_loop3A_957, %parallel_loop3A_958] {strides = array<i32>} : memref<32x256xf32, #tpu.memory_space<vmem>>, vector<16xf32>,
        tpu.vector_store %arg12[%parallel_loop3A_957, %parallel_loop3A_958], %parallel_loop3A_956 {strides = array<i32>} : memref<32x256xf32, #tpu.memory_space<vmem>>, vector<16xf32>,
        %parallel_loop3A_960 = arith.index_cast %parallel_loop3A_215 : i32 to index
        %parallel_loop3A_961 = arith.constant 32 : index
        %parallel_loop3A_962 = tpu.vector_load %arg11[%parallel_loop3A_960, %parallel_loop3A_961] {strides = array<i32>} : memref<256x128xf32, #tpu.memory_space<vmem>>, vector<16xf32>,
        %parallel_loop3A_963 = vector.broadcast %parallel_loop3A_781 : f32 to vector<16xf32>
        %parallel_loop3A_964 = arith.mulf %parallel_loop3A_963, %parallel_loop3A_962 : vector<16xf32>
        %parallel_loop3A_965 = arith.constant 1 : i32
        %parallel_loop3A_966 = arith.addi %parallel_loop3A_215, %parallel_loop3A_965 : i32
        %parallel_loop3A_967 = arith.index_cast %parallel_loop3A_966 : i32 to index
        %parallel_loop3A_968 = arith.constant 32 : index
        %parallel_loop3A_969 = tpu.vector_load %arg11[%parallel_loop3A_967, %parallel_loop3A_968] {strides = array<i32>} : memref<256x128xf32, #tpu.memory_space<vmem>>, vector<16xf32>,
        %parallel_loop3A_970 = vector.broadcast %parallel_loop3A_783 : f32 to vector<16xf32>
        %parallel_loop3A_971 = arith.mulf %parallel_loop3A_970, %parallel_loop3A_969 : vector<16xf32>
        %parallel_loop3A_972 = arith.constant 2 : i32
        %parallel_loop3A_973 = arith.addi %parallel_loop3A_215, %parallel_loop3A_972 : i32
        %parallel_loop3A_974 = arith.index_cast %parallel_loop3A_973 : i32 to index
        %parallel_loop3A_975 = arith.constant 32 : index
        %parallel_loop3A_976 = tpu.vector_load %arg11[%parallel_loop3A_974, %parallel_loop3A_975] {strides = array<i32>} : memref<256x128xf32, #tpu.memory_space<vmem>>, vector<16xf32>,
        %parallel_loop3A_977 = vector.broadcast %parallel_loop3A_785 : f32 to vector<16xf32>
        %parallel_loop3A_978 = arith.mulf %parallel_loop3A_977, %parallel_loop3A_976 : vector<16xf32>
        %parallel_loop3A_979 = arith.addf %parallel_loop3A_964, %parallel_loop3A_978 : vector<16xf32>
        %parallel_loop3A_980 = arith.constant 2 : i32
        %parallel_loop3A_981 = arith.addi %parallel_loop3A_215, %parallel_loop3A_980 : i32
        %parallel_loop3A_982 = arith.constant 1 : i32
        %parallel_loop3A_983 = arith.addi %parallel_loop3A_981, %parallel_loop3A_982 : i32
        %parallel_loop3A_984 = arith.index_cast %parallel_loop3A_983 : i32 to index
        %parallel_loop3A_985 = arith.constant 32 : index
        %parallel_loop3A_986 = tpu.vector_load %arg11[%parallel_loop3A_984, %parallel_loop3A_985] {strides = array<i32>} : memref<256x128xf32, #tpu.memory_space<vmem>>, vector<16xf32>,
        %parallel_loop3A_987 = vector.broadcast %parallel_loop3A_787 : f32 to vector<16xf32>
        %parallel_loop3A_988 = arith.mulf %parallel_loop3A_987, %parallel_loop3A_986 : vector<16xf32>
        %parallel_loop3A_989 = arith.addf %parallel_loop3A_971, %parallel_loop3A_988 : vector<16xf32>
        %parallel_loop3A_990 = arith.constant 4 : i32
        %parallel_loop3A_991 = arith.addi %parallel_loop3A_215, %parallel_loop3A_990 : i32
        %parallel_loop3A_992 = arith.index_cast %parallel_loop3A_991 : i32 to index
        %parallel_loop3A_993 = arith.constant 32 : index
        %parallel_loop3A_994 = tpu.vector_load %arg11[%parallel_loop3A_992, %parallel_loop3A_993] {strides = array<i32>} : memref<256x128xf32, #tpu.memory_space<vmem>>, vector<16xf32>,
        %parallel_loop3A_995 = vector.broadcast %parallel_loop3A_789 : f32 to vector<16xf32>
        %parallel_loop3A_996 = arith.mulf %parallel_loop3A_995, %parallel_loop3A_994 : vector<16xf32>
        %parallel_loop3A_997 = arith.addf %parallel_loop3A_979, %parallel_loop3A_996 : vector<16xf32>
        %parallel_loop3A_998 = arith.constant 4 : i32
        %parallel_loop3A_999 = arith.addi %parallel_loop3A_215, %parallel_loop3A_998 : i32
        %parallel_loop3A_1000 = arith.constant 1 : i32
        %parallel_loop3A_1001 = arith.addi %parallel_loop3A_999, %parallel_loop3A_1000 : i32
        %parallel_loop3A_1002 = arith.index_cast %parallel_loop3A_1001 : i32 to index
        %parallel_loop3A_1003 = arith.constant 32 : index
        %parallel_loop3A_1004 = tpu.vector_load %arg11[%parallel_loop3A_1002, %parallel_loop3A_1003] {strides = array<i32>} : memref<256x128xf32, #tpu.memory_space<vmem>>, vector<16xf32>,
        %parallel_loop3A_1005 = vector.broadcast %parallel_loop3A_791 : f32 to vector<16xf32>
        %parallel_loop3A_1006 = arith.mulf %parallel_loop3A_1005, %parallel_loop3A_1004 : vector<16xf32>
        %parallel_loop3A_1007 = arith.addf %parallel_loop3A_989, %parallel_loop3A_1006 : vector<16xf32>
        %parallel_loop3A_1008 = arith.constant 6 : i32
        %parallel_loop3A_1009 = arith.addi %parallel_loop3A_215, %parallel_loop3A_1008 : i32
        %parallel_loop3A_1010 = arith.index_cast %parallel_loop3A_1009 : i32 to index
        %parallel_loop3A_1011 = arith.constant 32 : index
        %parallel_loop3A_1012 = tpu.vector_load %arg11[%parallel_loop3A_1010, %parallel_loop3A_1011] {strides = array<i32>} : memref<256x128xf32, #tpu.memory_space<vmem>>, vector<16xf32>,
        %parallel_loop3A_1013 = vector.broadcast %parallel_loop3A_793 : f32 to vector<16xf32>
        %parallel_loop3A_1014 = arith.mulf %parallel_loop3A_1013, %parallel_loop3A_1012 : vector<16xf32>
        %parallel_loop3A_1015 = arith.addf %parallel_loop3A_997, %parallel_loop3A_1014 : vector<16xf32>
        %parallel_loop3A_1016 = arith.constant 6 : i32
        %parallel_loop3A_1017 = arith.addi %parallel_loop3A_215, %parallel_loop3A_1016 : i32
        %parallel_loop3A_1018 = arith.constant 1 : i32
        %parallel_loop3A_1019 = arith.addi %parallel_loop3A_1017, %parallel_loop3A_1018 : i32
        %parallel_loop3A_1020 = arith.index_cast %parallel_loop3A_1019 : i32 to index
        %parallel_loop3A_1021 = arith.constant 32 : index
        %parallel_loop3A_1022 = tpu.vector_load %arg11[%parallel_loop3A_1020, %parallel_loop3A_1021] {strides = array<i32>} : memref<256x128xf32, #tpu.memory_space<vmem>>, vector<16xf32>,
        %parallel_loop3A_1023 = vector.broadcast %parallel_loop3A_795 : f32 to vector<16xf32>
        %parallel_loop3A_1024 = arith.mulf %parallel_loop3A_1023, %parallel_loop3A_1022 : vector<16xf32>
        %parallel_loop3A_1025 = arith.addf %parallel_loop3A_1007, %parallel_loop3A_1024 : vector<16xf32>
        %parallel_loop3A_1026 = arith.addf %parallel_loop3A_1015, %parallel_loop3A_1025 : vector<16xf32>
        %parallel_loop3A_1027 = arith.index_cast %parallel_loop3A_211 : i32 to index
        %parallel_loop3A_1028 = arith.constant 160 : index
        %parallel_loop3A_1029 = tpu.vector_load %arg12[%parallel_loop3A_1027, %parallel_loop3A_1028] {strides = array<i32>} : memref<32x256xf32, #tpu.memory_space<vmem>>, vector<16xf32>,
        tpu.vector_store %arg12[%parallel_loop3A_1027, %parallel_loop3A_1028], %parallel_loop3A_1026 {strides = array<i32>} : memref<32x256xf32, #tpu.memory_space<vmem>>, vector<16xf32>,
        %parallel_loop3A_1030 = arith.index_cast %parallel_loop3A_215 : i32 to index
        %parallel_loop3A_1031 = arith.constant 48 : index
        %parallel_loop3A_1032 = tpu.vector_load %arg11[%parallel_loop3A_1030, %parallel_loop3A_1031] {strides = array<i32>} : memref<256x128xf32, #tpu.memory_space<vmem>>, vector<16xf32>,
        %parallel_loop3A_1033 = vector.broadcast %parallel_loop3A_781 : f32 to vector<16xf32>
        %parallel_loop3A_1034 = arith.mulf %parallel_loop3A_1033, %parallel_loop3A_1032 : vector<16xf32>
        %parallel_loop3A_1035 = arith.constant 1 : i32
        %parallel_loop3A_1036 = arith.addi %parallel_loop3A_215, %parallel_loop3A_1035 : i32
        %parallel_loop3A_1037 = arith.index_cast %parallel_loop3A_1036 : i32 to index
        %parallel_loop3A_1038 = arith.constant 48 : index
        %parallel_loop3A_1039 = tpu.vector_load %arg11[%parallel_loop3A_1037, %parallel_loop3A_1038] {strides = array<i32>} : memref<256x128xf32, #tpu.memory_space<vmem>>, vector<16xf32>,
        %parallel_loop3A_1040 = vector.broadcast %parallel_loop3A_783 : f32 to vector<16xf32>
        %parallel_loop3A_1041 = arith.mulf %parallel_loop3A_1040, %parallel_loop3A_1039 : vector<16xf32>
        %parallel_loop3A_1042 = arith.constant 2 : i32
        %parallel_loop3A_1043 = arith.addi %parallel_loop3A_215, %parallel_loop3A_1042 : i32
        %parallel_loop3A_1044 = arith.index_cast %parallel_loop3A_1043 : i32 to index
        %parallel_loop3A_1045 = arith.constant 48 : index
        %parallel_loop3A_1046 = tpu.vector_load %arg11[%parallel_loop3A_1044, %parallel_loop3A_1045] {strides = array<i32>} : memref<256x128xf32, #tpu.memory_space<vmem>>, vector<16xf32>,
        %parallel_loop3A_1047 = vector.broadcast %parallel_loop3A_785 : f32 to vector<16xf32>
        %parallel_loop3A_1048 = arith.mulf %parallel_loop3A_1047, %parallel_loop3A_1046 : vector<16xf32>
        %parallel_loop3A_1049 = arith.addf %parallel_loop3A_1034, %parallel_loop3A_1048 : vector<16xf32>
        %parallel_loop3A_1050 = arith.constant 2 : i32
        %parallel_loop3A_1051 = arith.addi %parallel_loop3A_215, %parallel_loop3A_1050 : i32
        %parallel_loop3A_1052 = arith.constant 1 : i32
        %parallel_loop3A_1053 = arith.addi %parallel_loop3A_1051, %parallel_loop3A_1052 : i32
        %parallel_loop3A_1054 = arith.index_cast %parallel_loop3A_1053 : i32 to index
        %parallel_loop3A_1055 = arith.constant 48 : index
        %parallel_loop3A_1056 = tpu.vector_load %arg11[%parallel_loop3A_1054, %parallel_loop3A_1055] {strides = array<i32>} : memref<256x128xf32, #tpu.memory_space<vmem>>, vector<16xf32>,
        %parallel_loop3A_1057 = vector.broadcast %parallel_loop3A_787 : f32 to vector<16xf32>
        %parallel_loop3A_1058 = arith.mulf %parallel_loop3A_1057, %parallel_loop3A_1056 : vector<16xf32>
        %parallel_loop3A_1059 = arith.addf %parallel_loop3A_1041, %parallel_loop3A_1058 : vector<16xf32>
        %parallel_loop3A_1060 = arith.constant 4 : i32
        %parallel_loop3A_1061 = arith.addi %parallel_loop3A_215, %parallel_loop3A_1060 : i32
        %parallel_loop3A_1062 = arith.index_cast %parallel_loop3A_1061 : i32 to index
        %parallel_loop3A_1063 = arith.constant 48 : index
        %parallel_loop3A_1064 = tpu.vector_load %arg11[%parallel_loop3A_1062, %parallel_loop3A_1063] {strides = array<i32>} : memref<256x128xf32, #tpu.memory_space<vmem>>, vector<16xf32>,
        %parallel_loop3A_1065 = vector.broadcast %parallel_loop3A_789 : f32 to vector<16xf32>
        %parallel_loop3A_1066 = arith.mulf %parallel_loop3A_1065, %parallel_loop3A_1064 : vector<16xf32>
        %parallel_loop3A_1067 = arith.addf %parallel_loop3A_1049, %parallel_loop3A_1066 : vector<16xf32>
        %parallel_loop3A_1068 = arith.constant 4 : i32
        %parallel_loop3A_1069 = arith.addi %parallel_loop3A_215, %parallel_loop3A_1068 : i32
        %parallel_loop3A_1070 = arith.constant 1 : i32
        %parallel_loop3A_1071 = arith.addi %parallel_loop3A_1069, %parallel_loop3A_1070 : i32
        %parallel_loop3A_1072 = arith.index_cast %parallel_loop3A_1071 : i32 to index
        %parallel_loop3A_1073 = arith.constant 48 : index
        %parallel_loop3A_1074 = tpu.vector_load %arg11[%parallel_loop3A_1072, %parallel_loop3A_1073] {strides = array<i32>} : memref<256x128xf32, #tpu.memory_space<vmem>>, vector<16xf32>,
        %parallel_loop3A_1075 = vector.broadcast %parallel_loop3A_791 : f32 to vector<16xf32>
        %parallel_loop3A_1076 = arith.mulf %parallel_loop3A_1075, %parallel_loop3A_1074 : vector<16xf32>
        %parallel_loop3A_1077 = arith.addf %parallel_loop3A_1059, %parallel_loop3A_1076 : vector<16xf32>
        %parallel_loop3A_1078 = arith.constant 6 : i32
        %parallel_loop3A_1079 = arith.addi %parallel_loop3A_215, %parallel_loop3A_1078 : i32
        %parallel_loop3A_1080 = arith.index_cast %parallel_loop3A_1079 : i32 to index
        %parallel_loop3A_1081 = arith.constant 48 : index
        %parallel_loop3A_1082 = tpu.vector_load %arg11[%parallel_loop3A_1080, %parallel_loop3A_1081] {strides = array<i32>} : memref<256x128xf32, #tpu.memory_space<vmem>>, vector<16xf32>,
        %parallel_loop3A_1083 = vector.broadcast %parallel_loop3A_793 : f32 to vector<16xf32>
        %parallel_loop3A_1084 = arith.mulf %parallel_loop3A_1083, %parallel_loop3A_1082 : vector<16xf32>
        %parallel_loop3A_1085 = arith.addf %parallel_loop3A_1067, %parallel_loop3A_1084 : vector<16xf32>
        %parallel_loop3A_1086 = arith.constant 6 : i32
        %parallel_loop3A_1087 = arith.addi %parallel_loop3A_215, %parallel_loop3A_1086 : i32
        %parallel_loop3A_1088 = arith.constant 1 : i32
        %parallel_loop3A_1089 = arith.addi %parallel_loop3A_1087, %parallel_loop3A_1088 : i32
        %parallel_loop3A_1090 = arith.index_cast %parallel_loop3A_1089 : i32 to index
        %parallel_loop3A_1091 = arith.constant 48 : index
        %parallel_loop3A_1092 = tpu.vector_load %arg11[%parallel_loop3A_1090, %parallel_loop3A_1091] {strides = array<i32>} : memref<256x128xf32, #tpu.memory_space<vmem>>, vector<16xf32>,
        %parallel_loop3A_1093 = vector.broadcast %parallel_loop3A_795 : f32 to vector<16xf32>
        %parallel_loop3A_1094 = arith.mulf %parallel_loop3A_1093, %parallel_loop3A_1092 : vector<16xf32>
        %parallel_loop3A_1095 = arith.addf %parallel_loop3A_1077, %parallel_loop3A_1094 : vector<16xf32>
        %parallel_loop3A_1096 = arith.addf %parallel_loop3A_1085, %parallel_loop3A_1095 : vector<16xf32>
        %parallel_loop3A_1097 = arith.index_cast %parallel_loop3A_211 : i32 to index
        %parallel_loop3A_1098 = arith.constant 176 : index
        %parallel_loop3A_1099 = tpu.vector_load %arg12[%parallel_loop3A_1097, %parallel_loop3A_1098] {strides = array<i32>} : memref<32x256xf32, #tpu.memory_space<vmem>>, vector<16xf32>,
        tpu.vector_store %arg12[%parallel_loop3A_1097, %parallel_loop3A_1098], %parallel_loop3A_1096 {strides = array<i32>} : memref<32x256xf32, #tpu.memory_space<vmem>>, vector<16xf32>,
        %parallel_loop3A_1100 = arith.index_cast %parallel_loop3A_215 : i32 to index
        %parallel_loop3A_1101 = arith.constant 64 : index
        %parallel_loop3A_1102 = tpu.vector_load %arg11[%parallel_loop3A_1100, %parallel_loop3A_1101] {strides = array<i32>} : memref<256x128xf32, #tpu.memory_space<vmem>>, vector<16xf32>,
        %parallel_loop3A_1103 = vector.broadcast %parallel_loop3A_781 : f32 to vector<16xf32>
        %parallel_loop3A_1104 = arith.mulf %parallel_loop3A_1103, %parallel_loop3A_1102 : vector<16xf32>
        %parallel_loop3A_1105 = arith.constant 1 : i32
        %parallel_loop3A_1106 = arith.addi %parallel_loop3A_215, %parallel_loop3A_1105 : i32
        %parallel_loop3A_1107 = arith.index_cast %parallel_loop3A_1106 : i32 to index
        %parallel_loop3A_1108 = arith.constant 64 : index
        %parallel_loop3A_1109 = tpu.vector_load %arg11[%parallel_loop3A_1107, %parallel_loop3A_1108] {strides = array<i32>} : memref<256x128xf32, #tpu.memory_space<vmem>>, vector<16xf32>,
        %parallel_loop3A_1110 = vector.broadcast %parallel_loop3A_783 : f32 to vector<16xf32>
        %parallel_loop3A_1111 = arith.mulf %parallel_loop3A_1110, %parallel_loop3A_1109 : vector<16xf32>
        %parallel_loop3A_1112 = arith.constant 2 : i32
        %parallel_loop3A_1113 = arith.addi %parallel_loop3A_215, %parallel_loop3A_1112 : i32
        %parallel_loop3A_1114 = arith.index_cast %parallel_loop3A_1113 : i32 to index
        %parallel_loop3A_1115 = arith.constant 64 : index
        %parallel_loop3A_1116 = tpu.vector_load %arg11[%parallel_loop3A_1114, %parallel_loop3A_1115] {strides = array<i32>} : memref<256x128xf32, #tpu.memory_space<vmem>>, vector<16xf32>,
        %parallel_loop3A_1117 = vector.broadcast %parallel_loop3A_785 : f32 to vector<16xf32>
        %parallel_loop3A_1118 = arith.mulf %parallel_loop3A_1117, %parallel_loop3A_1116 : vector<16xf32>
        %parallel_loop3A_1119 = arith.addf %parallel_loop3A_1104, %parallel_loop3A_1118 : vector<16xf32>
        %parallel_loop3A_1120 = arith.constant 2 : i32
        %parallel_loop3A_1121 = arith.addi %parallel_loop3A_215, %parallel_loop3A_1120 : i32
        %parallel_loop3A_1122 = arith.constant 1 : i32
        %parallel_loop3A_1123 = arith.addi %parallel_loop3A_1121, %parallel_loop3A_1122 : i32
        %parallel_loop3A_1124 = arith.index_cast %parallel_loop3A_1123 : i32 to index
        %parallel_loop3A_1125 = arith.constant 64 : index
        %parallel_loop3A_1126 = tpu.vector_load %arg11[%parallel_loop3A_1124, %parallel_loop3A_1125] {strides = array<i32>} : memref<256x128xf32, #tpu.memory_space<vmem>>, vector<16xf32>,
        %parallel_loop3A_1127 = vector.broadcast %parallel_loop3A_787 : f32 to vector<16xf32>
        %parallel_loop3A_1128 = arith.mulf %parallel_loop3A_1127, %parallel_loop3A_1126 : vector<16xf32>
        %parallel_loop3A_1129 = arith.addf %parallel_loop3A_1111, %parallel_loop3A_1128 : vector<16xf32>
        %parallel_loop3A_1130 = arith.constant 4 : i32
        %parallel_loop3A_1131 = arith.addi %parallel_loop3A_215, %parallel_loop3A_1130 : i32
        %parallel_loop3A_1132 = arith.index_cast %parallel_loop3A_1131 : i32 to index
        %parallel_loop3A_1133 = arith.constant 64 : index
        %parallel_loop3A_1134 = tpu.vector_load %arg11[%parallel_loop3A_1132, %parallel_loop3A_1133] {strides = array<i32>} : memref<256x128xf32, #tpu.memory_space<vmem>>, vector<16xf32>,
        %parallel_loop3A_1135 = vector.broadcast %parallel_loop3A_789 : f32 to vector<16xf32>
        %parallel_loop3A_1136 = arith.mulf %parallel_loop3A_1135, %parallel_loop3A_1134 : vector<16xf32>
        %parallel_loop3A_1137 = arith.addf %parallel_loop3A_1119, %parallel_loop3A_1136 : vector<16xf32>
        %parallel_loop3A_1138 = arith.constant 4 : i32
        %parallel_loop3A_1139 = arith.addi %parallel_loop3A_215, %parallel_loop3A_1138 : i32
        %parallel_loop3A_1140 = arith.constant 1 : i32
        %parallel_loop3A_1141 = arith.addi %parallel_loop3A_1139, %parallel_loop3A_1140 : i32
        %parallel_loop3A_1142 = arith.index_cast %parallel_loop3A_1141 : i32 to index
        %parallel_loop3A_1143 = arith.constant 64 : index
        %parallel_loop3A_1144 = tpu.vector_load %arg11[%parallel_loop3A_1142, %parallel_loop3A_1143] {strides = array<i32>} : memref<256x128xf32, #tpu.memory_space<vmem>>, vector<16xf32>,
        %parallel_loop3A_1145 = vector.broadcast %parallel_loop3A_791 : f32 to vector<16xf32>
        %parallel_loop3A_1146 = arith.mulf %parallel_loop3A_1145, %parallel_loop3A_1144 : vector<16xf32>
        %parallel_loop3A_1147 = arith.addf %parallel_loop3A_1129, %parallel_loop3A_1146 : vector<16xf32>
        %parallel_loop3A_1148 = arith.constant 6 : i32
        %parallel_loop3A_1149 = arith.addi %parallel_loop3A_215, %parallel_loop3A_1148 : i32
        %parallel_loop3A_1150 = arith.index_cast %parallel_loop3A_1149 : i32 to index
        %parallel_loop3A_1151 = arith.constant 64 : index
        %parallel_loop3A_1152 = tpu.vector_load %arg11[%parallel_loop3A_1150, %parallel_loop3A_1151] {strides = array<i32>} : memref<256x128xf32, #tpu.memory_space<vmem>>, vector<16xf32>,
        %parallel_loop3A_1153 = vector.broadcast %parallel_loop3A_793 : f32 to vector<16xf32>
        %parallel_loop3A_1154 = arith.mulf %parallel_loop3A_1153, %parallel_loop3A_1152 : vector<16xf32>
        %parallel_loop3A_1155 = arith.addf %parallel_loop3A_1137, %parallel_loop3A_1154 : vector<16xf32>
        %parallel_loop3A_1156 = arith.constant 6 : i32
        %parallel_loop3A_1157 = arith.addi %parallel_loop3A_215, %parallel_loop3A_1156 : i32
        %parallel_loop3A_1158 = arith.constant 1 : i32
        %parallel_loop3A_1159 = arith.addi %parallel_loop3A_1157, %parallel_loop3A_1158 : i32
        %parallel_loop3A_1160 = arith.index_cast %parallel_loop3A_1159 : i32 to index
        %parallel_loop3A_1161 = arith.constant 64 : index
        %parallel_loop3A_1162 = tpu.vector_load %arg11[%parallel_loop3A_1160, %parallel_loop3A_1161] {strides = array<i32>} : memref<256x128xf32, #tpu.memory_space<vmem>>, vector<16xf32>,
        %parallel_loop3A_1163 = vector.broadcast %parallel_loop3A_795 : f32 to vector<16xf32>
        %parallel_loop3A_1164 = arith.mulf %parallel_loop3A_1163, %parallel_loop3A_1162 : vector<16xf32>
        %parallel_loop3A_1165 = arith.addf %parallel_loop3A_1147, %parallel_loop3A_1164 : vector<16xf32>
        %parallel_loop3A_1166 = arith.addf %parallel_loop3A_1155, %parallel_loop3A_1165 : vector<16xf32>
        %parallel_loop3A_1167 = arith.index_cast %parallel_loop3A_211 : i32 to index
        %parallel_loop3A_1168 = arith.constant 192 : index
        %parallel_loop3A_1169 = tpu.vector_load %arg12[%parallel_loop3A_1167, %parallel_loop3A_1168] {strides = array<i32>} : memref<32x256xf32, #tpu.memory_space<vmem>>, vector<16xf32>,
        tpu.vector_store %arg12[%parallel_loop3A_1167, %parallel_loop3A_1168], %parallel_loop3A_1166 {strides = array<i32>} : memref<32x256xf32, #tpu.memory_space<vmem>>, vector<16xf32>,
        %parallel_loop3A_1170 = arith.index_cast %parallel_loop3A_215 : i32 to index
        %parallel_loop3A_1171 = arith.constant 80 : index
        %parallel_loop3A_1172 = tpu.vector_load %arg11[%parallel_loop3A_1170, %parallel_loop3A_1171] {strides = array<i32>} : memref<256x128xf32, #tpu.memory_space<vmem>>, vector<16xf32>,
        %parallel_loop3A_1173 = vector.broadcast %parallel_loop3A_781 : f32 to vector<16xf32>
        %parallel_loop3A_1174 = arith.mulf %parallel_loop3A_1173, %parallel_loop3A_1172 : vector<16xf32>
        %parallel_loop3A_1175 = arith.constant 1 : i32
        %parallel_loop3A_1176 = arith.addi %parallel_loop3A_215, %parallel_loop3A_1175 : i32
        %parallel_loop3A_1177 = arith.index_cast %parallel_loop3A_1176 : i32 to index
        %parallel_loop3A_1178 = arith.constant 80 : index
        %parallel_loop3A_1179 = tpu.vector_load %arg11[%parallel_loop3A_1177, %parallel_loop3A_1178] {strides = array<i32>} : memref<256x128xf32, #tpu.memory_space<vmem>>, vector<16xf32>,
        %parallel_loop3A_1180 = vector.broadcast %parallel_loop3A_783 : f32 to vector<16xf32>
        %parallel_loop3A_1181 = arith.mulf %parallel_loop3A_1180, %parallel_loop3A_1179 : vector<16xf32>
        %parallel_loop3A_1182 = arith.constant 2 : i32
        %parallel_loop3A_1183 = arith.addi %parallel_loop3A_215, %parallel_loop3A_1182 : i32
        %parallel_loop3A_1184 = arith.index_cast %parallel_loop3A_1183 : i32 to index
        %parallel_loop3A_1185 = arith.constant 80 : index
        %parallel_loop3A_1186 = tpu.vector_load %arg11[%parallel_loop3A_1184, %parallel_loop3A_1185] {strides = array<i32>} : memref<256x128xf32, #tpu.memory_space<vmem>>, vector<16xf32>,
        %parallel_loop3A_1187 = vector.broadcast %parallel_loop3A_785 : f32 to vector<16xf32>
        %parallel_loop3A_1188 = arith.mulf %parallel_loop3A_1187, %parallel_loop3A_1186 : vector<16xf32>
        %parallel_loop3A_1189 = arith.addf %parallel_loop3A_1174, %parallel_loop3A_1188 : vector<16xf32>
        %parallel_loop3A_1190 = arith.constant 2 : i32
        %parallel_loop3A_1191 = arith.addi %parallel_loop3A_215, %parallel_loop3A_1190 : i32
        %parallel_loop3A_1192 = arith.constant 1 : i32
        %parallel_loop3A_1193 = arith.addi %parallel_loop3A_1191, %parallel_loop3A_1192 : i32
        %parallel_loop3A_1194 = arith.index_cast %parallel_loop3A_1193 : i32 to index
        %parallel_loop3A_1195 = arith.constant 80 : index
        %parallel_loop3A_1196 = tpu.vector_load %arg11[%parallel_loop3A_1194, %parallel_loop3A_1195] {strides = array<i32>} : memref<256x128xf32, #tpu.memory_space<vmem>>, vector<16xf32>,
        %parallel_loop3A_1197 = vector.broadcast %parallel_loop3A_787 : f32 to vector<16xf32>
        %parallel_loop3A_1198 = arith.mulf %parallel_loop3A_1197, %parallel_loop3A_1196 : vector<16xf32>
        %parallel_loop3A_1199 = arith.addf %parallel_loop3A_1181, %parallel_loop3A_1198 : vector<16xf32>
        %parallel_loop3A_1200 = arith.constant 4 : i32
        %parallel_loop3A_1201 = arith.addi %parallel_loop3A_215, %parallel_loop3A_1200 : i32
        %parallel_loop3A_1202 = arith.index_cast %parallel_loop3A_1201 : i32 to index
        %parallel_loop3A_1203 = arith.constant 80 : index
        %parallel_loop3A_1204 = tpu.vector_load %arg11[%parallel_loop3A_1202, %parallel_loop3A_1203] {strides = array<i32>} : memref<256x128xf32, #tpu.memory_space<vmem>>, vector<16xf32>,
        %parallel_loop3A_1205 = vector.broadcast %parallel_loop3A_789 : f32 to vector<16xf32>
        %parallel_loop3A_1206 = arith.mulf %parallel_loop3A_1205, %parallel_loop3A_1204 : vector<16xf32>
        %parallel_loop3A_1207 = arith.addf %parallel_loop3A_1189, %parallel_loop3A_1206 : vector<16xf32>
        %parallel_loop3A_1208 = arith.constant 4 : i32
        %parallel_loop3A_1209 = arith.addi %parallel_loop3A_215, %parallel_loop3A_1208 : i32
        %parallel_loop3A_1210 = arith.constant 1 : i32
        %parallel_loop3A_1211 = arith.addi %parallel_loop3A_1209, %parallel_loop3A_1210 : i32
        %parallel_loop3A_1212 = arith.index_cast %parallel_loop3A_1211 : i32 to index
        %parallel_loop3A_1213 = arith.constant 80 : index
        %parallel_loop3A_1214 = tpu.vector_load %arg11[%parallel_loop3A_1212, %parallel_loop3A_1213] {strides = array<i32>} : memref<256x128xf32, #tpu.memory_space<vmem>>, vector<16xf32>,
        %parallel_loop3A_1215 = vector.broadcast %parallel_loop3A_791 : f32 to vector<16xf32>
        %parallel_loop3A_1216 = arith.mulf %parallel_loop3A_1215, %parallel_loop3A_1214 : vector<16xf32>
        %parallel_loop3A_1217 = arith.addf %parallel_loop3A_1199, %parallel_loop3A_1216 : vector<16xf32>
        %parallel_loop3A_1218 = arith.constant 6 : i32
        %parallel_loop3A_1219 = arith.addi %parallel_loop3A_215, %parallel_loop3A_1218 : i32
        %parallel_loop3A_1220 = arith.index_cast %parallel_loop3A_1219 : i32 to index
        %parallel_loop3A_1221 = arith.constant 80 : index
        %parallel_loop3A_1222 = tpu.vector_load %arg11[%parallel_loop3A_1220, %parallel_loop3A_1221] {strides = array<i32>} : memref<256x128xf32, #tpu.memory_space<vmem>>, vector<16xf32>,
        %parallel_loop3A_1223 = vector.broadcast %parallel_loop3A_793 : f32 to vector<16xf32>
        %parallel_loop3A_1224 = arith.mulf %parallel_loop3A_1223, %parallel_loop3A_1222 : vector<16xf32>
        %parallel_loop3A_1225 = arith.addf %parallel_loop3A_1207, %parallel_loop3A_1224 : vector<16xf32>
        %parallel_loop3A_1226 = arith.constant 6 : i32
        %parallel_loop3A_1227 = arith.addi %parallel_loop3A_215, %parallel_loop3A_1226 : i32
        %parallel_loop3A_1228 = arith.constant 1 : i32
        %parallel_loop3A_1229 = arith.addi %parallel_loop3A_1227, %parallel_loop3A_1228 : i32
        %parallel_loop3A_1230 = arith.index_cast %parallel_loop3A_1229 : i32 to index
        %parallel_loop3A_1231 = arith.constant 80 : index
        %parallel_loop3A_1232 = tpu.vector_load %arg11[%parallel_loop3A_1230, %parallel_loop3A_1231] {strides = array<i32>} : memref<256x128xf32, #tpu.memory_space<vmem>>, vector<16xf32>,
        %parallel_loop3A_1233 = vector.broadcast %parallel_loop3A_795 : f32 to vector<16xf32>
        %parallel_loop3A_1234 = arith.mulf %parallel_loop3A_1233, %parallel_loop3A_1232 : vector<16xf32>
        %parallel_loop3A_1235 = arith.addf %parallel_loop3A_1217, %parallel_loop3A_1234 : vector<16xf32>
        %parallel_loop3A_1236 = arith.addf %parallel_loop3A_1225, %parallel_loop3A_1235 : vector<16xf32>
        %parallel_loop3A_1237 = arith.index_cast %parallel_loop3A_211 : i32 to index
        %parallel_loop3A_1238 = arith.constant 208 : index
        %parallel_loop3A_1239 = tpu.vector_load %arg12[%parallel_loop3A_1237, %parallel_loop3A_1238] {strides = array<i32>} : memref<32x256xf32, #tpu.memory_space<vmem>>, vector<16xf32>,
        tpu.vector_store %arg12[%parallel_loop3A_1237, %parallel_loop3A_1238], %parallel_loop3A_1236 {strides = array<i32>} : memref<32x256xf32, #tpu.memory_space<vmem>>, vector<16xf32>,
        %parallel_loop3A_1240 = arith.index_cast %parallel_loop3A_215 : i32 to index
        %parallel_loop3A_1241 = arith.constant 96 : index
        %parallel_loop3A_1242 = tpu.vector_load %arg11[%parallel_loop3A_1240, %parallel_loop3A_1241] {strides = array<i32>} : memref<256x128xf32, #tpu.memory_space<vmem>>, vector<16xf32>,
        %parallel_loop3A_1243 = vector.broadcast %parallel_loop3A_781 : f32 to vector<16xf32>
        %parallel_loop3A_1244 = arith.mulf %parallel_loop3A_1243, %parallel_loop3A_1242 : vector<16xf32>
        %parallel_loop3A_1245 = arith.constant 1 : i32
        %parallel_loop3A_1246 = arith.addi %parallel_loop3A_215, %parallel_loop3A_1245 : i32
        %parallel_loop3A_1247 = arith.index_cast %parallel_loop3A_1246 : i32 to index
        %parallel_loop3A_1248 = arith.constant 96 : index
        %parallel_loop3A_1249 = tpu.vector_load %arg11[%parallel_loop3A_1247, %parallel_loop3A_1248] {strides = array<i32>} : memref<256x128xf32, #tpu.memory_space<vmem>>, vector<16xf32>,
        %parallel_loop3A_1250 = vector.broadcast %parallel_loop3A_783 : f32 to vector<16xf32>
        %parallel_loop3A_1251 = arith.mulf %parallel_loop3A_1250, %parallel_loop3A_1249 : vector<16xf32>
        %parallel_loop3A_1252 = arith.constant 2 : i32
        %parallel_loop3A_1253 = arith.addi %parallel_loop3A_215, %parallel_loop3A_1252 : i32
        %parallel_loop3A_1254 = arith.index_cast %parallel_loop3A_1253 : i32 to index
        %parallel_loop3A_1255 = arith.constant 96 : index
        %parallel_loop3A_1256 = tpu.vector_load %arg11[%parallel_loop3A_1254, %parallel_loop3A_1255] {strides = array<i32>} : memref<256x128xf32, #tpu.memory_space<vmem>>, vector<16xf32>,
        %parallel_loop3A_1257 = vector.broadcast %parallel_loop3A_785 : f32 to vector<16xf32>
        %parallel_loop3A_1258 = arith.mulf %parallel_loop3A_1257, %parallel_loop3A_1256 : vector<16xf32>
        %parallel_loop3A_1259 = arith.addf %parallel_loop3A_1244, %parallel_loop3A_1258 : vector<16xf32>
        %parallel_loop3A_1260 = arith.constant 2 : i32
        %parallel_loop3A_1261 = arith.addi %parallel_loop3A_215, %parallel_loop3A_1260 : i32
        %parallel_loop3A_1262 = arith.constant 1 : i32
        %parallel_loop3A_1263 = arith.addi %parallel_loop3A_1261, %parallel_loop3A_1262 : i32
        %parallel_loop3A_1264 = arith.index_cast %parallel_loop3A_1263 : i32 to index
        %parallel_loop3A_1265 = arith.constant 96 : index
        %parallel_loop3A_1266 = tpu.vector_load %arg11[%parallel_loop3A_1264, %parallel_loop3A_1265] {strides = array<i32>} : memref<256x128xf32, #tpu.memory_space<vmem>>, vector<16xf32>,
        %parallel_loop3A_1267 = vector.broadcast %parallel_loop3A_787 : f32 to vector<16xf32>
        %parallel_loop3A_1268 = arith.mulf %parallel_loop3A_1267, %parallel_loop3A_1266 : vector<16xf32>
        %parallel_loop3A_1269 = arith.addf %parallel_loop3A_1251, %parallel_loop3A_1268 : vector<16xf32>
        %parallel_loop3A_1270 = arith.constant 4 : i32
        %parallel_loop3A_1271 = arith.addi %parallel_loop3A_215, %parallel_loop3A_1270 : i32
        %parallel_loop3A_1272 = arith.index_cast %parallel_loop3A_1271 : i32 to index
        %parallel_loop3A_1273 = arith.constant 96 : index
        %parallel_loop3A_1274 = tpu.vector_load %arg11[%parallel_loop3A_1272, %parallel_loop3A_1273] {strides = array<i32>} : memref<256x128xf32, #tpu.memory_space<vmem>>, vector<16xf32>,
        %parallel_loop3A_1275 = vector.broadcast %parallel_loop3A_789 : f32 to vector<16xf32>
        %parallel_loop3A_1276 = arith.mulf %parallel_loop3A_1275, %parallel_loop3A_1274 : vector<16xf32>
        %parallel_loop3A_1277 = arith.addf %parallel_loop3A_1259, %parallel_loop3A_1276 : vector<16xf32>
        %parallel_loop3A_1278 = arith.constant 4 : i32
        %parallel_loop3A_1279 = arith.addi %parallel_loop3A_215, %parallel_loop3A_1278 : i32
        %parallel_loop3A_1280 = arith.constant 1 : i32
        %parallel_loop3A_1281 = arith.addi %parallel_loop3A_1279, %parallel_loop3A_1280 : i32
        %parallel_loop3A_1282 = arith.index_cast %parallel_loop3A_1281 : i32 to index
        %parallel_loop3A_1283 = arith.constant 96 : index
        %parallel_loop3A_1284 = tpu.vector_load %arg11[%parallel_loop3A_1282, %parallel_loop3A_1283] {strides = array<i32>} : memref<256x128xf32, #tpu.memory_space<vmem>>, vector<16xf32>,
        %parallel_loop3A_1285 = vector.broadcast %parallel_loop3A_791 : f32 to vector<16xf32>
        %parallel_loop3A_1286 = arith.mulf %parallel_loop3A_1285, %parallel_loop3A_1284 : vector<16xf32>
        %parallel_loop3A_1287 = arith.addf %parallel_loop3A_1269, %parallel_loop3A_1286 : vector<16xf32>
        %parallel_loop3A_1288 = arith.constant 6 : i32
        %parallel_loop3A_1289 = arith.addi %parallel_loop3A_215, %parallel_loop3A_1288 : i32
        %parallel_loop3A_1290 = arith.index_cast %parallel_loop3A_1289 : i32 to index
        %parallel_loop3A_1291 = arith.constant 96 : index
        %parallel_loop3A_1292 = tpu.vector_load %arg11[%parallel_loop3A_1290, %parallel_loop3A_1291] {strides = array<i32>} : memref<256x128xf32, #tpu.memory_space<vmem>>, vector<16xf32>,
        %parallel_loop3A_1293 = vector.broadcast %parallel_loop3A_793 : f32 to vector<16xf32>
        %parallel_loop3A_1294 = arith.mulf %parallel_loop3A_1293, %parallel_loop3A_1292 : vector<16xf32>
        %parallel_loop3A_1295 = arith.addf %parallel_loop3A_1277, %parallel_loop3A_1294 : vector<16xf32>
        %parallel_loop3A_1296 = arith.constant 6 : i32
        %parallel_loop3A_1297 = arith.addi %parallel_loop3A_215, %parallel_loop3A_1296 : i32
        %parallel_loop3A_1298 = arith.constant 1 : i32
        %parallel_loop3A_1299 = arith.addi %parallel_loop3A_1297, %parallel_loop3A_1298 : i32
        %parallel_loop3A_1300 = arith.index_cast %parallel_loop3A_1299 : i32 to index
        %parallel_loop3A_1301 = arith.constant 96 : index
        %parallel_loop3A_1302 = tpu.vector_load %arg11[%parallel_loop3A_1300, %parallel_loop3A_1301] {strides = array<i32>} : memref<256x128xf32, #tpu.memory_space<vmem>>, vector<16xf32>,
        %parallel_loop3A_1303 = vector.broadcast %parallel_loop3A_795 : f32 to vector<16xf32>
        %parallel_loop3A_1304 = arith.mulf %parallel_loop3A_1303, %parallel_loop3A_1302 : vector<16xf32>
        %parallel_loop3A_1305 = arith.addf %parallel_loop3A_1287, %parallel_loop3A_1304 : vector<16xf32>
        %parallel_loop3A_1306 = arith.addf %parallel_loop3A_1295, %parallel_loop3A_1305 : vector<16xf32>
        %parallel_loop3A_1307 = arith.index_cast %parallel_loop3A_211 : i32 to index
        %parallel_loop3A_1308 = arith.constant 224 : index
        %parallel_loop3A_1309 = tpu.vector_load %arg12[%parallel_loop3A_1307, %parallel_loop3A_1308] {strides = array<i32>} : memref<32x256xf32, #tpu.memory_space<vmem>>, vector<16xf32>,
        tpu.vector_store %arg12[%parallel_loop3A_1307, %parallel_loop3A_1308], %parallel_loop3A_1306 {strides = array<i32>} : memref<32x256xf32, #tpu.memory_space<vmem>>, vector<16xf32>,
        %parallel_loop3A_1310 = arith.index_cast %parallel_loop3A_215 : i32 to index
        %parallel_loop3A_1311 = arith.constant 112 : index
        %parallel_loop3A_1312 = tpu.vector_load %arg11[%parallel_loop3A_1310, %parallel_loop3A_1311] {strides = array<i32>} : memref<256x128xf32, #tpu.memory_space<vmem>>, vector<16xf32>,
        %parallel_loop3A_1313 = vector.broadcast %parallel_loop3A_781 : f32 to vector<16xf32>
        %parallel_loop3A_1314 = arith.mulf %parallel_loop3A_1313, %parallel_loop3A_1312 : vector<16xf32>
        %parallel_loop3A_1315 = arith.constant 1 : i32
        %parallel_loop3A_1316 = arith.addi %parallel_loop3A_215, %parallel_loop3A_1315 : i32
        %parallel_loop3A_1317 = arith.index_cast %parallel_loop3A_1316 : i32 to index
        %parallel_loop3A_1318 = arith.constant 112 : index
        %parallel_loop3A_1319 = tpu.vector_load %arg11[%parallel_loop3A_1317, %parallel_loop3A_1318] {strides = array<i32>} : memref<256x128xf32, #tpu.memory_space<vmem>>, vector<16xf32>,
        %parallel_loop3A_1320 = vector.broadcast %parallel_loop3A_783 : f32 to vector<16xf32>
        %parallel_loop3A_1321 = arith.mulf %parallel_loop3A_1320, %parallel_loop3A_1319 : vector<16xf32>
        %parallel_loop3A_1322 = arith.constant 2 : i32
        %parallel_loop3A_1323 = arith.addi %parallel_loop3A_215, %parallel_loop3A_1322 : i32
        %parallel_loop3A_1324 = arith.index_cast %parallel_loop3A_1323 : i32 to index
        %parallel_loop3A_1325 = arith.constant 112 : index
        %parallel_loop3A_1326 = tpu.vector_load %arg11[%parallel_loop3A_1324, %parallel_loop3A_1325] {strides = array<i32>} : memref<256x128xf32, #tpu.memory_space<vmem>>, vector<16xf32>,
        %parallel_loop3A_1327 = vector.broadcast %parallel_loop3A_785 : f32 to vector<16xf32>
        %parallel_loop3A_1328 = arith.mulf %parallel_loop3A_1327, %parallel_loop3A_1326 : vector<16xf32>
        %parallel_loop3A_1329 = arith.addf %parallel_loop3A_1314, %parallel_loop3A_1328 : vector<16xf32>
        %parallel_loop3A_1330 = arith.constant 2 : i32
        %parallel_loop3A_1331 = arith.addi %parallel_loop3A_215, %parallel_loop3A_1330 : i32
        %parallel_loop3A_1332 = arith.constant 1 : i32
        %parallel_loop3A_1333 = arith.addi %parallel_loop3A_1331, %parallel_loop3A_1332 : i32
        %parallel_loop3A_1334 = arith.index_cast %parallel_loop3A_1333 : i32 to index
        %parallel_loop3A_1335 = arith.constant 112 : index
        %parallel_loop3A_1336 = tpu.vector_load %arg11[%parallel_loop3A_1334, %parallel_loop3A_1335] {strides = array<i32>} : memref<256x128xf32, #tpu.memory_space<vmem>>, vector<16xf32>,
        %parallel_loop3A_1337 = vector.broadcast %parallel_loop3A_787 : f32 to vector<16xf32>
        %parallel_loop3A_1338 = arith.mulf %parallel_loop3A_1337, %parallel_loop3A_1336 : vector<16xf32>
        %parallel_loop3A_1339 = arith.addf %parallel_loop3A_1321, %parallel_loop3A_1338 : vector<16xf32>
        %parallel_loop3A_1340 = arith.constant 4 : i32
        %parallel_loop3A_1341 = arith.addi %parallel_loop3A_215, %parallel_loop3A_1340 : i32
        %parallel_loop3A_1342 = arith.index_cast %parallel_loop3A_1341 : i32 to index
        %parallel_loop3A_1343 = arith.constant 112 : index
        %parallel_loop3A_1344 = tpu.vector_load %arg11[%parallel_loop3A_1342, %parallel_loop3A_1343] {strides = array<i32>} : memref<256x128xf32, #tpu.memory_space<vmem>>, vector<16xf32>,
        %parallel_loop3A_1345 = vector.broadcast %parallel_loop3A_789 : f32 to vector<16xf32>
        %parallel_loop3A_1346 = arith.mulf %parallel_loop3A_1345, %parallel_loop3A_1344 : vector<16xf32>
        %parallel_loop3A_1347 = arith.addf %parallel_loop3A_1329, %parallel_loop3A_1346 : vector<16xf32>
        %parallel_loop3A_1348 = arith.constant 4 : i32
        %parallel_loop3A_1349 = arith.addi %parallel_loop3A_215, %parallel_loop3A_1348 : i32
        %parallel_loop3A_1350 = arith.constant 1 : i32
        %parallel_loop3A_1351 = arith.addi %parallel_loop3A_1349, %parallel_loop3A_1350 : i32
        %parallel_loop3A_1352 = arith.index_cast %parallel_loop3A_1351 : i32 to index
        %parallel_loop3A_1353 = arith.constant 112 : index
        %parallel_loop3A_1354 = tpu.vector_load %arg11[%parallel_loop3A_1352, %parallel_loop3A_1353] {strides = array<i32>} : memref<256x128xf32, #tpu.memory_space<vmem>>, vector<16xf32>,
        %parallel_loop3A_1355 = vector.broadcast %parallel_loop3A_791 : f32 to vector<16xf32>
        %parallel_loop3A_1356 = arith.mulf %parallel_loop3A_1355, %parallel_loop3A_1354 : vector<16xf32>
        %parallel_loop3A_1357 = arith.addf %parallel_loop3A_1339, %parallel_loop3A_1356 : vector<16xf32>
        %parallel_loop3A_1358 = arith.constant 6 : i32
        %parallel_loop3A_1359 = arith.addi %parallel_loop3A_215, %parallel_loop3A_1358 : i32
        %parallel_loop3A_1360 = arith.index_cast %parallel_loop3A_1359 : i32 to index
        %parallel_loop3A_1361 = arith.constant 112 : index
        %parallel_loop3A_1362 = tpu.vector_load %arg11[%parallel_loop3A_1360, %parallel_loop3A_1361] {strides = array<i32>} : memref<256x128xf32, #tpu.memory_space<vmem>>, vector<16xf32>,
        %parallel_loop3A_1363 = vector.broadcast %parallel_loop3A_793 : f32 to vector<16xf32>
        %parallel_loop3A_1364 = arith.mulf %parallel_loop3A_1363, %parallel_loop3A_1362 : vector<16xf32>
        %parallel_loop3A_1365 = arith.addf %parallel_loop3A_1347, %parallel_loop3A_1364 : vector<16xf32>
        %parallel_loop3A_1366 = arith.constant 6 : i32
        %parallel_loop3A_1367 = arith.addi %parallel_loop3A_215, %parallel_loop3A_1366 : i32
        %parallel_loop3A_1368 = arith.constant 1 : i32
        %parallel_loop3A_1369 = arith.addi %parallel_loop3A_1367, %parallel_loop3A_1368 : i32
        %parallel_loop3A_1370 = arith.index_cast %parallel_loop3A_1369 : i32 to index
        %parallel_loop3A_1371 = arith.constant 112 : index
        %parallel_loop3A_1372 = tpu.vector_load %arg11[%parallel_loop3A_1370, %parallel_loop3A_1371] {strides = array<i32>} : memref<256x128xf32, #tpu.memory_space<vmem>>, vector<16xf32>,
        %parallel_loop3A_1373 = vector.broadcast %parallel_loop3A_795 : f32 to vector<16xf32>
        %parallel_loop3A_1374 = arith.mulf %parallel_loop3A_1373, %parallel_loop3A_1372 : vector<16xf32>
        %parallel_loop3A_1375 = arith.addf %parallel_loop3A_1357, %parallel_loop3A_1374 : vector<16xf32>
        %parallel_loop3A_1376 = arith.addf %parallel_loop3A_1365, %parallel_loop3A_1375 : vector<16xf32>
        %parallel_loop3A_1377 = arith.index_cast %parallel_loop3A_211 : i32 to index
        %parallel_loop3A_1378 = arith.constant 240 : index
        %parallel_loop3A_1379 = tpu.vector_load %arg12[%parallel_loop3A_1377, %parallel_loop3A_1378] {strides = array<i32>} : memref<32x256xf32, #tpu.memory_space<vmem>>, vector<16xf32>,
        tpu.vector_store %arg12[%parallel_loop3A_1377, %parallel_loop3A_1378], %parallel_loop3A_1376 {strides = array<i32>} : memref<32x256xf32, #tpu.memory_space<vmem>>, vector<16xf32>,
      } {sc.loop_unroll_factor = 3 : i64, sc.parallel_access}
      %mul3A_134 = arith.constant 16 : i32
      %mul3A_135 = arith.muli %mul3A_64, %mul3A_134 : i32
      %add3A_136 = arith.addi %mul3A_2, %mul3A_135 : i32
      %dma_start3A_137 = arith.constant 0 : i32
      %dma_start3A_138 = arith.constant 0 : i32
      %dma_start3A_139 = tpu.memref_slice %arg12[%dma_start3A_137, %dma_start3A_138] : memref<32x256xf32, #tpu.memory_space<vmem>> -> memref<16x256xf32, #tpu.memory_space<vmem>>
      %dma_start3A_140 = arith.constant 0 : i32
      %dma_start3A_141 = tpu.memref_slice %arg5[%add3A_136, %dma_start3A_140] : memref<20480x256xf32, #tpu.memory_space<hbm>> -> memref<16x256xf32, #tpu.memory_space<hbm>>
      %dma_start3A_142 = arith.constant 0 : i32
      %dma_start3A_143 = tpu.memref_slice %arg5[%add3A_136, %dma_start3A_142] : memref<20480x256xf32, #tpu.memory_space<hbm>> -> memref<16x256xf32, #tpu.memory_space<hbm>>
      %dma_start3A_144 = arith.constant 0 : i32
      %dma_start3A_145 = arith.constant 0 : i32
      %dma_start3A_146 = tpu.memref_slice %arg12[%dma_start3A_144, %dma_start3A_145] : memref<32x256xf32, #tpu.memory_space<vmem>> -> memref<16x256xf32, #tpu.memory_space<vmem>>
      tpu.enqueue_dma source(%dma_start3A_146 : memref<16x256xf32, #tpu.memory_space<vmem>>) target(%dma_start3A_143 : memref<16x256xf32, #tpu.memory_space<hbm>>) target_semaphore(%arg19 : memref<!tpu.dma_semaphore, #tpu.memory_space<semaphore_mem>>)
      %lt3A = arith.constant 19 : i32
      %lt3A_147 = arith.cmpi slt, %scan3A_62, %lt3A : i32
      %convert_element_type3A_148 = arith.extui %lt3A_147 : i1 to i32
      %cond3A_149 = arith.constant 0 : i32
      %cond3A_150 = arith.cmpi ne, %convert_element_type3A_148, %cond3A_149 : i32
      scf.if %cond3A_150 {
        %add3A_209 = arith.constant 2 : i32
        %add3A_210 = arith.addi %mul3A_64, %add3A_209 : i32
        %mul3A_211 = arith.constant 16 : i32
        %mul3A_212 = arith.muli %add3A_210, %mul3A_211 : i32
        %add3A_213 = arith.addi %mul3A_2, %mul3A_212 : i32
        %mul3A_214 = arith.constant 128 : i32
        %mul3A_215 = arith.muli %add3A_210, %mul3A_214 : i32
        %mul3A_216 = arith.constant 128 : i32
        %mul3A_217 = arith.muli %add3A_210, %mul3A_216 : i32
        %dma_start3A_218 = arith.constant 0 : i32
        %dma_start3A_219 = arith.constant 0 : i32
        %dma_start3A_220 = tpu.memref_slice %arg10[%dma_start3A_218, %dma_start3A_219] : memref<256x128xf32, #tpu.memory_space<vmem>> -> memref<128x128xf32, #tpu.memory_space<vmem>>
        %dma_start3A_221 = tpu.memref_slice %arg7[%mul3A_215] : memref<5120xi32, #tpu.memory_space<vmem>> -> memref<128xi32, #tpu.memory_space<vmem>>
        %dma_start3A_222 = arith.constant 0 : i32
        %dma_start3A_223 = arith.constant 0 : i32
        %dma_start3A_224 = tpu.memref_slice %arg2[%dma_start3A_222, %dma_start3A_223] : memref<20480x128xf32, #tpu.memory_space<hbm>> -> memref<20480x128xf32, #tpu.memory_space<hbm>>
        tpu.enqueue_indirect_dma source(%dma_start3A_224 : memref<20480x128xf32, #tpu.memory_space<hbm>>) target(%dma_start3A_220 : memref<128x128xf32, #tpu.memory_space<vmem>>) offsets(%dma_start3A_221 : memref<128xi32, #tpu.memory_space<vmem>>) semaphore(%arg13 : memref<!tpu.dma_semaphore, #tpu.memory_space<semaphore_mem>>)
        %dma_start3A_225 = arith.constant 0 : i32
        %dma_start3A_226 = arith.constant 0 : i32
        %dma_start3A_227 = tpu.memref_slice %arg11[%dma_start3A_225, %dma_start3A_226] : memref<256x128xf32, #tpu.memory_space<vmem>> -> memref<128x128xf32, #tpu.memory_space<vmem>>
        %dma_start3A_228 = tpu.memref_slice %arg8[%mul3A_217] : memref<5120xi32, #tpu.memory_space<vmem>> -> memref<128xi32, #tpu.memory_space<vmem>>
        %dma_start3A_229 = arith.constant 0 : i32
        %dma_start3A_230 = arith.constant 0 : i32
        %dma_start3A_231 = tpu.memref_slice %arg3[%dma_start3A_229, %dma_start3A_230] : memref<10000x128xf32, #tpu.memory_space<hbm>> -> memref<10000x128xf32, #tpu.memory_space<hbm>>
        tpu.enqueue_indirect_dma source(%dma_start3A_231 : memref<10000x128xf32, #tpu.memory_space<hbm>>) target(%dma_start3A_227 : memref<128x128xf32, #tpu.memory_space<vmem>>) offsets(%dma_start3A_228 : memref<128xi32, #tpu.memory_space<vmem>>) semaphore(%arg15 : memref<!tpu.dma_semaphore, #tpu.memory_space<semaphore_mem>>)
        %dma_start3A_232 = arith.constant 0 : i32
        %dma_start3A_233 = arith.constant 0 : i32
        %dma_start3A_234 = tpu.memref_slice %arg9[%dma_start3A_232, %dma_start3A_233] : memref<32x128xf32, #tpu.memory_space<vmem>> -> memref<16x128xf32, #tpu.memory_space<vmem>>
        %dma_start3A_235 = arith.constant 0 : i32
        %dma_start3A_236 = tpu.memref_slice %arg2[%add3A_213, %dma_start3A_235] : memref<20480x128xf32, #tpu.memory_space<hbm>> -> memref<16x128xf32, #tpu.memory_space<hbm>>
        %dma_start3A_237 = arith.constant 0 : i32
        %dma_start3A_238 = arith.constant 0 : i32
        %dma_start3A_239 = tpu.memref_slice %arg9[%dma_start3A_237, %dma_start3A_238] : memref<32x128xf32, #tpu.memory_space<vmem>> -> memref<16x128xf32, #tpu.memory_space<vmem>>
        %dma_start3A_240 = arith.constant 0 : i32
        %dma_start3A_241 = tpu.memref_slice %arg2[%add3A_213, %dma_start3A_240] : memref<20480x128xf32, #tpu.memory_space<hbm>> -> memref<16x128xf32, #tpu.memory_space<hbm>>
        tpu.enqueue_dma source(%dma_start3A_241 : memref<16x128xf32, #tpu.memory_space<hbm>>) target(%dma_start3A_239 : memref<16x128xf32, #tpu.memory_space<vmem>>) target_semaphore(%arg17 : memref<!tpu.dma_semaphore, #tpu.memory_space<semaphore_mem>>)
      } else {
      }
      %add3A_151 = arith.constant 1 : i32
      %add3A_152 = arith.addi %mul3A_64, %add3A_151 : i32
      %mul3A_153 = arith.constant 16 : i32
      %mul3A_154 = arith.muli %add3A_152, %mul3A_153 : i32
      %add3A_155 = arith.addi %mul3A_2, %mul3A_154 : i32
      %mul3A_156 = arith.constant 128 : i32
      %mul3A_157 = arith.muli %add3A_152, %mul3A_156 : i32
      %mul3A_158 = arith.constant 128 : i32
      %mul3A_159 = arith.muli %add3A_152, %mul3A_158 : i32
      %dma_wait3A_160 = arith.constant 128 : i32
      %dma_wait3A_161 = arith.constant 0 : i32
      %dma_wait3A_162 = tpu.memref_slice %arg10[%dma_wait3A_160, %dma_wait3A_161] : memref<256x128xf32, #tpu.memory_space<vmem>> -> memref<128x128xf32, #tpu.memory_space<vmem>>
      %dma_wait3A_163 = tpu.memref_slice %arg7[%mul3A_157] : memref<5120xi32, #tpu.memory_space<vmem>> -> memref<128xi32, #tpu.memory_space<vmem>>
      %dma_wait3A_164 = arith.constant 0 : i32
      %dma_wait3A_165 = arith.constant 0 : i32
      %dma_wait3A_166 = tpu.memref_slice %arg2[%dma_wait3A_164, %dma_wait3A_165] : memref<20480x128xf32, #tpu.memory_space<hbm>> -> memref<20480x128xf32, #tpu.memory_space<hbm>>
      tpu.wait_indirect_dma semaphore(%arg14 : memref<!tpu.dma_semaphore, #tpu.memory_space<semaphore_mem>>) src(%dma_wait3A_166 : memref<20480x128xf32, #tpu.memory_space<hbm>>) dst(%dma_wait3A_162 : memref<128x128xf32, #tpu.memory_space<vmem>>)
      %dma_wait3A_167 = arith.constant 128 : i32
      %dma_wait3A_168 = arith.constant 0 : i32
      %dma_wait3A_169 = tpu.memref_slice %arg11[%dma_wait3A_167, %dma_wait3A_168] : memref<256x128xf32, #tpu.memory_space<vmem>> -> memref<128x128xf32, #tpu.memory_space<vmem>>
      %dma_wait3A_170 = tpu.memref_slice %arg8[%mul3A_159] : memref<5120xi32, #tpu.memory_space<vmem>> -> memref<128xi32, #tpu.memory_space<vmem>>
      %dma_wait3A_171 = arith.constant 0 : i32
      %dma_wait3A_172 = arith.constant 0 : i32
      %dma_wait3A_173 = tpu.memref_slice %arg3[%dma_wait3A_171, %dma_wait3A_172] : memref<10000x128xf32, #tpu.memory_space<hbm>> -> memref<10000x128xf32, #tpu.memory_space<hbm>>
      tpu.wait_indirect_dma semaphore(%arg16 : memref<!tpu.dma_semaphore, #tpu.memory_space<semaphore_mem>>) src(%dma_wait3A_173 : memref<10000x128xf32, #tpu.memory_space<hbm>>) dst(%dma_wait3A_169 : memref<128x128xf32, #tpu.memory_space<vmem>>)
      %dma_wait3A_174 = arith.constant 16 : i32
      %dma_wait3A_175 = arith.constant 0 : i32
      %dma_wait3A_176 = tpu.memref_slice %arg9[%dma_wait3A_174, %dma_wait3A_175] : memref<32x128xf32, #tpu.memory_space<vmem>> -> memref<16x128xf32, #tpu.memory_space<vmem>>
      %dma_wait3A_177 = arith.constant 0 : i32
      %dma_wait3A_178 = tpu.memref_slice %arg2[%add3A_155, %dma_wait3A_177] : memref<20480x128xf32, #tpu.memory_space<hbm>> -> memref<16x128xf32, #tpu.memory_space<hbm>>
      %dma_wait3A_179 = arith.constant 16 : i32
      %dma_wait3A_180 = arith.constant 0 : i32
      %dma_wait3A_181 = tpu.memref_slice %arg9[%dma_wait3A_179, %dma_wait3A_180] : memref<32x128xf32, #tpu.memory_space<vmem>> -> memref<16x128xf32, #tpu.memory_space<vmem>>
      %dma_wait3A_182 = arith.constant 0 : i32
      %dma_wait3A_183 = tpu.memref_slice %arg2[%add3A_155, %dma_wait3A_182] : memref<20480x128xf32, #tpu.memory_space<hbm>> -> memref<16x128xf32, #tpu.memory_space<hbm>>
      tpu.wait_dma2 semaphore(%arg18 : memref<!tpu.dma_semaphore, #tpu.memory_space<semaphore_mem>>) src(%dma_wait3A_183 : memref<16x128xf32, #tpu.memory_space<hbm>>) dst(%dma_wait3A_181 : memref<16x128xf32, #tpu.memory_space<vmem>>)
      %gt3A_184 = arith.constant 0 : i32
      %gt3A_185 = arith.cmpi sgt, %scan3A_62, %gt3A_184 : i32
      %convert_element_type3A_186 = arith.extui %gt3A_185 : i1 to i32
      %cond3A_187 = arith.constant 0 : i32
      %cond3A_188 = arith.cmpi ne, %convert_element_type3A_186, %cond3A_187 : i32
      scf.if %cond3A_188 {
        %sub3A = arith.constant 1 : i32
        %sub3A_209 = arith.subi %mul3A_64, %sub3A : i32
        %mul3A_210 = arith.constant 16 : i32
        %mul3A_211 = arith.muli %sub3A_209, %mul3A_210 : i32
        %add3A_212 = arith.addi %mul3A_2, %mul3A_211 : i32
        %dma_wait3A_213 = arith.constant 16 : i32
        %dma_wait3A_214 = arith.constant 0 : i32
        %dma_wait3A_215 = tpu.memref_slice %arg12[%dma_wait3A_213, %dma_wait3A_214] : memref<32x256xf32, #tpu.memory_space<vmem>> -> memref<16x256xf32, #tpu.memory_space<vmem>>
        %dma_wait3A_216 = arith.constant 0 : i32
        %dma_wait3A_217 = tpu.memref_slice %arg5[%add3A_212, %dma_wait3A_216] : memref<20480x256xf32, #tpu.memory_space<hbm>> -> memref<16x256xf32, #tpu.memory_space<hbm>>
        %dma_wait3A_218 = arith.constant 0 : i32
        %dma_wait3A_219 = tpu.memref_slice %arg5[%add3A_212, %dma_wait3A_218] : memref<20480x256xf32, #tpu.memory_space<hbm>> -> memref<16x256xf32, #tpu.memory_space<hbm>>
        %dma_wait3A_220 = arith.constant 16 : i32
        %dma_wait3A_221 = arith.constant 0 : i32
        %dma_wait3A_222 = tpu.memref_slice %arg12[%dma_wait3A_220, %dma_wait3A_221] : memref<32x256xf32, #tpu.memory_space<vmem>> -> memref<16x256xf32, #tpu.memory_space<vmem>>
        tpu.wait_dma2 semaphore(%arg20 : memref<!tpu.dma_semaphore, #tpu.memory_space<semaphore_mem>>) src(%dma_wait3A_222 : memref<16x256xf32, #tpu.memory_space<vmem>>) dst(%dma_wait3A_219 : memref<16x256xf32, #tpu.memory_space<hbm>>)
      } else {
      }
      %add3A_189 = arith.constant 1 : i32
      %add3A_190 = arith.addi %mul3A_64, %add3A_189 : i32
      %parallel_loop3A_191 = arith.constant 0 : i32
      %parallel_loop3A_192 = arith.constant 16 : i32
      %parallel_loop3A_193 = arith.constant 1 : i32
      scf.for %parallel_loop3A_209 = %parallel_loop3A_191 to %parallel_loop3A_192 step %parallel_loop3A_193  : i32 {
        %parallel_loop3A_210 = arith.constant 16 : i32
        %parallel_loop3A_211 = arith.addi %parallel_loop3A_210, %parallel_loop3A_209 : i32
        %parallel_loop3A_212 = arith.constant 8 : i32
        %parallel_loop3A_213 = arith.muli %parallel_loop3A_209, %parallel_loop3A_212 : i32
        %parallel_loop3A_214 = arith.constant 128 : i32
        %parallel_loop3A_215 = arith.addi %parallel_loop3A_214, %parallel_loop3A_213 : i32
        %parallel_loop3A_216 = arith.index_cast %parallel_loop3A_211 : i32 to index
        %parallel_loop3A_217 = arith.constant 0 : index
        %parallel_loop3A_218 = tpu.vector_load %arg9[%parallel_loop3A_216, %parallel_loop3A_217] {strides = array<i32>} : memref<32x128xf32, #tpu.memory_space<vmem>>, vector<16xf32>,
        %parallel_loop3A_219 = arith.index_cast %parallel_loop3A_211 : i32 to index
        %parallel_loop3A_220 = arith.constant 16 : index
        %parallel_loop3A_221 = tpu.vector_load %arg9[%parallel_loop3A_219, %parallel_loop3A_220] {strides = array<i32>} : memref<32x128xf32, #tpu.memory_space<vmem>>, vector<16xf32>,
        %parallel_loop3A_222 = arith.index_cast %parallel_loop3A_211 : i32 to index
        %parallel_loop3A_223 = arith.constant 32 : index
        %parallel_loop3A_224 = tpu.vector_load %arg9[%parallel_loop3A_222, %parallel_loop3A_223] {strides = array<i32>} : memref<32x128xf32, #tpu.memory_space<vmem>>, vector<16xf32>,
        %parallel_loop3A_225 = arith.index_cast %parallel_loop3A_211 : i32 to index
        %parallel_loop3A_226 = arith.constant 48 : index
        %parallel_loop3A_227 = tpu.vector_load %arg9[%parallel_loop3A_225, %parallel_loop3A_226] {strides = array<i32>} : memref<32x128xf32, #tpu.memory_space<vmem>>, vector<16xf32>,
        %parallel_loop3A_228 = arith.index_cast %parallel_loop3A_211 : i32 to index
        %parallel_loop3A_229 = arith.constant 64 : index
        %parallel_loop3A_230 = tpu.vector_load %arg9[%parallel_loop3A_228, %parallel_loop3A_229] {strides = array<i32>} : memref<32x128xf32, #tpu.memory_space<vmem>>, vector<16xf32>,
        %parallel_loop3A_231 = arith.index_cast %parallel_loop3A_211 : i32 to index
        %parallel_loop3A_232 = arith.constant 80 : index
        %parallel_loop3A_233 = tpu.vector_load %arg9[%parallel_loop3A_231, %parallel_loop3A_232] {strides = array<i32>} : memref<32x128xf32, #tpu.memory_space<vmem>>, vector<16xf32>,
        %parallel_loop3A_234 = arith.index_cast %parallel_loop3A_211 : i32 to index
        %parallel_loop3A_235 = arith.constant 96 : index
        %parallel_loop3A_236 = tpu.vector_load %arg9[%parallel_loop3A_234, %parallel_loop3A_235] {strides = array<i32>} : memref<32x128xf32, #tpu.memory_space<vmem>>, vector<16xf32>,
        %parallel_loop3A_237 = arith.index_cast %parallel_loop3A_211 : i32 to index
        %parallel_loop3A_238 = arith.constant 112 : index
        %parallel_loop3A_239 = tpu.vector_load %arg9[%parallel_loop3A_237, %parallel_loop3A_238] {strides = array<i32>} : memref<32x128xf32, #tpu.memory_space<vmem>>, vector<16xf32>,
        %parallel_loop3A_240 = arith.constant -1.000000e+30 : f32
        %parallel_loop3A_241 = vector.broadcast %parallel_loop3A_240 : f32 to vector<16xf32>
        %parallel_loop3A_242 = arith.constant 0 : i32
        %parallel_loop3A_243 = arith.addi %parallel_loop3A_215, %parallel_loop3A_242 : i32
        %parallel_loop3A_244 = arith.index_cast %parallel_loop3A_243 : i32 to index
        %parallel_loop3A_245 = arith.constant 0 : index
        %parallel_loop3A_246 = tpu.vector_load %arg10[%parallel_loop3A_244, %parallel_loop3A_245] {strides = array<i32>} : memref<256x128xf32, #tpu.memory_space<vmem>>, vector<16xf32>,
        %parallel_loop3A_247 = arith.mulf %parallel_loop3A_218, %parallel_loop3A_246 : vector<16xf32>
        %parallel_loop3A_248 = arith.constant 0 : i32
        %parallel_loop3A_249 = arith.addi %parallel_loop3A_215, %parallel_loop3A_248 : i32
        %parallel_loop3A_250 = arith.index_cast %parallel_loop3A_249 : i32 to index
        %parallel_loop3A_251 = arith.constant 16 : index
        %parallel_loop3A_252 = tpu.vector_load %arg10[%parallel_loop3A_250, %parallel_loop3A_251] {strides = array<i32>} : memref<256x128xf32, #tpu.memory_space<vmem>>, vector<16xf32>,
        %parallel_loop3A_253 = arith.mulf %parallel_loop3A_221, %parallel_loop3A_252 : vector<16xf32>
        %parallel_loop3A_254 = arith.constant 0 : i32
        %parallel_loop3A_255 = arith.addi %parallel_loop3A_215, %parallel_loop3A_254 : i32
        %parallel_loop3A_256 = arith.index_cast %parallel_loop3A_255 : i32 to index
        %parallel_loop3A_257 = arith.constant 32 : index
        %parallel_loop3A_258 = tpu.vector_load %arg10[%parallel_loop3A_256, %parallel_loop3A_257] {strides = array<i32>} : memref<256x128xf32, #tpu.memory_space<vmem>>, vector<16xf32>,
        %parallel_loop3A_259 = arith.mulf %parallel_loop3A_224, %parallel_loop3A_258 : vector<16xf32>
        %parallel_loop3A_260 = arith.addf %parallel_loop3A_247, %parallel_loop3A_259 : vector<16xf32>
        %parallel_loop3A_261 = arith.constant 0 : i32
        %parallel_loop3A_262 = arith.addi %parallel_loop3A_215, %parallel_loop3A_261 : i32
        %parallel_loop3A_263 = arith.index_cast %parallel_loop3A_262 : i32 to index
        %parallel_loop3A_264 = arith.constant 48 : index
        %parallel_loop3A_265 = tpu.vector_load %arg10[%parallel_loop3A_263, %parallel_loop3A_264] {strides = array<i32>} : memref<256x128xf32, #tpu.memory_space<vmem>>, vector<16xf32>,
        %parallel_loop3A_266 = arith.mulf %parallel_loop3A_227, %parallel_loop3A_265 : vector<16xf32>
        %parallel_loop3A_267 = arith.addf %parallel_loop3A_253, %parallel_loop3A_266 : vector<16xf32>
        %parallel_loop3A_268 = arith.constant 0 : i32
        %parallel_loop3A_269 = arith.addi %parallel_loop3A_215, %parallel_loop3A_268 : i32
        %parallel_loop3A_270 = arith.index_cast %parallel_loop3A_269 : i32 to index
        %parallel_loop3A_271 = arith.constant 64 : index
        %parallel_loop3A_272 = tpu.vector_load %arg10[%parallel_loop3A_270, %parallel_loop3A_271] {strides = array<i32>} : memref<256x128xf32, #tpu.memory_space<vmem>>, vector<16xf32>,
        %parallel_loop3A_273 = arith.mulf %parallel_loop3A_230, %parallel_loop3A_272 : vector<16xf32>
        %parallel_loop3A_274 = arith.addf %parallel_loop3A_260, %parallel_loop3A_273 : vector<16xf32>
        %parallel_loop3A_275 = arith.constant 0 : i32
        %parallel_loop3A_276 = arith.addi %parallel_loop3A_215, %parallel_loop3A_275 : i32
        %parallel_loop3A_277 = arith.index_cast %parallel_loop3A_276 : i32 to index
        %parallel_loop3A_278 = arith.constant 80 : index
        %parallel_loop3A_279 = tpu.vector_load %arg10[%parallel_loop3A_277, %parallel_loop3A_278] {strides = array<i32>} : memref<256x128xf32, #tpu.memory_space<vmem>>, vector<16xf32>,
        %parallel_loop3A_280 = arith.mulf %parallel_loop3A_233, %parallel_loop3A_279 : vector<16xf32>
        %parallel_loop3A_281 = arith.addf %parallel_loop3A_267, %parallel_loop3A_280 : vector<16xf32>
        %parallel_loop3A_282 = arith.constant 0 : i32
        %parallel_loop3A_283 = arith.addi %parallel_loop3A_215, %parallel_loop3A_282 : i32
        %parallel_loop3A_284 = arith.index_cast %parallel_loop3A_283 : i32 to index
        %parallel_loop3A_285 = arith.constant 96 : index
        %parallel_loop3A_286 = tpu.vector_load %arg10[%parallel_loop3A_284, %parallel_loop3A_285] {strides = array<i32>} : memref<256x128xf32, #tpu.memory_space<vmem>>, vector<16xf32>,
        %parallel_loop3A_287 = arith.mulf %parallel_loop3A_236, %parallel_loop3A_286 : vector<16xf32>
        %parallel_loop3A_288 = arith.addf %parallel_loop3A_274, %parallel_loop3A_287 : vector<16xf32>
        %parallel_loop3A_289 = arith.constant 0 : i32
        %parallel_loop3A_290 = arith.addi %parallel_loop3A_215, %parallel_loop3A_289 : i32
        %parallel_loop3A_291 = arith.index_cast %parallel_loop3A_290 : i32 to index
        %parallel_loop3A_292 = arith.constant 112 : index
        %parallel_loop3A_293 = tpu.vector_load %arg10[%parallel_loop3A_291, %parallel_loop3A_292] {strides = array<i32>} : memref<256x128xf32, #tpu.memory_space<vmem>>, vector<16xf32>,
        %parallel_loop3A_294 = arith.mulf %parallel_loop3A_239, %parallel_loop3A_293 : vector<16xf32>
        %parallel_loop3A_295 = arith.addf %parallel_loop3A_281, %parallel_loop3A_294 : vector<16xf32>
        %parallel_loop3A_296 = arith.constant 0 : i32
        %parallel_loop3A_297 = vector.broadcast %parallel_loop3A_296 : i32 to vector<16xi32>
        %parallel_loop3A_298 = arith.cmpi eq, %iota3A, %parallel_loop3A_297 : vector<16xi32>
        %parallel_loop3A_299 = arith.addf %parallel_loop3A_288, %parallel_loop3A_295 : vector<16xf32>
        %parallel_loop3A_300 = arith.constant true
        %parallel_loop3A_301 = vector.broadcast %parallel_loop3A_300 : i1 to vector<16xi1>
        %parallel_loop3A_302 = tpu.scan <sum>, %parallel_loop3A_299 masked %parallel_loop3A_301 : vector<16xf32>, vector<16xi1> -> vector<16xf32>
        %parallel_loop3A_303 = vector.extract %parallel_loop3A_302[15] : f32 from vector<16xf32>
        %parallel_loop3A_304 = vector.broadcast %parallel_loop3A_303 : f32 to vector<16xf32>
        %parallel_loop3A_305 = arith.select %parallel_loop3A_298, %parallel_loop3A_304, %parallel_loop3A_241 : vector<16xi1>, vector<16xf32>
        %parallel_loop3A_306 = arith.constant 1 : i32
        %parallel_loop3A_307 = arith.addi %parallel_loop3A_215, %parallel_loop3A_306 : i32
        %parallel_loop3A_308 = arith.index_cast %parallel_loop3A_307 : i32 to index
        %parallel_loop3A_309 = arith.constant 0 : index
        %parallel_loop3A_310 = tpu.vector_load %arg10[%parallel_loop3A_308, %parallel_loop3A_309] {strides = array<i32>} : memref<256x128xf32, #tpu.memory_space<vmem>>, vector<16xf32>,
        %parallel_loop3A_311 = arith.mulf %parallel_loop3A_218, %parallel_loop3A_310 : vector<16xf32>
        %parallel_loop3A_312 = arith.constant 1 : i32
        %parallel_loop3A_313 = arith.addi %parallel_loop3A_215, %parallel_loop3A_312 : i32
        %parallel_loop3A_314 = arith.index_cast %parallel_loop3A_313 : i32 to index
        %parallel_loop3A_315 = arith.constant 16 : index
        %parallel_loop3A_316 = tpu.vector_load %arg10[%parallel_loop3A_314, %parallel_loop3A_315] {strides = array<i32>} : memref<256x128xf32, #tpu.memory_space<vmem>>, vector<16xf32>,
        %parallel_loop3A_317 = arith.mulf %parallel_loop3A_221, %parallel_loop3A_316 : vector<16xf32>
        %parallel_loop3A_318 = arith.constant 1 : i32
        %parallel_loop3A_319 = arith.addi %parallel_loop3A_215, %parallel_loop3A_318 : i32
        %parallel_loop3A_320 = arith.index_cast %parallel_loop3A_319 : i32 to index
        %parallel_loop3A_321 = arith.constant 32 : index
        %parallel_loop3A_322 = tpu.vector_load %arg10[%parallel_loop3A_320, %parallel_loop3A_321] {strides = array<i32>} : memref<256x128xf32, #tpu.memory_space<vmem>>, vector<16xf32>,
        %parallel_loop3A_323 = arith.mulf %parallel_loop3A_224, %parallel_loop3A_322 : vector<16xf32>
        %parallel_loop3A_324 = arith.addf %parallel_loop3A_311, %parallel_loop3A_323 : vector<16xf32>
        %parallel_loop3A_325 = arith.constant 1 : i32
        %parallel_loop3A_326 = arith.addi %parallel_loop3A_215, %parallel_loop3A_325 : i32
        %parallel_loop3A_327 = arith.index_cast %parallel_loop3A_326 : i32 to index
        %parallel_loop3A_328 = arith.constant 48 : index
        %parallel_loop3A_329 = tpu.vector_load %arg10[%parallel_loop3A_327, %parallel_loop3A_328] {strides = array<i32>} : memref<256x128xf32, #tpu.memory_space<vmem>>, vector<16xf32>,
        %parallel_loop3A_330 = arith.mulf %parallel_loop3A_227, %parallel_loop3A_329 : vector<16xf32>
        %parallel_loop3A_331 = arith.addf %parallel_loop3A_317, %parallel_loop3A_330 : vector<16xf32>
        %parallel_loop3A_332 = arith.constant 1 : i32
        %parallel_loop3A_333 = arith.addi %parallel_loop3A_215, %parallel_loop3A_332 : i32
        %parallel_loop3A_334 = arith.index_cast %parallel_loop3A_333 : i32 to index
        %parallel_loop3A_335 = arith.constant 64 : index
        %parallel_loop3A_336 = tpu.vector_load %arg10[%parallel_loop3A_334, %parallel_loop3A_335] {strides = array<i32>} : memref<256x128xf32, #tpu.memory_space<vmem>>, vector<16xf32>,
        %parallel_loop3A_337 = arith.mulf %parallel_loop3A_230, %parallel_loop3A_336 : vector<16xf32>
        %parallel_loop3A_338 = arith.addf %parallel_loop3A_324, %parallel_loop3A_337 : vector<16xf32>
        %parallel_loop3A_339 = arith.constant 1 : i32
        %parallel_loop3A_340 = arith.addi %parallel_loop3A_215, %parallel_loop3A_339 : i32
        %parallel_loop3A_341 = arith.index_cast %parallel_loop3A_340 : i32 to index
        %parallel_loop3A_342 = arith.constant 80 : index
        %parallel_loop3A_343 = tpu.vector_load %arg10[%parallel_loop3A_341, %parallel_loop3A_342] {strides = array<i32>} : memref<256x128xf32, #tpu.memory_space<vmem>>, vector<16xf32>,
        %parallel_loop3A_344 = arith.mulf %parallel_loop3A_233, %parallel_loop3A_343 : vector<16xf32>
        %parallel_loop3A_345 = arith.addf %parallel_loop3A_331, %parallel_loop3A_344 : vector<16xf32>
        %parallel_loop3A_346 = arith.constant 1 : i32
        %parallel_loop3A_347 = arith.addi %parallel_loop3A_215, %parallel_loop3A_346 : i32
        %parallel_loop3A_348 = arith.index_cast %parallel_loop3A_347 : i32 to index
        %parallel_loop3A_349 = arith.constant 96 : index
        %parallel_loop3A_350 = tpu.vector_load %arg10[%parallel_loop3A_348, %parallel_loop3A_349] {strides = array<i32>} : memref<256x128xf32, #tpu.memory_space<vmem>>, vector<16xf32>,
        %parallel_loop3A_351 = arith.mulf %parallel_loop3A_236, %parallel_loop3A_350 : vector<16xf32>
        %parallel_loop3A_352 = arith.addf %parallel_loop3A_338, %parallel_loop3A_351 : vector<16xf32>
        %parallel_loop3A_353 = arith.constant 1 : i32
        %parallel_loop3A_354 = arith.addi %parallel_loop3A_215, %parallel_loop3A_353 : i32
        %parallel_loop3A_355 = arith.index_cast %parallel_loop3A_354 : i32 to index
        %parallel_loop3A_356 = arith.constant 112 : index
        %parallel_loop3A_357 = tpu.vector_load %arg10[%parallel_loop3A_355, %parallel_loop3A_356] {strides = array<i32>} : memref<256x128xf32, #tpu.memory_space<vmem>>, vector<16xf32>,
        %parallel_loop3A_358 = arith.mulf %parallel_loop3A_239, %parallel_loop3A_357 : vector<16xf32>
        %parallel_loop3A_359 = arith.addf %parallel_loop3A_345, %parallel_loop3A_358 : vector<16xf32>
        %parallel_loop3A_360 = arith.constant 1 : i32
        %parallel_loop3A_361 = vector.broadcast %parallel_loop3A_360 : i32 to vector<16xi32>
        %parallel_loop3A_362 = arith.cmpi eq, %iota3A, %parallel_loop3A_361 : vector<16xi32>
        %parallel_loop3A_363 = arith.addf %parallel_loop3A_352, %parallel_loop3A_359 : vector<16xf32>
        %parallel_loop3A_364 = arith.constant true
        %parallel_loop3A_365 = vector.broadcast %parallel_loop3A_364 : i1 to vector<16xi1>
        %parallel_loop3A_366 = tpu.scan <sum>, %parallel_loop3A_363 masked %parallel_loop3A_365 : vector<16xf32>, vector<16xi1> -> vector<16xf32>
        %parallel_loop3A_367 = vector.extract %parallel_loop3A_366[15] : f32 from vector<16xf32>
        %parallel_loop3A_368 = vector.broadcast %parallel_loop3A_367 : f32 to vector<16xf32>
        %parallel_loop3A_369 = arith.select %parallel_loop3A_362, %parallel_loop3A_368, %parallel_loop3A_305 : vector<16xi1>, vector<16xf32>
        %parallel_loop3A_370 = arith.constant 2 : i32
        %parallel_loop3A_371 = arith.addi %parallel_loop3A_215, %parallel_loop3A_370 : i32
        %parallel_loop3A_372 = arith.index_cast %parallel_loop3A_371 : i32 to index
        %parallel_loop3A_373 = arith.constant 0 : index
        %parallel_loop3A_374 = tpu.vector_load %arg10[%parallel_loop3A_372, %parallel_loop3A_373] {strides = array<i32>} : memref<256x128xf32, #tpu.memory_space<vmem>>, vector<16xf32>,
        %parallel_loop3A_375 = arith.mulf %parallel_loop3A_218, %parallel_loop3A_374 : vector<16xf32>
        %parallel_loop3A_376 = arith.constant 2 : i32
        %parallel_loop3A_377 = arith.addi %parallel_loop3A_215, %parallel_loop3A_376 : i32
        %parallel_loop3A_378 = arith.index_cast %parallel_loop3A_377 : i32 to index
        %parallel_loop3A_379 = arith.constant 16 : index
        %parallel_loop3A_380 = tpu.vector_load %arg10[%parallel_loop3A_378, %parallel_loop3A_379] {strides = array<i32>} : memref<256x128xf32, #tpu.memory_space<vmem>>, vector<16xf32>,
        %parallel_loop3A_381 = arith.mulf %parallel_loop3A_221, %parallel_loop3A_380 : vector<16xf32>
        %parallel_loop3A_382 = arith.constant 2 : i32
        %parallel_loop3A_383 = arith.addi %parallel_loop3A_215, %parallel_loop3A_382 : i32
        %parallel_loop3A_384 = arith.index_cast %parallel_loop3A_383 : i32 to index
        %parallel_loop3A_385 = arith.constant 32 : index
        %parallel_loop3A_386 = tpu.vector_load %arg10[%parallel_loop3A_384, %parallel_loop3A_385] {strides = array<i32>} : memref<256x128xf32, #tpu.memory_space<vmem>>, vector<16xf32>,
        %parallel_loop3A_387 = arith.mulf %parallel_loop3A_224, %parallel_loop3A_386 : vector<16xf32>
        %parallel_loop3A_388 = arith.addf %parallel_loop3A_375, %parallel_loop3A_387 : vector<16xf32>
        %parallel_loop3A_389 = arith.constant 2 : i32
        %parallel_loop3A_390 = arith.addi %parallel_loop3A_215, %parallel_loop3A_389 : i32
        %parallel_loop3A_391 = arith.index_cast %parallel_loop3A_390 : i32 to index
        %parallel_loop3A_392 = arith.constant 48 : index
        %parallel_loop3A_393 = tpu.vector_load %arg10[%parallel_loop3A_391, %parallel_loop3A_392] {strides = array<i32>} : memref<256x128xf32, #tpu.memory_space<vmem>>, vector<16xf32>,
        %parallel_loop3A_394 = arith.mulf %parallel_loop3A_227, %parallel_loop3A_393 : vector<16xf32>
        %parallel_loop3A_395 = arith.addf %parallel_loop3A_381, %parallel_loop3A_394 : vector<16xf32>
        %parallel_loop3A_396 = arith.constant 2 : i32
        %parallel_loop3A_397 = arith.addi %parallel_loop3A_215, %parallel_loop3A_396 : i32
        %parallel_loop3A_398 = arith.index_cast %parallel_loop3A_397 : i32 to index
        %parallel_loop3A_399 = arith.constant 64 : index
        %parallel_loop3A_400 = tpu.vector_load %arg10[%parallel_loop3A_398, %parallel_loop3A_399] {strides = array<i32>} : memref<256x128xf32, #tpu.memory_space<vmem>>, vector<16xf32>,
        %parallel_loop3A_401 = arith.mulf %parallel_loop3A_230, %parallel_loop3A_400 : vector<16xf32>
        %parallel_loop3A_402 = arith.addf %parallel_loop3A_388, %parallel_loop3A_401 : vector<16xf32>
        %parallel_loop3A_403 = arith.constant 2 : i32
        %parallel_loop3A_404 = arith.addi %parallel_loop3A_215, %parallel_loop3A_403 : i32
        %parallel_loop3A_405 = arith.index_cast %parallel_loop3A_404 : i32 to index
        %parallel_loop3A_406 = arith.constant 80 : index
        %parallel_loop3A_407 = tpu.vector_load %arg10[%parallel_loop3A_405, %parallel_loop3A_406] {strides = array<i32>} : memref<256x128xf32, #tpu.memory_space<vmem>>, vector<16xf32>,
        %parallel_loop3A_408 = arith.mulf %parallel_loop3A_233, %parallel_loop3A_407 : vector<16xf32>
        %parallel_loop3A_409 = arith.addf %parallel_loop3A_395, %parallel_loop3A_408 : vector<16xf32>
        %parallel_loop3A_410 = arith.constant 2 : i32
        %parallel_loop3A_411 = arith.addi %parallel_loop3A_215, %parallel_loop3A_410 : i32
        %parallel_loop3A_412 = arith.index_cast %parallel_loop3A_411 : i32 to index
        %parallel_loop3A_413 = arith.constant 96 : index
        %parallel_loop3A_414 = tpu.vector_load %arg10[%parallel_loop3A_412, %parallel_loop3A_413] {strides = array<i32>} : memref<256x128xf32, #tpu.memory_space<vmem>>, vector<16xf32>,
        %parallel_loop3A_415 = arith.mulf %parallel_loop3A_236, %parallel_loop3A_414 : vector<16xf32>
        %parallel_loop3A_416 = arith.addf %parallel_loop3A_402, %parallel_loop3A_415 : vector<16xf32>
        %parallel_loop3A_417 = arith.constant 2 : i32
        %parallel_loop3A_418 = arith.addi %parallel_loop3A_215, %parallel_loop3A_417 : i32
        %parallel_loop3A_419 = arith.index_cast %parallel_loop3A_418 : i32 to index
        %parallel_loop3A_420 = arith.constant 112 : index
        %parallel_loop3A_421 = tpu.vector_load %arg10[%parallel_loop3A_419, %parallel_loop3A_420] {strides = array<i32>} : memref<256x128xf32, #tpu.memory_space<vmem>>, vector<16xf32>,
        %parallel_loop3A_422 = arith.mulf %parallel_loop3A_239, %parallel_loop3A_421 : vector<16xf32>
        %parallel_loop3A_423 = arith.addf %parallel_loop3A_409, %parallel_loop3A_422 : vector<16xf32>
        %parallel_loop3A_424 = arith.constant 2 : i32
        %parallel_loop3A_425 = vector.broadcast %parallel_loop3A_424 : i32 to vector<16xi32>
        %parallel_loop3A_426 = arith.cmpi eq, %iota3A, %parallel_loop3A_425 : vector<16xi32>
        %parallel_loop3A_427 = arith.addf %parallel_loop3A_416, %parallel_loop3A_423 : vector<16xf32>
        %parallel_loop3A_428 = arith.constant true
        %parallel_loop3A_429 = vector.broadcast %parallel_loop3A_428 : i1 to vector<16xi1>
        %parallel_loop3A_430 = tpu.scan <sum>, %parallel_loop3A_427 masked %parallel_loop3A_429 : vector<16xf32>, vector<16xi1> -> vector<16xf32>
        %parallel_loop3A_431 = vector.extract %parallel_loop3A_430[15] : f32 from vector<16xf32>
        %parallel_loop3A_432 = vector.broadcast %parallel_loop3A_431 : f32 to vector<16xf32>
        %parallel_loop3A_433 = arith.select %parallel_loop3A_426, %parallel_loop3A_432, %parallel_loop3A_369 : vector<16xi1>, vector<16xf32>
        %parallel_loop3A_434 = arith.constant 3 : i32
        %parallel_loop3A_435 = arith.addi %parallel_loop3A_215, %parallel_loop3A_434 : i32
        %parallel_loop3A_436 = arith.index_cast %parallel_loop3A_435 : i32 to index
        %parallel_loop3A_437 = arith.constant 0 : index
        %parallel_loop3A_438 = tpu.vector_load %arg10[%parallel_loop3A_436, %parallel_loop3A_437] {strides = array<i32>} : memref<256x128xf32, #tpu.memory_space<vmem>>, vector<16xf32>,
        %parallel_loop3A_439 = arith.mulf %parallel_loop3A_218, %parallel_loop3A_438 : vector<16xf32>
        %parallel_loop3A_440 = arith.constant 3 : i32
        %parallel_loop3A_441 = arith.addi %parallel_loop3A_215, %parallel_loop3A_440 : i32
        %parallel_loop3A_442 = arith.index_cast %parallel_loop3A_441 : i32 to index
        %parallel_loop3A_443 = arith.constant 16 : index
        %parallel_loop3A_444 = tpu.vector_load %arg10[%parallel_loop3A_442, %parallel_loop3A_443] {strides = array<i32>} : memref<256x128xf32, #tpu.memory_space<vmem>>, vector<16xf32>,
        %parallel_loop3A_445 = arith.mulf %parallel_loop3A_221, %parallel_loop3A_444 : vector<16xf32>
        %parallel_loop3A_446 = arith.constant 3 : i32
        %parallel_loop3A_447 = arith.addi %parallel_loop3A_215, %parallel_loop3A_446 : i32
        %parallel_loop3A_448 = arith.index_cast %parallel_loop3A_447 : i32 to index
        %parallel_loop3A_449 = arith.constant 32 : index
        %parallel_loop3A_450 = tpu.vector_load %arg10[%parallel_loop3A_448, %parallel_loop3A_449] {strides = array<i32>} : memref<256x128xf32, #tpu.memory_space<vmem>>, vector<16xf32>,
        %parallel_loop3A_451 = arith.mulf %parallel_loop3A_224, %parallel_loop3A_450 : vector<16xf32>
        %parallel_loop3A_452 = arith.addf %parallel_loop3A_439, %parallel_loop3A_451 : vector<16xf32>
        %parallel_loop3A_453 = arith.constant 3 : i32
        %parallel_loop3A_454 = arith.addi %parallel_loop3A_215, %parallel_loop3A_453 : i32
        %parallel_loop3A_455 = arith.index_cast %parallel_loop3A_454 : i32 to index
        %parallel_loop3A_456 = arith.constant 48 : index
        %parallel_loop3A_457 = tpu.vector_load %arg10[%parallel_loop3A_455, %parallel_loop3A_456] {strides = array<i32>} : memref<256x128xf32, #tpu.memory_space<vmem>>, vector<16xf32>,
        %parallel_loop3A_458 = arith.mulf %parallel_loop3A_227, %parallel_loop3A_457 : vector<16xf32>
        %parallel_loop3A_459 = arith.addf %parallel_loop3A_445, %parallel_loop3A_458 : vector<16xf32>
        %parallel_loop3A_460 = arith.constant 3 : i32
        %parallel_loop3A_461 = arith.addi %parallel_loop3A_215, %parallel_loop3A_460 : i32
        %parallel_loop3A_462 = arith.index_cast %parallel_loop3A_461 : i32 to index
        %parallel_loop3A_463 = arith.constant 64 : index
        %parallel_loop3A_464 = tpu.vector_load %arg10[%parallel_loop3A_462, %parallel_loop3A_463] {strides = array<i32>} : memref<256x128xf32, #tpu.memory_space<vmem>>, vector<16xf32>,
        %parallel_loop3A_465 = arith.mulf %parallel_loop3A_230, %parallel_loop3A_464 : vector<16xf32>
        %parallel_loop3A_466 = arith.addf %parallel_loop3A_452, %parallel_loop3A_465 : vector<16xf32>
        %parallel_loop3A_467 = arith.constant 3 : i32
        %parallel_loop3A_468 = arith.addi %parallel_loop3A_215, %parallel_loop3A_467 : i32
        %parallel_loop3A_469 = arith.index_cast %parallel_loop3A_468 : i32 to index
        %parallel_loop3A_470 = arith.constant 80 : index
        %parallel_loop3A_471 = tpu.vector_load %arg10[%parallel_loop3A_469, %parallel_loop3A_470] {strides = array<i32>} : memref<256x128xf32, #tpu.memory_space<vmem>>, vector<16xf32>,
        %parallel_loop3A_472 = arith.mulf %parallel_loop3A_233, %parallel_loop3A_471 : vector<16xf32>
        %parallel_loop3A_473 = arith.addf %parallel_loop3A_459, %parallel_loop3A_472 : vector<16xf32>
        %parallel_loop3A_474 = arith.constant 3 : i32
        %parallel_loop3A_475 = arith.addi %parallel_loop3A_215, %parallel_loop3A_474 : i32
        %parallel_loop3A_476 = arith.index_cast %parallel_loop3A_475 : i32 to index
        %parallel_loop3A_477 = arith.constant 96 : index
        %parallel_loop3A_478 = tpu.vector_load %arg10[%parallel_loop3A_476, %parallel_loop3A_477] {strides = array<i32>} : memref<256x128xf32, #tpu.memory_space<vmem>>, vector<16xf32>,
        %parallel_loop3A_479 = arith.mulf %parallel_loop3A_236, %parallel_loop3A_478 : vector<16xf32>
        %parallel_loop3A_480 = arith.addf %parallel_loop3A_466, %parallel_loop3A_479 : vector<16xf32>
        %parallel_loop3A_481 = arith.constant 3 : i32
        %parallel_loop3A_482 = arith.addi %parallel_loop3A_215, %parallel_loop3A_481 : i32
        %parallel_loop3A_483 = arith.index_cast %parallel_loop3A_482 : i32 to index
        %parallel_loop3A_484 = arith.constant 112 : index
        %parallel_loop3A_485 = tpu.vector_load %arg10[%parallel_loop3A_483, %parallel_loop3A_484] {strides = array<i32>} : memref<256x128xf32, #tpu.memory_space<vmem>>, vector<16xf32>,
        %parallel_loop3A_486 = arith.mulf %parallel_loop3A_239, %parallel_loop3A_485 : vector<16xf32>
        %parallel_loop3A_487 = arith.addf %parallel_loop3A_473, %parallel_loop3A_486 : vector<16xf32>
        %parallel_loop3A_488 = arith.constant 3 : i32
        %parallel_loop3A_489 = vector.broadcast %parallel_loop3A_488 : i32 to vector<16xi32>
        %parallel_loop3A_490 = arith.cmpi eq, %iota3A, %parallel_loop3A_489 : vector<16xi32>
        %parallel_loop3A_491 = arith.addf %parallel_loop3A_480, %parallel_loop3A_487 : vector<16xf32>
        %parallel_loop3A_492 = arith.constant true
        %parallel_loop3A_493 = vector.broadcast %parallel_loop3A_492 : i1 to vector<16xi1>
        %parallel_loop3A_494 = tpu.scan <sum>, %parallel_loop3A_491 masked %parallel_loop3A_493 : vector<16xf32>, vector<16xi1> -> vector<16xf32>
        %parallel_loop3A_495 = vector.extract %parallel_loop3A_494[15] : f32 from vector<16xf32>
        %parallel_loop3A_496 = vector.broadcast %parallel_loop3A_495 : f32 to vector<16xf32>
        %parallel_loop3A_497 = arith.select %parallel_loop3A_490, %parallel_loop3A_496, %parallel_loop3A_433 : vector<16xi1>, vector<16xf32>
        %parallel_loop3A_498 = arith.constant 4 : i32
        %parallel_loop3A_499 = arith.addi %parallel_loop3A_215, %parallel_loop3A_498 : i32
        %parallel_loop3A_500 = arith.index_cast %parallel_loop3A_499 : i32 to index
        %parallel_loop3A_501 = arith.constant 0 : index
        %parallel_loop3A_502 = tpu.vector_load %arg10[%parallel_loop3A_500, %parallel_loop3A_501] {strides = array<i32>} : memref<256x128xf32, #tpu.memory_space<vmem>>, vector<16xf32>,
        %parallel_loop3A_503 = arith.mulf %parallel_loop3A_218, %parallel_loop3A_502 : vector<16xf32>
        %parallel_loop3A_504 = arith.constant 4 : i32
        %parallel_loop3A_505 = arith.addi %parallel_loop3A_215, %parallel_loop3A_504 : i32
        %parallel_loop3A_506 = arith.index_cast %parallel_loop3A_505 : i32 to index
        %parallel_loop3A_507 = arith.constant 16 : index
        %parallel_loop3A_508 = tpu.vector_load %arg10[%parallel_loop3A_506, %parallel_loop3A_507] {strides = array<i32>} : memref<256x128xf32, #tpu.memory_space<vmem>>, vector<16xf32>,
        %parallel_loop3A_509 = arith.mulf %parallel_loop3A_221, %parallel_loop3A_508 : vector<16xf32>
        %parallel_loop3A_510 = arith.constant 4 : i32
        %parallel_loop3A_511 = arith.addi %parallel_loop3A_215, %parallel_loop3A_510 : i32
        %parallel_loop3A_512 = arith.index_cast %parallel_loop3A_511 : i32 to index
        %parallel_loop3A_513 = arith.constant 32 : index
        %parallel_loop3A_514 = tpu.vector_load %arg10[%parallel_loop3A_512, %parallel_loop3A_513] {strides = array<i32>} : memref<256x128xf32, #tpu.memory_space<vmem>>, vector<16xf32>,
        %parallel_loop3A_515 = arith.mulf %parallel_loop3A_224, %parallel_loop3A_514 : vector<16xf32>
        %parallel_loop3A_516 = arith.addf %parallel_loop3A_503, %parallel_loop3A_515 : vector<16xf32>
        %parallel_loop3A_517 = arith.constant 4 : i32
        %parallel_loop3A_518 = arith.addi %parallel_loop3A_215, %parallel_loop3A_517 : i32
        %parallel_loop3A_519 = arith.index_cast %parallel_loop3A_518 : i32 to index
        %parallel_loop3A_520 = arith.constant 48 : index
        %parallel_loop3A_521 = tpu.vector_load %arg10[%parallel_loop3A_519, %parallel_loop3A_520] {strides = array<i32>} : memref<256x128xf32, #tpu.memory_space<vmem>>, vector<16xf32>,
        %parallel_loop3A_522 = arith.mulf %parallel_loop3A_227, %parallel_loop3A_521 : vector<16xf32>
        %parallel_loop3A_523 = arith.addf %parallel_loop3A_509, %parallel_loop3A_522 : vector<16xf32>
        %parallel_loop3A_524 = arith.constant 4 : i32
        %parallel_loop3A_525 = arith.addi %parallel_loop3A_215, %parallel_loop3A_524 : i32
        %parallel_loop3A_526 = arith.index_cast %parallel_loop3A_525 : i32 to index
        %parallel_loop3A_527 = arith.constant 64 : index
        %parallel_loop3A_528 = tpu.vector_load %arg10[%parallel_loop3A_526, %parallel_loop3A_527] {strides = array<i32>} : memref<256x128xf32, #tpu.memory_space<vmem>>, vector<16xf32>,
        %parallel_loop3A_529 = arith.mulf %parallel_loop3A_230, %parallel_loop3A_528 : vector<16xf32>
        %parallel_loop3A_530 = arith.addf %parallel_loop3A_516, %parallel_loop3A_529 : vector<16xf32>
        %parallel_loop3A_531 = arith.constant 4 : i32
        %parallel_loop3A_532 = arith.addi %parallel_loop3A_215, %parallel_loop3A_531 : i32
        %parallel_loop3A_533 = arith.index_cast %parallel_loop3A_532 : i32 to index
        %parallel_loop3A_534 = arith.constant 80 : index
        %parallel_loop3A_535 = tpu.vector_load %arg10[%parallel_loop3A_533, %parallel_loop3A_534] {strides = array<i32>} : memref<256x128xf32, #tpu.memory_space<vmem>>, vector<16xf32>,
        %parallel_loop3A_536 = arith.mulf %parallel_loop3A_233, %parallel_loop3A_535 : vector<16xf32>
        %parallel_loop3A_537 = arith.addf %parallel_loop3A_523, %parallel_loop3A_536 : vector<16xf32>
        %parallel_loop3A_538 = arith.constant 4 : i32
        %parallel_loop3A_539 = arith.addi %parallel_loop3A_215, %parallel_loop3A_538 : i32
        %parallel_loop3A_540 = arith.index_cast %parallel_loop3A_539 : i32 to index
        %parallel_loop3A_541 = arith.constant 96 : index
        %parallel_loop3A_542 = tpu.vector_load %arg10[%parallel_loop3A_540, %parallel_loop3A_541] {strides = array<i32>} : memref<256x128xf32, #tpu.memory_space<vmem>>, vector<16xf32>,
        %parallel_loop3A_543 = arith.mulf %parallel_loop3A_236, %parallel_loop3A_542 : vector<16xf32>
        %parallel_loop3A_544 = arith.addf %parallel_loop3A_530, %parallel_loop3A_543 : vector<16xf32>
        %parallel_loop3A_545 = arith.constant 4 : i32
        %parallel_loop3A_546 = arith.addi %parallel_loop3A_215, %parallel_loop3A_545 : i32
        %parallel_loop3A_547 = arith.index_cast %parallel_loop3A_546 : i32 to index
        %parallel_loop3A_548 = arith.constant 112 : index
        %parallel_loop3A_549 = tpu.vector_load %arg10[%parallel_loop3A_547, %parallel_loop3A_548] {strides = array<i32>} : memref<256x128xf32, #tpu.memory_space<vmem>>, vector<16xf32>,
        %parallel_loop3A_550 = arith.mulf %parallel_loop3A_239, %parallel_loop3A_549 : vector<16xf32>
        %parallel_loop3A_551 = arith.addf %parallel_loop3A_537, %parallel_loop3A_550 : vector<16xf32>
        %parallel_loop3A_552 = arith.constant 4 : i32
        %parallel_loop3A_553 = vector.broadcast %parallel_loop3A_552 : i32 to vector<16xi32>
        %parallel_loop3A_554 = arith.cmpi eq, %iota3A, %parallel_loop3A_553 : vector<16xi32>
        %parallel_loop3A_555 = arith.addf %parallel_loop3A_544, %parallel_loop3A_551 : vector<16xf32>
        %parallel_loop3A_556 = arith.constant true
        %parallel_loop3A_557 = vector.broadcast %parallel_loop3A_556 : i1 to vector<16xi1>
        %parallel_loop3A_558 = tpu.scan <sum>, %parallel_loop3A_555 masked %parallel_loop3A_557 : vector<16xf32>, vector<16xi1> -> vector<16xf32>
        %parallel_loop3A_559 = vector.extract %parallel_loop3A_558[15] : f32 from vector<16xf32>
        %parallel_loop3A_560 = vector.broadcast %parallel_loop3A_559 : f32 to vector<16xf32>
        %parallel_loop3A_561 = arith.select %parallel_loop3A_554, %parallel_loop3A_560, %parallel_loop3A_497 : vector<16xi1>, vector<16xf32>
        %parallel_loop3A_562 = arith.constant 5 : i32
        %parallel_loop3A_563 = arith.addi %parallel_loop3A_215, %parallel_loop3A_562 : i32
        %parallel_loop3A_564 = arith.index_cast %parallel_loop3A_563 : i32 to index
        %parallel_loop3A_565 = arith.constant 0 : index
        %parallel_loop3A_566 = tpu.vector_load %arg10[%parallel_loop3A_564, %parallel_loop3A_565] {strides = array<i32>} : memref<256x128xf32, #tpu.memory_space<vmem>>, vector<16xf32>,
        %parallel_loop3A_567 = arith.mulf %parallel_loop3A_218, %parallel_loop3A_566 : vector<16xf32>
        %parallel_loop3A_568 = arith.constant 5 : i32
        %parallel_loop3A_569 = arith.addi %parallel_loop3A_215, %parallel_loop3A_568 : i32
        %parallel_loop3A_570 = arith.index_cast %parallel_loop3A_569 : i32 to index
        %parallel_loop3A_571 = arith.constant 16 : index
        %parallel_loop3A_572 = tpu.vector_load %arg10[%parallel_loop3A_570, %parallel_loop3A_571] {strides = array<i32>} : memref<256x128xf32, #tpu.memory_space<vmem>>, vector<16xf32>,
        %parallel_loop3A_573 = arith.mulf %parallel_loop3A_221, %parallel_loop3A_572 : vector<16xf32>
        %parallel_loop3A_574 = arith.constant 5 : i32
        %parallel_loop3A_575 = arith.addi %parallel_loop3A_215, %parallel_loop3A_574 : i32
        %parallel_loop3A_576 = arith.index_cast %parallel_loop3A_575 : i32 to index
        %parallel_loop3A_577 = arith.constant 32 : index
        %parallel_loop3A_578 = tpu.vector_load %arg10[%parallel_loop3A_576, %parallel_loop3A_577] {strides = array<i32>} : memref<256x128xf32, #tpu.memory_space<vmem>>, vector<16xf32>,
        %parallel_loop3A_579 = arith.mulf %parallel_loop3A_224, %parallel_loop3A_578 : vector<16xf32>
        %parallel_loop3A_580 = arith.addf %parallel_loop3A_567, %parallel_loop3A_579 : vector<16xf32>
        %parallel_loop3A_581 = arith.constant 5 : i32
        %parallel_loop3A_582 = arith.addi %parallel_loop3A_215, %parallel_loop3A_581 : i32
        %parallel_loop3A_583 = arith.index_cast %parallel_loop3A_582 : i32 to index
        %parallel_loop3A_584 = arith.constant 48 : index
        %parallel_loop3A_585 = tpu.vector_load %arg10[%parallel_loop3A_583, %parallel_loop3A_584] {strides = array<i32>} : memref<256x128xf32, #tpu.memory_space<vmem>>, vector<16xf32>,
        %parallel_loop3A_586 = arith.mulf %parallel_loop3A_227, %parallel_loop3A_585 : vector<16xf32>
        %parallel_loop3A_587 = arith.addf %parallel_loop3A_573, %parallel_loop3A_586 : vector<16xf32>
        %parallel_loop3A_588 = arith.constant 5 : i32
        %parallel_loop3A_589 = arith.addi %parallel_loop3A_215, %parallel_loop3A_588 : i32
        %parallel_loop3A_590 = arith.index_cast %parallel_loop3A_589 : i32 to index
        %parallel_loop3A_591 = arith.constant 64 : index
        %parallel_loop3A_592 = tpu.vector_load %arg10[%parallel_loop3A_590, %parallel_loop3A_591] {strides = array<i32>} : memref<256x128xf32, #tpu.memory_space<vmem>>, vector<16xf32>,
        %parallel_loop3A_593 = arith.mulf %parallel_loop3A_230, %parallel_loop3A_592 : vector<16xf32>
        %parallel_loop3A_594 = arith.addf %parallel_loop3A_580, %parallel_loop3A_593 : vector<16xf32>
        %parallel_loop3A_595 = arith.constant 5 : i32
        %parallel_loop3A_596 = arith.addi %parallel_loop3A_215, %parallel_loop3A_595 : i32
        %parallel_loop3A_597 = arith.index_cast %parallel_loop3A_596 : i32 to index
        %parallel_loop3A_598 = arith.constant 80 : index
        %parallel_loop3A_599 = tpu.vector_load %arg10[%parallel_loop3A_597, %parallel_loop3A_598] {strides = array<i32>} : memref<256x128xf32, #tpu.memory_space<vmem>>, vector<16xf32>,
        %parallel_loop3A_600 = arith.mulf %parallel_loop3A_233, %parallel_loop3A_599 : vector<16xf32>
        %parallel_loop3A_601 = arith.addf %parallel_loop3A_587, %parallel_loop3A_600 : vector<16xf32>
        %parallel_loop3A_602 = arith.constant 5 : i32
        %parallel_loop3A_603 = arith.addi %parallel_loop3A_215, %parallel_loop3A_602 : i32
        %parallel_loop3A_604 = arith.index_cast %parallel_loop3A_603 : i32 to index
        %parallel_loop3A_605 = arith.constant 96 : index
        %parallel_loop3A_606 = tpu.vector_load %arg10[%parallel_loop3A_604, %parallel_loop3A_605] {strides = array<i32>} : memref<256x128xf32, #tpu.memory_space<vmem>>, vector<16xf32>,
        %parallel_loop3A_607 = arith.mulf %parallel_loop3A_236, %parallel_loop3A_606 : vector<16xf32>
        %parallel_loop3A_608 = arith.addf %parallel_loop3A_594, %parallel_loop3A_607 : vector<16xf32>
        %parallel_loop3A_609 = arith.constant 5 : i32
        %parallel_loop3A_610 = arith.addi %parallel_loop3A_215, %parallel_loop3A_609 : i32
        %parallel_loop3A_611 = arith.index_cast %parallel_loop3A_610 : i32 to index
        %parallel_loop3A_612 = arith.constant 112 : index
        %parallel_loop3A_613 = tpu.vector_load %arg10[%parallel_loop3A_611, %parallel_loop3A_612] {strides = array<i32>} : memref<256x128xf32, #tpu.memory_space<vmem>>, vector<16xf32>,
        %parallel_loop3A_614 = arith.mulf %parallel_loop3A_239, %parallel_loop3A_613 : vector<16xf32>
        %parallel_loop3A_615 = arith.addf %parallel_loop3A_601, %parallel_loop3A_614 : vector<16xf32>
        %parallel_loop3A_616 = arith.constant 5 : i32
        %parallel_loop3A_617 = vector.broadcast %parallel_loop3A_616 : i32 to vector<16xi32>
        %parallel_loop3A_618 = arith.cmpi eq, %iota3A, %parallel_loop3A_617 : vector<16xi32>
        %parallel_loop3A_619 = arith.addf %parallel_loop3A_608, %parallel_loop3A_615 : vector<16xf32>
        %parallel_loop3A_620 = arith.constant true
        %parallel_loop3A_621 = vector.broadcast %parallel_loop3A_620 : i1 to vector<16xi1>
        %parallel_loop3A_622 = tpu.scan <sum>, %parallel_loop3A_619 masked %parallel_loop3A_621 : vector<16xf32>, vector<16xi1> -> vector<16xf32>
        %parallel_loop3A_623 = vector.extract %parallel_loop3A_622[15] : f32 from vector<16xf32>
        %parallel_loop3A_624 = vector.broadcast %parallel_loop3A_623 : f32 to vector<16xf32>
        %parallel_loop3A_625 = arith.select %parallel_loop3A_618, %parallel_loop3A_624, %parallel_loop3A_561 : vector<16xi1>, vector<16xf32>
        %parallel_loop3A_626 = arith.constant 6 : i32
        %parallel_loop3A_627 = arith.addi %parallel_loop3A_215, %parallel_loop3A_626 : i32
        %parallel_loop3A_628 = arith.index_cast %parallel_loop3A_627 : i32 to index
        %parallel_loop3A_629 = arith.constant 0 : index
        %parallel_loop3A_630 = tpu.vector_load %arg10[%parallel_loop3A_628, %parallel_loop3A_629] {strides = array<i32>} : memref<256x128xf32, #tpu.memory_space<vmem>>, vector<16xf32>,
        %parallel_loop3A_631 = arith.mulf %parallel_loop3A_218, %parallel_loop3A_630 : vector<16xf32>
        %parallel_loop3A_632 = arith.constant 6 : i32
        %parallel_loop3A_633 = arith.addi %parallel_loop3A_215, %parallel_loop3A_632 : i32
        %parallel_loop3A_634 = arith.index_cast %parallel_loop3A_633 : i32 to index
        %parallel_loop3A_635 = arith.constant 16 : index
        %parallel_loop3A_636 = tpu.vector_load %arg10[%parallel_loop3A_634, %parallel_loop3A_635] {strides = array<i32>} : memref<256x128xf32, #tpu.memory_space<vmem>>, vector<16xf32>,
        %parallel_loop3A_637 = arith.mulf %parallel_loop3A_221, %parallel_loop3A_636 : vector<16xf32>
        %parallel_loop3A_638 = arith.constant 6 : i32
        %parallel_loop3A_639 = arith.addi %parallel_loop3A_215, %parallel_loop3A_638 : i32
        %parallel_loop3A_640 = arith.index_cast %parallel_loop3A_639 : i32 to index
        %parallel_loop3A_641 = arith.constant 32 : index
        %parallel_loop3A_642 = tpu.vector_load %arg10[%parallel_loop3A_640, %parallel_loop3A_641] {strides = array<i32>} : memref<256x128xf32, #tpu.memory_space<vmem>>, vector<16xf32>,
        %parallel_loop3A_643 = arith.mulf %parallel_loop3A_224, %parallel_loop3A_642 : vector<16xf32>
        %parallel_loop3A_644 = arith.addf %parallel_loop3A_631, %parallel_loop3A_643 : vector<16xf32>
        %parallel_loop3A_645 = arith.constant 6 : i32
        %parallel_loop3A_646 = arith.addi %parallel_loop3A_215, %parallel_loop3A_645 : i32
        %parallel_loop3A_647 = arith.index_cast %parallel_loop3A_646 : i32 to index
        %parallel_loop3A_648 = arith.constant 48 : index
        %parallel_loop3A_649 = tpu.vector_load %arg10[%parallel_loop3A_647, %parallel_loop3A_648] {strides = array<i32>} : memref<256x128xf32, #tpu.memory_space<vmem>>, vector<16xf32>,
        %parallel_loop3A_650 = arith.mulf %parallel_loop3A_227, %parallel_loop3A_649 : vector<16xf32>
        %parallel_loop3A_651 = arith.addf %parallel_loop3A_637, %parallel_loop3A_650 : vector<16xf32>
        %parallel_loop3A_652 = arith.constant 6 : i32
        %parallel_loop3A_653 = arith.addi %parallel_loop3A_215, %parallel_loop3A_652 : i32
        %parallel_loop3A_654 = arith.index_cast %parallel_loop3A_653 : i32 to index
        %parallel_loop3A_655 = arith.constant 64 : index
        %parallel_loop3A_656 = tpu.vector_load %arg10[%parallel_loop3A_654, %parallel_loop3A_655] {strides = array<i32>} : memref<256x128xf32, #tpu.memory_space<vmem>>, vector<16xf32>,
        %parallel_loop3A_657 = arith.mulf %parallel_loop3A_230, %parallel_loop3A_656 : vector<16xf32>
        %parallel_loop3A_658 = arith.addf %parallel_loop3A_644, %parallel_loop3A_657 : vector<16xf32>
        %parallel_loop3A_659 = arith.constant 6 : i32
        %parallel_loop3A_660 = arith.addi %parallel_loop3A_215, %parallel_loop3A_659 : i32
        %parallel_loop3A_661 = arith.index_cast %parallel_loop3A_660 : i32 to index
        %parallel_loop3A_662 = arith.constant 80 : index
        %parallel_loop3A_663 = tpu.vector_load %arg10[%parallel_loop3A_661, %parallel_loop3A_662] {strides = array<i32>} : memref<256x128xf32, #tpu.memory_space<vmem>>, vector<16xf32>,
        %parallel_loop3A_664 = arith.mulf %parallel_loop3A_233, %parallel_loop3A_663 : vector<16xf32>
        %parallel_loop3A_665 = arith.addf %parallel_loop3A_651, %parallel_loop3A_664 : vector<16xf32>
        %parallel_loop3A_666 = arith.constant 6 : i32
        %parallel_loop3A_667 = arith.addi %parallel_loop3A_215, %parallel_loop3A_666 : i32
        %parallel_loop3A_668 = arith.index_cast %parallel_loop3A_667 : i32 to index
        %parallel_loop3A_669 = arith.constant 96 : index
        %parallel_loop3A_670 = tpu.vector_load %arg10[%parallel_loop3A_668, %parallel_loop3A_669] {strides = array<i32>} : memref<256x128xf32, #tpu.memory_space<vmem>>, vector<16xf32>,
        %parallel_loop3A_671 = arith.mulf %parallel_loop3A_236, %parallel_loop3A_670 : vector<16xf32>
        %parallel_loop3A_672 = arith.addf %parallel_loop3A_658, %parallel_loop3A_671 : vector<16xf32>
        %parallel_loop3A_673 = arith.constant 6 : i32
        %parallel_loop3A_674 = arith.addi %parallel_loop3A_215, %parallel_loop3A_673 : i32
        %parallel_loop3A_675 = arith.index_cast %parallel_loop3A_674 : i32 to index
        %parallel_loop3A_676 = arith.constant 112 : index
        %parallel_loop3A_677 = tpu.vector_load %arg10[%parallel_loop3A_675, %parallel_loop3A_676] {strides = array<i32>} : memref<256x128xf32, #tpu.memory_space<vmem>>, vector<16xf32>,
        %parallel_loop3A_678 = arith.mulf %parallel_loop3A_239, %parallel_loop3A_677 : vector<16xf32>
        %parallel_loop3A_679 = arith.addf %parallel_loop3A_665, %parallel_loop3A_678 : vector<16xf32>
        %parallel_loop3A_680 = arith.constant 6 : i32
        %parallel_loop3A_681 = vector.broadcast %parallel_loop3A_680 : i32 to vector<16xi32>
        %parallel_loop3A_682 = arith.cmpi eq, %iota3A, %parallel_loop3A_681 : vector<16xi32>
        %parallel_loop3A_683 = arith.addf %parallel_loop3A_672, %parallel_loop3A_679 : vector<16xf32>
        %parallel_loop3A_684 = arith.constant true
        %parallel_loop3A_685 = vector.broadcast %parallel_loop3A_684 : i1 to vector<16xi1>
        %parallel_loop3A_686 = tpu.scan <sum>, %parallel_loop3A_683 masked %parallel_loop3A_685 : vector<16xf32>, vector<16xi1> -> vector<16xf32>
        %parallel_loop3A_687 = vector.extract %parallel_loop3A_686[15] : f32 from vector<16xf32>
        %parallel_loop3A_688 = vector.broadcast %parallel_loop3A_687 : f32 to vector<16xf32>
        %parallel_loop3A_689 = arith.select %parallel_loop3A_682, %parallel_loop3A_688, %parallel_loop3A_625 : vector<16xi1>, vector<16xf32>
        %parallel_loop3A_690 = arith.constant 7 : i32
        %parallel_loop3A_691 = arith.addi %parallel_loop3A_215, %parallel_loop3A_690 : i32
        %parallel_loop3A_692 = arith.index_cast %parallel_loop3A_691 : i32 to index
        %parallel_loop3A_693 = arith.constant 0 : index
        %parallel_loop3A_694 = tpu.vector_load %arg10[%parallel_loop3A_692, %parallel_loop3A_693] {strides = array<i32>} : memref<256x128xf32, #tpu.memory_space<vmem>>, vector<16xf32>,
        %parallel_loop3A_695 = arith.mulf %parallel_loop3A_218, %parallel_loop3A_694 : vector<16xf32>
        %parallel_loop3A_696 = arith.constant 7 : i32
        %parallel_loop3A_697 = arith.addi %parallel_loop3A_215, %parallel_loop3A_696 : i32
        %parallel_loop3A_698 = arith.index_cast %parallel_loop3A_697 : i32 to index
        %parallel_loop3A_699 = arith.constant 16 : index
        %parallel_loop3A_700 = tpu.vector_load %arg10[%parallel_loop3A_698, %parallel_loop3A_699] {strides = array<i32>} : memref<256x128xf32, #tpu.memory_space<vmem>>, vector<16xf32>,
        %parallel_loop3A_701 = arith.mulf %parallel_loop3A_221, %parallel_loop3A_700 : vector<16xf32>
        %parallel_loop3A_702 = arith.constant 7 : i32
        %parallel_loop3A_703 = arith.addi %parallel_loop3A_215, %parallel_loop3A_702 : i32
        %parallel_loop3A_704 = arith.index_cast %parallel_loop3A_703 : i32 to index
        %parallel_loop3A_705 = arith.constant 32 : index
        %parallel_loop3A_706 = tpu.vector_load %arg10[%parallel_loop3A_704, %parallel_loop3A_705] {strides = array<i32>} : memref<256x128xf32, #tpu.memory_space<vmem>>, vector<16xf32>,
        %parallel_loop3A_707 = arith.mulf %parallel_loop3A_224, %parallel_loop3A_706 : vector<16xf32>
        %parallel_loop3A_708 = arith.addf %parallel_loop3A_695, %parallel_loop3A_707 : vector<16xf32>
        %parallel_loop3A_709 = arith.constant 7 : i32
        %parallel_loop3A_710 = arith.addi %parallel_loop3A_215, %parallel_loop3A_709 : i32
        %parallel_loop3A_711 = arith.index_cast %parallel_loop3A_710 : i32 to index
        %parallel_loop3A_712 = arith.constant 48 : index
        %parallel_loop3A_713 = tpu.vector_load %arg10[%parallel_loop3A_711, %parallel_loop3A_712] {strides = array<i32>} : memref<256x128xf32, #tpu.memory_space<vmem>>, vector<16xf32>,
        %parallel_loop3A_714 = arith.mulf %parallel_loop3A_227, %parallel_loop3A_713 : vector<16xf32>
        %parallel_loop3A_715 = arith.addf %parallel_loop3A_701, %parallel_loop3A_714 : vector<16xf32>
        %parallel_loop3A_716 = arith.constant 7 : i32
        %parallel_loop3A_717 = arith.addi %parallel_loop3A_215, %parallel_loop3A_716 : i32
        %parallel_loop3A_718 = arith.index_cast %parallel_loop3A_717 : i32 to index
        %parallel_loop3A_719 = arith.constant 64 : index
        %parallel_loop3A_720 = tpu.vector_load %arg10[%parallel_loop3A_718, %parallel_loop3A_719] {strides = array<i32>} : memref<256x128xf32, #tpu.memory_space<vmem>>, vector<16xf32>,
        %parallel_loop3A_721 = arith.mulf %parallel_loop3A_230, %parallel_loop3A_720 : vector<16xf32>
        %parallel_loop3A_722 = arith.addf %parallel_loop3A_708, %parallel_loop3A_721 : vector<16xf32>
        %parallel_loop3A_723 = arith.constant 7 : i32
        %parallel_loop3A_724 = arith.addi %parallel_loop3A_215, %parallel_loop3A_723 : i32
        %parallel_loop3A_725 = arith.index_cast %parallel_loop3A_724 : i32 to index
        %parallel_loop3A_726 = arith.constant 80 : index
        %parallel_loop3A_727 = tpu.vector_load %arg10[%parallel_loop3A_725, %parallel_loop3A_726] {strides = array<i32>} : memref<256x128xf32, #tpu.memory_space<vmem>>, vector<16xf32>,
        %parallel_loop3A_728 = arith.mulf %parallel_loop3A_233, %parallel_loop3A_727 : vector<16xf32>
        %parallel_loop3A_729 = arith.addf %parallel_loop3A_715, %parallel_loop3A_728 : vector<16xf32>
        %parallel_loop3A_730 = arith.constant 7 : i32
        %parallel_loop3A_731 = arith.addi %parallel_loop3A_215, %parallel_loop3A_730 : i32
        %parallel_loop3A_732 = arith.index_cast %parallel_loop3A_731 : i32 to index
        %parallel_loop3A_733 = arith.constant 96 : index
        %parallel_loop3A_734 = tpu.vector_load %arg10[%parallel_loop3A_732, %parallel_loop3A_733] {strides = array<i32>} : memref<256x128xf32, #tpu.memory_space<vmem>>, vector<16xf32>,
        %parallel_loop3A_735 = arith.mulf %parallel_loop3A_236, %parallel_loop3A_734 : vector<16xf32>
        %parallel_loop3A_736 = arith.addf %parallel_loop3A_722, %parallel_loop3A_735 : vector<16xf32>
        %parallel_loop3A_737 = arith.constant 7 : i32
        %parallel_loop3A_738 = arith.addi %parallel_loop3A_215, %parallel_loop3A_737 : i32
        %parallel_loop3A_739 = arith.index_cast %parallel_loop3A_738 : i32 to index
        %parallel_loop3A_740 = arith.constant 112 : index
        %parallel_loop3A_741 = tpu.vector_load %arg10[%parallel_loop3A_739, %parallel_loop3A_740] {strides = array<i32>} : memref<256x128xf32, #tpu.memory_space<vmem>>, vector<16xf32>,
        %parallel_loop3A_742 = arith.mulf %parallel_loop3A_239, %parallel_loop3A_741 : vector<16xf32>
        %parallel_loop3A_743 = arith.addf %parallel_loop3A_729, %parallel_loop3A_742 : vector<16xf32>
        %parallel_loop3A_744 = arith.constant 7 : i32
        %parallel_loop3A_745 = vector.broadcast %parallel_loop3A_744 : i32 to vector<16xi32>
        %parallel_loop3A_746 = arith.cmpi eq, %iota3A, %parallel_loop3A_745 : vector<16xi32>
        %parallel_loop3A_747 = arith.addf %parallel_loop3A_736, %parallel_loop3A_743 : vector<16xf32>
        %parallel_loop3A_748 = arith.constant true
        %parallel_loop3A_749 = vector.broadcast %parallel_loop3A_748 : i1 to vector<16xi1>
        %parallel_loop3A_750 = tpu.scan <sum>, %parallel_loop3A_747 masked %parallel_loop3A_749 : vector<16xf32>, vector<16xi1> -> vector<16xf32>
        %parallel_loop3A_751 = vector.extract %parallel_loop3A_750[15] : f32 from vector<16xf32>
        %parallel_loop3A_752 = vector.broadcast %parallel_loop3A_751 : f32 to vector<16xf32>
        %parallel_loop3A_753 = arith.select %parallel_loop3A_746, %parallel_loop3A_752, %parallel_loop3A_689 : vector<16xi1>, vector<16xf32>
        %parallel_loop3A_754 = math.exp %parallel_loop3A_753 : vector<16xf32>
        %parallel_loop3A_755 = arith.constant true
        %parallel_loop3A_756 = vector.broadcast %parallel_loop3A_755 : i1 to vector<16xi1>
        %parallel_loop3A_757 = tpu.scan <sum>, %parallel_loop3A_754 masked %parallel_loop3A_756 : vector<16xf32>, vector<16xi1> -> vector<16xf32>
        %parallel_loop3A_758 = vector.extract %parallel_loop3A_757[15] : f32 from vector<16xf32>
        %parallel_loop3A_759 = arith.constant 16 : i32
        %parallel_loop3A_760 = arith.muli %add3A_190, %parallel_loop3A_759 : i32
        %parallel_loop3A_761 = arith.addi %parallel_loop3A_760, %parallel_loop3A_209 : i32
        %parallel_loop3A_762 = arith.constant 8 : i32
        %parallel_loop3A_763 = arith.muli %parallel_loop3A_761, %parallel_loop3A_762 : i32
        %parallel_loop3A_764 = vector.broadcast %parallel_loop3A_763 : i32 to vector<16xi32>
        %parallel_loop3A_765 = tpu.vector_load_idx %arg6[%parallel_loop3A_764] : memref<5120xi32, #tpu.memory_space<vmem>>[vector<16xi32>], vector<16xi32>,
        %parallel_loop3A_766 = arith.constant 29 : i32
        %parallel_loop3A_767 = vector.broadcast %parallel_loop3A_766 : i32 to vector<16xi32>
        %parallel_loop3A_768 = arith.shrsi %parallel_loop3A_765, %parallel_loop3A_767 : vector<16xi32>
        %parallel_loop3A_769 = arith.constant 0 : i32
        %parallel_loop3A_770 = vector.broadcast %parallel_loop3A_769 : i32 to vector<16xi32>
        %parallel_loop3A_771 = arith.cmpi ne, %parallel_loop3A_768, %parallel_loop3A_770 : vector<16xi32>
        %parallel_loop3A_772 = arith.constant 1.000000e+00 : f32
        %parallel_loop3A_773 = arith.constant 0.000000e+00 : f32
        %parallel_loop3A_774 = vector.broadcast %parallel_loop3A_772 : f32 to vector<16xf32>
        %parallel_loop3A_775 = vector.broadcast %parallel_loop3A_773 : f32 to vector<16xf32>
        %parallel_loop3A_776 = arith.select %parallel_loop3A_771, %parallel_loop3A_774, %parallel_loop3A_775 : vector<16xi1>, vector<16xf32>
        %parallel_loop3A_777 = vector.broadcast %parallel_loop3A_758 : f32 to vector<16xf32>
        %parallel_loop3A_778 = arith.divf %parallel_loop3A_754, %parallel_loop3A_777 : vector<16xf32>
        %parallel_loop3A_779 = arith.mulf %parallel_loop3A_778, %parallel_loop3A_776 : vector<16xf32>
        %parallel_loop3A_780 = vector.extract_strided_slice %parallel_loop3A_779 {offsets = [0], sizes = [1], strides = [1]} : vector<16xf32> to vector<1xf32>
        %parallel_loop3A_781 = vector.extract %parallel_loop3A_780[0] : f32 from vector<1xf32>
        %parallel_loop3A_782 = vector.extract_strided_slice %parallel_loop3A_779 {offsets = [1], sizes = [1], strides = [1]} : vector<16xf32> to vector<1xf32>
        %parallel_loop3A_783 = vector.extract %parallel_loop3A_782[0] : f32 from vector<1xf32>
        %parallel_loop3A_784 = vector.extract_strided_slice %parallel_loop3A_779 {offsets = [2], sizes = [1], strides = [1]} : vector<16xf32> to vector<1xf32>
        %parallel_loop3A_785 = vector.extract %parallel_loop3A_784[0] : f32 from vector<1xf32>
        %parallel_loop3A_786 = vector.extract_strided_slice %parallel_loop3A_779 {offsets = [3], sizes = [1], strides = [1]} : vector<16xf32> to vector<1xf32>
        %parallel_loop3A_787 = vector.extract %parallel_loop3A_786[0] : f32 from vector<1xf32>
        %parallel_loop3A_788 = vector.extract_strided_slice %parallel_loop3A_779 {offsets = [4], sizes = [1], strides = [1]} : vector<16xf32> to vector<1xf32>
        %parallel_loop3A_789 = vector.extract %parallel_loop3A_788[0] : f32 from vector<1xf32>
        %parallel_loop3A_790 = vector.extract_strided_slice %parallel_loop3A_779 {offsets = [5], sizes = [1], strides = [1]} : vector<16xf32> to vector<1xf32>
        %parallel_loop3A_791 = vector.extract %parallel_loop3A_790[0] : f32 from vector<1xf32>
        %parallel_loop3A_792 = vector.extract_strided_slice %parallel_loop3A_779 {offsets = [6], sizes = [1], strides = [1]} : vector<16xf32> to vector<1xf32>
        %parallel_loop3A_793 = vector.extract %parallel_loop3A_792[0] : f32 from vector<1xf32>
        %parallel_loop3A_794 = vector.extract_strided_slice %parallel_loop3A_779 {offsets = [7], sizes = [1], strides = [1]} : vector<16xf32> to vector<1xf32>
        %parallel_loop3A_795 = vector.extract %parallel_loop3A_794[0] : f32 from vector<1xf32>
        %parallel_loop3A_796 = arith.index_cast %parallel_loop3A_211 : i32 to index
        %parallel_loop3A_797 = arith.constant 0 : index
        %parallel_loop3A_798 = tpu.vector_load %arg12[%parallel_loop3A_796, %parallel_loop3A_797] {strides = array<i32>} : memref<32x256xf32, #tpu.memory_space<vmem>>, vector<16xf32>,
        tpu.vector_store %arg12[%parallel_loop3A_796, %parallel_loop3A_797], %parallel_loop3A_218 {strides = array<i32>} : memref<32x256xf32, #tpu.memory_space<vmem>>, vector<16xf32>,
        %parallel_loop3A_799 = arith.index_cast %parallel_loop3A_211 : i32 to index
        %parallel_loop3A_800 = arith.constant 16 : index
        %parallel_loop3A_801 = tpu.vector_load %arg12[%parallel_loop3A_799, %parallel_loop3A_800] {strides = array<i32>} : memref<32x256xf32, #tpu.memory_space<vmem>>, vector<16xf32>,
        tpu.vector_store %arg12[%parallel_loop3A_799, %parallel_loop3A_800], %parallel_loop3A_221 {strides = array<i32>} : memref<32x256xf32, #tpu.memory_space<vmem>>, vector<16xf32>,
        %parallel_loop3A_802 = arith.index_cast %parallel_loop3A_211 : i32 to index
        %parallel_loop3A_803 = arith.constant 32 : index
        %parallel_loop3A_804 = tpu.vector_load %arg12[%parallel_loop3A_802, %parallel_loop3A_803] {strides = array<i32>} : memref<32x256xf32, #tpu.memory_space<vmem>>, vector<16xf32>,
        tpu.vector_store %arg12[%parallel_loop3A_802, %parallel_loop3A_803], %parallel_loop3A_224 {strides = array<i32>} : memref<32x256xf32, #tpu.memory_space<vmem>>, vector<16xf32>,
        %parallel_loop3A_805 = arith.index_cast %parallel_loop3A_211 : i32 to index
        %parallel_loop3A_806 = arith.constant 48 : index
        %parallel_loop3A_807 = tpu.vector_load %arg12[%parallel_loop3A_805, %parallel_loop3A_806] {strides = array<i32>} : memref<32x256xf32, #tpu.memory_space<vmem>>, vector<16xf32>,
        tpu.vector_store %arg12[%parallel_loop3A_805, %parallel_loop3A_806], %parallel_loop3A_227 {strides = array<i32>} : memref<32x256xf32, #tpu.memory_space<vmem>>, vector<16xf32>,
        %parallel_loop3A_808 = arith.index_cast %parallel_loop3A_211 : i32 to index
        %parallel_loop3A_809 = arith.constant 64 : index
        %parallel_loop3A_810 = tpu.vector_load %arg12[%parallel_loop3A_808, %parallel_loop3A_809] {strides = array<i32>} : memref<32x256xf32, #tpu.memory_space<vmem>>, vector<16xf32>,
        tpu.vector_store %arg12[%parallel_loop3A_808, %parallel_loop3A_809], %parallel_loop3A_230 {strides = array<i32>} : memref<32x256xf32, #tpu.memory_space<vmem>>, vector<16xf32>,
        %parallel_loop3A_811 = arith.index_cast %parallel_loop3A_211 : i32 to index
        %parallel_loop3A_812 = arith.constant 80 : index
        %parallel_loop3A_813 = tpu.vector_load %arg12[%parallel_loop3A_811, %parallel_loop3A_812] {strides = array<i32>} : memref<32x256xf32, #tpu.memory_space<vmem>>, vector<16xf32>,
        tpu.vector_store %arg12[%parallel_loop3A_811, %parallel_loop3A_812], %parallel_loop3A_233 {strides = array<i32>} : memref<32x256xf32, #tpu.memory_space<vmem>>, vector<16xf32>,
        %parallel_loop3A_814 = arith.index_cast %parallel_loop3A_211 : i32 to index
        %parallel_loop3A_815 = arith.constant 96 : index
        %parallel_loop3A_816 = tpu.vector_load %arg12[%parallel_loop3A_814, %parallel_loop3A_815] {strides = array<i32>} : memref<32x256xf32, #tpu.memory_space<vmem>>, vector<16xf32>,
        tpu.vector_store %arg12[%parallel_loop3A_814, %parallel_loop3A_815], %parallel_loop3A_236 {strides = array<i32>} : memref<32x256xf32, #tpu.memory_space<vmem>>, vector<16xf32>,
        %parallel_loop3A_817 = arith.index_cast %parallel_loop3A_211 : i32 to index
        %parallel_loop3A_818 = arith.constant 112 : index
        %parallel_loop3A_819 = tpu.vector_load %arg12[%parallel_loop3A_817, %parallel_loop3A_818] {strides = array<i32>} : memref<32x256xf32, #tpu.memory_space<vmem>>, vector<16xf32>,
        tpu.vector_store %arg12[%parallel_loop3A_817, %parallel_loop3A_818], %parallel_loop3A_239 {strides = array<i32>} : memref<32x256xf32, #tpu.memory_space<vmem>>, vector<16xf32>,
        %parallel_loop3A_820 = arith.index_cast %parallel_loop3A_215 : i32 to index
        %parallel_loop3A_821 = arith.constant 0 : index
        %parallel_loop3A_822 = tpu.vector_load %arg11[%parallel_loop3A_820, %parallel_loop3A_821] {strides = array<i32>} : memref<256x128xf32, #tpu.memory_space<vmem>>, vector<16xf32>,
        %parallel_loop3A_823 = vector.broadcast %parallel_loop3A_781 : f32 to vector<16xf32>
        %parallel_loop3A_824 = arith.mulf %parallel_loop3A_823, %parallel_loop3A_822 : vector<16xf32>
        %parallel_loop3A_825 = arith.constant 1 : i32
        %parallel_loop3A_826 = arith.addi %parallel_loop3A_215, %parallel_loop3A_825 : i32
        %parallel_loop3A_827 = arith.index_cast %parallel_loop3A_826 : i32 to index
        %parallel_loop3A_828 = arith.constant 0 : index
        %parallel_loop3A_829 = tpu.vector_load %arg11[%parallel_loop3A_827, %parallel_loop3A_828] {strides = array<i32>} : memref<256x128xf32, #tpu.memory_space<vmem>>, vector<16xf32>,
        %parallel_loop3A_830 = vector.broadcast %parallel_loop3A_783 : f32 to vector<16xf32>
        %parallel_loop3A_831 = arith.mulf %parallel_loop3A_830, %parallel_loop3A_829 : vector<16xf32>
        %parallel_loop3A_832 = arith.constant 2 : i32
        %parallel_loop3A_833 = arith.addi %parallel_loop3A_215, %parallel_loop3A_832 : i32
        %parallel_loop3A_834 = arith.index_cast %parallel_loop3A_833 : i32 to index
        %parallel_loop3A_835 = arith.constant 0 : index
        %parallel_loop3A_836 = tpu.vector_load %arg11[%parallel_loop3A_834, %parallel_loop3A_835] {strides = array<i32>} : memref<256x128xf32, #tpu.memory_space<vmem>>, vector<16xf32>,
        %parallel_loop3A_837 = vector.broadcast %parallel_loop3A_785 : f32 to vector<16xf32>
        %parallel_loop3A_838 = arith.mulf %parallel_loop3A_837, %parallel_loop3A_836 : vector<16xf32>
        %parallel_loop3A_839 = arith.addf %parallel_loop3A_824, %parallel_loop3A_838 : vector<16xf32>
        %parallel_loop3A_840 = arith.constant 2 : i32
        %parallel_loop3A_841 = arith.addi %parallel_loop3A_215, %parallel_loop3A_840 : i32
        %parallel_loop3A_842 = arith.constant 1 : i32
        %parallel_loop3A_843 = arith.addi %parallel_loop3A_841, %parallel_loop3A_842 : i32
        %parallel_loop3A_844 = arith.index_cast %parallel_loop3A_843 : i32 to index
        %parallel_loop3A_845 = arith.constant 0 : index
        %parallel_loop3A_846 = tpu.vector_load %arg11[%parallel_loop3A_844, %parallel_loop3A_845] {strides = array<i32>} : memref<256x128xf32, #tpu.memory_space<vmem>>, vector<16xf32>,
        %parallel_loop3A_847 = vector.broadcast %parallel_loop3A_787 : f32 to vector<16xf32>
        %parallel_loop3A_848 = arith.mulf %parallel_loop3A_847, %parallel_loop3A_846 : vector<16xf32>
        %parallel_loop3A_849 = arith.addf %parallel_loop3A_831, %parallel_loop3A_848 : vector<16xf32>
        %parallel_loop3A_850 = arith.constant 4 : i32
        %parallel_loop3A_851 = arith.addi %parallel_loop3A_215, %parallel_loop3A_850 : i32
        %parallel_loop3A_852 = arith.index_cast %parallel_loop3A_851 : i32 to index
        %parallel_loop3A_853 = arith.constant 0 : index
        %parallel_loop3A_854 = tpu.vector_load %arg11[%parallel_loop3A_852, %parallel_loop3A_853] {strides = array<i32>} : memref<256x128xf32, #tpu.memory_space<vmem>>, vector<16xf32>,
        %parallel_loop3A_855 = vector.broadcast %parallel_loop3A_789 : f32 to vector<16xf32>
        %parallel_loop3A_856 = arith.mulf %parallel_loop3A_855, %parallel_loop3A_854 : vector<16xf32>
        %parallel_loop3A_857 = arith.addf %parallel_loop3A_839, %parallel_loop3A_856 : vector<16xf32>
        %parallel_loop3A_858 = arith.constant 4 : i32
        %parallel_loop3A_859 = arith.addi %parallel_loop3A_215, %parallel_loop3A_858 : i32
        %parallel_loop3A_860 = arith.constant 1 : i32
        %parallel_loop3A_861 = arith.addi %parallel_loop3A_859, %parallel_loop3A_860 : i32
        %parallel_loop3A_862 = arith.index_cast %parallel_loop3A_861 : i32 to index
        %parallel_loop3A_863 = arith.constant 0 : index
        %parallel_loop3A_864 = tpu.vector_load %arg11[%parallel_loop3A_862, %parallel_loop3A_863] {strides = array<i32>} : memref<256x128xf32, #tpu.memory_space<vmem>>, vector<16xf32>,
        %parallel_loop3A_865 = vector.broadcast %parallel_loop3A_791 : f32 to vector<16xf32>
        %parallel_loop3A_866 = arith.mulf %parallel_loop3A_865, %parallel_loop3A_864 : vector<16xf32>
        %parallel_loop3A_867 = arith.addf %parallel_loop3A_849, %parallel_loop3A_866 : vector<16xf32>
        %parallel_loop3A_868 = arith.constant 6 : i32
        %parallel_loop3A_869 = arith.addi %parallel_loop3A_215, %parallel_loop3A_868 : i32
        %parallel_loop3A_870 = arith.index_cast %parallel_loop3A_869 : i32 to index
        %parallel_loop3A_871 = arith.constant 0 : index
        %parallel_loop3A_872 = tpu.vector_load %arg11[%parallel_loop3A_870, %parallel_loop3A_871] {strides = array<i32>} : memref<256x128xf32, #tpu.memory_space<vmem>>, vector<16xf32>,
        %parallel_loop3A_873 = vector.broadcast %parallel_loop3A_793 : f32 to vector<16xf32>
        %parallel_loop3A_874 = arith.mulf %parallel_loop3A_873, %parallel_loop3A_872 : vector<16xf32>
        %parallel_loop3A_875 = arith.addf %parallel_loop3A_857, %parallel_loop3A_874 : vector<16xf32>
        %parallel_loop3A_876 = arith.constant 6 : i32
        %parallel_loop3A_877 = arith.addi %parallel_loop3A_215, %parallel_loop3A_876 : i32
        %parallel_loop3A_878 = arith.constant 1 : i32
        %parallel_loop3A_879 = arith.addi %parallel_loop3A_877, %parallel_loop3A_878 : i32
        %parallel_loop3A_880 = arith.index_cast %parallel_loop3A_879 : i32 to index
        %parallel_loop3A_881 = arith.constant 0 : index
        %parallel_loop3A_882 = tpu.vector_load %arg11[%parallel_loop3A_880, %parallel_loop3A_881] {strides = array<i32>} : memref<256x128xf32, #tpu.memory_space<vmem>>, vector<16xf32>,
        %parallel_loop3A_883 = vector.broadcast %parallel_loop3A_795 : f32 to vector<16xf32>
        %parallel_loop3A_884 = arith.mulf %parallel_loop3A_883, %parallel_loop3A_882 : vector<16xf32>
        %parallel_loop3A_885 = arith.addf %parallel_loop3A_867, %parallel_loop3A_884 : vector<16xf32>
        %parallel_loop3A_886 = arith.addf %parallel_loop3A_875, %parallel_loop3A_885 : vector<16xf32>
        %parallel_loop3A_887 = arith.index_cast %parallel_loop3A_211 : i32 to index
        %parallel_loop3A_888 = arith.constant 128 : index
        %parallel_loop3A_889 = tpu.vector_load %arg12[%parallel_loop3A_887, %parallel_loop3A_888] {strides = array<i32>} : memref<32x256xf32, #tpu.memory_space<vmem>>, vector<16xf32>,
        tpu.vector_store %arg12[%parallel_loop3A_887, %parallel_loop3A_888], %parallel_loop3A_886 {strides = array<i32>} : memref<32x256xf32, #tpu.memory_space<vmem>>, vector<16xf32>,
        %parallel_loop3A_890 = arith.index_cast %parallel_loop3A_215 : i32 to index
        %parallel_loop3A_891 = arith.constant 16 : index
        %parallel_loop3A_892 = tpu.vector_load %arg11[%parallel_loop3A_890, %parallel_loop3A_891] {strides = array<i32>} : memref<256x128xf32, #tpu.memory_space<vmem>>, vector<16xf32>,
        %parallel_loop3A_893 = vector.broadcast %parallel_loop3A_781 : f32 to vector<16xf32>
        %parallel_loop3A_894 = arith.mulf %parallel_loop3A_893, %parallel_loop3A_892 : vector<16xf32>
        %parallel_loop3A_895 = arith.constant 1 : i32
        %parallel_loop3A_896 = arith.addi %parallel_loop3A_215, %parallel_loop3A_895 : i32
        %parallel_loop3A_897 = arith.index_cast %parallel_loop3A_896 : i32 to index
        %parallel_loop3A_898 = arith.constant 16 : index
        %parallel_loop3A_899 = tpu.vector_load %arg11[%parallel_loop3A_897, %parallel_loop3A_898] {strides = array<i32>} : memref<256x128xf32, #tpu.memory_space<vmem>>, vector<16xf32>,
        %parallel_loop3A_900 = vector.broadcast %parallel_loop3A_783 : f32 to vector<16xf32>
        %parallel_loop3A_901 = arith.mulf %parallel_loop3A_900, %parallel_loop3A_899 : vector<16xf32>
        %parallel_loop3A_902 = arith.constant 2 : i32
        %parallel_loop3A_903 = arith.addi %parallel_loop3A_215, %parallel_loop3A_902 : i32
        %parallel_loop3A_904 = arith.index_cast %parallel_loop3A_903 : i32 to index
        %parallel_loop3A_905 = arith.constant 16 : index
        %parallel_loop3A_906 = tpu.vector_load %arg11[%parallel_loop3A_904, %parallel_loop3A_905] {strides = array<i32>} : memref<256x128xf32, #tpu.memory_space<vmem>>, vector<16xf32>,
        %parallel_loop3A_907 = vector.broadcast %parallel_loop3A_785 : f32 to vector<16xf32>
        %parallel_loop3A_908 = arith.mulf %parallel_loop3A_907, %parallel_loop3A_906 : vector<16xf32>
        %parallel_loop3A_909 = arith.addf %parallel_loop3A_894, %parallel_loop3A_908 : vector<16xf32>
        %parallel_loop3A_910 = arith.constant 2 : i32
        %parallel_loop3A_911 = arith.addi %parallel_loop3A_215, %parallel_loop3A_910 : i32
        %parallel_loop3A_912 = arith.constant 1 : i32
        %parallel_loop3A_913 = arith.addi %parallel_loop3A_911, %parallel_loop3A_912 : i32
        %parallel_loop3A_914 = arith.index_cast %parallel_loop3A_913 : i32 to index
        %parallel_loop3A_915 = arith.constant 16 : index
        %parallel_loop3A_916 = tpu.vector_load %arg11[%parallel_loop3A_914, %parallel_loop3A_915] {strides = array<i32>} : memref<256x128xf32, #tpu.memory_space<vmem>>, vector<16xf32>,
        %parallel_loop3A_917 = vector.broadcast %parallel_loop3A_787 : f32 to vector<16xf32>
        %parallel_loop3A_918 = arith.mulf %parallel_loop3A_917, %parallel_loop3A_916 : vector<16xf32>
        %parallel_loop3A_919 = arith.addf %parallel_loop3A_901, %parallel_loop3A_918 : vector<16xf32>
        %parallel_loop3A_920 = arith.constant 4 : i32
        %parallel_loop3A_921 = arith.addi %parallel_loop3A_215, %parallel_loop3A_920 : i32
        %parallel_loop3A_922 = arith.index_cast %parallel_loop3A_921 : i32 to index
        %parallel_loop3A_923 = arith.constant 16 : index
        %parallel_loop3A_924 = tpu.vector_load %arg11[%parallel_loop3A_922, %parallel_loop3A_923] {strides = array<i32>} : memref<256x128xf32, #tpu.memory_space<vmem>>, vector<16xf32>,
        %parallel_loop3A_925 = vector.broadcast %parallel_loop3A_789 : f32 to vector<16xf32>
        %parallel_loop3A_926 = arith.mulf %parallel_loop3A_925, %parallel_loop3A_924 : vector<16xf32>
        %parallel_loop3A_927 = arith.addf %parallel_loop3A_909, %parallel_loop3A_926 : vector<16xf32>
        %parallel_loop3A_928 = arith.constant 4 : i32
        %parallel_loop3A_929 = arith.addi %parallel_loop3A_215, %parallel_loop3A_928 : i32
        %parallel_loop3A_930 = arith.constant 1 : i32
        %parallel_loop3A_931 = arith.addi %parallel_loop3A_929, %parallel_loop3A_930 : i32
        %parallel_loop3A_932 = arith.index_cast %parallel_loop3A_931 : i32 to index
        %parallel_loop3A_933 = arith.constant 16 : index
        %parallel_loop3A_934 = tpu.vector_load %arg11[%parallel_loop3A_932, %parallel_loop3A_933] {strides = array<i32>} : memref<256x128xf32, #tpu.memory_space<vmem>>, vector<16xf32>,
        %parallel_loop3A_935 = vector.broadcast %parallel_loop3A_791 : f32 to vector<16xf32>
        %parallel_loop3A_936 = arith.mulf %parallel_loop3A_935, %parallel_loop3A_934 : vector<16xf32>
        %parallel_loop3A_937 = arith.addf %parallel_loop3A_919, %parallel_loop3A_936 : vector<16xf32>
        %parallel_loop3A_938 = arith.constant 6 : i32
        %parallel_loop3A_939 = arith.addi %parallel_loop3A_215, %parallel_loop3A_938 : i32
        %parallel_loop3A_940 = arith.index_cast %parallel_loop3A_939 : i32 to index
        %parallel_loop3A_941 = arith.constant 16 : index
        %parallel_loop3A_942 = tpu.vector_load %arg11[%parallel_loop3A_940, %parallel_loop3A_941] {strides = array<i32>} : memref<256x128xf32, #tpu.memory_space<vmem>>, vector<16xf32>,
        %parallel_loop3A_943 = vector.broadcast %parallel_loop3A_793 : f32 to vector<16xf32>
        %parallel_loop3A_944 = arith.mulf %parallel_loop3A_943, %parallel_loop3A_942 : vector<16xf32>
        %parallel_loop3A_945 = arith.addf %parallel_loop3A_927, %parallel_loop3A_944 : vector<16xf32>
        %parallel_loop3A_946 = arith.constant 6 : i32
        %parallel_loop3A_947 = arith.addi %parallel_loop3A_215, %parallel_loop3A_946 : i32
        %parallel_loop3A_948 = arith.constant 1 : i32
        %parallel_loop3A_949 = arith.addi %parallel_loop3A_947, %parallel_loop3A_948 : i32
        %parallel_loop3A_950 = arith.index_cast %parallel_loop3A_949 : i32 to index
        %parallel_loop3A_951 = arith.constant 16 : index
        %parallel_loop3A_952 = tpu.vector_load %arg11[%parallel_loop3A_950, %parallel_loop3A_951] {strides = array<i32>} : memref<256x128xf32, #tpu.memory_space<vmem>>, vector<16xf32>,
        %parallel_loop3A_953 = vector.broadcast %parallel_loop3A_795 : f32 to vector<16xf32>
        %parallel_loop3A_954 = arith.mulf %parallel_loop3A_953, %parallel_loop3A_952 : vector<16xf32>
        %parallel_loop3A_955 = arith.addf %parallel_loop3A_937, %parallel_loop3A_954 : vector<16xf32>
        %parallel_loop3A_956 = arith.addf %parallel_loop3A_945, %parallel_loop3A_955 : vector<16xf32>
        %parallel_loop3A_957 = arith.index_cast %parallel_loop3A_211 : i32 to index
        %parallel_loop3A_958 = arith.constant 144 : index
        %parallel_loop3A_959 = tpu.vector_load %arg12[%parallel_loop3A_957, %parallel_loop3A_958] {strides = array<i32>} : memref<32x256xf32, #tpu.memory_space<vmem>>, vector<16xf32>,
        tpu.vector_store %arg12[%parallel_loop3A_957, %parallel_loop3A_958], %parallel_loop3A_956 {strides = array<i32>} : memref<32x256xf32, #tpu.memory_space<vmem>>, vector<16xf32>,
        %parallel_loop3A_960 = arith.index_cast %parallel_loop3A_215 : i32 to index
        %parallel_loop3A_961 = arith.constant 32 : index
        %parallel_loop3A_962 = tpu.vector_load %arg11[%parallel_loop3A_960, %parallel_loop3A_961] {strides = array<i32>} : memref<256x128xf32, #tpu.memory_space<vmem>>, vector<16xf32>,
        %parallel_loop3A_963 = vector.broadcast %parallel_loop3A_781 : f32 to vector<16xf32>
        %parallel_loop3A_964 = arith.mulf %parallel_loop3A_963, %parallel_loop3A_962 : vector<16xf32>
        %parallel_loop3A_965 = arith.constant 1 : i32
        %parallel_loop3A_966 = arith.addi %parallel_loop3A_215, %parallel_loop3A_965 : i32
        %parallel_loop3A_967 = arith.index_cast %parallel_loop3A_966 : i32 to index
        %parallel_loop3A_968 = arith.constant 32 : index
        %parallel_loop3A_969 = tpu.vector_load %arg11[%parallel_loop3A_967, %parallel_loop3A_968] {strides = array<i32>} : memref<256x128xf32, #tpu.memory_space<vmem>>, vector<16xf32>,
        %parallel_loop3A_970 = vector.broadcast %parallel_loop3A_783 : f32 to vector<16xf32>
        %parallel_loop3A_971 = arith.mulf %parallel_loop3A_970, %parallel_loop3A_969 : vector<16xf32>
        %parallel_loop3A_972 = arith.constant 2 : i32
        %parallel_loop3A_973 = arith.addi %parallel_loop3A_215, %parallel_loop3A_972 : i32
        %parallel_loop3A_974 = arith.index_cast %parallel_loop3A_973 : i32 to index
        %parallel_loop3A_975 = arith.constant 32 : index
        %parallel_loop3A_976 = tpu.vector_load %arg11[%parallel_loop3A_974, %parallel_loop3A_975] {strides = array<i32>} : memref<256x128xf32, #tpu.memory_space<vmem>>, vector<16xf32>,
        %parallel_loop3A_977 = vector.broadcast %parallel_loop3A_785 : f32 to vector<16xf32>
        %parallel_loop3A_978 = arith.mulf %parallel_loop3A_977, %parallel_loop3A_976 : vector<16xf32>
        %parallel_loop3A_979 = arith.addf %parallel_loop3A_964, %parallel_loop3A_978 : vector<16xf32>
        %parallel_loop3A_980 = arith.constant 2 : i32
        %parallel_loop3A_981 = arith.addi %parallel_loop3A_215, %parallel_loop3A_980 : i32
        %parallel_loop3A_982 = arith.constant 1 : i32
        %parallel_loop3A_983 = arith.addi %parallel_loop3A_981, %parallel_loop3A_982 : i32
        %parallel_loop3A_984 = arith.index_cast %parallel_loop3A_983 : i32 to index
        %parallel_loop3A_985 = arith.constant 32 : index
        %parallel_loop3A_986 = tpu.vector_load %arg11[%parallel_loop3A_984, %parallel_loop3A_985] {strides = array<i32>} : memref<256x128xf32, #tpu.memory_space<vmem>>, vector<16xf32>,
        %parallel_loop3A_987 = vector.broadcast %parallel_loop3A_787 : f32 to vector<16xf32>
        %parallel_loop3A_988 = arith.mulf %parallel_loop3A_987, %parallel_loop3A_986 : vector<16xf32>
        %parallel_loop3A_989 = arith.addf %parallel_loop3A_971, %parallel_loop3A_988 : vector<16xf32>
        %parallel_loop3A_990 = arith.constant 4 : i32
        %parallel_loop3A_991 = arith.addi %parallel_loop3A_215, %parallel_loop3A_990 : i32
        %parallel_loop3A_992 = arith.index_cast %parallel_loop3A_991 : i32 to index
        %parallel_loop3A_993 = arith.constant 32 : index
        %parallel_loop3A_994 = tpu.vector_load %arg11[%parallel_loop3A_992, %parallel_loop3A_993] {strides = array<i32>} : memref<256x128xf32, #tpu.memory_space<vmem>>, vector<16xf32>,
        %parallel_loop3A_995 = vector.broadcast %parallel_loop3A_789 : f32 to vector<16xf32>
        %parallel_loop3A_996 = arith.mulf %parallel_loop3A_995, %parallel_loop3A_994 : vector<16xf32>
        %parallel_loop3A_997 = arith.addf %parallel_loop3A_979, %parallel_loop3A_996 : vector<16xf32>
        %parallel_loop3A_998 = arith.constant 4 : i32
        %parallel_loop3A_999 = arith.addi %parallel_loop3A_215, %parallel_loop3A_998 : i32
        %parallel_loop3A_1000 = arith.constant 1 : i32
        %parallel_loop3A_1001 = arith.addi %parallel_loop3A_999, %parallel_loop3A_1000 : i32
        %parallel_loop3A_1002 = arith.index_cast %parallel_loop3A_1001 : i32 to index
        %parallel_loop3A_1003 = arith.constant 32 : index
        %parallel_loop3A_1004 = tpu.vector_load %arg11[%parallel_loop3A_1002, %parallel_loop3A_1003] {strides = array<i32>} : memref<256x128xf32, #tpu.memory_space<vmem>>, vector<16xf32>,
        %parallel_loop3A_1005 = vector.broadcast %parallel_loop3A_791 : f32 to vector<16xf32>
        %parallel_loop3A_1006 = arith.mulf %parallel_loop3A_1005, %parallel_loop3A_1004 : vector<16xf32>
        %parallel_loop3A_1007 = arith.addf %parallel_loop3A_989, %parallel_loop3A_1006 : vector<16xf32>
        %parallel_loop3A_1008 = arith.constant 6 : i32
        %parallel_loop3A_1009 = arith.addi %parallel_loop3A_215, %parallel_loop3A_1008 : i32
        %parallel_loop3A_1010 = arith.index_cast %parallel_loop3A_1009 : i32 to index
        %parallel_loop3A_1011 = arith.constant 32 : index
        %parallel_loop3A_1012 = tpu.vector_load %arg11[%parallel_loop3A_1010, %parallel_loop3A_1011] {strides = array<i32>} : memref<256x128xf32, #tpu.memory_space<vmem>>, vector<16xf32>,
        %parallel_loop3A_1013 = vector.broadcast %parallel_loop3A_793 : f32 to vector<16xf32>
        %parallel_loop3A_1014 = arith.mulf %parallel_loop3A_1013, %parallel_loop3A_1012 : vector<16xf32>
        %parallel_loop3A_1015 = arith.addf %parallel_loop3A_997, %parallel_loop3A_1014 : vector<16xf32>
        %parallel_loop3A_1016 = arith.constant 6 : i32
        %parallel_loop3A_1017 = arith.addi %parallel_loop3A_215, %parallel_loop3A_1016 : i32
        %parallel_loop3A_1018 = arith.constant 1 : i32
        %parallel_loop3A_1019 = arith.addi %parallel_loop3A_1017, %parallel_loop3A_1018 : i32
        %parallel_loop3A_1020 = arith.index_cast %parallel_loop3A_1019 : i32 to index
        %parallel_loop3A_1021 = arith.constant 32 : index
        %parallel_loop3A_1022 = tpu.vector_load %arg11[%parallel_loop3A_1020, %parallel_loop3A_1021] {strides = array<i32>} : memref<256x128xf32, #tpu.memory_space<vmem>>, vector<16xf32>,
        %parallel_loop3A_1023 = vector.broadcast %parallel_loop3A_795 : f32 to vector<16xf32>
        %parallel_loop3A_1024 = arith.mulf %parallel_loop3A_1023, %parallel_loop3A_1022 : vector<16xf32>
        %parallel_loop3A_1025 = arith.addf %parallel_loop3A_1007, %parallel_loop3A_1024 : vector<16xf32>
        %parallel_loop3A_1026 = arith.addf %parallel_loop3A_1015, %parallel_loop3A_1025 : vector<16xf32>
        %parallel_loop3A_1027 = arith.index_cast %parallel_loop3A_211 : i32 to index
        %parallel_loop3A_1028 = arith.constant 160 : index
        %parallel_loop3A_1029 = tpu.vector_load %arg12[%parallel_loop3A_1027, %parallel_loop3A_1028] {strides = array<i32>} : memref<32x256xf32, #tpu.memory_space<vmem>>, vector<16xf32>,
        tpu.vector_store %arg12[%parallel_loop3A_1027, %parallel_loop3A_1028], %parallel_loop3A_1026 {strides = array<i32>} : memref<32x256xf32, #tpu.memory_space<vmem>>, vector<16xf32>,
        %parallel_loop3A_1030 = arith.index_cast %parallel_loop3A_215 : i32 to index
        %parallel_loop3A_1031 = arith.constant 48 : index
        %parallel_loop3A_1032 = tpu.vector_load %arg11[%parallel_loop3A_1030, %parallel_loop3A_1031] {strides = array<i32>} : memref<256x128xf32, #tpu.memory_space<vmem>>, vector<16xf32>,
        %parallel_loop3A_1033 = vector.broadcast %parallel_loop3A_781 : f32 to vector<16xf32>
        %parallel_loop3A_1034 = arith.mulf %parallel_loop3A_1033, %parallel_loop3A_1032 : vector<16xf32>
        %parallel_loop3A_1035 = arith.constant 1 : i32
        %parallel_loop3A_1036 = arith.addi %parallel_loop3A_215, %parallel_loop3A_1035 : i32
        %parallel_loop3A_1037 = arith.index_cast %parallel_loop3A_1036 : i32 to index
        %parallel_loop3A_1038 = arith.constant 48 : index
        %parallel_loop3A_1039 = tpu.vector_load %arg11[%parallel_loop3A_1037, %parallel_loop3A_1038] {strides = array<i32>} : memref<256x128xf32, #tpu.memory_space<vmem>>, vector<16xf32>,
        %parallel_loop3A_1040 = vector.broadcast %parallel_loop3A_783 : f32 to vector<16xf32>
        %parallel_loop3A_1041 = arith.mulf %parallel_loop3A_1040, %parallel_loop3A_1039 : vector<16xf32>
        %parallel_loop3A_1042 = arith.constant 2 : i32
        %parallel_loop3A_1043 = arith.addi %parallel_loop3A_215, %parallel_loop3A_1042 : i32
        %parallel_loop3A_1044 = arith.index_cast %parallel_loop3A_1043 : i32 to index
        %parallel_loop3A_1045 = arith.constant 48 : index
        %parallel_loop3A_1046 = tpu.vector_load %arg11[%parallel_loop3A_1044, %parallel_loop3A_1045] {strides = array<i32>} : memref<256x128xf32, #tpu.memory_space<vmem>>, vector<16xf32>,
        %parallel_loop3A_1047 = vector.broadcast %parallel_loop3A_785 : f32 to vector<16xf32>
        %parallel_loop3A_1048 = arith.mulf %parallel_loop3A_1047, %parallel_loop3A_1046 : vector<16xf32>
        %parallel_loop3A_1049 = arith.addf %parallel_loop3A_1034, %parallel_loop3A_1048 : vector<16xf32>
        %parallel_loop3A_1050 = arith.constant 2 : i32
        %parallel_loop3A_1051 = arith.addi %parallel_loop3A_215, %parallel_loop3A_1050 : i32
        %parallel_loop3A_1052 = arith.constant 1 : i32
        %parallel_loop3A_1053 = arith.addi %parallel_loop3A_1051, %parallel_loop3A_1052 : i32
        %parallel_loop3A_1054 = arith.index_cast %parallel_loop3A_1053 : i32 to index
        %parallel_loop3A_1055 = arith.constant 48 : index
        %parallel_loop3A_1056 = tpu.vector_load %arg11[%parallel_loop3A_1054, %parallel_loop3A_1055] {strides = array<i32>} : memref<256x128xf32, #tpu.memory_space<vmem>>, vector<16xf32>,
        %parallel_loop3A_1057 = vector.broadcast %parallel_loop3A_787 : f32 to vector<16xf32>
        %parallel_loop3A_1058 = arith.mulf %parallel_loop3A_1057, %parallel_loop3A_1056 : vector<16xf32>
        %parallel_loop3A_1059 = arith.addf %parallel_loop3A_1041, %parallel_loop3A_1058 : vector<16xf32>
        %parallel_loop3A_1060 = arith.constant 4 : i32
        %parallel_loop3A_1061 = arith.addi %parallel_loop3A_215, %parallel_loop3A_1060 : i32
        %parallel_loop3A_1062 = arith.index_cast %parallel_loop3A_1061 : i32 to index
        %parallel_loop3A_1063 = arith.constant 48 : index
        %parallel_loop3A_1064 = tpu.vector_load %arg11[%parallel_loop3A_1062, %parallel_loop3A_1063] {strides = array<i32>} : memref<256x128xf32, #tpu.memory_space<vmem>>, vector<16xf32>,
        %parallel_loop3A_1065 = vector.broadcast %parallel_loop3A_789 : f32 to vector<16xf32>
        %parallel_loop3A_1066 = arith.mulf %parallel_loop3A_1065, %parallel_loop3A_1064 : vector<16xf32>
        %parallel_loop3A_1067 = arith.addf %parallel_loop3A_1049, %parallel_loop3A_1066 : vector<16xf32>
        %parallel_loop3A_1068 = arith.constant 4 : i32
        %parallel_loop3A_1069 = arith.addi %parallel_loop3A_215, %parallel_loop3A_1068 : i32
        %parallel_loop3A_1070 = arith.constant 1 : i32
        %parallel_loop3A_1071 = arith.addi %parallel_loop3A_1069, %parallel_loop3A_1070 : i32
        %parallel_loop3A_1072 = arith.index_cast %parallel_loop3A_1071 : i32 to index
        %parallel_loop3A_1073 = arith.constant 48 : index
        %parallel_loop3A_1074 = tpu.vector_load %arg11[%parallel_loop3A_1072, %parallel_loop3A_1073] {strides = array<i32>} : memref<256x128xf32, #tpu.memory_space<vmem>>, vector<16xf32>,
        %parallel_loop3A_1075 = vector.broadcast %parallel_loop3A_791 : f32 to vector<16xf32>
        %parallel_loop3A_1076 = arith.mulf %parallel_loop3A_1075, %parallel_loop3A_1074 : vector<16xf32>
        %parallel_loop3A_1077 = arith.addf %parallel_loop3A_1059, %parallel_loop3A_1076 : vector<16xf32>
        %parallel_loop3A_1078 = arith.constant 6 : i32
        %parallel_loop3A_1079 = arith.addi %parallel_loop3A_215, %parallel_loop3A_1078 : i32
        %parallel_loop3A_1080 = arith.index_cast %parallel_loop3A_1079 : i32 to index
        %parallel_loop3A_1081 = arith.constant 48 : index
        %parallel_loop3A_1082 = tpu.vector_load %arg11[%parallel_loop3A_1080, %parallel_loop3A_1081] {strides = array<i32>} : memref<256x128xf32, #tpu.memory_space<vmem>>, vector<16xf32>,
        %parallel_loop3A_1083 = vector.broadcast %parallel_loop3A_793 : f32 to vector<16xf32>
        %parallel_loop3A_1084 = arith.mulf %parallel_loop3A_1083, %parallel_loop3A_1082 : vector<16xf32>
        %parallel_loop3A_1085 = arith.addf %parallel_loop3A_1067, %parallel_loop3A_1084 : vector<16xf32>
        %parallel_loop3A_1086 = arith.constant 6 : i32
        %parallel_loop3A_1087 = arith.addi %parallel_loop3A_215, %parallel_loop3A_1086 : i32
        %parallel_loop3A_1088 = arith.constant 1 : i32
        %parallel_loop3A_1089 = arith.addi %parallel_loop3A_1087, %parallel_loop3A_1088 : i32
        %parallel_loop3A_1090 = arith.index_cast %parallel_loop3A_1089 : i32 to index
        %parallel_loop3A_1091 = arith.constant 48 : index
        %parallel_loop3A_1092 = tpu.vector_load %arg11[%parallel_loop3A_1090, %parallel_loop3A_1091] {strides = array<i32>} : memref<256x128xf32, #tpu.memory_space<vmem>>, vector<16xf32>,
        %parallel_loop3A_1093 = vector.broadcast %parallel_loop3A_795 : f32 to vector<16xf32>
        %parallel_loop3A_1094 = arith.mulf %parallel_loop3A_1093, %parallel_loop3A_1092 : vector<16xf32>
        %parallel_loop3A_1095 = arith.addf %parallel_loop3A_1077, %parallel_loop3A_1094 : vector<16xf32>
        %parallel_loop3A_1096 = arith.addf %parallel_loop3A_1085, %parallel_loop3A_1095 : vector<16xf32>
        %parallel_loop3A_1097 = arith.index_cast %parallel_loop3A_211 : i32 to index
        %parallel_loop3A_1098 = arith.constant 176 : index
        %parallel_loop3A_1099 = tpu.vector_load %arg12[%parallel_loop3A_1097, %parallel_loop3A_1098] {strides = array<i32>} : memref<32x256xf32, #tpu.memory_space<vmem>>, vector<16xf32>,
        tpu.vector_store %arg12[%parallel_loop3A_1097, %parallel_loop3A_1098], %parallel_loop3A_1096 {strides = array<i32>} : memref<32x256xf32, #tpu.memory_space<vmem>>, vector<16xf32>,
        %parallel_loop3A_1100 = arith.index_cast %parallel_loop3A_215 : i32 to index
        %parallel_loop3A_1101 = arith.constant 64 : index
        %parallel_loop3A_1102 = tpu.vector_load %arg11[%parallel_loop3A_1100, %parallel_loop3A_1101] {strides = array<i32>} : memref<256x128xf32, #tpu.memory_space<vmem>>, vector<16xf32>,
        %parallel_loop3A_1103 = vector.broadcast %parallel_loop3A_781 : f32 to vector<16xf32>
        %parallel_loop3A_1104 = arith.mulf %parallel_loop3A_1103, %parallel_loop3A_1102 : vector<16xf32>
        %parallel_loop3A_1105 = arith.constant 1 : i32
        %parallel_loop3A_1106 = arith.addi %parallel_loop3A_215, %parallel_loop3A_1105 : i32
        %parallel_loop3A_1107 = arith.index_cast %parallel_loop3A_1106 : i32 to index
        %parallel_loop3A_1108 = arith.constant 64 : index
        %parallel_loop3A_1109 = tpu.vector_load %arg11[%parallel_loop3A_1107, %parallel_loop3A_1108] {strides = array<i32>} : memref<256x128xf32, #tpu.memory_space<vmem>>, vector<16xf32>,
        %parallel_loop3A_1110 = vector.broadcast %parallel_loop3A_783 : f32 to vector<16xf32>
        %parallel_loop3A_1111 = arith.mulf %parallel_loop3A_1110, %parallel_loop3A_1109 : vector<16xf32>
        %parallel_loop3A_1112 = arith.constant 2 : i32
        %parallel_loop3A_1113 = arith.addi %parallel_loop3A_215, %parallel_loop3A_1112 : i32
        %parallel_loop3A_1114 = arith.index_cast %parallel_loop3A_1113 : i32 to index
        %parallel_loop3A_1115 = arith.constant 64 : index
        %parallel_loop3A_1116 = tpu.vector_load %arg11[%parallel_loop3A_1114, %parallel_loop3A_1115] {strides = array<i32>} : memref<256x128xf32, #tpu.memory_space<vmem>>, vector<16xf32>,
        %parallel_loop3A_1117 = vector.broadcast %parallel_loop3A_785 : f32 to vector<16xf32>
        %parallel_loop3A_1118 = arith.mulf %parallel_loop3A_1117, %parallel_loop3A_1116 : vector<16xf32>
        %parallel_loop3A_1119 = arith.addf %parallel_loop3A_1104, %parallel_loop3A_1118 : vector<16xf32>
        %parallel_loop3A_1120 = arith.constant 2 : i32
        %parallel_loop3A_1121 = arith.addi %parallel_loop3A_215, %parallel_loop3A_1120 : i32
        %parallel_loop3A_1122 = arith.constant 1 : i32
        %parallel_loop3A_1123 = arith.addi %parallel_loop3A_1121, %parallel_loop3A_1122 : i32
        %parallel_loop3A_1124 = arith.index_cast %parallel_loop3A_1123 : i32 to index
        %parallel_loop3A_1125 = arith.constant 64 : index
        %parallel_loop3A_1126 = tpu.vector_load %arg11[%parallel_loop3A_1124, %parallel_loop3A_1125] {strides = array<i32>} : memref<256x128xf32, #tpu.memory_space<vmem>>, vector<16xf32>,
        %parallel_loop3A_1127 = vector.broadcast %parallel_loop3A_787 : f32 to vector<16xf32>
        %parallel_loop3A_1128 = arith.mulf %parallel_loop3A_1127, %parallel_loop3A_1126 : vector<16xf32>
        %parallel_loop3A_1129 = arith.addf %parallel_loop3A_1111, %parallel_loop3A_1128 : vector<16xf32>
        %parallel_loop3A_1130 = arith.constant 4 : i32
        %parallel_loop3A_1131 = arith.addi %parallel_loop3A_215, %parallel_loop3A_1130 : i32
        %parallel_loop3A_1132 = arith.index_cast %parallel_loop3A_1131 : i32 to index
        %parallel_loop3A_1133 = arith.constant 64 : index
        %parallel_loop3A_1134 = tpu.vector_load %arg11[%parallel_loop3A_1132, %parallel_loop3A_1133] {strides = array<i32>} : memref<256x128xf32, #tpu.memory_space<vmem>>, vector<16xf32>,
        %parallel_loop3A_1135 = vector.broadcast %parallel_loop3A_789 : f32 to vector<16xf32>
        %parallel_loop3A_1136 = arith.mulf %parallel_loop3A_1135, %parallel_loop3A_1134 : vector<16xf32>
        %parallel_loop3A_1137 = arith.addf %parallel_loop3A_1119, %parallel_loop3A_1136 : vector<16xf32>
        %parallel_loop3A_1138 = arith.constant 4 : i32
        %parallel_loop3A_1139 = arith.addi %parallel_loop3A_215, %parallel_loop3A_1138 : i32
        %parallel_loop3A_1140 = arith.constant 1 : i32
        %parallel_loop3A_1141 = arith.addi %parallel_loop3A_1139, %parallel_loop3A_1140 : i32
        %parallel_loop3A_1142 = arith.index_cast %parallel_loop3A_1141 : i32 to index
        %parallel_loop3A_1143 = arith.constant 64 : index
        %parallel_loop3A_1144 = tpu.vector_load %arg11[%parallel_loop3A_1142, %parallel_loop3A_1143] {strides = array<i32>} : memref<256x128xf32, #tpu.memory_space<vmem>>, vector<16xf32>,
        %parallel_loop3A_1145 = vector.broadcast %parallel_loop3A_791 : f32 to vector<16xf32>
        %parallel_loop3A_1146 = arith.mulf %parallel_loop3A_1145, %parallel_loop3A_1144 : vector<16xf32>
        %parallel_loop3A_1147 = arith.addf %parallel_loop3A_1129, %parallel_loop3A_1146 : vector<16xf32>
        %parallel_loop3A_1148 = arith.constant 6 : i32
        %parallel_loop3A_1149 = arith.addi %parallel_loop3A_215, %parallel_loop3A_1148 : i32
        %parallel_loop3A_1150 = arith.index_cast %parallel_loop3A_1149 : i32 to index
        %parallel_loop3A_1151 = arith.constant 64 : index
        %parallel_loop3A_1152 = tpu.vector_load %arg11[%parallel_loop3A_1150, %parallel_loop3A_1151] {strides = array<i32>} : memref<256x128xf32, #tpu.memory_space<vmem>>, vector<16xf32>,
        %parallel_loop3A_1153 = vector.broadcast %parallel_loop3A_793 : f32 to vector<16xf32>
        %parallel_loop3A_1154 = arith.mulf %parallel_loop3A_1153, %parallel_loop3A_1152 : vector<16xf32>
        %parallel_loop3A_1155 = arith.addf %parallel_loop3A_1137, %parallel_loop3A_1154 : vector<16xf32>
        %parallel_loop3A_1156 = arith.constant 6 : i32
        %parallel_loop3A_1157 = arith.addi %parallel_loop3A_215, %parallel_loop3A_1156 : i32
        %parallel_loop3A_1158 = arith.constant 1 : i32
        %parallel_loop3A_1159 = arith.addi %parallel_loop3A_1157, %parallel_loop3A_1158 : i32
        %parallel_loop3A_1160 = arith.index_cast %parallel_loop3A_1159 : i32 to index
        %parallel_loop3A_1161 = arith.constant 64 : index
        %parallel_loop3A_1162 = tpu.vector_load %arg11[%parallel_loop3A_1160, %parallel_loop3A_1161] {strides = array<i32>} : memref<256x128xf32, #tpu.memory_space<vmem>>, vector<16xf32>,
        %parallel_loop3A_1163 = vector.broadcast %parallel_loop3A_795 : f32 to vector<16xf32>
        %parallel_loop3A_1164 = arith.mulf %parallel_loop3A_1163, %parallel_loop3A_1162 : vector<16xf32>
        %parallel_loop3A_1165 = arith.addf %parallel_loop3A_1147, %parallel_loop3A_1164 : vector<16xf32>
        %parallel_loop3A_1166 = arith.addf %parallel_loop3A_1155, %parallel_loop3A_1165 : vector<16xf32>
        %parallel_loop3A_1167 = arith.index_cast %parallel_loop3A_211 : i32 to index
        %parallel_loop3A_1168 = arith.constant 192 : index
        %parallel_loop3A_1169 = tpu.vector_load %arg12[%parallel_loop3A_1167, %parallel_loop3A_1168] {strides = array<i32>} : memref<32x256xf32, #tpu.memory_space<vmem>>, vector<16xf32>,
        tpu.vector_store %arg12[%parallel_loop3A_1167, %parallel_loop3A_1168], %parallel_loop3A_1166 {strides = array<i32>} : memref<32x256xf32, #tpu.memory_space<vmem>>, vector<16xf32>,
        %parallel_loop3A_1170 = arith.index_cast %parallel_loop3A_215 : i32 to index
        %parallel_loop3A_1171 = arith.constant 80 : index
        %parallel_loop3A_1172 = tpu.vector_load %arg11[%parallel_loop3A_1170, %parallel_loop3A_1171] {strides = array<i32>} : memref<256x128xf32, #tpu.memory_space<vmem>>, vector<16xf32>,
        %parallel_loop3A_1173 = vector.broadcast %parallel_loop3A_781 : f32 to vector<16xf32>
        %parallel_loop3A_1174 = arith.mulf %parallel_loop3A_1173, %parallel_loop3A_1172 : vector<16xf32>
        %parallel_loop3A_1175 = arith.constant 1 : i32
        %parallel_loop3A_1176 = arith.addi %parallel_loop3A_215, %parallel_loop3A_1175 : i32
        %parallel_loop3A_1177 = arith.index_cast %parallel_loop3A_1176 : i32 to index
        %parallel_loop3A_1178 = arith.constant 80 : index
        %parallel_loop3A_1179 = tpu.vector_load %arg11[%parallel_loop3A_1177, %parallel_loop3A_1178] {strides = array<i32>} : memref<256x128xf32, #tpu.memory_space<vmem>>, vector<16xf32>,
        %parallel_loop3A_1180 = vector.broadcast %parallel_loop3A_783 : f32 to vector<16xf32>
        %parallel_loop3A_1181 = arith.mulf %parallel_loop3A_1180, %parallel_loop3A_1179 : vector<16xf32>
        %parallel_loop3A_1182 = arith.constant 2 : i32
        %parallel_loop3A_1183 = arith.addi %parallel_loop3A_215, %parallel_loop3A_1182 : i32
        %parallel_loop3A_1184 = arith.index_cast %parallel_loop3A_1183 : i32 to index
        %parallel_loop3A_1185 = arith.constant 80 : index
        %parallel_loop3A_1186 = tpu.vector_load %arg11[%parallel_loop3A_1184, %parallel_loop3A_1185] {strides = array<i32>} : memref<256x128xf32, #tpu.memory_space<vmem>>, vector<16xf32>,
        %parallel_loop3A_1187 = vector.broadcast %parallel_loop3A_785 : f32 to vector<16xf32>
        %parallel_loop3A_1188 = arith.mulf %parallel_loop3A_1187, %parallel_loop3A_1186 : vector<16xf32>
        %parallel_loop3A_1189 = arith.addf %parallel_loop3A_1174, %parallel_loop3A_1188 : vector<16xf32>
        %parallel_loop3A_1190 = arith.constant 2 : i32
        %parallel_loop3A_1191 = arith.addi %parallel_loop3A_215, %parallel_loop3A_1190 : i32
        %parallel_loop3A_1192 = arith.constant 1 : i32
        %parallel_loop3A_1193 = arith.addi %parallel_loop3A_1191, %parallel_loop3A_1192 : i32
        %parallel_loop3A_1194 = arith.index_cast %parallel_loop3A_1193 : i32 to index
        %parallel_loop3A_1195 = arith.constant 80 : index
        %parallel_loop3A_1196 = tpu.vector_load %arg11[%parallel_loop3A_1194, %parallel_loop3A_1195] {strides = array<i32>} : memref<256x128xf32, #tpu.memory_space<vmem>>, vector<16xf32>,
        %parallel_loop3A_1197 = vector.broadcast %parallel_loop3A_787 : f32 to vector<16xf32>
        %parallel_loop3A_1198 = arith.mulf %parallel_loop3A_1197, %parallel_loop3A_1196 : vector<16xf32>
        %parallel_loop3A_1199 = arith.addf %parallel_loop3A_1181, %parallel_loop3A_1198 : vector<16xf32>
        %parallel_loop3A_1200 = arith.constant 4 : i32
        %parallel_loop3A_1201 = arith.addi %parallel_loop3A_215, %parallel_loop3A_1200 : i32
        %parallel_loop3A_1202 = arith.index_cast %parallel_loop3A_1201 : i32 to index
        %parallel_loop3A_1203 = arith.constant 80 : index
        %parallel_loop3A_1204 = tpu.vector_load %arg11[%parallel_loop3A_1202, %parallel_loop3A_1203] {strides = array<i32>} : memref<256x128xf32, #tpu.memory_space<vmem>>, vector<16xf32>,
        %parallel_loop3A_1205 = vector.broadcast %parallel_loop3A_789 : f32 to vector<16xf32>
        %parallel_loop3A_1206 = arith.mulf %parallel_loop3A_1205, %parallel_loop3A_1204 : vector<16xf32>
        %parallel_loop3A_1207 = arith.addf %parallel_loop3A_1189, %parallel_loop3A_1206 : vector<16xf32>
        %parallel_loop3A_1208 = arith.constant 4 : i32
        %parallel_loop3A_1209 = arith.addi %parallel_loop3A_215, %parallel_loop3A_1208 : i32
        %parallel_loop3A_1210 = arith.constant 1 : i32
        %parallel_loop3A_1211 = arith.addi %parallel_loop3A_1209, %parallel_loop3A_1210 : i32
        %parallel_loop3A_1212 = arith.index_cast %parallel_loop3A_1211 : i32 to index
        %parallel_loop3A_1213 = arith.constant 80 : index
        %parallel_loop3A_1214 = tpu.vector_load %arg11[%parallel_loop3A_1212, %parallel_loop3A_1213] {strides = array<i32>} : memref<256x128xf32, #tpu.memory_space<vmem>>, vector<16xf32>,
        %parallel_loop3A_1215 = vector.broadcast %parallel_loop3A_791 : f32 to vector<16xf32>
        %parallel_loop3A_1216 = arith.mulf %parallel_loop3A_1215, %parallel_loop3A_1214 : vector<16xf32>
        %parallel_loop3A_1217 = arith.addf %parallel_loop3A_1199, %parallel_loop3A_1216 : vector<16xf32>
        %parallel_loop3A_1218 = arith.constant 6 : i32
        %parallel_loop3A_1219 = arith.addi %parallel_loop3A_215, %parallel_loop3A_1218 : i32
        %parallel_loop3A_1220 = arith.index_cast %parallel_loop3A_1219 : i32 to index
        %parallel_loop3A_1221 = arith.constant 80 : index
        %parallel_loop3A_1222 = tpu.vector_load %arg11[%parallel_loop3A_1220, %parallel_loop3A_1221] {strides = array<i32>} : memref<256x128xf32, #tpu.memory_space<vmem>>, vector<16xf32>,
        %parallel_loop3A_1223 = vector.broadcast %parallel_loop3A_793 : f32 to vector<16xf32>
        %parallel_loop3A_1224 = arith.mulf %parallel_loop3A_1223, %parallel_loop3A_1222 : vector<16xf32>
        %parallel_loop3A_1225 = arith.addf %parallel_loop3A_1207, %parallel_loop3A_1224 : vector<16xf32>
        %parallel_loop3A_1226 = arith.constant 6 : i32
        %parallel_loop3A_1227 = arith.addi %parallel_loop3A_215, %parallel_loop3A_1226 : i32
        %parallel_loop3A_1228 = arith.constant 1 : i32
        %parallel_loop3A_1229 = arith.addi %parallel_loop3A_1227, %parallel_loop3A_1228 : i32
        %parallel_loop3A_1230 = arith.index_cast %parallel_loop3A_1229 : i32 to index
        %parallel_loop3A_1231 = arith.constant 80 : index
        %parallel_loop3A_1232 = tpu.vector_load %arg11[%parallel_loop3A_1230, %parallel_loop3A_1231] {strides = array<i32>} : memref<256x128xf32, #tpu.memory_space<vmem>>, vector<16xf32>,
        %parallel_loop3A_1233 = vector.broadcast %parallel_loop3A_795 : f32 to vector<16xf32>
        %parallel_loop3A_1234 = arith.mulf %parallel_loop3A_1233, %parallel_loop3A_1232 : vector<16xf32>
        %parallel_loop3A_1235 = arith.addf %parallel_loop3A_1217, %parallel_loop3A_1234 : vector<16xf32>
        %parallel_loop3A_1236 = arith.addf %parallel_loop3A_1225, %parallel_loop3A_1235 : vector<16xf32>
        %parallel_loop3A_1237 = arith.index_cast %parallel_loop3A_211 : i32 to index
        %parallel_loop3A_1238 = arith.constant 208 : index
        %parallel_loop3A_1239 = tpu.vector_load %arg12[%parallel_loop3A_1237, %parallel_loop3A_1238] {strides = array<i32>} : memref<32x256xf32, #tpu.memory_space<vmem>>, vector<16xf32>,
        tpu.vector_store %arg12[%parallel_loop3A_1237, %parallel_loop3A_1238], %parallel_loop3A_1236 {strides = array<i32>} : memref<32x256xf32, #tpu.memory_space<vmem>>, vector<16xf32>,
        %parallel_loop3A_1240 = arith.index_cast %parallel_loop3A_215 : i32 to index
        %parallel_loop3A_1241 = arith.constant 96 : index
        %parallel_loop3A_1242 = tpu.vector_load %arg11[%parallel_loop3A_1240, %parallel_loop3A_1241] {strides = array<i32>} : memref<256x128xf32, #tpu.memory_space<vmem>>, vector<16xf32>,
        %parallel_loop3A_1243 = vector.broadcast %parallel_loop3A_781 : f32 to vector<16xf32>
        %parallel_loop3A_1244 = arith.mulf %parallel_loop3A_1243, %parallel_loop3A_1242 : vector<16xf32>
        %parallel_loop3A_1245 = arith.constant 1 : i32
        %parallel_loop3A_1246 = arith.addi %parallel_loop3A_215, %parallel_loop3A_1245 : i32
        %parallel_loop3A_1247 = arith.index_cast %parallel_loop3A_1246 : i32 to index
        %parallel_loop3A_1248 = arith.constant 96 : index
        %parallel_loop3A_1249 = tpu.vector_load %arg11[%parallel_loop3A_1247, %parallel_loop3A_1248] {strides = array<i32>} : memref<256x128xf32, #tpu.memory_space<vmem>>, vector<16xf32>,
        %parallel_loop3A_1250 = vector.broadcast %parallel_loop3A_783 : f32 to vector<16xf32>
        %parallel_loop3A_1251 = arith.mulf %parallel_loop3A_1250, %parallel_loop3A_1249 : vector<16xf32>
        %parallel_loop3A_1252 = arith.constant 2 : i32
        %parallel_loop3A_1253 = arith.addi %parallel_loop3A_215, %parallel_loop3A_1252 : i32
        %parallel_loop3A_1254 = arith.index_cast %parallel_loop3A_1253 : i32 to index
        %parallel_loop3A_1255 = arith.constant 96 : index
        %parallel_loop3A_1256 = tpu.vector_load %arg11[%parallel_loop3A_1254, %parallel_loop3A_1255] {strides = array<i32>} : memref<256x128xf32, #tpu.memory_space<vmem>>, vector<16xf32>,
        %parallel_loop3A_1257 = vector.broadcast %parallel_loop3A_785 : f32 to vector<16xf32>
        %parallel_loop3A_1258 = arith.mulf %parallel_loop3A_1257, %parallel_loop3A_1256 : vector<16xf32>
        %parallel_loop3A_1259 = arith.addf %parallel_loop3A_1244, %parallel_loop3A_1258 : vector<16xf32>
        %parallel_loop3A_1260 = arith.constant 2 : i32
        %parallel_loop3A_1261 = arith.addi %parallel_loop3A_215, %parallel_loop3A_1260 : i32
        %parallel_loop3A_1262 = arith.constant 1 : i32
        %parallel_loop3A_1263 = arith.addi %parallel_loop3A_1261, %parallel_loop3A_1262 : i32
        %parallel_loop3A_1264 = arith.index_cast %parallel_loop3A_1263 : i32 to index
        %parallel_loop3A_1265 = arith.constant 96 : index
        %parallel_loop3A_1266 = tpu.vector_load %arg11[%parallel_loop3A_1264, %parallel_loop3A_1265] {strides = array<i32>} : memref<256x128xf32, #tpu.memory_space<vmem>>, vector<16xf32>,
        %parallel_loop3A_1267 = vector.broadcast %parallel_loop3A_787 : f32 to vector<16xf32>
        %parallel_loop3A_1268 = arith.mulf %parallel_loop3A_1267, %parallel_loop3A_1266 : vector<16xf32>
        %parallel_loop3A_1269 = arith.addf %parallel_loop3A_1251, %parallel_loop3A_1268 : vector<16xf32>
        %parallel_loop3A_1270 = arith.constant 4 : i32
        %parallel_loop3A_1271 = arith.addi %parallel_loop3A_215, %parallel_loop3A_1270 : i32
        %parallel_loop3A_1272 = arith.index_cast %parallel_loop3A_1271 : i32 to index
        %parallel_loop3A_1273 = arith.constant 96 : index
        %parallel_loop3A_1274 = tpu.vector_load %arg11[%parallel_loop3A_1272, %parallel_loop3A_1273] {strides = array<i32>} : memref<256x128xf32, #tpu.memory_space<vmem>>, vector<16xf32>,
        %parallel_loop3A_1275 = vector.broadcast %parallel_loop3A_789 : f32 to vector<16xf32>
        %parallel_loop3A_1276 = arith.mulf %parallel_loop3A_1275, %parallel_loop3A_1274 : vector<16xf32>
        %parallel_loop3A_1277 = arith.addf %parallel_loop3A_1259, %parallel_loop3A_1276 : vector<16xf32>
        %parallel_loop3A_1278 = arith.constant 4 : i32
        %parallel_loop3A_1279 = arith.addi %parallel_loop3A_215, %parallel_loop3A_1278 : i32
        %parallel_loop3A_1280 = arith.constant 1 : i32
        %parallel_loop3A_1281 = arith.addi %parallel_loop3A_1279, %parallel_loop3A_1280 : i32
        %parallel_loop3A_1282 = arith.index_cast %parallel_loop3A_1281 : i32 to index
        %parallel_loop3A_1283 = arith.constant 96 : index
        %parallel_loop3A_1284 = tpu.vector_load %arg11[%parallel_loop3A_1282, %parallel_loop3A_1283] {strides = array<i32>} : memref<256x128xf32, #tpu.memory_space<vmem>>, vector<16xf32>,
        %parallel_loop3A_1285 = vector.broadcast %parallel_loop3A_791 : f32 to vector<16xf32>
        %parallel_loop3A_1286 = arith.mulf %parallel_loop3A_1285, %parallel_loop3A_1284 : vector<16xf32>
        %parallel_loop3A_1287 = arith.addf %parallel_loop3A_1269, %parallel_loop3A_1286 : vector<16xf32>
        %parallel_loop3A_1288 = arith.constant 6 : i32
        %parallel_loop3A_1289 = arith.addi %parallel_loop3A_215, %parallel_loop3A_1288 : i32
        %parallel_loop3A_1290 = arith.index_cast %parallel_loop3A_1289 : i32 to index
        %parallel_loop3A_1291 = arith.constant 96 : index
        %parallel_loop3A_1292 = tpu.vector_load %arg11[%parallel_loop3A_1290, %parallel_loop3A_1291] {strides = array<i32>} : memref<256x128xf32, #tpu.memory_space<vmem>>, vector<16xf32>,
        %parallel_loop3A_1293 = vector.broadcast %parallel_loop3A_793 : f32 to vector<16xf32>
        %parallel_loop3A_1294 = arith.mulf %parallel_loop3A_1293, %parallel_loop3A_1292 : vector<16xf32>
        %parallel_loop3A_1295 = arith.addf %parallel_loop3A_1277, %parallel_loop3A_1294 : vector<16xf32>
        %parallel_loop3A_1296 = arith.constant 6 : i32
        %parallel_loop3A_1297 = arith.addi %parallel_loop3A_215, %parallel_loop3A_1296 : i32
        %parallel_loop3A_1298 = arith.constant 1 : i32
        %parallel_loop3A_1299 = arith.addi %parallel_loop3A_1297, %parallel_loop3A_1298 : i32
        %parallel_loop3A_1300 = arith.index_cast %parallel_loop3A_1299 : i32 to index
        %parallel_loop3A_1301 = arith.constant 96 : index
        %parallel_loop3A_1302 = tpu.vector_load %arg11[%parallel_loop3A_1300, %parallel_loop3A_1301] {strides = array<i32>} : memref<256x128xf32, #tpu.memory_space<vmem>>, vector<16xf32>,
        %parallel_loop3A_1303 = vector.broadcast %parallel_loop3A_795 : f32 to vector<16xf32>
        %parallel_loop3A_1304 = arith.mulf %parallel_loop3A_1303, %parallel_loop3A_1302 : vector<16xf32>
        %parallel_loop3A_1305 = arith.addf %parallel_loop3A_1287, %parallel_loop3A_1304 : vector<16xf32>
        %parallel_loop3A_1306 = arith.addf %parallel_loop3A_1295, %parallel_loop3A_1305 : vector<16xf32>
        %parallel_loop3A_1307 = arith.index_cast %parallel_loop3A_211 : i32 to index
        %parallel_loop3A_1308 = arith.constant 224 : index
        %parallel_loop3A_1309 = tpu.vector_load %arg12[%parallel_loop3A_1307, %parallel_loop3A_1308] {strides = array<i32>} : memref<32x256xf32, #tpu.memory_space<vmem>>, vector<16xf32>,
        tpu.vector_store %arg12[%parallel_loop3A_1307, %parallel_loop3A_1308], %parallel_loop3A_1306 {strides = array<i32>} : memref<32x256xf32, #tpu.memory_space<vmem>>, vector<16xf32>,
        %parallel_loop3A_1310 = arith.index_cast %parallel_loop3A_215 : i32 to index
        %parallel_loop3A_1311 = arith.constant 112 : index
        %parallel_loop3A_1312 = tpu.vector_load %arg11[%parallel_loop3A_1310, %parallel_loop3A_1311] {strides = array<i32>} : memref<256x128xf32, #tpu.memory_space<vmem>>, vector<16xf32>,
        %parallel_loop3A_1313 = vector.broadcast %parallel_loop3A_781 : f32 to vector<16xf32>
        %parallel_loop3A_1314 = arith.mulf %parallel_loop3A_1313, %parallel_loop3A_1312 : vector<16xf32>
        %parallel_loop3A_1315 = arith.constant 1 : i32
        %parallel_loop3A_1316 = arith.addi %parallel_loop3A_215, %parallel_loop3A_1315 : i32
        %parallel_loop3A_1317 = arith.index_cast %parallel_loop3A_1316 : i32 to index
        %parallel_loop3A_1318 = arith.constant 112 : index
        %parallel_loop3A_1319 = tpu.vector_load %arg11[%parallel_loop3A_1317, %parallel_loop3A_1318] {strides = array<i32>} : memref<256x128xf32, #tpu.memory_space<vmem>>, vector<16xf32>,
        %parallel_loop3A_1320 = vector.broadcast %parallel_loop3A_783 : f32 to vector<16xf32>
        %parallel_loop3A_1321 = arith.mulf %parallel_loop3A_1320, %parallel_loop3A_1319 : vector<16xf32>
        %parallel_loop3A_1322 = arith.constant 2 : i32
        %parallel_loop3A_1323 = arith.addi %parallel_loop3A_215, %parallel_loop3A_1322 : i32
        %parallel_loop3A_1324 = arith.index_cast %parallel_loop3A_1323 : i32 to index
        %parallel_loop3A_1325 = arith.constant 112 : index
        %parallel_loop3A_1326 = tpu.vector_load %arg11[%parallel_loop3A_1324, %parallel_loop3A_1325] {strides = array<i32>} : memref<256x128xf32, #tpu.memory_space<vmem>>, vector<16xf32>,
        %parallel_loop3A_1327 = vector.broadcast %parallel_loop3A_785 : f32 to vector<16xf32>
        %parallel_loop3A_1328 = arith.mulf %parallel_loop3A_1327, %parallel_loop3A_1326 : vector<16xf32>
        %parallel_loop3A_1329 = arith.addf %parallel_loop3A_1314, %parallel_loop3A_1328 : vector<16xf32>
        %parallel_loop3A_1330 = arith.constant 2 : i32
        %parallel_loop3A_1331 = arith.addi %parallel_loop3A_215, %parallel_loop3A_1330 : i32
        %parallel_loop3A_1332 = arith.constant 1 : i32
        %parallel_loop3A_1333 = arith.addi %parallel_loop3A_1331, %parallel_loop3A_1332 : i32
        %parallel_loop3A_1334 = arith.index_cast %parallel_loop3A_1333 : i32 to index
        %parallel_loop3A_1335 = arith.constant 112 : index
        %parallel_loop3A_1336 = tpu.vector_load %arg11[%parallel_loop3A_1334, %parallel_loop3A_1335] {strides = array<i32>} : memref<256x128xf32, #tpu.memory_space<vmem>>, vector<16xf32>,
        %parallel_loop3A_1337 = vector.broadcast %parallel_loop3A_787 : f32 to vector<16xf32>
        %parallel_loop3A_1338 = arith.mulf %parallel_loop3A_1337, %parallel_loop3A_1336 : vector<16xf32>
        %parallel_loop3A_1339 = arith.addf %parallel_loop3A_1321, %parallel_loop3A_1338 : vector<16xf32>
        %parallel_loop3A_1340 = arith.constant 4 : i32
        %parallel_loop3A_1341 = arith.addi %parallel_loop3A_215, %parallel_loop3A_1340 : i32
        %parallel_loop3A_1342 = arith.index_cast %parallel_loop3A_1341 : i32 to index
        %parallel_loop3A_1343 = arith.constant 112 : index
        %parallel_loop3A_1344 = tpu.vector_load %arg11[%parallel_loop3A_1342, %parallel_loop3A_1343] {strides = array<i32>} : memref<256x128xf32, #tpu.memory_space<vmem>>, vector<16xf32>,
        %parallel_loop3A_1345 = vector.broadcast %parallel_loop3A_789 : f32 to vector<16xf32>
        %parallel_loop3A_1346 = arith.mulf %parallel_loop3A_1345, %parallel_loop3A_1344 : vector<16xf32>
        %parallel_loop3A_1347 = arith.addf %parallel_loop3A_1329, %parallel_loop3A_1346 : vector<16xf32>
        %parallel_loop3A_1348 = arith.constant 4 : i32
        %parallel_loop3A_1349 = arith.addi %parallel_loop3A_215, %parallel_loop3A_1348 : i32
        %parallel_loop3A_1350 = arith.constant 1 : i32
        %parallel_loop3A_1351 = arith.addi %parallel_loop3A_1349, %parallel_loop3A_1350 : i32
        %parallel_loop3A_1352 = arith.index_cast %parallel_loop3A_1351 : i32 to index
        %parallel_loop3A_1353 = arith.constant 112 : index
        %parallel_loop3A_1354 = tpu.vector_load %arg11[%parallel_loop3A_1352, %parallel_loop3A_1353] {strides = array<i32>} : memref<256x128xf32, #tpu.memory_space<vmem>>, vector<16xf32>,
        %parallel_loop3A_1355 = vector.broadcast %parallel_loop3A_791 : f32 to vector<16xf32>
        %parallel_loop3A_1356 = arith.mulf %parallel_loop3A_1355, %parallel_loop3A_1354 : vector<16xf32>
        %parallel_loop3A_1357 = arith.addf %parallel_loop3A_1339, %parallel_loop3A_1356 : vector<16xf32>
        %parallel_loop3A_1358 = arith.constant 6 : i32
        %parallel_loop3A_1359 = arith.addi %parallel_loop3A_215, %parallel_loop3A_1358 : i32
        %parallel_loop3A_1360 = arith.index_cast %parallel_loop3A_1359 : i32 to index
        %parallel_loop3A_1361 = arith.constant 112 : index
        %parallel_loop3A_1362 = tpu.vector_load %arg11[%parallel_loop3A_1360, %parallel_loop3A_1361] {strides = array<i32>} : memref<256x128xf32, #tpu.memory_space<vmem>>, vector<16xf32>,
        %parallel_loop3A_1363 = vector.broadcast %parallel_loop3A_793 : f32 to vector<16xf32>
        %parallel_loop3A_1364 = arith.mulf %parallel_loop3A_1363, %parallel_loop3A_1362 : vector<16xf32>
        %parallel_loop3A_1365 = arith.addf %parallel_loop3A_1347, %parallel_loop3A_1364 : vector<16xf32>
        %parallel_loop3A_1366 = arith.constant 6 : i32
        %parallel_loop3A_1367 = arith.addi %parallel_loop3A_215, %parallel_loop3A_1366 : i32
        %parallel_loop3A_1368 = arith.constant 1 : i32
        %parallel_loop3A_1369 = arith.addi %parallel_loop3A_1367, %parallel_loop3A_1368 : i32
        %parallel_loop3A_1370 = arith.index_cast %parallel_loop3A_1369 : i32 to index
        %parallel_loop3A_1371 = arith.constant 112 : index
        %parallel_loop3A_1372 = tpu.vector_load %arg11[%parallel_loop3A_1370, %parallel_loop3A_1371] {strides = array<i32>} : memref<256x128xf32, #tpu.memory_space<vmem>>, vector<16xf32>,
        %parallel_loop3A_1373 = vector.broadcast %parallel_loop3A_795 : f32 to vector<16xf32>
        %parallel_loop3A_1374 = arith.mulf %parallel_loop3A_1373, %parallel_loop3A_1372 : vector<16xf32>
        %parallel_loop3A_1375 = arith.addf %parallel_loop3A_1357, %parallel_loop3A_1374 : vector<16xf32>
        %parallel_loop3A_1376 = arith.addf %parallel_loop3A_1365, %parallel_loop3A_1375 : vector<16xf32>
        %parallel_loop3A_1377 = arith.index_cast %parallel_loop3A_211 : i32 to index
        %parallel_loop3A_1378 = arith.constant 240 : index
        %parallel_loop3A_1379 = tpu.vector_load %arg12[%parallel_loop3A_1377, %parallel_loop3A_1378] {strides = array<i32>} : memref<32x256xf32, #tpu.memory_space<vmem>>, vector<16xf32>,
        tpu.vector_store %arg12[%parallel_loop3A_1377, %parallel_loop3A_1378], %parallel_loop3A_1376 {strides = array<i32>} : memref<32x256xf32, #tpu.memory_space<vmem>>, vector<16xf32>,
      } {sc.loop_unroll_factor = 3 : i64, sc.parallel_access}
      %add3A_194 = arith.constant 1 : i32
      %add3A_195 = arith.addi %mul3A_64, %add3A_194 : i32
      %mul3A_196 = arith.constant 16 : i32
      %mul3A_197 = arith.muli %add3A_195, %mul3A_196 : i32
      %add3A_198 = arith.addi %mul3A_2, %mul3A_197 : i32
      %dma_start3A_199 = arith.constant 16 : i32
      %dma_start3A_200 = arith.constant 0 : i32
      %dma_start3A_201 = tpu.memref_slice %arg12[%dma_start3A_199, %dma_start3A_200] : memref<32x256xf32, #tpu.memory_space<vmem>> -> memref<16x256xf32, #tpu.memory_space<vmem>>
      %dma_start3A_202 = arith.constant 0 : i32
      %dma_start3A_203 = tpu.memref_slice %arg5[%add3A_198, %dma_start3A_202] : memref<20480x256xf32, #tpu.memory_space<hbm>> -> memref<16x256xf32, #tpu.memory_space<hbm>>
      %dma_start3A_204 = arith.constant 0 : i32
      %dma_start3A_205 = tpu.memref_slice %arg5[%add3A_198, %dma_start3A_204] : memref<20480x256xf32, #tpu.memory_space<hbm>> -> memref<16x256xf32, #tpu.memory_space<hbm>>
      %dma_start3A_206 = arith.constant 16 : i32
      %dma_start3A_207 = arith.constant 0 : i32
      %dma_start3A_208 = tpu.memref_slice %arg12[%dma_start3A_206, %dma_start3A_207] : memref<32x256xf32, #tpu.memory_space<vmem>> -> memref<16x256xf32, #tpu.memory_space<vmem>>
      tpu.enqueue_dma source(%dma_start3A_208 : memref<16x256xf32, #tpu.memory_space<vmem>>) target(%dma_start3A_205 : memref<16x256xf32, #tpu.memory_space<hbm>>) target_semaphore(%arg20 : memref<!tpu.dma_semaphore, #tpu.memory_space<semaphore_mem>>)
    }
    %scan3A_38 = arith.constant 20 : i32
    %add3A_39 = arith.constant 608 : i32
    %add3A_40 = arith.addi %mul3A_2, %add3A_39 : i32
    %dma_wait3A = arith.constant 0 : i32
    %dma_wait3A_41 = arith.constant 0 : i32
    %dma_wait3A_42 = tpu.memref_slice %arg12[%dma_wait3A, %dma_wait3A_41] : memref<32x256xf32, #tpu.memory_space<vmem>> -> memref<16x256xf32, #tpu.memory_space<vmem>>
    %dma_wait3A_43 = arith.constant 0 : i32
    %dma_wait3A_44 = tpu.memref_slice %arg5[%add3A_40, %dma_wait3A_43] : memref<20480x256xf32, #tpu.memory_space<hbm>> -> memref<16x256xf32, #tpu.memory_space<hbm>>
    %dma_wait3A_45 = arith.constant 0 : i32
    %dma_wait3A_46 = tpu.memref_slice %arg5[%add3A_40, %dma_wait3A_45] : memref<20480x256xf32, #tpu.memory_space<hbm>> -> memref<16x256xf32, #tpu.memory_space<hbm>>
    %dma_wait3A_47 = arith.constant 0 : i32
    %dma_wait3A_48 = arith.constant 0 : i32
    %dma_wait3A_49 = tpu.memref_slice %arg12[%dma_wait3A_47, %dma_wait3A_48] : memref<32x256xf32, #tpu.memory_space<vmem>> -> memref<16x256xf32, #tpu.memory_space<vmem>>
    tpu.wait_dma2 semaphore(%arg19 : memref<!tpu.dma_semaphore, #tpu.memory_space<semaphore_mem>>) src(%dma_wait3A_49 : memref<16x256xf32, #tpu.memory_space<vmem>>) dst(%dma_wait3A_46 : memref<16x256xf32, #tpu.memory_space<hbm>>)
    %add3A_50 = arith.constant 624 : i32
    %add3A_51 = arith.addi %mul3A_2, %add3A_50 : i32
    %dma_wait3A_52 = arith.constant 16 : i32
    %dma_wait3A_53 = arith.constant 0 : i32
    %dma_wait3A_54 = tpu.memref_slice %arg12[%dma_wait3A_52, %dma_wait3A_53] : memref<32x256xf32, #tpu.memory_space<vmem>> -> memref<16x256xf32, #tpu.memory_space<vmem>>
    %dma_wait3A_55 = arith.constant 0 : i32
    %dma_wait3A_56 = tpu.memref_slice %arg5[%add3A_51, %dma_wait3A_55] : memref<20480x256xf32, #tpu.memory_space<hbm>> -> memref<16x256xf32, #tpu.memory_space<hbm>>
    %dma_wait3A_57 = arith.constant 0 : i32
    %dma_wait3A_58 = tpu.memref_slice %arg5[%add3A_51, %dma_wait3A_57] : memref<20480x256xf32, #tpu.memory_space<hbm>> -> memref<16x256xf32, #tpu.memory_space<hbm>>
    %dma_wait3A_59 = arith.constant 16 : i32
    %dma_wait3A_60 = arith.constant 0 : i32
    %dma_wait3A_61 = tpu.memref_slice %arg12[%dma_wait3A_59, %dma_wait3A_60] : memref<32x256xf32, #tpu.memory_space<vmem>> -> memref<16x256xf32, #tpu.memory_space<vmem>>
    tpu.wait_dma2 semaphore(%arg20 : memref<!tpu.dma_semaphore, #tpu.memory_space<semaphore_mem>>) src(%dma_wait3A_61 : memref<16x256xf32, #tpu.memory_space<vmem>>) dst(%dma_wait3A_58 : memref<16x256xf32, #tpu.memory_space<hbm>>)
    return
  }
}

</mosaic_0001>

<sc_bundles>
// kernel: kernel.3.cloned.1.call-start
scs
__scs_entry_jumppad:
0x0: {  	(pc) =	sbr.rel $0x88, $3  }
0x1: {  	(tag) =	ssettag $0x0;
	lr =	simm.s32 $0x1  }
0x2: {  	[smem:$0x3F9B] =	sst lr;
	_ =	strace $0xD0000000  }
0x3: {  	_ = 	snop  }
0x4: {  	_ = 	snop  }
0x5: {  	_ = 	snop  }
0x6: {  	_ = 	snop  }
0x7: {  	_ = 	snop  }
__scs_overlays_trampoline_lowered:
0x8: {  	[smem:$0x3FAA] =	sst s0  }
0x9: {  	[smem:$0x3FAB] =	sst s1  }
0xa: {  	[smem:$0x3FAC] =	sst s2  }
0xb: {  	[smem:$0x3FAD] =	sst s3  }
0xc: {  	[smem:$0x3FAE] =	sst s4  }
0xd: {  	[smem:$0x3FAF] =	sst s5  }
0xe: {  	[smem:$0x3FB0] =	sst s6  }
0xf: {  	[smem:$0x3FB1] =	sst s7  }
0x10: {  	[smem:$0x3FB2] =	sst s8  }
0x11: {  	[smem:$0x3FB3] =	sst s9;
	s0 =	simm.s32 @!p0 $0x0  }
0x12: {  	s1 =	sld [smem:$0x3F99];
	s0 =	simm.s32 @p0 $0x1  }
0x13: {  	[smem:$0x3FB4] =	sst s0;
	s0 =	simm.s32 @!p1 $0x0  }
0x14: {  	s2 =	sld [smem:$0x3F98];
	s0 =	simm.s32 @p1 $0x1  }
0x15: {  	[smem:$0x3FB5] =	sst s0;
	s0 =	simm.s32 @!p2 $0x0  }
0x16: {  	s3 =	sld [smem:$0x3FDB];
	s0 =	simm.s32 @p2 $0x1  }
0x17: {  	s4 =	simm.s32 $0x1BF5;
	[smem:$0x3FB7] =	sst s0  }
0x18: {  	s0 =	sld [smem:$0x3F9A];
	_ =	swait.ge [sflag:s4], $0x0  }
0x19: {  	s7 =	sld [smem:$0x3F9B]  }
0x1a: {  	s8 =	sadd.s32 $0xFFFFE003, lr  }
0x1b: {  	s9 =	sadd.s32 $0xFFFFFEF7, lr;
	s5 =	simm.s32 $0xFFFFFFFF;
	p2 =	slt.u32 s8, $0xFFFFF086  }
0x1c: {  	p1 =	slt.u32 s9, $0xF7A;
	s5 =	simm.s32 @!p2 $0x0  }
0x1d: {  	s5 =	simm.s32 @p1 $0x1;
	p0 =	seq.s32 s7, s2  }
0x1e: {  	s7 =	smul.u32 @!p0 $0xF7A, s2;
	p2 =	seq.s32 @!p0 s5, $0x0  }
0x1f: {  	s9 =	smul.u32 $0xF7A, s1;
	s8 =	simm.s32 @!p0 $0x1BF5;
	p2 =	por !p2, p0  }
0x20: {  	[sflag:s8] =	ssyncset.s32 @!p0 $0xFFFFF086;
	s6 =	sadd.s32 @!p0 s3, s7;
	s7 =	simm.s32 @!p0 $0x108  }
0x21: {  	s3 =	sadd.s32 s3, s9;
	s6 =	sadd.s32 @!p0 $0x88, s6;
	s7 =	simm.s32 @p2 $0x1082  }
0x22: {  	[simem:s7], [sflag:s8] =	dma.local @!p0 [hbm:s6], $0xF7A  }
0x23: {  	s9 =	sor.u32 $0xD0000000, s2;
	s6 =	simm.s32 $0x108;
	_ =	swait.ge @!p0 [sflag:s8], $0x0  }
0x24: {  	s3 =	sadd.s32 $0x88, s3;
	s6 =	simm.s32 @!p1 $0x1082;
	[sflag:s4] =	ssyncset.s32 $0xFFFFF086  }
0x25: {  	[simem:s6], [sflag:s4] =	dma.local [hbm:s3], $0xF7A  }
0x26: {  	[smem:$0x3F9B] =	sst s1;
	(tag) =	ssettag s2;
	_ =	strace s9  }
0x27: {  	s1 =	sld [smem:$0x3FAB]  }
0x28: {  	s2 =	sld [smem:$0x3FAC]  }
0x29: {  	s4 =	sld [smem:$0x3FAE]  }
0x2a: {  	p0 =	seq.s32 s5, $0x0;
	s5 =	sld [smem:$0x3FAF]  }
0x2b: {  	s6 =	sld [smem:$0x3FB0]  }
0x2c: {  	s7 =	sld [smem:$0x3FB1]  }
0x2d: {  	s3 =	simm.s32 $0x108;
	s8 =	sld [smem:$0x3FB2]  }
0x2e: {  	s3 =	simm.s32 @!p0 $0x1082;
	s9 =	sld [smem:$0x3FB3]  }
0x2f: {  	lr =	sadd.s32 s0, s3;
	s0 =	sld [smem:$0x3FAA]  }
0x30: {  	s3 =	sld [smem:$0x3FAD]  }
0x31: {  	[smem:$0x3FB6] =	sst s10  }
0x32: {  	s10 =	sld [smem:$0x3FB4];
	_ =	sdelay $0x3  }
0x33: {  	p0 =	seq.s32 s10, $0x1;
	s10 =	sld [smem:$0x3FB6];
	_ =	sdelay $0x3  }
0x34: {  	[smem:$0x3FB6] =	sst s10  }
0x35: {  	s10 =	sld [smem:$0x3FB5];
	_ =	sdelay $0x3  }
0x36: {  	p1 =	seq.s32 s10, $0x1;
	s10 =	sld [smem:$0x3FB6];
	_ =	sdelay $0x3  }
0x37: {  	[smem:$0x3FB6] =	sst s10  }
0x38: {  	s10 =	sld [smem:$0x3FB7]  }
0x39: {  	_ = 	snop;
	(pc) =	sbr.ind lr, $3  }
0x3a: {  	_ = 	snop  }
0x3b: {  	_ = 	snop  }
0x3c: {  	p2 =	seq.s32 s10, $0x1;
	s10 =	sld [smem:$0x3FB6]  }
0x3d: {  	_ =	shalt  }
0x3e: {  	_ =	shalt  }
0x3f: {  	_ =	shalt  }
0x40: {  	_ =	shalt  }
0x41: {  	_ =	shalt  }
0x42: {  	_ =	shalt  }
0x43: {  	_ =	shalt  }
0x44: {  	_ =	shalt  }
0x45: {  	_ =	shalt  }
0x46: {  	_ =	shalt  }
0x47: {  	_ =	shalt  }
0x48: {  	_ =	shalt  }
0x49: {  	_ =	shalt  }
0x4a: {  	_ =	shalt  }
0x4b: {  	_ =	shalt  }
0x4c: {  	_ =	shalt  }
0x4d: {  	_ =	shalt  }
0x4e: {  	_ =	shalt  }
0x4f: {  	_ =	shalt  }
0x50: {  	_ =	shalt  }
0x51: {  	_ =	shalt  }
0x52: {  	_ =	shalt  }
0x53: {  	_ =	shalt  }
0x54: {  	_ =	shalt  }
0x55: {  	_ =	shalt  }
0x56: {  	_ =	shalt  }
0x57: {  	_ =	shalt  }
0x58: {  	_ =	shalt  }
0x59: {  	_ =	shalt  }
0x5a: {  	_ =	shalt  }
0x5b: {  	_ =	shalt  }
0x5c: {  	_ =	shalt  }
0x5d: {  	_ =	shalt  }
0x5e: {  	_ =	shalt  }
0x5f: {  	_ =	shalt  }
0x60: {  	_ =	shalt  }
0x61: {  	_ =	shalt  }
0x62: {  	_ =	shalt  }
0x63: {  	_ =	shalt  }
0x64: {  	_ =	shalt  }
0x65: {  	_ =	shalt  }
0x66: {  	_ =	shalt  }
0x67: {  	_ =	shalt  }
0x68: {  	_ =	shalt  }
0x69: {  	_ =	shalt  }
0x6a: {  	_ =	shalt  }
0x6b: {  	_ =	shalt  }
0x6c: {  	_ =	shalt  }
0x6d: {  	_ =	shalt  }
0x6e: {  	_ =	shalt  }
0x6f: {  	_ =	shalt  }
0x70: {  	_ =	shalt  }
0x71: {  	_ =	shalt  }
0x72: {  	_ =	shalt  }
0x73: {  	_ =	shalt  }
0x74: {  	_ =	shalt  }
0x75: {  	_ =	shalt  }
0x76: {  	_ =	shalt  }
0x77: {  	_ =	shalt  }
0x78: {  	_ =	shalt  }
0x79: {  	_ =	shalt  }
0x7a: {  	_ =	shalt  }
0x7b: {  	_ =	shalt  }
0x7c: {  	_ =	shalt  }
0x7d: {  	_ =	shalt  }
0x7e: {  	_ =	shalt  }
0x7f: {  	_ =	shalt  }
0x80: {  	_ =	shalt  }
0x81: {  	_ =	shalt  }
0x82: {  	_ =	shalt  }
0x83: {  	_ =	shalt  }
0x84: {  	_ =	shalt  }
0x85: {  	_ =	shalt  }
0x86: {  	_ =	shalt  }
0x87: {  	_ =	shalt  }
.Lfunc_end0:
.L_simem_size_0:
called_computation_lowered:
.L_overlay_start_0:
0x88: {  	s2 =	sld [smem:$0x3FD9]  }
0x89: {  	s3 =	sld [smem:$0x3FFE];
	_ =	sdelay $0x1  }
0x8a: {  	s1 =	srdreg.scid  }
0x8b: {  	s0 =	sand.u32 $0x1, s1  }
0x8c: {  	s17 =	sshll.u32 s0, $0xA;
	s2 =	sadd.s32 s3, s2  }
0x8d: {  	s2 =	sadd.s32 s2, s17  }
0x8e: {  	[smem:$0x3FC2] =	sst s2  }
0x8f: {  	_ = 	snop  }
0x90: {  	s2 =	sld [smem:$0x3FC9]  }
0x91: {  	s18 =	sld [smem:$0x3FD0];
	(tm) =	ssettm $0x1  }
0x92: {  	s4 =	sld [smem:$0x3FFB];
	_ =	sdelay $0x3  }
0x93: {  	_ =	strace s4  }
0x94: {  	s4 =	sld [smem:$0x3FFC];
	_ =	sdelay $0x3  }
0x95: {  	_ =	strace s4  }
0x96: {  	s4 =	sld [smem:$0x3FFD];
	_ =	sdelay $0x3  }
0x97: {  	_ =	strace s4  }
0x98: {  	_ =	strace $0x8FFFFFFF  }
0x99: {  	s19 =	sld [smem:$0x3FDB];
	_ =	sdelay $0x1  }
0x9a: {  	s5 =	simm.s32 $_scs_section_size  }
0x9b: {  	s6 =	simm.s32 $_size__tile_overlayer_lowered;
	s7 =	simm.s32 $_tile_overlayer_lowered  }
0x9c: {  	s22 =	simm.s32 $0x1BFF;
	s21 =	sshll.u32 s7, $0x1;
	s4 =	sadd.s32 s5, s19  }
0x9d: {  	s8 =	simm.s32 $0x0;
	s20 =	sshll.u32 s6, $0x1;
	s6 =	sadd.s32 s21, s4  }
0x9e: {  	[timem:s8], [sflag:s22] =	dma.local [hbm:s6], s20  }
0x9f: {  	_ =	swait.ge [sflag:s22], s20  }
0xa0: {  	s5 =	ssub.s32 $0x0, s20;
	[sflag:s22] =	ssyncset.done $0x0  }
0xa1: {  	[sflag:s22] =	ssyncadd.s32 s5;
	_ =	sdelay $0x1  }
0xa2: {  	s23 =	simm.s32 $0x1B8B  }
0xa3: {  	_ =	swait.ge [sflag:s23], $0x1  }
0xa4: {  	[sflag:s23] =	ssyncset.done $0x0  }
0xa5: {  	s25 =	simm.s32 $0x1B8E;
	s24 =	sld [smem:$0x3FFE];
	[sflag:s23] =	ssyncadd.s32 $0xFFFFFFFF  }
0xa6: {  	s26 =	simm.s32 $execute0_lowered;
	[smem:$0x3FD2] =	sst s25  }
0xa7: {  	s6 =	sshll.u32 s26, $0x1;
	_ =	strace $0x80000046;
	[dreg:$0x1] =	wrdreg $0xFFFFFFFF  }
0xa8: {  	s28 =	simm.s32 $_size_execute0_lowered;
	s4 =	sadd.s32 s4, s6;
	[dreg:$0x0] =	wrdreg $0x0  }
0xa9: {  	s6 =	sshll.u32 s28, $0x1;
	[dreg:$0x2] =	wrdreg s4  }
0xaa: {  	[dreg:$0x3] =	wrdreg s6  }
0xab: {  	[dreg:$0x4] =	wrdreg $0xC0  }
0xac: {  	_ =	task [dreg:s8], $0x5FFFF  }
0xad: {  	[dreg:$0x1] =	wrdreg $0xFFFFFFFF  }
0xae: {  	[dreg:$0x0] =	wrdreg $0x60  }
0xaf: {  	[dreg:$0x2] =	wrdreg s24  }
0xb0: {  	[dreg:$0x3] =	wrdreg s2  }
0xb1: {  	[dreg:$0x4] =	wrdreg s18  }
0xb2: {  	[dreg:$0x5] =	wrdreg $0x9  }
0xb3: {  	_ =	task.clear_ibuf [dreg:s8], $0x6FFFF;
	_ =	strace $0x90000046  }
0xb4: {  	s29 =	simm.s32 $0x9;
	_ =	strace $0x80000048  }
0xb5: {  	_ =	swait.ge [sflag:s29], $0x1  }
0xb6: {  	[sflag:s29] =	ssyncadd.s32 $0xFFFFFFFF  }
0xb7: {  	_ =	strace $0x90000048  }
0xb8: {  	_ =	sfence  }
0xb9: {  	s30 =	sld [smem:$0x0];
	_ =	sdelay $0x2  }
0xba: {  	s31 =	sshll.u32 s1, $0xD;
	s1 =	sshrl.u32 s1, $0x2  }
0xbb: {  	s3 =	sand.u32 $0x4000, s31;
	s1 =	sadd.s32 s1, s30  }
0xbc: {  	s0 =	sor.u32 s3, s0;
	s1 =	sshll.u32 s1, $0x11  }
0xbd: {  	s0 =	sor.u32 s1, s0  }
0xbe: {  	s0 =	sadd.s32 $0x8F2B, s0  }
0xbf: {  	[sflag:s0] =	ssyncadd.remote.s32 $0x1  }
0xc0: {  	_ =	sfence.sel $0xFFFF  }
0xc1: {  	[dreg:$0x0] =	wrdreg $0xFFFFFFFF;
	(pc) =	sbr.abs _section_cstart, $3  }
0xc2: {  	[dreg:$0x1] =	wrdreg $0xFFFFFFFF  }
0xc3: {  	_ =	task.clear_ibuf [dreg:s8], $0x2FFFF;
	_ =	strace $0x9FFFFFFF  }
0xc4: {  	(tm) =	ssettm $0x7FFFFFFF  }
0xc5: {  	_ =	shalt  }
tec
execute0_lowered:
.L_overlay_start_1:
0x0: {  	(tag) =	ssettag $0x1  }
0x1: {  	s0 =	rddreg [dreg:$0x0]  }
0x2: {  	s2 =	rddreg [dreg:$0x1]  }
0x3: {  	s1 =	srdreg.scid;
	s4 =	stileid.u32  }
0x4: {  	s3 =	rddreg [dreg:$0x2];
	s12 =	simm.s32 $0x80;
	s21 =	simm.s32 $0x1  }
0x5: {  	s22 =	simm.s32 $0x3;
	s23 =	simm.s32 $0x5;
	s25 =	simm.s32 $0x2  }
0x6: {  	s28 =	simm.s32 $0x6;
	s1 =	sand.u32 $0x1, s1;
	s5 =	sshll.u32 s4, $0x1  }
0x7: {  	s29 =	simm.s32 $0x15C00;
	s4 =	simm.s32 $0x0;
	s7 =	sor.u32 s1, s5  }
0x8: {  	s6 =	sadd.s32 $0x6000, s0;
	s1 =	ssub.s32 $0x2, s1;
	s10 =	smul.u32 $0x2800, s7  }
0x9: {  	[smem:$0x7FF] =	sst s4;
	s5 =	smul.u32 $0x280, s7;
	s9 =	sshrl.u32 s1, $0x1  }
0xa: {  	_ =	strace $0x80000047;
	s26 =	ssub.s32 s1, s9;
	s31 =	sadd.s32 s6, s10  }
0xb: {  	vm0 =	vmmov $0x1;
	vm1 =	vcmask $0x320;
	vm2 =	vcmask $0x720;
	s8 =	sadd.s32 s5, s0;
	s0 =	smax.u32 s26, $0x1;
	[dreg:$0x5] =	wrdreg s31  }
0xc: {  	vm3 =	vcmask $0xB20;
	vm4 =	vcmask $0xF20;
	vm5 =	vcmask $0x1320;
	s9 =	smul.u32 $0x14000, s7;
	s30 =	sadd.s32 $0x1000, s8;
	[dreg:$0x6] =	wrdreg s0  }
0xd: {  	vm6 =	vcmask $0x1720;
	vm7 =	vcmask $0x1B20;
	v47 =	vimm.f32 $1.000000000e+00;
	s7 =	simm.s32 $0x0;
	s26 =	simm.s32 $0x4;
	[dreg:$0x4] =	wrdreg s30  }
.LBB2_1:
0xe: {  	[dreg:$0x7] =	wrdreg s7  }
0xf: {  	s0 =	rddreg [dreg:$0x4];
	s31 =	simm.s32 $0x9  }
0x10: {  	[tilespmem:s4], [sflag:$0x9] =	stream.linear.gather [hbm4b:s0+s4], $0x1400, $0x38;
	[tilespmem:$0x16C00] =	vst v63  }
0x11: {  	_ =	swait.ge [sflag:s31], $0x1400  }
0x12: {  	[sflag:s31] =	ssyncset.done $0x0  }
0x13: {  	s8 =	simm.s32 $0x20;
	[sflag:s31] =	ssyncadd.s32 $0xFFFFEC00  }
0x14: {  	v1 =	vld [tilespmem:s8+$0x0];
	_ =	sdelay $0x3  }
0x15: {  	v5 =	vld [tilespmem:s8+$0x10]  }
0x16: {  	s0 =	simm.s32 $0x1420;
	v3 =	vld [tilespmem:s8+$0xFFFFFFF0];
	v2 =	vand.u32 $0x7FFF, v1;
	v1 =	vshrl.u32 v1, $0xF  }
0x17: {  	[tilespmem:s0+$0x0] =	vst v2;
	v2 =	vand.u32 $0x3FFF, v1;
	v1 =	vld [tilespmem:s8+$0xFFFFFFE0];
	_ =	sdelay $0x2  }
0x18: {  	s1 =	simm.s32 $0x2820;
	s7 =	simm.s32 $0x0;
	v6 =	vand.u32 $0x7FFF, v5  }
0x19: {  	s10 =	simm.s32 $0x60;
	s11 =	simm.s32 $0x1420;
	v4 =	vand.u32 $0x7FFF, v3;
	v3 =	vshrl.u32 v3, $0xF;
	v5 =	vshrl.u32 v5, $0xF;
	[tilespmem:s0+$0x10] =	vst v6;
	s8 =	simm.s32 $0x2820  }
.LBB2_2:
0x1a: {  	v6 =	vld [tilespmem:s10+$0x0];
	s7 =	sadd.s32 $0x4, s7;
	v7 =	vand.u32 $0x7FFF, v1;
	[tilespmem:s0+$0xFFFFFFF0] =	vst v4;
	v3 =	vand.u32 $0x3FFF, v3;
	v4 =	vand.u32 $0x3FFF, v5;
	s1 =	sadd.s32 $0x40, s1;
	s11 =	sadd.s32 $0x40, s11  }
0x1b: {  	v5 =	vld [tilespmem:s10+$0x10];
	p0 =	slt.u32 s7, $0x13C;
	[tilespmem:s0+$0xFFFFFFE0] =	vst v7;
	s0 =	smov.u32 s11  }
0x1c: {  	v8 =	vshrl.u32 v1, $0xF;
	v7 =	vld [tilespmem:s10+$0xFFFFFFF0];
	[tilespmem:s8+$0x0] =	vst v2  }
.Ltmp0:
0x1d: {  	v2 =	vand.u32 $0x3FFF, v8;
	v1 =	vld [tilespmem:s10+$0xFFFFFFE0];
	[tilespmem:s8+$0x10] =	vst v4;
	(pc) =	sbr.rel @p0 .LBB2_2-.Ltmp0, $4  }
0x1e: {  	[tilespmem:s8+$0xFFFFFFE0] =	vst v2  }
0x1f: {  	v2 =	vand.u32 $0x7FFF, v6;
	v4 =	vshrl.u32 v6, $0xF;
	[tilespmem:s8+$0xFFFFFFF0] =	vst v3;
	s8 =	smov.u32 s1  }
0x20: {  	[tilespmem:s11+$0x0] =	vst v2;
	v2 =	vand.u32 $0x3FFF, v4;
	v6 =	vand.u32 $0x7FFF, v5  }
0x21: {  	s10 =	sadd.s32 $0x40, s10;
	v5 =	vshrl.u32 v5, $0xF;
	v4 =	vand.u32 $0x7FFF, v7;
	v3 =	vshrl.u32 v7, $0xF;
	[tilespmem:s11+$0x10] =	vst v6  }
0x22: {  	[tilespmem:s0+$0xFFFFFFF0] =	vst v4  }
0x23: {  	v6 =	vand.u32 $0x7FFF, v1;
	[tilespmem:s8+$0x0] =	vst v2  }
0x24: {  	v61 =	vand.u32 $0x3FFF, v5;
	[tilespmem:s0+$0xFFFFFFE0] =	vst v6  }
0x25: {  	v62 =	vshrl.u32 v1, $0xF;
	v63 =	vand.u32 $0x3FFF, v3;
	[tilespmem:s8+$0x10] =	vst v61  }
0x26: {  	v1 =	vand.u32 $0x3FFF, v62;
	[tilespmem:s8+$0xFFFFFFF0] =	vst v63  }
0x27: {  	s20 =	simm.s32 $0x1400;
	s1 =	simm.s32 $0x4C00;
	[tilespmem:s8+$0xFFFFFFE0] =	vst v1  }
0x28: {  	[tilespmem:s1], [sflag:$0x1] =	stream.indirect.gather [hbm4b:s6+s12], $0x80, s20, s12, $0xb8;
	[tilespmem:$0x16C00] =	vst v63  }
0x29: {  	s24 =	simm.s32 $0x2800;
	s30 =	simm.s32 $0xCC00  }
0x2a: {  	[tilespmem:s30], [sflag:$0x3] =	stream.indirect.gather [hbm4b:s2+s12], $0x80, s24, s12, $0xb8;
	[tilespmem:$0x16C00] =	vst v63  }
0x2b: {  	s7 =	simm.s32 $0x3C00;
	s0 =	simm.s32 $0x0;
	s31 =	rddreg [dreg:$0x5]  }
0x2c: {  	[tilespmem:s7], [sflag:$0x5] =	stream.linear.gather [hbm4b:s31+s0], $0x800, $0x38;
	[tilespmem:$0x16C00] =	vst v63  }
.LBB2_4:
0x2d: {  	s1 =	sshllo.u32 s0, $0x1  }
0x2e: {  	s14 =	sshll.u32 s1, $0x7;
	s15 =	sshll.u32 s1, $0x4  }
0x2f: {  	s7 =	simm.s32 $0x8C00;
	s19 =	sadd.s32 $0x1400, s14;
	s13 =	sadd.s32 s5, s15  }
0x30: {  	[tilespmem:s7], [sflag:$0x2] =	stream.indirect.gather [hbm4b:s6+s12], $0x80, s19, s12, $0xb8;
	[tilespmem:$0x16C00] =	vst v63  }
0x31: {  	s24 =	simm.s32 $0x10C00;
	s20 =	sadd.s32 $0x2800, s14;
	s30 =	sshll.u32 s13, $0x4  }
0x32: {  	[tilespmem:s24], [sflag:$0x4] =	stream.indirect.gather [hbm4b:s2+s12], $0x80, s20, s12, $0xb8;
	[tilespmem:$0x16C00] =	vst v63  }
0x33: {  	s31 =	simm.s32 $0x4400;
	s1 =	sadd.s32 s6, s30  }
0x34: {  	[tilespmem:s31], [sflag:$0x6] =	stream.linear.gather [hbm4b:s1+s4], $0x800, $0x38;
	[tilespmem:$0x16C00] =	vst v63  }
0x35: {  	_ =	swait.ge [sflag:s21], $0x4000  }
0x36: {  	[sflag:s21] =	ssyncset.done $0x0  }
0x37: {  	[sflag:s21] =	ssyncadd.s32 $0xFFFFC000  }
0x38: {  	_ =	swait.ge [sflag:s22], $0x4000  }
0x39: {  	[sflag:s22] =	ssyncset.done $0x0  }
0x3a: {  	[sflag:s22] =	ssyncadd.s32 $0xFFFFC000  }
0x3b: {  	_ =	swait.ge [sflag:s23], $0x800  }
0x3c: {  	p0 =	seq.s32 s0, $0x0;
	[sflag:s23] =	ssyncset.done $0x0  }
0x3d: {  	s1 =	simm.s32 @!p0 $0x7;
	[sflag:s23] =	ssyncadd.s32 $0xFFFFF800  }
0x3e: {  	_ =	swait.ge @!p0 [sflag:s1], $0x1000  }
0x3f: {  	s16 =	sshll.u32 s0, $0x1;
	s7 =	sshll.u32 s0, $0x5;
	[sflag:s1] =	ssyncset.done @!p0 $0x0  }
0x40: {  	s8 =	simm.s32 $0x0;
	s17 =	sadd.s32 s5, s7;
	[sflag:s1] =	ssyncadd.s32 @!p0 $0xFFFFF000  }
.LBB2_5:
0x41: {  	s1 =	sshll.u32 s8, $0x7  }
0x42: {  	v1 =	vld [tilespmem:s1+$0x3C00]  }
0x43: {  	v2 =	vld [tilespmem:s1+$0x3C10]  }
0x44: {  	v3 =	vld [tilespmem:s1+$0x3C20]  }
0x45: {  	v4 =	vld [tilespmem:s1+$0x3C30]  }
0x46: {  	v5 =	vld [tilespmem:s1+$0x3C40]  }
0x47: {  	v6 =	vld [tilespmem:s1+$0x3C50]  }
0x48: {  	v7 =	vld [tilespmem:s1+$0x3C60]  }
0x49: {  	s10 =	sshll.u32 s8, $0xA;
	v8 =	vld [tilespmem:s1+$0x3C70]  }
0x4a: {  	v9 =	vld [tilespmem:s10+$0x4C00]  }
0x4b: {  	v10 =	vld [tilespmem:s10+$0x4C10]  }
0x4c: {  	v11 =	vld [tilespmem:s10+$0x4C20]  }
0x4d: {  	v12 =	vld [tilespmem:s10+$0x4C30]  }
0x4e: {  	v13 =	vld [tilespmem:s10+$0x4C40]  }
0x4f: {  	v14 =	vld [tilespmem:s10+$0x4C50]  }
0x50: {  	v15 =	vld [tilespmem:s10+$0x4C60]  }
0x51: {  	v16 =	vld [tilespmem:s10+$0x4C70]  }
0x52: {  	v38 =	vld [tilespmem:s10+$0x4C80]  }
0x53: {  	v39 =	vld [tilespmem:s10+$0x4C90]  }
0x54: {  	v40 =	vld [tilespmem:s10+$0x4CA0]  }
0x55: {  	v41 =	vld [tilespmem:s10+$0x4CB0]  }
0x56: {  	v42 =	vld [tilespmem:s10+$0x4CC0]  }
0x57: {  	v43 =	vld [tilespmem:s10+$0x4CD0]  }
0x58: {  	v44 =	vld [tilespmem:s10+$0x4CE0]  }
0x59: {  	v17 =	vld [tilespmem:s10+$0x4CF0]  }
0x5a: {  	v18 =	vld [tilespmem:s10+$0x4D00]  }
0x5b: {  	v19 =	vld [tilespmem:s10+$0x4D10]  }
0x5c: {  	v20 =	vld [tilespmem:s10+$0x4D20]  }
0x5d: {  	v21 =	vld [tilespmem:s10+$0x4D30];
	v9 =	vmul.f32 v9, v1;
	v11 =	vmul.f32 v11, v3  }
0x5e: {  	v22 =	vld [tilespmem:s10+$0x4D40];
	v10 =	vmul.f32 v10, v2;
	v12 =	vmul.f32 v12, v4  }
0x5f: {  	v23 =	vld [tilespmem:s10+$0x4D50];
	v34 =	vmul.f32 v13, v5  }
0x60: {  	v24 =	vld [tilespmem:s10+$0x4D60];
	v35 =	vmul.f32 v14, v6;
	v9 =	vadd.f32 v11, v9;
	v10 =	vadd.f32 v12, v10  }
0x61: {  	v25 =	vld [tilespmem:s10+$0x4D70];
	v36 =	vmul.f32 v15, v7  }
0x62: {  	v26 =	vld [tilespmem:s10+$0x4D80];
	v37 =	vmul.f32 v16, v8;
	v9 =	vadd.f32 v34, v9;
	v10 =	vadd.f32 v35, v10  }
0x63: {  	v27 =	vld [tilespmem:s10+$0x4D90]  }
0x64: {  	v28 =	vld [tilespmem:s10+$0x4DA0];
	v9 =	vadd.f32 v36, v9;
	v10 =	vadd.f32 v37, v10  }
0x65: {  	v29 =	vld [tilespmem:s10+$0x4DB0]  }
0x66: {  	v30 =	vld [tilespmem:s10+$0x4DC0];
	v9 =	vadd.f32 v10, v9  }
0x67: {  	v31 =	vld [tilespmem:s10+$0x4DD0]  }
0x68: {  	v32 =	vld [tilespmem:s10+$0x4DE0];
	(xrf2) =	vadd.scan.msk.f32 $0xffff, v9  }
0x69: {  	v33 =	vld [tilespmem:s10+$0x4DF0]  }
0x6a: {  	v50 =	vld [tilespmem:s10+$0x4E50]  }
0x6b: {  	v13 =	vmul.f32 v41, v4;
	v45 =	vmul.f32 v42, v5;
	v14 =	vld [tilespmem:s10+$0x4E20]  }
0x6c: {  	v46 =	vmul.f32 v43, v6;
	v15 =	vld [tilespmem:s10+$0x4E30];
	v48 =	vmul.f32 v44, v7  }
0x6d: {  	v16 =	vld [tilespmem:s10+$0x4E40];
	v49 =	vmul.f32 v17, v8;
	v51 =	vmul.f32 v18, v1  }
0x6e: {  	v52 =	vmul.f32 v19, v2;
	v19 =	vld [tilespmem:s10+$0x4E70];
	v20 =	vmul.f32 v20, v3  }
0x6f: {  	v21 =	vmul.f32 v21, v4;
	v53 =	vmul.f32 v22, v5;
	v34 =	vld [tilespmem:s10+$0x4E00]  }
0x70: {  	v12 =	vmul.f32 v40, v3;
	v35 =	vld [tilespmem:s10+$0x4E10];
	v10 =	vmul.f32 v38, v1  }
0x71: {  	v54 =	vmul.f32 v23, v6;
	v56 =	vmul.f32 v26, v1;
	v36 =	vld [tilespmem:s10+$0x4E80]  }
0x72: {  	v57 =	vmul.f32 v28, v3;
	v59 =	vmul.f32 v27, v2;
	v10 =	vadd.f32 v12, v10;
	v12 =	vld [tilespmem:s10+$0x4E60];
	v9, _, _ =	vpop (xrf2)  }
0x73: {  	v60 =	vmul.f32 v29, v4;
	v63 =	vmul.f32 v30, v5;
	v55 =	vld [tilespmem:s10+$0x4E90]  }
0x74: {  	v24 =	vmul.f32 v24, v7;
	v25 =	vmul.f32 v25, v8;
	v58 =	vld [tilespmem:s10+$0x4EA0]  }
0x75: {  	v41 =	vmul.f32 v33, v8;
	v11 =	vmul.f32 v39, v2;
	v18 =	vadd.f32 v21, v52;
	v61 =	vld [tilespmem:s10+$0x4EB0]  }
0x76: {  	v17 =	vmul.f32 v50, v6;
	v62 =	vadd.f32 v57, v56;
	v21 =	vadd.f32 v60, v59;
	v0 =	vld [tilespmem:s10+$0x4EC0]  }
0x77: {  	v40 =	vmul.f32 v32, v7;
	v11 =	vadd.f32 v13, v11;
	v13 =	vadd.f32 v20, v51;
	v38 =	vld [tilespmem:s10+$0x4ED0]  }
0x78: {  	v18 =	vadd.f32 v54, v18;
	v14 =	vmul.f32 v14, v3;
	v37 =	vmul.f32 v31, v6;
	v39 =	vld [tilespmem:s10+$0x4EE0]  }
0x79: {  	v15 =	vmul.f32 v15, v4;
	v11 =	vadd.f32 v46, v11;
	v10 =	vadd.f32 v45, v10;
	v42 =	vld [tilespmem:s10+$0x4EF0]  }
0x7a: {  	v18 =	vadd.f32 v25, v18;
	v21 =	vadd.f32 v37, v21;
	v45 =	vmul.f32 v34, v1;
	v43 =	vld [tilespmem:s10+$0x4F00]  }
0x7b: {  	v16 =	vmul.f32 v16, v5;
	v11 =	vadd.f32 v49, v11;
	v10 =	vadd.f32 v48, v10;
	v44 =	vld [tilespmem:s10+$0x4F10]  }
0x7c: {  	v21 =	vadd.f32 v41, v21;
	v48 =	vmul.f32 v35, v2;
	v14 =	vadd.f32 v14, v45;
	v46 =	vld [tilespmem:s10+$0x4F20]  }
0x7d: {  	v19 =	vmul.f32 v19, v8;
	v10 =	vadd.f32 v11, v10;
	v11 =	vadd.f32 v53, v13;
	v49 =	vld [tilespmem:s10+$0x4F30]  }
0x7e: {  	v51 =	vmul.f32 v36, v1;
	v13 =	vadd.f32 v63, v62;
	v15 =	vadd.f32 v15, v48;
	v50 =	vld [tilespmem:s10+$0x4F40]  }
0x7f: {  	v12 =	vmul.f32 v12, v7;
	v14 =	vadd.f32 v16, v14;
	v11 =	vadd.f32 v24, v11;
	v52 =	vld [tilespmem:s10+$0x4F50]  }
0x80: {  	v13 =	vadd.f32 v40, v13;
	v15 =	vadd.f32 v17, v15;
	v60 =	vld [tilespmem:s10+$0x4F80];
	v28 =	vmul.f32 v58, v3  }
0x81: {  	v12 =	vadd.f32 v12, v14;
	v33 =	vld [tilespmem:s10+$0x4FB0];
	v53 =	vmul.f32 v55, v2;
	v54 =	vmul.f32 v61, v4  }
0x82: {  	v11 =	vadd.f32 v18, v11;
	v36 =	vld [tilespmem:s10+$0x4FC0];
	v57 =	vmul.f32 v0, v5;
	v59 =	vmul.f32 v38, v6  }
0x83: {  	v15 =	vadd.f32 v19, v15;
	v20 =	vmul.f32 v39, v7;
	v61 =	vld [tilespmem:s10+$0x4F90];
	v63 =	vmul.f32 v42, v8  }
0x84: {  	v13 =	vadd.f32 v21, v13;
	v0 =	vld [tilespmem:s10+$0x4FA0];
	v34 =	vmul.f32 v43, v1;
	v35 =	vmul.f32 v44, v2  }
0x85: {  	v12 =	vadd.f32 v15, v12;
	v37 =	vmul.f32 v46, v3;
	v38 =	vmul.f32 v49, v4;
	v39 =	vld [tilespmem:s10+$0x4FD0]  }
0x86: {  	v55 =	vld [tilespmem:s10+$0x4F60];
	v40 =	vmul.f32 v50, v5;
	v41 =	vmul.f32 v52, v6;
	v56 =	vadd.f32 v28, v51  }
0x87: {  	v58 =	vld [tilespmem:s10+$0x4F70];
	v43 =	vmul.f32 v60, v1;
	v16 =	vadd.f32 v54, v53;
	v15 =	vadd.f32 v37, v34  }
0x88: {  	v42 =	vld [tilespmem:s10+$0x4FE0];
	v19 =	vmul.f32 v33, v4;
	v45 =	vmul.f32 v36, v5;
	v17 =	vadd.f32 v57, v56  }
0x89: {  	v44 =	vld [tilespmem:s10+$0x4FF0];
	v62 =	vadd.f32 v59, v16;
	v15 =	vadd.f32 v40, v15;
	v23 =	vmul.f32 v0, v3  }
0x8a: {  	v21 =	vmul.f32 v61, v2;
	v46 =	vmul.f32 v39, v6;
	v17 =	vadd.f32 v20, v17  }
0x8b: {  	v48 =	vmul.f32 v55, v7;
	v14 =	vadd.f32 v63, v62;
	v20 =	vadd.f32 v38, v35  }
0x8c: {  	v49 =	vmul.f32 v58, v8;
	v16 =	vadd.f32 v23, v43;
	v19 =	vadd.f32 v19, v21  }
0x8d: {  	v51 =	vmul.f32 v42, v7;
	v53 =	vadd.f32 v48, v15;
	v18 =	vadd.f32 v41, v20  }
0x8e: {  	(xrf2) =	vadd.scan.msk.f32 $0xffff, v10;
	v52 =	vmul.f32 v44, v8;
	v16 =	vadd.f32 v45, v16;
	v50 =	vadd.f32 v46, v19  }
0x8f: {  	(xrf2) =	vadd.scan.msk.f32 $0xffff, v11;
	v14 =	vadd.f32 v14, v17;
	v54 =	vadd.f32 v49, v18  }
0x90: {  	(xrf2) =	vadd.scan.msk.f32 $0xffff, v13;
	v55 =	vadd.f32 v51, v16;
	v10 =	vadd.f32 v52, v50  }
0x91: {  	(xrf2) =	vadd.scan.msk.f32 $0xffff, v12;
	v11 =	vadd.f32 v54, v53  }
0x92: {  	(xrf2) =	vadd.scan.msk.f32 $0xffff, v14;
	v10 =	vadd.f32 v10, v55  }
0x93: {  	(xrf2) =	vadd.scan.msk.f32 $0xffff, v11  }
0x94: {  	(xrf2) =	vadd.scan.msk.f32 $0xffff, v10;
	_ =	sdelay $0x3  }
0x95: {  	v9 =	vbroadcast v9, $0xF;
	v56, _, _ =	vpop (xrf2)  }
0x96: {  	v57, _, _ =	vpop (xrf2);
	v10 =	vbroadcast v56, $0xF  }
0x97: {  	v9 =	vnsel vm0, $0xF149F2CA, v9;
	v58, _, _ =	vpop (xrf2);
	v11 =	vbroadcast v57, $0xF  }
0x98: {  	v59 =	vbroadcast v58, $0xF;
	v60, _, _ =	vpop (xrf2);
	v9 =	vsel vm1, v9, v10  }
0x99: {  	v61 =	vbroadcast v60, $0xF;
	v9 =	vsel vm2, v9, v11;
	v62, _, _ =	vpop (xrf2)  }
0x9a: {  	v9 =	vsel vm3, v9, v59;
	v63 =	vbroadcast v62, $0xF;
	v0, _, _ =	vpop (xrf2)  }
0x9b: {  	v9 =	vsel vm4, v9, v61;
	v16 =	vbroadcast v0, $0xF;
	v17, _, _ =	vpop (xrf2)  }
0x9c: {  	v9 =	vsel vm5, v9, v63;
	v18 =	vbroadcast v17, $0xF  }
0x9d: {  	v9 =	vsel vm6, v9, v16  }
0x9e: {  	v9 =	vsel vm7, v9, v18  }
0x9f: {  	v9 =	vmul.f32 $1.442695020e+00, v9  }
0xa0: {  	s11 =	sadd.s32 s7, s8  }
0xa1: {  	s11 =	sshll.u32 s11, $0x3;
	(erf) = vpow2.f32 v9  }
0xa2: {  	v19 =	vmov s11  }
0xa3: {  	v10 =	vbroadcast v19, $0x0;
	_ =	sdelay $0x2  }
0xa4: {  	s20 =	sshll.u32 s8, $0x8  }
0xa5: {  	s1 =	sand.u32 $0x380, s1;
	s11 =	sand.u32 $0x800, s20  }
0xa6: {  	s1 =	sor.u32 s1, s11  }
0xa7: {  	s11 =	sadd.s32 $0x14C00, s1;
	v10 =	vld.idx.msk [tilespmem:v10+s4+$0x0], $0xffff;
	[tilespmem:s1+$0x14C00] =	vst v1  }
0xa8: {  	[tilespmem:s11+$0x40] =	vst v5;
	v9 =	vpop (erf)  }
0xa9: {  	[tilespmem:s11+$0x50] =	vst v6;
	(xrf2) =	vadd.scan.msk.f32 $0xffff, v9  }
0xaa: {  	[tilespmem:s11+$0x60] =	vst v7  }
0xab: {  	[tilespmem:s11+$0x70] =	vst v8  }
0xac: {  	[tilespmem:s11+$0x10] =	vst v2  }
0xad: {  	[tilespmem:s11+$0x20] =	vst v3  }
0xae: {  	[tilespmem:s11+$0x30] =	vst v4  }
0xaf: {  	v3 =	vld [tilespmem:s10+$0xCC00]  }
0xb0: {  	v6 =	vld [tilespmem:s10+$0xCC80]  }
0xb1: {  	v23 =	vld [tilespmem:s10+$0xCD00]  }
0xb2: {  	v8 =	vld [tilespmem:s10+$0xCD80]  }
0xb3: {  	v24 =	vld [tilespmem:s10+$0xCE00];
	v20, _, _ =	vpop (xrf2)  }
0xb4: {  	v25 =	vld [tilespmem:s10+$0xCE80];
	v11 =	vbroadcast v20, $0xF  }
0xb5: {  	s1 =	sadd.s32 $0x1, s8;
	v34 =	vld [tilespmem:s10+$0xCF00]  }
0xb6: {  	s18 =	sshll.u32 s1, $0x7;
	v37 =	vld [tilespmem:s10+$0xCF80];
	(erf) = vrcp.f32 v11  }
0xb7: {  	v15 =	vld [tilespmem:s18+$0x3C10]  }
0xb8: {  	v14 =	vld [tilespmem:s18+$0x3C20]  }
0xb9: {  	s30 =	sshll.u32 s1, $0xA;
	v13 =	vld [tilespmem:s18+$0x3C30]  }
0xba: {  	v19 =	vld [tilespmem:s30+$0x4C20]  }
0xbb: {  	v7 =	vld [tilespmem:s30+$0x4E80]  }
0xbc: {  	v28 =	vld [tilespmem:s30+$0x4EE0]  }
0xbd: {  	v29 =	vld [tilespmem:s30+$0x4EF0]  }
0xbe: {  	v4 =	vld [tilespmem:s30+$0x4F00]  }
0xbf: {  	v5 =	vld [tilespmem:s30+$0x4F10];
	v21 =	vpop (erf)  }
0xc0: {  	v17 =	vld [tilespmem:s30+$0x4C00];
	vm8 =	vlt.u32 v10, $0x20000000;
	v1 =	vmul.f32 v21, v9  }
0xc1: {  	v16 =	vld [tilespmem:s18+$0x3C00];
	v22 =	vsel vm8, $0x0, v47  }
0xc2: {  	v18 =	vld [tilespmem:s30+$0x4C10];
	v9 =	vmul.f32 v1, v22  }
0xc3: {  	v20 =	vld [tilespmem:s30+$0x4C30]  }
0xc4: {  	v21 =	vld [tilespmem:s30+$0x4C40];
	v2 =	vbroadcast v9, $0x2  }
0xc5: {  	v22 =	vld [tilespmem:s30+$0x4C50];
	v35 =	vbroadcast v9, $0x4  }
0xc6: {  	v30 =	vbroadcast v9, $0x6;
	v33 =	vmul.f32 v2, v23;
	v23 =	vld [tilespmem:s30+$0x4C60]  }
0xc7: {  	v36 =	vbroadcast v9, $0x5;
	v10 =	vmul.f32 v35, v24;
	v24 =	vld [tilespmem:s30+$0x4C70]  }
0xc8: {  	v40 =	vbroadcast v9, $0x7;
	v43 =	vmul.f32 v34, v30;
	v34 =	vld [tilespmem:s30+$0x4C90]  }
0xc9: {  	v0 =	vbroadcast v9, $0x0;
	v11 =	vmul.f32 v36, v25;
	v38 =	vmov v36;
	[tilespmem:$0x1FFB0] =	vst v36;
	v36 =	vld [tilespmem:s30+$0x4CB0]  }
0xca: {  	v44 =	vmul.f32 v37, v40;
	v37 =	vld [tilespmem:s30+$0x4CC0]  }
0xcb: {  	v26 =	vmul.f32 v0, v3;
	v27 =	vmov v0;
	[tilespmem:$0x1FF30] =	vst v0;
	v0 =	vld [tilespmem:s30+$0x4E70]  }
0xcc: {  	v32 =	vbroadcast v9, $0x1;
	v31 =	vbroadcast v9, $0x3;
	v25 =	vld [tilespmem:s30+$0x4EB0]  }
0xcd: {  	v3 =	vld [tilespmem:s30+$0x4F40]  }
0xce: {  	v6 =	vmul.f32 v32, v6;
	v8 =	vmul.f32 v31, v8;
	v12 =	vadd.f32 v33, v26;
	v33 =	vld [tilespmem:s30+$0x4C80]  }
0xcf: {  	v26 =	vld [tilespmem:s30+$0x4E90]  }
0xd0: {  	v39 =	vadd.f32 v8, v6;
	v6 =	vld [tilespmem:s30+$0x4EA0]  }
0xd1: {  	v8 =	vld [tilespmem:s30+$0x4ED0];
	v41 =	vadd.f32 v12, v10  }
0xd2: {  	v42 =	vadd.f32 v39, v11;
	v39 =	vld [tilespmem:s30+$0x4CE0]  }
0xd3: {  	v9 =	vadd.f32 v41, v43;
	v41 =	vld [tilespmem:s30+$0x4D00]  }
0xd4: {  	v10 =	vadd.f32 v42, v44;
	v42 =	vld [tilespmem:s30+$0x4D10]  }
0xd5: {  	s19 =	sadd.s32 $0x2, s8;
	v25 =	vmul.f32 v25, v13;
	v43 =	vld [tilespmem:s30+$0x4D20];
	v26 =	vmul.f32 v26, v15  }
0xd6: {  	s31 =	sshll.u32 s19, $0xA;
	v7 =	vmul.f32 v7, v16;
	v44 =	vld [tilespmem:s30+$0x4D30];
	v6 =	vmul.f32 v6, v14;
	v9 =	vadd.f32 v10, v9  }
0xd7: {  	v25 =	vadd.f32 v25, v26;
	v26 =	vld [tilespmem:s31+$0x4C50]  }
0xd8: {  	v6 =	vadd.f32 v6, v7;
	v7 =	vld [tilespmem:s31+$0x4C60];
	[tilespmem:s11+$0x400] =	vst v9  }
0xd9: {  	v9 =	vld [tilespmem:s10+$0xCC10]  }
0xda: {  	v45 =	vld [tilespmem:s10+$0xCC90]  }
0xdb: {  	v46 =	vld [tilespmem:s10+$0xCD10]  }
0xdc: {  	v48 =	vld [tilespmem:s10+$0xCE10]  }
0xdd: {  	v49 =	vld [tilespmem:s10+$0xCE90]  }
0xde: {  	v51 =	vld [tilespmem:s10+$0xCF90]  }
0xdf: {  	v47 =	vld [tilespmem:s10+$0xCD90]  }
0xe0: {  	v50 =	vld [tilespmem:s10+$0xCF10]  }
0xe1: {  	[tilespmem:$0x1FF90] =	vst v35;
	v52 =	vmul.f32 v48, v35;
	v35 =	vld [tilespmem:s30+$0x4CA0]  }
0xe2: {  	v53 =	vmul.f32 v49, v38;
	v38 =	vld [tilespmem:s30+$0x4CD0]  }
0xe3: {  	[tilespmem:$0x1FFE0] =	vst v40;
	v55 =	vmul.f32 v51, v40;
	v40 =	vld [tilespmem:s30+$0x4CF0]  }
0xe4: {  	v10 =	vmul.f32 v45, v32;
	v45 =	vld [tilespmem:s30+$0x4D40]  }
0xe5: {  	v11 =	vmul.f32 v46, v2;
	v46 =	vld [tilespmem:s30+$0x4D50]  }
0xe6: {  	v12 =	vmul.f32 v47, v31;
	v47 =	vld [tilespmem:s30+$0x4D60]  }
0xe7: {  	v48 =	vld [tilespmem:s30+$0x4D70]  }
0xe8: {  	v49 =	vld [tilespmem:s30+$0x4D80]  }
0xe9: {  	v54 =	vmul.f32 v50, v30;
	v50 =	vld [tilespmem:s30+$0x4D90]  }
0xea: {  	v9 =	vmul.f32 v9, v27;
	v51 =	vld [tilespmem:s30+$0x4DA0]  }
0xeb: {  	v27 =	vld [tilespmem:s30+$0x4EC0]  }
0xec: {  	v9 =	vadd.f32 v11, v9;
	v10 =	vadd.f32 v12, v10;
	v12 =	vld [tilespmem:s18+$0x3C40]  }
0xed: {  	v11 =	vld [tilespmem:s18+$0x3C50]  }
0xee: {  	v9 =	vadd.f32 v52, v9;
	v52 =	vld [tilespmem:s30+$0x4DB0]  }
0xef: {  	v10 =	vadd.f32 v53, v10;
	v53 =	vld [tilespmem:s30+$0x4DC0]  }
0xf0: {  	v18 =	vmul.f32 v18, v15;
	v20 =	vmul.f32 v20, v13;
	v9 =	vadd.f32 v54, v9;
	v54 =	vld [tilespmem:s30+$0x4DD0]  }
0xf1: {  	v19 =	vmul.f32 v19, v14;
	v17 =	vmul.f32 v17, v16;
	v10 =	vadd.f32 v55, v10;
	v55 =	vld [tilespmem:s30+$0x4DE0]  }
0xf2: {  	v18 =	vadd.f32 v20, v18;
	v1 =	vmul.f32 v21, v12;
	v20 =	vmul.f32 v37, v12;
	v37 =	vld [tilespmem:s30+$0x4F80]  }
0xf3: {  	v17 =	vadd.f32 v19, v17;
	[tilespmem:$0x1FF50] =	vst v2;
	v2 =	vmul.f32 v22, v11;
	v22 =	vmul.f32 v50, v15;
	v50 =	vld [tilespmem:s31+$0x4C20]  }
0xf4: {  	v9 =	vadd.f32 v10, v9;
	v10 =	vld [tilespmem:s18+$0x3C60]  }
0xf5: {  	v17 =	vadd.f32 v1, v17;
	v1 =	vld [tilespmem:s30+$0x4F20]  }
0xf6: {  	v18 =	vadd.f32 v2, v18;
	v2 =	vld [tilespmem:s30+$0x4F30]  }
0xf7: {  	[tilespmem:s11+$0x410] =	vst v9;
	v9 =	vld [tilespmem:s18+$0x3C70]  }
0xf8: {  	v56 =	vld [tilespmem:s10+$0xCC20]  }
0xf9: {  	v57 =	vld [tilespmem:s10+$0xCCA0]  }
0xfa: {  	v58 =	vld [tilespmem:s10+$0xCD20]  }
0xfb: {  	v59 =	vld [tilespmem:s10+$0xCDA0]  }
0xfc: {  	v49 =	vmul.f32 v49, v16;
	v51 =	vmul.f32 v51, v14;
	v60 =	vld [tilespmem:s10+$0xCE20]  }
0xfd: {  	v61 =	vld [tilespmem:s10+$0xCEA0]  }
0xfe: {  	v21 =	vadd.f32 v51, v49;
	v53 =	vmul.f32 v53, v12;
	v62 =	vld [tilespmem:s10+$0xCF20]  }
0xff: {  	s20 =	sshll.u32 s19, $0x7;
	v52 =	vmul.f32 v52, v13;
	v63 =	vld [tilespmem:s10+$0xCFA0]  }
0x100: {  	v51 =	vadd.f32 v53, v21;
	v21 =	vld [tilespmem:s20+$0x3C40]  }
0x101: {  	v22 =	vadd.f32 v52, v22;
	v52 =	vld [tilespmem:s31+$0x4C00];
	v19 =	vmul.f32 v23, v10  }
0x102: {  	v23 =	vld [tilespmem:s20+$0x3C60]  }
0x103: {  	v17 =	vadd.f32 v19, v17;
	v19 =	vmul.f32 v33, v16;
	v33 =	vld [tilespmem:s30+$0x4F50]  }
0x104: {  	[tilespmem:$0x1FF40] =	vst v56;
	v56 =	vld [tilespmem:s30+$0x4DF0]  }
0x105: {  	[tilespmem:$0x1FF70] =	vst v57;
	v57 =	vld [tilespmem:s30+$0x4E00]  }
0x106: {  	[tilespmem:$0x1FF60] =	vst v58;
	v58 =	vld [tilespmem:s30+$0x4E10]  }
0x107: {  	[tilespmem:$0x1FF80] =	vst v59;
	v59 =	vld [tilespmem:s30+$0x4E20]  }
0x108: {  	[tilespmem:$0x1FFA0] =	vst v60;
	v60 =	vld [tilespmem:s30+$0x4E30]  }
0x109: {  	v8 =	vmul.f32 v8, v11;
	[tilespmem:$0x1FFC0] =	vst v61;
	v61 =	vld [tilespmem:s30+$0x4E40]  }
0x10a: {  	v4 =	vmul.f32 v4, v16;
	v1 =	vmul.f32 v1, v14;
	[tilespmem:$0x1FFD0] =	vst v62;
	v62 =	vld [tilespmem:s30+$0x4E50]  }
0x10b: {  	v5 =	vmul.f32 v5, v15;
	v8 =	vadd.f32 v8, v25;
	v2 =	vmul.f32 v2, v13;
	[tilespmem:$0x1FFF0] =	vst v63;
	v63 =	vld [tilespmem:s30+$0x4E60]  }
0x10c: {  	v24 =	vmul.f32 v24, v9;
	v29 =	vmul.f32 v29, v9;
	v1 =	vadd.f32 v1, v4;
	v4 =	vld [tilespmem:s31+$0x4C70]  }
0x10d: {  	v3 =	vmul.f32 v3, v12;
	v2 =	vadd.f32 v2, v5;
	v5 =	vld [tilespmem:s31+$0x4CE0]  }
0x10e: {  	v18 =	vadd.f32 v24, v18;
	v8 =	vadd.f32 v29, v8;
	v29 =	vld [tilespmem:s31+$0x4CC0]  }
0x10f: {  	v41 =	vmul.f32 v41, v16;
	v1 =	vadd.f32 v3, v1;
	v3 =	vld [tilespmem:s31+$0x4CB0]  }
0x110: {  	v24 =	vmul.f32 v35, v14;
	v35 =	vadd.f32 v18, v17;
	v17 =	vmul.f32 v34, v15;
	v34 =	vld [tilespmem:s30+$0x4F60]  }
0x111: {  	v43 =	vmul.f32 v43, v14;
	v18 =	vmul.f32 v36, v13;
	v36 =	vld [tilespmem:s30+$0x4F70]  }
0x112: {  	v19 =	vadd.f32 v24, v19;
	v24 =	vmul.f32 v38, v11;
	v38 =	vld [tilespmem:s30+$0x4F90]  }
0x113: {  	v17 =	vadd.f32 v18, v17;
	v18 =	vadd.f32 v43, v41;
	v41 =	vld [tilespmem:s30+$0x4FA0]  }
0x114: {  	v19 =	vadd.f32 v20, v19;
	v20 =	vmul.f32 v42, v15;
	v42 =	vld [tilespmem:s30+$0x4FD0]  }
0x115: {  	v44 =	vmul.f32 v44, v13;
	v43 =	vld [tilespmem:s30+$0x4FE0]  }
0x116: {  	(xrf2) =	vadd.scan.msk.f32 $0xffff, v35;
	v35 =	vld [tilespmem:s31+$0x4CF0];
	v17 =	vadd.f32 v24, v17;
	v24 =	vmul.f32 v45, v12  }
0x117: {  	v20 =	vadd.f32 v44, v20;
	v44 =	vmul.f32 v39, v10;
	v45 =	vmul.f32 v46, v11;
	v39 =	vld [tilespmem:s30+$0x4FB0]  }
0x118: {  	v47 =	vmul.f32 v47, v10;
	v46 =	vmul.f32 v40, v9;
	v40 =	vld [tilespmem:s30+$0x4FC0];
	v18 =	vadd.f32 v24, v18  }
0x119: {  	v48 =	vmul.f32 v48, v9;
	v19 =	vadd.f32 v44, v19;
	v20 =	vadd.f32 v45, v20;
	v44 =	vld [tilespmem:s30+$0x4FF0]  }
0x11a: {  	v17 =	vadd.f32 v46, v17;
	v24 =	vld [tilespmem:s20+$0x3C70];
	v53 =	vmul.f32 v42, v11;
	v18 =	vadd.f32 v47, v18  }
0x11b: {  	v42 =	vld [tilespmem:$0x1FF70];
	v20 =	vadd.f32 v48, v20;
	v47 =	vmul.f32 v54, v11;
	v48 =	vmul.f32 v57, v16  }
0x11c: {  	v45 =	vadd.f32 v17, v19;
	v17 =	vld [tilespmem:s20+$0x3C00];
	v57 =	vmul.f32 v59, v14;
	v59 =	vmul.f32 v58, v15  }
0x11d: {  	v19 =	vld [tilespmem:s20+$0x3C20];
	v54 =	vmul.f32 v60, v13;
	v60 =	vmul.f32 v62, v11  }
0x11e: {  	v62 =	vmul.f32 v56, v9;
	v56 =	vmul.f32 v27, v12;
	v27 =	vld [tilespmem:s31+$0x4C40]  }
0x11f: {  	v58 =	vmul.f32 v61, v12;
	v61 =	vmul.f32 v55, v10;
	v55 =	vld [tilespmem:$0x1FFB0]  }
0x120: {  	v46 =	vadd.f32 v20, v18;
	v18 =	vld [tilespmem:s20+$0x3C10]  }
0x121: {  	v20 =	vld [tilespmem:s20+$0x3C30]  }
0x122: {  	v47 =	vadd.f32 v47, v22;
	v22 =	vld [tilespmem:s20+$0x3C50]  }
0x123: {  	v57 =	vadd.f32 v57, v48;
	v6 =	vadd.f32 v56, v6;
	v56 =	vld [tilespmem:$0x1FF30]  }
0x124: {  	v59 =	vadd.f32 v54, v59;
	v54 =	vld [tilespmem:$0x1FF90]  }
0x125: {  	v48 =	vadd.f32 v58, v57;
	v57 =	vmul.f32 v28, v10;
	v28 =	vld [tilespmem:s31+$0x4C80]  }
0x126: {  	v58 =	vmul.f32 v33, v11;
	v33 =	vld [tilespmem:s31+$0x4C90]  }
0x127: {  	v0 =	vmul.f32 v0, v9;
	v49 =	vadd.f32 v60, v59;
	v59 =	vmul.f32 v34, v10;
	v34 =	vld [tilespmem:s31+$0x4CA0]  }
0x128: {  	v47 =	vadd.f32 v62, v47;
	v60 =	vmul.f32 v36, v9;
	v62 =	vmul.f32 v41, v14;
	v36 =	vld [tilespmem:s31+$0x4CD0]  }
0x129: {  	v41 =	vmul.f32 v39, v13;
	v39 =	vmul.f32 v42, v32;
	v42 =	vld [tilespmem:s31+$0x4D40]  }
0x12a: {  	v0 =	vadd.f32 v0, v49;
	v49 =	vld [tilespmem:s31+$0x4C10]  }
0x12b: {  	v2 =	vadd.f32 v58, v2;
	v58 =	vld [tilespmem:$0x1FF40]  }
0x12c: {  	v63 =	vmul.f32 v63, v10;
	v6 =	vadd.f32 v57, v6;
	v57 =	vld [tilespmem:$0x1FF50]  }
0x12d: {  	v51 =	vadd.f32 v61, v51;
	v61 =	vmul.f32 v37, v16;
	v1 =	vadd.f32 v59, v1;
	v59 =	vld [tilespmem:$0x1FF60]  }
0x12e: {  	(xrf2) =	vadd.scan.msk.f32 $0xffff, v45;
	v48 =	vadd.f32 v63, v48;
	v63 =	vmul.f32 v38, v15;
	v38 =	vld [tilespmem:s31+$0x4D10]  }
0x12f: {  	(xrf2) =	vadd.scan.msk.f32 $0xffff, v46;
	v47 =	vadd.f32 v47, v51;
	v46 =	vadd.f32 v62, v61;
	v62 =	vmul.f32 v43, v10;
	v43 =	vld [tilespmem:$0x1FF80]  }
0x130: {  	v0 =	vadd.f32 v0, v48;
	v48 =	vld [tilespmem:s31+$0x4C30]  }
0x131: {  	v2 =	vadd.f32 v60, v2;
	(xrf2) =	vadd.scan.msk.f32 $0xffff, v47;
	v47 =	vmul.f32 v40, v12;
	v40 =	vld [tilespmem:s31+$0x4D20]  }
0x132: {  	v51 =	vadd.f32 v41, v63;
	v63 =	vmul.f32 v44, v9;
	v44 =	vld [tilespmem:$0x1FFA0]  }
0x133: {  	v45 =	vadd.f32 v2, v1;
	v1 =	vld [tilespmem:s31+$0x4D00]  }
0x134: {  	v6 =	vadd.f32 v8, v6;
	v60 =	vadd.f32 v47, v46;
	v46 =	vld [tilespmem:$0x1FFC0]  }
0x135: {  	v3 =	vmul.f32 v3, v20;
	(xrf2) =	vadd.scan.msk.f32 $0xffff, v0;
	v61 =	vadd.f32 v53, v51;
	v53 =	vld [tilespmem:$0x1FFE0]  }
0x136: {  	v28 =	vmul.f32 v28, v17;
	v34 =	vmul.f32 v34, v19;
	(xrf2) =	vadd.scan.msk.f32 $0xffff, v6;
	v6 =	vld [tilespmem:s31+$0x4D30]  }
0x137: {  	v33 =	vmul.f32 v33, v18;
	v25 =	vmul.f32 v58, v56;
	v58 =	vld [tilespmem:$0x1FFD0]  }
0x138: {  	v7 =	vmul.f32 v7, v23;
	v5 =	vmul.f32 v5, v23;
	v28 =	vadd.f32 v34, v28;
	v34 =	vld [tilespmem:s31+$0x4E10]  }
0x139: {  	v29 =	vmul.f32 v29, v21;
	v4 =	vmul.f32 v4, v24;
	v3 =	vadd.f32 v3, v33;
	v33 =	vld [tilespmem:s31+$0x4E80]  }
0x13a: {  	v50 =	vmul.f32 v50, v19;
	v37 =	vmul.f32 v59, v57;
	v0 =	vadd.f32 v62, v60;
	v60 =	vld [tilespmem:$0x1FFF0]  }
0x13b: {  	v27 =	vmul.f32 v27, v21;
	v2 =	vadd.f32 v63, v61;
	v41 =	vmul.f32 v44, v54;
	v44 =	vld [tilespmem:s31+$0x4DA0]  }
0x13c: {  	v26 =	vmul.f32 v26, v22;
	(xrf2) =	vadd.scan.msk.f32 $0xffff, v45;
	v47, _, _ =	vpop (xrf2);
	v25 =	vadd.f32 v37, v25;
	v37 =	vmul.f32 v43, v31;
	v43 =	vld [tilespmem:s31+$0x4DB0]  }
0x13d: {  	v59, _, _ =	vpop (xrf2);
	v48 =	vmul.f32 v48, v20;
	v28 =	vadd.f32 v29, v28;
	v29 =	vld [tilespmem:s31+$0x4E30];
	v0 =	vadd.f32 v2, v0  }
0x13e: {  	v2 =	vld [tilespmem:s31+$0x4D50];
	v62 =	vbroadcast v59, $0xF;
	v45 =	vadd.f32 v37, v39;
	v37 =	vmul.f32 v46, v55  }
0x13f: {  	v25 =	vadd.f32 v41, v25;
	v39 =	vbroadcast v47, $0xF;
	v46 =	vld [tilespmem:s31+$0x4D80];
	v41 =	vmul.f32 v58, v30  }
0x140: {  	v61, _, _ =	vpop (xrf2);
	v47 =	vld [tilespmem:s31+$0x4D90];
	v5 =	vadd.f32 v5, v28;
	v8 =	vadd.f32 v37, v45;
	v37 =	vmul.f32 v60, v53  }
0x141: {  	v28 =	vld [tilespmem:s31+$0x4E70];
	v58 =	vbroadcast v61, $0xF;
	v51 =	vnsel vm0, $0xF149F2CA, v39;
	v25 =	vadd.f32 v41, v25;
	v63, _, _ =	vpop (xrf2)  }
0x142: {  	(xrf2) =	vadd.scan.msk.f32 $0xffff, v0;
	v0 =	vld [tilespmem:s31+$0x4D70];
	v8 =	vadd.f32 v37, v8;
	v37 =	vsel vm1, v51, v62;
	v60 =	vbroadcast v63, $0xF  }
0x143: {  	v1 =	vmul.f32 v1, v17;
	v6 =	vmul.f32 v6, v20;
	v45 =	vld [tilespmem:s31+$0x4D60];
	v62 =	vsel vm2, v37, v58  }
0x144: {  	v59, _, _ =	vpop (xrf2);
	v25 =	vadd.f32 v8, v25;
	v8 =	vsel vm3, v62, v60;
	v60 =	vmul.f32 v49, v18;
	v49 =	vld [tilespmem:s31+$0x4DD0]  }
0x145: {  	v61, _, _ =	vpop (xrf2);
	v63 =	vbroadcast v59, $0xF;
	v62 =	vmul.f32 v36, v22;
	v36 =	vld [tilespmem:s31+$0x4E20]  }
0x146: {  	v59 =	vmul.f32 v52, v17;
	v52 =	vmul.f32 v38, v18;
	v38 =	vld [tilespmem:s31+$0x4E90];
	v51, _, _ =	vpop (xrf2)  }
0x147: {  	v29 =	vmul.f32 v29, v20;
	v39 =	vbroadcast v51, $0xF;
	v51 =	vld [tilespmem:s31+$0x4DC0]  }
0x148: {  	v2 =	vmul.f32 v2, v22;
	v28 =	vmul.f32 v28, v24;
	v37 =	vadd.f32 v50, v59;
	v50 =	vld [tilespmem:s31+$0x4DE0]  }
0x149: {  	v0 =	vmul.f32 v0, v24;
	v58 =	vbroadcast v61, $0xF;
	v41 =	vadd.f32 v48, v60;
	v48 =	vld [tilespmem:s31+$0x4DF0]  }
0x14a: {  	v8 =	vsel vm4, v8, v63;
	v63 =	vmul.f32 v35, v24;
	v35 =	vld [tilespmem:s31+$0x4E40];
	v59 =	vmul.f32 v46, v17  }
0x14b: {  	v3 =	vadd.f32 v62, v3;
	v60 =	vmul.f32 v44, v19;
	v44 =	vmul.f32 v34, v18;
	v34 =	vld [tilespmem:s31+$0x4F30]  }
0x14c: {  	v62 =	vmul.f32 v43, v20;
	v43 =	vld [tilespmem:s31+$0x4FB0];
	v8 =	vsel vm5, v8, v58;
	v58 =	vmul.f32 v42, v21  }
0x14d: {  	v46 =	vld [tilespmem:s31+$0x4FD0];
	v27 =	vadd.f32 v27, v37;
	v26 =	vadd.f32 v26, v41;
	v8 =	vsel vm6, v8, v39  }
0x14e: {  	v42 =	vld [tilespmem:s31+$0x4EB0];
	v3 =	vadd.f32 v63, v3;
	v63 =	vadd.f32 v60, v59;
	v60 =	vmul.f32 v45, v23  }
0x14f: {  	v37 =	vld [tilespmem:s31+$0x4E00];
	v45 =	vmul.f32 v33, v17;
	v61, _, _ =	vpop (xrf2);
	v36 =	vmul.f32 v36, v19;
	v7 =	vadd.f32 v7, v27  }
0x150: {  	v59 =	vld [tilespmem:s31+$0x4ED0];
	v41 =	vbroadcast v61, $0xF;
	v4 =	vadd.f32 v4, v26;
	v3 =	vadd.f32 v3, v5  }
0x151: {  	v26 =	vld [tilespmem:s31+$0x4E50];
	v5 =	vadd.f32 v6, v52;
	v61 =	vmul.f32 v47, v18;
	v52 =	vmul.f32 v51, v21  }
0x152: {  	v27 =	vld [tilespmem:s31+$0x4E60];
	v35 =	vmul.f32 v35, v21;
	v34 =	vmul.f32 v34, v20;
	v8 =	vsel vm7, v8, v41  }
0x153: {  	v6 =	vld [tilespmem:s31+$0x4EE0];
	v4 =	vadd.f32 v4, v7;
	v41 =	vmul.f32 v40, v19;
	v2 =	vadd.f32 v2, v5  }
0x154: {  	v40 =	vld [tilespmem:s31+$0x4EA0];
	v7 =	vadd.f32 v62, v61;
	v61 =	vmul.f32 v50, v23;
	v62 =	vmul.f32 v48, v24  }
0x155: {  	v50 =	vmul.f32 v38, v18;
	v8 =	vmul.f32 $1.442695020e+00, v8;
	v0 =	vadd.f32 v0, v2;
	v2 =	vld [tilespmem:s31+$0x4F00]  }
0x156: {  	v51 =	vmul.f32 v42, v20;
	v1 =	vadd.f32 v41, v1;
	v41 =	vmul.f32 v37, v17;
	v37 =	vld [tilespmem:s31+$0x4F20]  }
0x157: {  	v42 =	vld [tilespmem:s31+$0x4FA0];
	v5 =	vadd.f32 v52, v63;
	v59 =	vmul.f32 v59, v22;
	(erf) = vpow2.f32 v8  }
0x158: {  	v39 =	vld [tilespmem:s31+$0x4EC0];
	v26 =	vmul.f32 v26, v22;
	v1 =	vadd.f32 v58, v1;
	v58 =	vmul.f32 v49, v22  }
0x159: {  	v5 =	vadd.f32 v61, v5;
	v8 =	vld [tilespmem:s31+$0x4F10];
	v27 =	vmul.f32 v27, v23;
	v48 =	vmul.f32 v40, v19  }
0x15a: {  	v63 =	vld [tilespmem:s31+$0x4EF0];
	v6 =	vmul.f32 v6, v23;
	v7 =	vadd.f32 v58, v7;
	v1 =	vadd.f32 v60, v1  }
0x15b: {  	v49 =	vld [tilespmem:s31+$0x4F50];
	v52 =	vadd.f32 v48, v45;
	v2 =	vmul.f32 v2, v17;
	v45 =	vmul.f32 v37, v19  }
0x15c: {  	v61 =	vld [tilespmem:s31+$0x4F90];
	v38 =	vmul.f32 v42, v19;
	v7 =	vadd.f32 v62, v7;
	v0 =	vadd.f32 v0, v1  }
0x15d: {  	v58 =	vmul.f32 v39, v21;
	v60 =	vld [tilespmem:s31+$0x4F80];
	v1 =	vadd.f32 v36, v41;
	v2 =	vadd.f32 v45, v2  }
0x15e: {  	v36 =	vld [tilespmem:s31+$0x4F40];
	v8 =	vmul.f32 v8, v18;
	v5 =	vadd.f32 v7, v5;
	v7 =	vadd.f32 v29, v44  }
0x15f: {  	v33 =	vld [tilespmem:s31+$0x4F70];
	v63 =	vmul.f32 v63, v24;
	v1 =	vadd.f32 v35, v1;
	v35 =	vadd.f32 v51, v50  }
0x160: {  	v41 =	vld [tilespmem:s31+$0x4F60];
	v49 =	vmul.f32 v49, v22;
	v8 =	vadd.f32 v34, v8;
	v7 =	vadd.f32 v26, v7  }
0x161: {  	v44 =	vld [tilespmem:s31+$0x4FC0];
	v29 =	vmul.f32 v61, v18;
	v26 =	vadd.f32 v58, v52;
	v1 =	vadd.f32 v27, v1  }
0x162: {  	v50 =	vld [tilespmem:s31+$0x4FE0];
	v51 =	vmul.f32 v60, v17;
	v62 =	vadd.f32 v59, v35;
	v8 =	vadd.f32 v49, v8  }
0x163: {  	v52 =	vld [tilespmem:s31+$0x4FF0];
	v59 =	vmul.f32 v46, v22;
	v48 =	vmul.f32 v36, v21;
	v7 =	vadd.f32 v28, v7  }
0x164: {  	v6 =	vadd.f32 v6, v26;
	v27 =	vadd.f32 v63, v62;
	v26 =	vmul.f32 v43, v20  }
0x165: {  	[tilespmem:s11+$0x420] =	vst v25;
	v25 =	vpop (erf);
	v62 =	vmul.f32 v41, v23;
	v63 =	vmul.f32 v33, v24;
	v1 =	vadd.f32 v7, v1  }
0x166: {  	(xrf2) =	vadd.scan.msk.f32 $0xffff, v25;
	v58 =	vmul.f32 v44, v21;
	v7 =	vadd.f32 v38, v51;
	v26 =	vadd.f32 v26, v29  }
0x167: {  	(xrf2) =	vadd.scan.msk.f32 $0xffff, v4;
	v2 =	vadd.f32 v48, v2;
	v37 =	vmul.f32 v50, v23;
	v6 =	vadd.f32 v27, v6  }
0x168: {  	v42 =	vld [tilespmem:s10+$0xCDB0];
	(xrf2) =	vadd.scan.msk.f32 $0xffff, v3;
	v38 =	vmul.f32 v52, v24;
	v60 =	vadd.f32 v58, v7;
	v26 =	vadd.f32 v59, v26  }
0x169: {  	v39 =	vld [tilespmem:s10+$0xCD30];
	(xrf2) =	vadd.scan.msk.f32 $0xffff, v0;
	v41 =	vadd.f32 v63, v8;
	v40 =	vadd.f32 v62, v2  }
0x16a: {  	v36 =	vld [tilespmem:s10+$0xCCB0];
	(xrf2) =	vadd.scan.msk.f32 $0xffff, v5;
	v4 =	vadd.f32 v37, v60;
	v43 =	vadd.f32 v38, v26  }
0x16b: {  	v45 =	vld [tilespmem:s10+$0xCEB0];
	(xrf2) =	vadd.scan.msk.f32 $0xffff, v1;
	v0 =	vadd.f32 v41, v40  }
0x16c: {  	v61 =	vld [tilespmem:s10+$0xCC30];
	(xrf2) =	vadd.scan.msk.f32 $0xffff, v6;
	v46 =	vadd.f32 v43, v4  }
0x16d: {  	v44 =	vld [tilespmem:s10+$0xCE30];
	(xrf2) =	vadd.scan.msk.f32 $0xffff, v0  }
0x16e: {  	(xrf2) =	vadd.scan.msk.f32 $0xffff, v46  }
0x16f: {  	v51 =	vmul.f32 v42, v31;
	v52 =	vld [tilespmem:s10+$0xCF30];
	v50 =	vmul.f32 v36, v32  }
0x170: {  	v49 =	vmul.f32 v39, v57;
	v58, _, _ =	vpop (xrf2)  }
0x171: {  	v48 =	vmul.f32 v61, v56;
	v59 =	vld [tilespmem:s10+$0xCFB0];
	v1 =	vmul.f32 v45, v55;
	v2 =	vadd.f32 v51, v50;
	v60, _, _ =	vpop (xrf2)  }
0x172: {  	v61 =	vmul.f32 v44, v54;
	v62, _, _ =	vpop (xrf2);
	v7 =	vbroadcast v60, $0xF  }
0x173: {  	v0 =	vadd.f32 v49, v48;
	v1 =	vadd.f32 v1, v2;
	v63, _, _ =	vpop (xrf2);
	v28 =	vbroadcast v62, $0xF  }
0x174: {  	v5 =	vmul.f32 v52, v30;
	v29, _, _ =	vpop (xrf2);
	v7 =	vnsel vm0, $0xF149F2CA, v7;
	v33 =	vbroadcast v63, $0xF  }
0x175: {  	v0 =	vadd.f32 v61, v0;
	v34, _, _ =	vpop (xrf2);
	v2 =	vsel vm1, v7, v28;
	v3 =	vbroadcast v29, $0xF  }
0x176: {  	v4 =	vmul.f32 v59, v53;
	v35, _, _ =	vpop (xrf2);
	v2 =	vsel vm2, v2, v33;
	v36 =	vbroadcast v34, $0xF  }
0x177: {  	v0 =	vadd.f32 v5, v0;
	v2 =	vsel vm3, v2, v3;
	v38 =	vbroadcast v35, $0xF;
	v37, _, _ =	vpop (xrf2)  }
0x178: {  	v1 =	vadd.f32 v4, v1;
	v2 =	vsel vm4, v2, v36;
	v39 =	vbroadcast v37, $0xF;
	v40, _, _ =	vpop (xrf2)  }
0x179: {  	v41 =	vsel vm5, v2, v38;
	v42 =	vbroadcast v40, $0xF  }
0x17a: {  	v0 =	vadd.f32 v1, v0;
	v1 =	vsel vm6, v41, v39  }
0x17b: {  	v43 =	vbroadcast v58, $0xF;
	v1 =	vsel vm7, v1, v42  }
0x17c: {  	v1 =	vmul.f32 $1.442695020e+00, v1  }
0x17d: {  	(erf) = vrcp.f32 v43  }
0x17e: {  	(erf) = vpow2.f32 v1;
	_ =	sdelay $0x1  }
0x17f: {  	[tilespmem:s11+$0x430] =	vst v0  }
0x180: {  	s24 =	sadd.s32 s7, s1;
	v44 =	vld [tilespmem:s10+$0xCC40]  }
0x181: {  	s24 =	sshll.u32 s24, $0x3;
	v45 =	vld [tilespmem:s10+$0xCCC0]  }
0x182: {  	v62 =	vmov s24;
	v46 =	vld [tilespmem:s10+$0xCD40]  }
0x183: {  	v5 =	vbroadcast v62, $0x0;
	v48 =	vld [tilespmem:s10+$0xCDC0]  }
0x184: {  	v49 =	vld [tilespmem:s10+$0xCE40]  }
0x185: {  	v50 =	vld [tilespmem:s10+$0xCEC0];
	v59 =	vpop (erf)  }
0x186: {  	s1 =	sshll.u32 s1, $0x8;
	v51 =	vld [tilespmem:s10+$0xCF40];
	v63 =	vpop (erf)  }
0x187: {  	s1 =	sand.u32 $0x1800, s1;
	s18 =	sand.u32 $0x380, s18;
	v52 =	vld [tilespmem:s10+$0xCFC0];
	v2 =	vmul.f32 v44, v56;
	v0 =	vmul.f32 v46, v57;
	(xrf2) =	vadd.scan.msk.f32 $0xffff, v63  }
0x188: {  	s1 =	sor.u32 s18, s1;
	v3 =	vmul.f32 v45, v32;
	v1 =	vmul.f32 v48, v31  }
0x189: {  	v27 =	vld.idx.msk [tilespmem:v5+s4+$0x0], $0xffff;
	[tilespmem:s1+$0x14C00] =	vst v16;
	s1 =	sadd.s32 $0x14C00, s1;
	v58 =	vmul.f32 v49, v54  }
0x18a: {  	[tilespmem:s1+$0x10] =	vst v15;
	v60 =	vmul.f32 v50, v55;
	v0 =	vadd.f32 v0, v2;
	v1 =	vadd.f32 v1, v3  }
0x18b: {  	[tilespmem:s1+$0x20] =	vst v14;
	v61 =	vmul.f32 v51, v30  }
0x18c: {  	[tilespmem:s1+$0x30] =	vst v13;
	v26 =	vmul.f32 v52, v53;
	v0 =	vadd.f32 v58, v0;
	v1 =	vadd.f32 v60, v1  }
0x18d: {  	s24 =	sadd.s32 s7, s19;
	[tilespmem:s1+$0x40] =	vst v12  }
0x18e: {  	s24 =	sshll.u32 s24, $0x3;
	[tilespmem:s1+$0x50] =	vst v11;
	v0 =	vadd.f32 v61, v0;
	v1 =	vadd.f32 v26, v1  }
0x18f: {  	v28 =	vmov s24;
	[tilespmem:s1+$0x60] =	vst v10  }
0x190: {  	[tilespmem:s1+$0x70] =	vst v9;
	v0 =	vadd.f32 v1, v0;
	v1 =	vbroadcast v28, $0x0  }
0x191: {  	v35 =	vld [tilespmem:s30+$0xCC00];
	v29, _, _ =	vpop (xrf2)  }
0x192: {  	v36 =	vld [tilespmem:s30+$0xCC80];
	v3 =	vbroadcast v29, $0xF  }
0x193: {  	s19 =	sshll.u32 s19, $0x8;
	v12 =	vld [tilespmem:s30+$0xCD00]  }
0x194: {  	s18 =	sand.u32 $0x1800, s19;
	s24 =	sand.u32 $0x380, s20;
	v15 =	vld [tilespmem:s30+$0xCD80];
	(erf) = vrcp.f32 v3  }
0x195: {  	v47 =	vimm.f32 $1.000000000e+00;
	s18 =	sor.u32 s24, s18;
	v16 =	vld [tilespmem:s30+$0xCE00];
	v33 =	vmul.f32 v59, v25;
	vm8 =	vlt.u32 v27, $0x20000000;
	[tilespmem:s11+$0x440] =	vst v0  }
0x196: {  	v34 =	vsel vm8, $0x0, v47;
	v1 =	vld.idx.msk [tilespmem:v1+s4+$0x0], $0xffff;
	[tilespmem:s18+$0x14C00] =	vst v17;
	s18 =	sadd.s32 $0x14C00, s18  }
0x197: {  	v37 =	vld [tilespmem:s30+$0xCE80];
	v0 =	vmul.f32 v33, v34;
	[tilespmem:s18+$0x10] =	vst v18  }
0x198: {  	v38 =	vld [tilespmem:s30+$0xCF00];
	[tilespmem:s18+$0x20] =	vst v19  }
0x199: {  	v39 =	vld [tilespmem:s30+$0xCF80];
	v9 =	vbroadcast v0, $0x0;
	v10 =	vbroadcast v0, $0x1;
	[tilespmem:s18+$0x30] =	vst v20  }
0x19a: {  	v2 =	vld [tilespmem:s10+$0xCC50];
	v11 =	vbroadcast v0, $0x2;
	v13 =	vbroadcast v0, $0x3;
	[tilespmem:s18+$0x40] =	vst v21  }
0x19b: {  	v5 =	vld [tilespmem:s10+$0xCCD0];
	v14 =	vbroadcast v0, $0x4;
	v4 =	vmul.f32 v9, v35;
	[tilespmem:s18+$0x50] =	vst v22  }
0x19c: {  	v7 =	vld [tilespmem:s10+$0xCD50];
	v12 =	vmul.f32 v11, v12;
	v15 =	vmul.f32 v13, v15;
	[tilespmem:s18+$0x60] =	vst v23  }
0x19d: {  	v8 =	vld [tilespmem:s10+$0xCDD0];
	v43 =	vmul.f32 v14, v16;
	v16 =	vbroadcast v0, $0x5;
	[tilespmem:s18+$0x70] =	vst v24;
	v40 =	vpop (erf)  }
0x19e: {  	v42 =	vld [tilespmem:s31+$0xCC00];
	vm8 =	vlt.u32 v1, $0x20000000;
	v3 =	vmul.f32 v10, v36;
	v41 =	vmul.f32 v40, v63  }
0x19f: {  	v23 =	vld [tilespmem:s31+$0xCC80];
	v4 =	vadd.f32 v12, v4;
	v12 =	vbroadcast v0, $0x6;
	v44 =	vsel vm8, $0x0, v47  }
0x1a0: {  	v45 =	vld [tilespmem:s31+$0xCD00];
	v3 =	vadd.f32 v15, v3;
	v15 =	vbroadcast v0, $0x7;
	v1 =	vmul.f32 v41, v44  }
0x1a1: {  	v46 =	vmul.f32 v16, v37;
	v48 =	vld [tilespmem:s31+$0xCD80];
	v49 =	vmul.f32 v38, v12  }
0x1a2: {  	v24 =	vld [tilespmem:s31+$0xCE00];
	v4 =	vadd.f32 v4, v43;
	v19 =	vmul.f32 v39, v15;
	v17 =	vbroadcast v1, $0x0  }
0x1a3: {  	v50 =	vld [tilespmem:s31+$0xCE80];
	v3 =	vadd.f32 v3, v46;
	v18 =	vbroadcast v1, $0x2;
	v20 =	vbroadcast v1, $0x1  }
0x1a4: {  	v51 =	vld [tilespmem:s10+$0xCE50];
	v4 =	vadd.f32 v4, v49;
	v22 =	vbroadcast v1, $0x3;
	v21 =	vbroadcast v1, $0x4  }
0x1a5: {  	v58 =	vld [tilespmem:s31+$0xCF00];
	v3 =	vadd.f32 v3, v19;
	v19 =	vbroadcast v1, $0x5;
	v6 =	vmul.f32 v17, v42  }
0x1a6: {  	v59 =	vld [tilespmem:s31+$0xCF80];
	v52 =	vmul.f32 v18, v45;
	v61 =	vmul.f32 v20, v23  }
0x1a7: {  	v60 =	vld [tilespmem:s10+$0xCED0];
	v3 =	vadd.f32 v3, v4;
	v0 =	vmul.f32 v22, v48;
	v63 =	vmul.f32 v21, v24  }
0x1a8: {  	v62 =	vld [tilespmem:s10+$0xCF50];
	v25 =	vmul.f32 v19, v50;
	v23 =	vbroadcast v1, $0x6  }
0x1a9: {  	v36 =	vld [tilespmem:s10+$0xCFD0];
	[tilespmem:s1+$0x400] =	vst v3;
	v24 =	vbroadcast v1, $0x7;
	v6 =	vadd.f32 v52, v6;
	v0 =	vadd.f32 v0, v61  }
0x1aa: {  	v37 =	vld [tilespmem:s30+$0xCC10];
	v40 =	vmul.f32 v58, v23  }
0x1ab: {  	v39 =	vld [tilespmem:s30+$0xCC90];
	v41 =	vmul.f32 v59, v24;
	v38 =	vadd.f32 v6, v63;
	v0 =	vadd.f32 v0, v25  }
0x1ac: {  	v2 =	vmul.f32 v2, v56;
	v42 =	vld [tilespmem:s30+$0xCD10]  }
0x1ad: {  	v7 =	vmul.f32 v7, v57;
	v43 =	vld [tilespmem:s30+$0xCD90];
	v3 =	vadd.f32 v38, v40;
	v0 =	vadd.f32 v0, v41  }
0x1ae: {  	v5 =	vmul.f32 v5, v32;
	v46 =	vmul.f32 v51, v54;
	v45 =	vld [tilespmem:s30+$0xCE10]  }
0x1af: {  	v51 =	vmul.f32 v62, v30;
	v33 =	vmul.f32 v36, v53;
	v48 =	vld [tilespmem:s30+$0xCE90];
	v0 =	vadd.f32 v0, v3  }
0x1b0: {  	v44 =	vmul.f32 v8, v31;
	v50 =	vmul.f32 v60, v55;
	v52 =	vld [tilespmem:s30+$0xCF10]  }
0x1b1: {  	v2 =	vadd.f32 v7, v2;
	v1 =	vmul.f32 v37, v9;
	v59 =	vld [tilespmem:s30+$0xCF90];
	v58 =	vmul.f32 v42, v11;
	[tilespmem:s18+$0x400] =	vst v0  }
0x1b2: {  	v49 =	vadd.f32 v44, v5;
	v62 =	vmul.f32 v43, v13;
	v61 =	vmul.f32 v39, v10;
	v63 =	vld [tilespmem:s31+$0xCC10]  }
0x1b3: {  	v2 =	vadd.f32 v46, v2;
	v34 =	vmul.f32 v45, v14;
	v1 =	vadd.f32 v58, v1;
	v35 =	vld [tilespmem:s31+$0xCC90]  }
0x1b4: {  	v60 =	vadd.f32 v50, v49;
	v36 =	vmul.f32 v48, v16;
	v3 =	vadd.f32 v62, v61;
	v37 =	vld [tilespmem:s31+$0xCD10]  }
0x1b5: {  	v2 =	vadd.f32 v51, v2;
	v39 =	vmul.f32 v52, v12;
	v1 =	vadd.f32 v34, v1;
	v38 =	vld [tilespmem:s31+$0xCD90]  }
0x1b6: {  	v40 =	vmul.f32 v59, v15;
	v0 =	vadd.f32 v33, v60;
	v3 =	vadd.f32 v36, v3;
	v41 =	vld [tilespmem:s31+$0xCE10]  }
0x1b7: {  	v42 =	vld [tilespmem:s31+$0xCE90];
	v1 =	vadd.f32 v39, v1  }
0x1b8: {  	v43 =	vld [tilespmem:s31+$0xCF10];
	v0 =	vadd.f32 v0, v2;
	v3 =	vadd.f32 v40, v3  }
0x1b9: {  	v44 =	vld [tilespmem:s31+$0xCF90];
	v5 =	vmul.f32 v63, v17;
	v6 =	vmul.f32 v37, v18  }
0x1ba: {  	[tilespmem:s11+$0x450] =	vst v0;
	v45 =	vadd.f32 v3, v1;
	v46 =	vmul.f32 v35, v20;
	v48 =	vmul.f32 v38, v22  }
0x1bb: {  	v7 =	vld [tilespmem:s10+$0xCC60];
	v49 =	vmul.f32 v41, v21  }
0x1bc: {  	v8 =	vld [tilespmem:s10+$0xCCE0];
	[tilespmem:s1+$0x410] =	vst v45;
	v51 =	vmul.f32 v42, v19;
	v5 =	vadd.f32 v6, v5;
	v50 =	vadd.f32 v48, v46  }
0x1bd: {  	v60 =	vmul.f32 v43, v23;
	v52 =	vld [tilespmem:s30+$0xCC20]  }
0x1be: {  	v61 =	vmul.f32 v44, v24;
	v59 =	vld [tilespmem:s30+$0xCCA0];
	v58 =	vadd.f32 v49, v5;
	v0 =	vadd.f32 v51, v50  }
0x1bf: {  	v62 =	vld [tilespmem:s30+$0xCD20]  }
0x1c0: {  	v63 =	vld [tilespmem:s30+$0xCDA0];
	v1 =	vadd.f32 v60, v58;
	v0 =	vadd.f32 v61, v0  }
0x1c1: {  	v28 =	vld [tilespmem:s30+$0xCE20]  }
0x1c2: {  	v29 =	vld [tilespmem:s30+$0xCEA0];
	v0 =	vadd.f32 v0, v1  }
0x1c3: {  	v34 =	vld [tilespmem:s30+$0xCFA0]  }
0x1c4: {  	v33 =	vld [tilespmem:s30+$0xCF20];
	v2 =	vmul.f32 v52, v9;
	v6 =	vmul.f32 v62, v11;
	[tilespmem:s18+$0x410] =	vst v0  }
0x1c5: {  	v35 =	vmul.f32 v59, v10;
	v36 =	vmul.f32 v63, v13;
	v37 =	vld [tilespmem:s31+$0xCC20]  }
0x1c6: {  	v3 =	vmul.f32 v28, v14;
	v38 =	vld [tilespmem:s31+$0xCCA0]  }
0x1c7: {  	v4 =	vmul.f32 v29, v16;
	v2 =	vadd.f32 v6, v2;
	v0 =	vadd.f32 v36, v35;
	v39 =	vld [tilespmem:s31+$0xCD20]  }
0x1c8: {  	v41 =	vmul.f32 v34, v15;
	v40 =	vld [tilespmem:s31+$0xCDA0]  }
0x1c9: {  	v1 =	vmul.f32 v33, v12;
	v2 =	vadd.f32 v3, v2;
	v42 =	vld [tilespmem:s31+$0xCE20];
	v0 =	vadd.f32 v4, v0  }
0x1ca: {  	v43 =	vld [tilespmem:s31+$0xCEA0]  }
0x1cb: {  	v44 =	vld [tilespmem:s31+$0xCF20];
	v1 =	vadd.f32 v1, v2;
	v0 =	vadd.f32 v41, v0  }
0x1cc: {  	v46 =	vld [tilespmem:s31+$0xCFA0];
	v45 =	vmul.f32 v37, v17;
	v5 =	vmul.f32 v39, v18  }
0x1cd: {  	v26 =	vld [tilespmem:s10+$0xCE60];
	v0 =	vadd.f32 v0, v1;
	v48 =	vmul.f32 v38, v20;
	v3 =	vmul.f32 v40, v22  }
0x1ce: {  	v28 =	vld [tilespmem:s10+$0xCD60];
	v49 =	vmul.f32 v42, v21  }
0x1cf: {  	v29 =	vld [tilespmem:s10+$0xCFE0];
	v51 =	vmul.f32 v43, v19;
	v4 =	vadd.f32 v5, v45;
	[tilespmem:s1+$0x420] =	vst v0;
	v50 =	vadd.f32 v3, v48  }
0x1d0: {  	v59 =	vmul.f32 v44, v23;
	v52 =	vld [tilespmem:s30+$0xCC30]  }
0x1d1: {  	v60 =	vmul.f32 v46, v24;
	v58 =	vld [tilespmem:s30+$0xCCB0];
	v4 =	vadd.f32 v49, v4;
	v0 =	vadd.f32 v51, v50  }
0x1d2: {  	v61 =	vld [tilespmem:s30+$0xCD30]  }
0x1d3: {  	v62 =	vld [tilespmem:s30+$0xCDB0];
	v1 =	vadd.f32 v59, v4;
	v0 =	vadd.f32 v60, v0  }
0x1d4: {  	v63 =	vld [tilespmem:s30+$0xCE30]  }
0x1d5: {  	v33 =	vld [tilespmem:s30+$0xCEB0];
	v0 =	vadd.f32 v0, v1  }
0x1d6: {  	v34 =	vld [tilespmem:s30+$0xCF30]  }
0x1d7: {  	v35 =	vld [tilespmem:s30+$0xCFB0];
	v3 =	vmul.f32 v52, v9;
	v25 =	vmul.f32 v61, v11;
	[tilespmem:s18+$0x420] =	vst v0  }
0x1d8: {  	v36 =	vmul.f32 v58, v10;
	v37 =	vmul.f32 v62, v13;
	v38 =	vld [tilespmem:s31+$0xCC30]  }
0x1d9: {  	v2 =	vmul.f32 v63, v14;
	v39 =	vld [tilespmem:s31+$0xCCB0]  }
0x1da: {  	v4 =	vmul.f32 v33, v16;
	v3 =	vadd.f32 v25, v3;
	v0 =	vadd.f32 v37, v36;
	v40 =	vld [tilespmem:s31+$0xCD30]  }
0x1db: {  	v1 =	vmul.f32 v34, v12;
	v41 =	vld [tilespmem:s31+$0xCDB0]  }
0x1dc: {  	v42 =	vmul.f32 v35, v15;
	v43 =	vld [tilespmem:s31+$0xCE30];
	v2 =	vadd.f32 v2, v3;
	v0 =	vadd.f32 v4, v0  }
0x1dd: {  	v44 =	vld [tilespmem:s31+$0xCEB0]  }
0x1de: {  	v45 =	vld [tilespmem:s31+$0xCF30];
	v1 =	vadd.f32 v1, v2;
	v0 =	vadd.f32 v42, v0  }
0x1df: {  	v48 =	vld [tilespmem:s31+$0xCFB0];
	v46 =	vmul.f32 v38, v17;
	v5 =	vmul.f32 v40, v18  }
0x1e0: {  	v6 =	vld [tilespmem:s10+$0xCDE0];
	v0 =	vadd.f32 v0, v1;
	v50 =	vmul.f32 v39, v20;
	v3 =	vmul.f32 v41, v22  }
0x1e1: {  	v49 =	vld [tilespmem:s10+$0xCEE0];
	v52 =	vmul.f32 v43, v21  }
0x1e2: {  	v51 =	vld [tilespmem:s10+$0xCF60];
	v59 =	vmul.f32 v44, v19;
	v4 =	vadd.f32 v5, v46;
	[tilespmem:s1+$0x430] =	vst v0;
	v58 =	vadd.f32 v3, v50  }
0x1e3: {  	v62 =	vmul.f32 v45, v23;
	v60 =	vld [tilespmem:s30+$0xCC40]  }
0x1e4: {  	v63 =	vmul.f32 v48, v24;
	v61 =	vld [tilespmem:s30+$0xCCC0];
	v4 =	vadd.f32 v52, v4;
	v0 =	vadd.f32 v59, v58  }
0x1e5: {  	v36 =	vld [tilespmem:s30+$0xCD40]  }
0x1e6: {  	v7 =	vmul.f32 v7, v56;
	v37 =	vld [tilespmem:s30+$0xCDC0];
	v1 =	vadd.f32 v62, v4;
	v0 =	vadd.f32 v63, v0  }
0x1e7: {  	v28 =	vmul.f32 v28, v57;
	v38 =	vmul.f32 v8, v32;
	v40 =	vld [tilespmem:s30+$0xCE40]  }
0x1e8: {  	v39 =	vmul.f32 v6, v31;
	v41 =	vmul.f32 v26, v54;
	v42 =	vld [tilespmem:s30+$0xCEC0];
	v0 =	vadd.f32 v0, v1  }
0x1e9: {  	v7 =	vadd.f32 v28, v7;
	v44 =	vmul.f32 v49, v55;
	v45 =	vmul.f32 v51, v30;
	v46 =	vld [tilespmem:s30+$0xCF40]  }
0x1ea: {  	v43 =	vadd.f32 v39, v38;
	v49 =	vld [tilespmem:s30+$0xCFC0];
	v3 =	vmul.f32 v60, v9;
	v48 =	vmul.f32 v36, v11;
	[tilespmem:s18+$0x430] =	vst v0  }
0x1eb: {  	v7 =	vadd.f32 v41, v7;
	v51 =	vmul.f32 v61, v10;
	v52 =	vmul.f32 v37, v13;
	v58 =	vld [tilespmem:s31+$0xCC40]  }
0x1ec: {  	v50 =	vadd.f32 v44, v43;
	v59 =	vmul.f32 v29, v53;
	v6 =	vmul.f32 v40, v14;
	v60 =	vld [tilespmem:s31+$0xCCC0]  }
0x1ed: {  	v61 =	vmul.f32 v42, v16;
	v3 =	vadd.f32 v48, v3;
	v1 =	vadd.f32 v52, v51;
	v62 =	vld [tilespmem:s31+$0xCD40]  }
0x1ee: {  	v4 =	vadd.f32 v45, v7;
	v28 =	vmul.f32 v46, v12;
	v0 =	vadd.f32 v59, v50;
	v63 =	vld [tilespmem:s31+$0xCDC0]  }
0x1ef: {  	v29 =	vmul.f32 v49, v15;
	v33 =	vld [tilespmem:s31+$0xCE40];
	v3 =	vadd.f32 v6, v3;
	v1 =	vadd.f32 v61, v1  }
0x1f0: {  	v34 =	vld [tilespmem:s31+$0xCEC0];
	v0 =	vadd.f32 v0, v4  }
0x1f1: {  	v35 =	vld [tilespmem:s31+$0xCF40];
	v2 =	vadd.f32 v28, v3;
	v1 =	vadd.f32 v29, v1  }
0x1f2: {  	v36 =	vld [tilespmem:s31+$0xCFC0];
	v5 =	vmul.f32 v58, v17;
	v7 =	vmul.f32 v62, v18  }
0x1f3: {  	[tilespmem:s11+$0x460] =	vst v0;
	v37 =	vadd.f32 v1, v2;
	v38 =	vmul.f32 v60, v20;
	v39 =	vmul.f32 v63, v22  }
0x1f4: {  	v6 =	vld [tilespmem:s10+$0xCC70];
	v40 =	vmul.f32 v33, v21  }
0x1f5: {  	v8 =	vld [tilespmem:s10+$0xCCF0];
	v42 =	vmul.f32 v34, v19;
	v5 =	vadd.f32 v7, v5;
	[tilespmem:s1+$0x440] =	vst v37;
	v41 =	vadd.f32 v39, v38  }
0x1f6: {  	v46 =	vmul.f32 v35, v23;
	v43 =	vld [tilespmem:s30+$0xCC50]  }
0x1f7: {  	v48 =	vmul.f32 v36, v24;
	v45 =	vld [tilespmem:s30+$0xCCD0];
	v44 =	vadd.f32 v40, v5;
	v0 =	vadd.f32 v42, v41  }
0x1f8: {  	v49 =	vld [tilespmem:s30+$0xCD50]  }
0x1f9: {  	v50 =	vld [tilespmem:s30+$0xCDD0];
	v1 =	vadd.f32 v46, v44;
	v0 =	vadd.f32 v48, v0  }
0x1fa: {  	v51 =	vld [tilespmem:s30+$0xCE50]  }
0x1fb: {  	v52 =	vld [tilespmem:s30+$0xCED0];
	v0 =	vadd.f32 v0, v1  }
0x1fc: {  	v58 =	vld [tilespmem:s30+$0xCF50]  }
0x1fd: {  	v59 =	vld [tilespmem:s30+$0xCFD0];
	v2 =	vmul.f32 v43, v9;
	v7 =	vmul.f32 v49, v11;
	[tilespmem:s18+$0x440] =	vst v0  }
0x1fe: {  	v60 =	vmul.f32 v45, v10;
	v61 =	vmul.f32 v50, v13;
	v62 =	vld [tilespmem:s31+$0xCC50]  }
0x1ff: {  	v3 =	vmul.f32 v51, v14;
	v63 =	vld [tilespmem:s31+$0xCCD0]  }
0x200: {  	v4 =	vmul.f32 v52, v16;
	v2 =	vadd.f32 v7, v2;
	v0 =	vadd.f32 v61, v60;
	v33 =	vld [tilespmem:s31+$0xCD50]  }
0x201: {  	v1 =	vmul.f32 v58, v12;
	v34 =	vld [tilespmem:s31+$0xCDD0]  }
0x202: {  	v35 =	vmul.f32 v59, v15;
	v36 =	vld [tilespmem:s31+$0xCE50];
	v2 =	vadd.f32 v3, v2;
	v0 =	vadd.f32 v4, v0  }
0x203: {  	v37 =	vld [tilespmem:s31+$0xCED0]  }
0x204: {  	v38 =	vld [tilespmem:s31+$0xCF50];
	v1 =	vadd.f32 v1, v2;
	v0 =	vadd.f32 v35, v0  }
0x205: {  	v40 =	vld [tilespmem:s31+$0xCFD0];
	v39 =	vmul.f32 v62, v17;
	v5 =	vmul.f32 v33, v18  }
0x206: {  	v28 =	vld [tilespmem:s10+$0xCD70];
	v0 =	vadd.f32 v0, v1;
	v41 =	vmul.f32 v63, v20;
	v3 =	vmul.f32 v34, v22  }
0x207: {  	v26 =	vld [tilespmem:s10+$0xCE70];
	v42 =	vmul.f32 v36, v21  }
0x208: {  	v7 =	vld [tilespmem:s10+$0xCDF0];
	v44 =	vmul.f32 v37, v19;
	v4 =	vadd.f32 v5, v39;
	[tilespmem:s1+$0x450] =	vst v0;
	v43 =	vadd.f32 v3, v41  }
0x209: {  	v48 =	vmul.f32 v38, v23;
	v45 =	vld [tilespmem:s30+$0xCC60]  }
0x20a: {  	v49 =	vmul.f32 v40, v24;
	v46 =	vld [tilespmem:s30+$0xCCE0];
	v4 =	vadd.f32 v42, v4;
	v0 =	vadd.f32 v44, v43  }
0x20b: {  	v50 =	vld [tilespmem:s30+$0xCD60]  }
0x20c: {  	v51 =	vld [tilespmem:s30+$0xCDE0];
	v1 =	vadd.f32 v48, v4;
	v0 =	vadd.f32 v49, v0  }
0x20d: {  	v52 =	vld [tilespmem:s30+$0xCE60]  }
0x20e: {  	v58 =	vld [tilespmem:s30+$0xCEE0];
	v0 =	vadd.f32 v0, v1  }
0x20f: {  	v59 =	vld [tilespmem:s30+$0xCF60]  }
0x210: {  	v60 =	vld [tilespmem:s30+$0xCFE0];
	v3 =	vmul.f32 v45, v9;
	v25 =	vmul.f32 v50, v11;
	[tilespmem:s18+$0x450] =	vst v0  }
0x211: {  	v61 =	vmul.f32 v46, v10;
	v62 =	vmul.f32 v51, v13;
	v63 =	vld [tilespmem:s31+$0xCC60]  }
0x212: {  	v2 =	vmul.f32 v52, v14;
	v36 =	vld [tilespmem:s31+$0xCCE0]  }
0x213: {  	v4 =	vmul.f32 v58, v16;
	v3 =	vadd.f32 v25, v3;
	v0 =	vadd.f32 v62, v61;
	v37 =	vld [tilespmem:s31+$0xCD60]  }
0x214: {  	v1 =	vmul.f32 v59, v12;
	v38 =	vld [tilespmem:s31+$0xCDE0]  }
0x215: {  	v39 =	vmul.f32 v60, v15;
	v40 =	vld [tilespmem:s31+$0xCE60];
	v2 =	vadd.f32 v2, v3;
	v0 =	vadd.f32 v4, v0  }
0x216: {  	v41 =	vld [tilespmem:s31+$0xCEE0]  }
0x217: {  	v42 =	vld [tilespmem:s31+$0xCF60];
	v1 =	vadd.f32 v1, v2;
	v0 =	vadd.f32 v39, v0  }
0x218: {  	v44 =	vld [tilespmem:s31+$0xCFE0];
	v43 =	vmul.f32 v63, v17;
	v5 =	vmul.f32 v37, v18  }
0x219: {  	v48 =	vld [tilespmem:s10+$0xCF70];
	v0 =	vadd.f32 v0, v1;
	v46 =	vmul.f32 v36, v20;
	v3 =	vmul.f32 v38, v22  }
0x21a: {  	v45 =	vld [tilespmem:s10+$0xCEF0];
	v49 =	vmul.f32 v40, v21  }
0x21b: {  	v50 =	vld [tilespmem:s10+$0xCFF0];
	v52 =	vmul.f32 v41, v19;
	v4 =	vadd.f32 v5, v43;
	[tilespmem:s1+$0x460] =	vst v0;
	v51 =	vadd.f32 v3, v46  }
0x21c: {  	v60 =	vmul.f32 v42, v23;
	v58 =	vld [tilespmem:s30+$0xCC70]  }
0x21d: {  	v61 =	vmul.f32 v44, v24;
	v59 =	vld [tilespmem:s30+$0xCCF0];
	v4 =	vadd.f32 v49, v4;
	v0 =	vadd.f32 v52, v51  }
0x21e: {  	v62 =	vld [tilespmem:s30+$0xCD70]  }
0x21f: {  	v63 =	vld [tilespmem:s30+$0xCDF0];
	v1 =	vadd.f32 v60, v4;
	v0 =	vadd.f32 v61, v0  }
0x220: {  	v36 =	vld [tilespmem:s30+$0xCE70]  }
0x221: {  	v37 =	vld [tilespmem:s30+$0xCEF0];
	v0 =	vadd.f32 v0, v1  }
0x222: {  	v38 =	vld [tilespmem:s30+$0xCF70]  }
0x223: {  	v6 =	vmul.f32 v6, v56;
	v28 =	vmul.f32 v28, v57;
	v39 =	vld [tilespmem:s30+$0xCFF0];
	[tilespmem:s18+$0x460] =	vst v0  }
0x224: {  	v8 =	vmul.f32 v8, v32;
	v26 =	vmul.f32 v26, v54;
	v42 =	vld [tilespmem:s31+$0xCC70]  }
0x225: {  	v6 =	vadd.f32 v28, v6;
	v7 =	vmul.f32 v7, v31;
	v25 =	vmul.f32 v48, v30;
	v43 =	vld [tilespmem:s31+$0xCCF0]  }
0x226: {  	v41 =	vmul.f32 v45, v55;
	v44 =	vmul.f32 v50, v53;
	v45 =	vld [tilespmem:s31+$0xCD70]  }
0x227: {  	v6 =	vadd.f32 v26, v6;
	v3 =	vmul.f32 v58, v9;
	v5 =	vmul.f32 v59, v10;
	v46 =	vld [tilespmem:s31+$0xCDF0]  }
0x228: {  	v40 =	vadd.f32 v7, v8;
	v49 =	vmul.f32 v62, v11;
	v4 =	vmul.f32 v63, v13;
	v48 =	vld [tilespmem:s31+$0xCE70]  }
0x229: {  	v6 =	vadd.f32 v25, v6;
	v2 =	vmul.f32 v36, v14;
	v1 =	vmul.f32 v37, v16;
	v50 =	vld [tilespmem:s31+$0xCEF0]  }
0x22a: {  	v59 =	vmul.f32 v38, v12;
	v60 =	vmul.f32 v39, v15;
	v0 =	vadd.f32 v41, v40;
	v51 =	vld [tilespmem:s31+$0xCF70]  }
0x22b: {  	v3 =	vadd.f32 v49, v3;
	v53 =	vld [tilespmem:s31+$0xCFF0];
	v8 =	vmul.f32 v42, v17;
	v52 =	vmul.f32 v45, v18  }
0x22c: {  	v4 =	vadd.f32 v4, v5;
	v54 =	vmul.f32 v43, v20;
	v55 =	vmul.f32 v46, v22  }
0x22d: {  	v0 =	vadd.f32 v44, v0;
	v2 =	vadd.f32 v2, v3;
	v7 =	vmul.f32 v48, v21  }
0x22e: {  	v58 =	vmul.f32 v50, v19;
	v56 =	vadd.f32 v52, v8;
	v57 =	vadd.f32 v55, v54  }
0x22f: {  	v1 =	vadd.f32 v1, v4;
	v0 =	vadd.f32 v0, v6;
	v61 =	vmul.f32 v51, v23  }
0x230: {  	v62 =	vmul.f32 v53, v24;
	v3 =	vadd.f32 v7, v56;
	v4 =	vadd.f32 v58, v57  }
0x231: {  	p1 =	slt.u32 s8, $0xC;
	v2 =	vadd.f32 v59, v2;
	v1 =	vadd.f32 v60, v1  }
.Ltmp1:
0x232: {  	v3 =	vadd.f32 v61, v3;
	v4 =	vadd.f32 v62, v4;
	(pc) =	sbr.rel @p1 .LBB2_5-.Ltmp1, $4  }
0x233: {  	v1 =	vadd.f32 v1, v2  }
0x234: {  	[tilespmem:s11+$0x470] =	vst v0;
	v63 =	vadd.f32 v4, v3  }
0x235: {  	s31 =	sadd.s32 $0x3, s8;
	[tilespmem:s1+$0x470] =	vst v1  }
0x236: {  	s8 =	smov.u32 s31;
	[tilespmem:s18+$0x470] =	vst v63  }
0x237: {  	v8 =	vld [tilespmem:$0x4380]  }
0x238: {  	v7 =	vld [tilespmem:$0x4390]  }
0x239: {  	v6 =	vld [tilespmem:$0x43A0]  }
0x23a: {  	v5 =	vld [tilespmem:$0x43B0]  }
0x23b: {  	v4 =	vld [tilespmem:$0x43C0]  }
0x23c: {  	v3 =	vld [tilespmem:$0x43D0]  }
0x23d: {  	v2 =	vld [tilespmem:$0x43E0]  }
0x23e: {  	v1 =	vld [tilespmem:$0x43F0]  }
0x23f: {  	v0 =	vld [tilespmem:$0x8800]  }
0x240: {  	v9 =	vld [tilespmem:$0x8810]  }
0x241: {  	v10 =	vld [tilespmem:$0x8820]  }
0x242: {  	v11 =	vld [tilespmem:$0x8830]  }
0x243: {  	v12 =	vld [tilespmem:$0x8840]  }
0x244: {  	v13 =	vld [tilespmem:$0x8850]  }
0x245: {  	v14 =	vld [tilespmem:$0x8860]  }
0x246: {  	v15 =	vld [tilespmem:$0x8870]  }
0x247: {  	v16 =	vld [tilespmem:$0x8880]  }
0x248: {  	v17 =	vld [tilespmem:$0x8890]  }
0x249: {  	v18 =	vld [tilespmem:$0x88A0]  }
0x24a: {  	v19 =	vld [tilespmem:$0x88B0]  }
0x24b: {  	v20 =	vld [tilespmem:$0x88C0]  }
0x24c: {  	v21 =	vld [tilespmem:$0x88D0]  }
0x24d: {  	v22 =	vld [tilespmem:$0x88E0]  }
0x24e: {  	v23 =	vld [tilespmem:$0x88F0]  }
0x24f: {  	v24 =	vld [tilespmem:$0x8900]  }
0x250: {  	v25 =	vld [tilespmem:$0x8910]  }
0x251: {  	v26 =	vld [tilespmem:$0x8920]  }
0x252: {  	v27 =	vld [tilespmem:$0x8930]  }
0x253: {  	v28 =	vld [tilespmem:$0x8940]  }
0x254: {  	v29 =	vld [tilespmem:$0x8950]  }
0x255: {  	v30 =	vld [tilespmem:$0x8960]  }
0x256: {  	v31 =	vld [tilespmem:$0x8970]  }
0x257: {  	v32 =	vld [tilespmem:$0x8980]  }
0x258: {  	v33 =	vld [tilespmem:$0x8990]  }
0x259: {  	v34 =	vld [tilespmem:$0x89A0];
	v0 =	vmul.f32 v0, v8  }
0x25a: {  	v35 =	vld [tilespmem:$0x89B0];
	v10 =	vmul.f32 v10, v6;
	v9 =	vmul.f32 v9, v7  }
0x25b: {  	v36 =	vld [tilespmem:$0x89C0];
	v11 =	vmul.f32 v11, v5;
	v45 =	vmul.f32 v12, v4  }
0x25c: {  	v37 =	vld [tilespmem:$0x89D0];
	v46 =	vmul.f32 v13, v3;
	v48 =	vmul.f32 v16, v8  }
0x25d: {  	v38 =	vld [tilespmem:$0x89E0];
	v49 =	vmul.f32 v18, v6;
	v50 =	vmul.f32 v17, v7  }
0x25e: {  	v39 =	vld [tilespmem:$0x8AA0];
	v51 =	vmul.f32 v19, v5;
	v52 =	vmul.f32 v20, v4  }
0x25f: {  	v42 =	vld [tilespmem:$0x8AB0];
	v14 =	vmul.f32 v14, v2;
	v53 =	vmul.f32 v21, v3  }
0x260: {  	v13 =	vld [tilespmem:$0x89F0];
	v15 =	vmul.f32 v15, v1;
	v54 =	vmul.f32 v22, v2  }
0x261: {  	v18 =	vld [tilespmem:$0x8A00];
	v55 =	vmul.f32 v23, v1;
	v56 =	vmul.f32 v24, v8  }
0x262: {  	v19 =	vld [tilespmem:$0x8A10];
	v57 =	vmul.f32 v25, v7;
	v58 =	vmul.f32 v26, v6  }
0x263: {  	v16 =	vld [tilespmem:$0x8A20];
	v59 =	vmul.f32 v27, v5;
	v60 =	vmul.f32 v28, v4  }
0x264: {  	v20 =	vld [tilespmem:$0x8A30];
	v61 =	vmul.f32 v29, v3;
	v62 =	vmul.f32 v32, v8  }
0x265: {  	v21 =	vld [tilespmem:$0x8A40];
	v63 =	vmul.f32 v34, v6;
	v40 =	vmul.f32 v33, v7  }
0x266: {  	v17 =	vld [tilespmem:$0x8A50];
	v41 =	vmul.f32 v35, v5;
	v44 =	vmul.f32 v36, v4  }
0x267: {  	v12 =	vld [tilespmem:$0x8A60];
	v30 =	vmul.f32 v30, v2;
	v0 =	vadd.f32 v10, v0;
	v9 =	vadd.f32 v11, v9  }
0x268: {  	v26 =	vld [tilespmem:$0x8A90];
	v31 =	vmul.f32 v31, v1;
	v11 =	vadd.f32 v49, v48;
	v10 =	vadd.f32 v51, v50  }
0x269: {  	v22 =	vld [tilespmem:$0x8A70];
	v35 =	vmul.f32 v42, v5;
	v43 =	vadd.f32 v63, v62;
	v23 =	vadd.f32 v41, v40  }
0x26a: {  	v24 =	vld [tilespmem:$0x8A80];
	v50 =	vmul.f32 v38, v2;
	v62 =	vmul.f32 v39, v6;
	v0 =	vadd.f32 v45, v0  }
0x26b: {  	v36 =	vld [tilespmem:$0x8B60];
	v9 =	vadd.f32 v46, v9;
	v11 =	vadd.f32 v52, v11;
	v46 =	vmul.f32 v37, v3  }
0x26c: {  	v48 =	vld [tilespmem:$0x8AD0];
	v10 =	vadd.f32 v53, v10;
	v13 =	vmul.f32 v13, v1;
	v16 =	vmul.f32 v16, v6  }
0x26d: {  	v49 =	vld [tilespmem:$0x8AE0];
	v17 =	vmul.f32 v17, v3;
	v34 =	vmul.f32 v26, v7;
	v0 =	vadd.f32 v14, v0  }
0x26e: {  	v42 =	vld [tilespmem:$0x8B90];
	v12 =	vmul.f32 v12, v2;
	v9 =	vadd.f32 v15, v9;
	v11 =	vadd.f32 v54, v11  }
0x26f: {  	v51 =	vld [tilespmem:$0x8AF0];
	v22 =	vmul.f32 v22, v1;
	v10 =	vadd.f32 v55, v10;
	v15 =	vadd.f32 v59, v57  }
0x270: {  	v45 =	vld [tilespmem:$0x8AC0];
	v23 =	vadd.f32 v46, v23;
	v54 =	vmul.f32 v18, v8;
	v57 =	vmul.f32 v20, v5  }
0x271: {  	v52 =	vld [tilespmem:$0x8B00];
	v59 =	vmul.f32 v21, v4;
	v40 =	vmul.f32 v48, v3;
	v0 =	vadd.f32 v9, v0  }
0x272: {  	v53 =	vld [tilespmem:$0x8B10];
	v14 =	vmul.f32 v49, v2;
	v10 =	vadd.f32 v10, v11;
	v9 =	vadd.f32 v58, v56  }
0x273: {  	v63 =	vld [tilespmem:$0x8B50];
	v15 =	vadd.f32 v61, v15;
	v11 =	vadd.f32 v44, v43;
	v56 =	vmul.f32 v19, v7  }
0x274: {  	v55 =	vld [tilespmem:$0x8B20];
	v13 =	vadd.f32 v13, v23;
	v61 =	vmul.f32 v24, v8;
	v44 =	vmul.f32 v51, v1  }
0x275: {  	v58 =	vld [tilespmem:$0x8B30];
	v19 =	vmul.f32 v42, v7;
	v38 =	vmul.f32 v45, v4;
	v9 =	vadd.f32 v60, v9  }
0x276: {  	v39 =	vld [tilespmem:$0x8B70];
	v48 =	vmul.f32 v52, v8;
	v15 =	vadd.f32 v31, v15;
	v11 =	vadd.f32 v50, v11  }
0x277: {  	v41 =	vld [tilespmem:$0x8B80];
	v49 =	vmul.f32 v53, v7;
	v37 =	vadd.f32 v62, v61;
	v9 =	vadd.f32 v30, v9  }
0x278: {  	v45 =	vld [tilespmem:$0x8BA0];
	v62 =	vmul.f32 v36, v2;
	v11 =	vadd.f32 v13, v11;
	v13 =	vadd.f32 v57, v56  }
0x279: {  	v53 =	vld [tilespmem:$0x8BD0];
	v51 =	vmul.f32 v55, v6;
	v55 =	vmul.f32 v63, v3;
	v9 =	vadd.f32 v15, v9  }
0x27a: {  	v46 =	vld [tilespmem:$0x8BB0];
	v52 =	vmul.f32 v58, v5;
	v15 =	vadd.f32 v16, v54;
	v13 =	vadd.f32 v17, v13  }
0x27b: {  	v60 =	vld [tilespmem:$0x8B40];
	v63 =	vmul.f32 v39, v1;
	v16 =	vadd.f32 v35, v34;
	v17 =	vadd.f32 v38, v37  }
0x27c: {  	v50 =	vld [tilespmem:$0x8BC0];
	v57 =	vmul.f32 v41, v8;
	v18 =	vadd.f32 v52, v49;
	v15 =	vadd.f32 v59, v15  }
0x27d: {  	v56 =	vld [tilespmem:$0x8BE0];
	v26 =	vmul.f32 v45, v6;
	v43 =	vadd.f32 v40, v16;
	v13 =	vadd.f32 v22, v13  }
0x27e: {  	v58 =	vld [tilespmem:$0x8BF0];
	v61 =	vmul.f32 v53, v3;
	v14 =	vadd.f32 v14, v17;
	v12 =	vadd.f32 v12, v15  }
0x27f: {  	v17 =	vmul.f32 v46, v5;
	v59 =	vadd.f32 v26, v57;
	v15 =	vadd.f32 v44, v43  }
0x280: {  	v54 =	vmul.f32 v60, v4;
	v12 =	vadd.f32 v13, v12;
	v13 =	vadd.f32 v51, v48  }
0x281: {  	v60 =	vmul.f32 v50, v4;
	v18 =	vadd.f32 v55, v18;
	v17 =	vadd.f32 v17, v19  }
0x282: {  	(xrf2) =	vadd.scan.msk.f32 $0xffff, v0;
	v24 =	vmul.f32 v56, v2;
	v14 =	vadd.f32 v15, v14;
	v13 =	vadd.f32 v54, v13  }
0x283: {  	(xrf2) =	vadd.scan.msk.f32 $0xffff, v10;
	v25 =	vmul.f32 v58, v1;
	v15 =	vadd.f32 v60, v59;
	v23 =	vadd.f32 v61, v17  }
0x284: {  	(xrf2) =	vadd.scan.msk.f32 $0xffff, v9;
	v26 =	vadd.f32 v63, v18;
	v0 =	vadd.f32 v62, v13  }
0x285: {  	(xrf2) =	vadd.scan.msk.f32 $0xffff, v11;
	v27 =	vadd.f32 v24, v15;
	v10 =	vadd.f32 v25, v23  }
0x286: {  	(xrf2) =	vadd.scan.msk.f32 $0xffff, v12;
	v0 =	vadd.f32 v26, v0  }
0x287: {  	(xrf2) =	vadd.scan.msk.f32 $0xffff, v14;
	v28 =	vadd.f32 v10, v27  }
0x288: {  	(xrf2) =	vadd.scan.msk.f32 $0xffff, v0  }
0x289: {  	(xrf2) =	vadd.scan.msk.f32 $0xffff, v28;
	_ =	sdelay $0x2  }
0x28a: {  	v29, _, _ =	vpop (xrf2)  }
0x28b: {  	v30, _, _ =	vpop (xrf2);
	v0 =	vbroadcast v29, $0xF  }
0x28c: {  	v9 =	vbroadcast v30, $0xF;
	v31, _, _ =	vpop (xrf2)  }
0x28d: {  	v32, _, _ =	vpop (xrf2);
	v10 =	vbroadcast v31, $0xF;
	v0 =	vnsel vm0, $0xF149F2CA, v0  }
0x28e: {  	v33 =	vbroadcast v32, $0xF;
	v0 =	vsel vm1, v0, v9;
	v12, _, _ =	vpop (xrf2)  }
0x28f: {  	v0 =	vsel vm2, v0, v10;
	v34, _, _ =	vpop (xrf2);
	v35 =	vbroadcast v12, $0xF  }
0x290: {  	v0 =	vsel vm3, v0, v33;
	v37 =	vbroadcast v34, $0xF;
	v36, _, _ =	vpop (xrf2)  }
0x291: {  	v0 =	vsel vm4, v0, v35;
	v38 =	vbroadcast v36, $0xF;
	v39, _, _ =	vpop (xrf2)  }
0x292: {  	v0 =	vsel vm5, v0, v37;
	v40 =	vbroadcast v39, $0xF  }
0x293: {  	v0 =	vsel vm6, v0, v38  }
0x294: {  	v0 =	vsel vm7, v0, v40  }
0x295: {  	v0 =	vmul.f32 $1.442695020e+00, v0;
	_ =	sdelay $0x1  }
0x296: {  	(erf) = vpow2.f32 v0;
	_ =	sdelay $0x8  }
0x297: {  	v42 =	vpop (erf)  }
0x298: {  	(xrf2) =	vadd.scan.msk.f32 $0xffff, v42  }
0x299: {  	v20 =	vld [tilespmem:$0x10B00]  }
0x29a: {  	v21 =	vld [tilespmem:$0x10B80]  }
0x29b: {  	v45 =	vld [tilespmem:$0x10980]  }
0x29c: {  	v53 =	vld [tilespmem:$0x10890]  }
0x29d: {  	v52 =	vld [tilespmem:$0x10810]  }
0x29e: {  	v50 =	vld [tilespmem:$0x10AA0]  }
0x29f: {  	s1 =	sshll.u32 s0, $0x8;
	v16 =	vld [tilespmem:$0x10900]  }
0x2a0: {  	v41 =	vmov s1;
	v57 =	vld [tilespmem:$0x10A90]  }
0x2a1: {  	v55 =	vld [tilespmem:$0x10990];
	v0 =	vshrl.u32 v41, $0x7  }
0x2a2: {  	v56 =	vld [tilespmem:$0x10A10];
	v0 =	vshll.u32 v0, $0x7;
	v51, _, _ =	vpop (xrf2)  }
0x2a3: {  	v43 =	vld [tilespmem:$0x10800];
	v0 =	vor.u32 $0x78, v0;
	v12 =	vbroadcast v51, $0xF  }
0x2a4: {  	v44 =	vld [tilespmem:$0x10880];
	v0 =	vbroadcast v0, $0x0  }
0x2a5: {  	v19 =	vld [tilespmem:$0x10A80];
	(erf) = vrcp.f32 v12  }
0x2a6: {  	v58 =	vld [tilespmem:$0x10B10]  }
0x2a7: {  	v18 =	vld [tilespmem:$0x10A00]  }
0x2a8: {  	v63 =	vld [tilespmem:$0x109A0]  }
0x2a9: {  	v59 =	vld [tilespmem:$0x10B90]  }
0x2aa: {  	v0 =	vld.idx.msk [tilespmem:v0+s4+$0x0], $0xffff  }
0x2ab: {  	v60 =	vld [tilespmem:$0x10820]  }
0x2ac: {  	v61 =	vld [tilespmem:$0x108A0]  }
0x2ad: {  	v48 =	vld [tilespmem:$0x10A20]  }
0x2ae: {  	v54 =	vld [tilespmem:$0x10910];
	v12 =	vpop (erf)  }
0x2af: {  	v25 =	vld [tilespmem:$0x108C0];
	vm8 =	vlt.u32 v0, $0x20000000;
	v46 =	vmul.f32 v12, v42  }
0x2b0: {  	v23 =	vld [tilespmem:$0x10AC0];
	v49 =	vsel vm8, $0x0, v47  }
0x2b1: {  	v30 =	vld [tilespmem:$0x10850];
	v0 =	vmul.f32 v46, v49  }
0x2b2: {  	v62 =	vld [tilespmem:$0x10920]  }
0x2b3: {  	v27 =	vld [tilespmem:$0x10A40];
	v15 =	vbroadcast v0, $0x0  }
0x2b4: {  	v26 =	vld [tilespmem:$0x109C0];
	v14 =	vbroadcast v0, $0x1;
	v13 =	vbroadcast v0, $0x2  }
0x2b5: {  	v32 =	vld [tilespmem:$0x108D0];
	v12 =	vbroadcast v0, $0x3;
	v11 =	vbroadcast v0, $0x4  }
0x2b6: {  	v28 =	vld [tilespmem:$0x10BC0];
	v9 =	vbroadcast v0, $0x5;
	v10 =	vmul.f32 v15, v43  }
0x2b7: {  	v51 =	vld [tilespmem:$0x10830];
	v41 =	vmul.f32 v14, v44;
	v16 =	vmul.f32 v13, v16  }
0x2b8: {  	v34 =	vld [tilespmem:$0x10AE0];
	v17 =	vmul.f32 v12, v45;
	v18 =	vmul.f32 v11, v18  }
0x2b9: {  	v37 =	vld [tilespmem:$0x10BA0];
	v19 =	vmul.f32 v9, v19;
	v22 =	vmul.f32 v52, v15  }
0x2ba: {  	v36 =	vld [tilespmem:$0x10B20];
	v24 =	vmul.f32 v54, v13;
	v52 =	vmul.f32 v53, v14  }
0x2bb: {  	v39 =	vld [tilespmem:$0x108B0];
	v53 =	vmul.f32 v55, v12;
	v55 =	vmul.f32 v56, v11  }
0x2bc: {  	v42 =	vld [tilespmem:$0x109B0];
	v56 =	vmul.f32 v57, v9;
	v49 =	vmul.f32 v51, v15;
	v16 =	vadd.f32 v16, v10  }
0x2bd: {  	v51 =	vld [tilespmem:$0x10950];
	v25 =	vmul.f32 v25, v14;
	v17 =	vadd.f32 v17, v41;
	v10 =	vbroadcast v0, $0x6  }
0x2be: {  	v40 =	vld [tilespmem:$0x10930];
	v26 =	vmul.f32 v26, v12;
	v23 =	vmul.f32 v23, v9;
	v18 =	vadd.f32 v16, v18  }
0x2bf: {  	v46 =	vld [tilespmem:$0x10840];
	v17 =	vadd.f32 v17, v19;
	v16 =	vbroadcast v0, $0x7;
	v20 =	vmul.f32 v20, v10  }
0x2c0: {  	v43 =	vld [tilespmem:$0x10A30];
	v19 =	vadd.f32 v53, v52;
	v57 =	vmul.f32 v58, v10;
	v52 =	vmul.f32 v39, v14  }
0x2c1: {  	v44 =	vld [tilespmem:$0x10AB0];
	v54 =	vadd.f32 v24, v22;
	v53 =	vmul.f32 v42, v12;
	v36 =	vmul.f32 v36, v10  }
0x2c2: {  	v45 =	vld [tilespmem:$0x10B30];
	v25 =	vadd.f32 v26, v25;
	v51 =	vmul.f32 v51, v13;
	v21 =	vmul.f32 v21, v16  }
0x2c3: {  	v41 =	vld [tilespmem:$0x10BB0];
	v0 =	vadd.f32 v55, v54;
	v58 =	vmul.f32 v59, v16;
	v59 =	vmul.f32 v60, v15  }
0x2c4: {  	v24 =	vld [tilespmem:$0x10940];
	v23 =	vadd.f32 v23, v25;
	v60 =	vmul.f32 v61, v14;
	v61 =	vmul.f32 v62, v13  }
0x2c5: {  	v54 =	vld [tilespmem:$0x109D0];
	v18 =	vadd.f32 v18, v20;
	v62 =	vmul.f32 v63, v12;
	v63 =	vmul.f32 v48, v11  }
0x2c6: {  	v42 =	vld [tilespmem:$0x10860];
	v19 =	vadd.f32 v56, v19;
	v48 =	vmul.f32 v50, v9;
	v50 =	vmul.f32 v40, v13  }
0x2c7: {  	v39 =	vld [tilespmem:$0x10A70];
	v0 =	vadd.f32 v57, v0;
	v56 =	vmul.f32 v43, v11;
	v37 =	vmul.f32 v37, v16  }
0x2c8: {  	v57 =	vld [tilespmem:$0x10A50];
	v29 =	vadd.f32 v53, v52;
	v52 =	vmul.f32 v32, v14;
	v28 =	vmul.f32 v28, v16  }
0x2c9: {  	v43 =	vld [tilespmem:$0x108E0];
	v24 =	vmul.f32 v24, v13;
	v17 =	vadd.f32 v17, v21;
	v19 =	vadd.f32 v58, v19  }
0x2ca: {  	v21 =	vld [tilespmem:$0x10B40];
	v22 =	vadd.f32 v62, v60;
	v58 =	vmul.f32 v44, v9;
	v62 =	vmul.f32 v41, v16  }
0x2cb: {  	v55 =	vadd.f32 v50, v49;
	v60 =	vld [tilespmem:$0x10B50];
	v44 =	vmul.f32 v46, v15;
	v50 =	vmul.f32 v30, v15  }
0x2cc: {  	v46 =	vld [tilespmem:$0x109E0];
	v53 =	vmul.f32 v54, v12;
	v17 =	vadd.f32 v17, v18;
	v0 =	vadd.f32 v19, v0  }
0x2cd: {  	v35 =	vmul.f32 v42, v15;
	v18 =	vadd.f32 v61, v59;
	v22 =	vadd.f32 v48, v22;
	v59 =	vld [tilespmem:$0x10AD0]  }
0x2ce: {  	v19 =	vadd.f32 v56, v55;
	v29 =	vadd.f32 v58, v29;
	v61 =	vmul.f32 v45, v10;
	v45 =	vld [tilespmem:$0x10960]  }
0x2cf: {  	v48 =	vmul.f32 v27, v11;
	v54 =	vadd.f32 v51, v50;
	v58 =	vld [tilespmem:$0x108F0];
	v18 =	vadd.f32 v63, v18  }
0x2d0: {  	v55 =	vmul.f32 v57, v11;
	v63 =	vld [tilespmem:$0x10BD0];
	v22 =	vadd.f32 v37, v22;
	v19 =	vadd.f32 v61, v19  }
0x2d1: {  	v57 =	vld [tilespmem:$0x10870];
	v29 =	vadd.f32 v62, v29;
	v62 =	vadd.f32 v28, v23;
	v21 =	vmul.f32 v21, v10  }
0x2d2: {  	v61 =	vld [tilespmem:$0x10970];
	v25 =	vadd.f32 v55, v54;
	v20 =	vmul.f32 v60, v10;
	v55 =	vmul.f32 v39, v11  }
0x2d3: {  	v38 =	vld [tilespmem:$0x10B60];
	v18 =	vadd.f32 v36, v18;
	v19 =	vadd.f32 v29, v19;
	v36 =	vmul.f32 v43, v14  }
0x2d4: {  	v49 =	vld [tilespmem:$0x10A60];
	v56 =	vmul.f32 v59, v9;
	v20 =	vadd.f32 v20, v25;
	v41 =	vmul.f32 v45, v13  }
0x2d5: {  	[tilespmem:$0x15780] =	vst v8;
	v14 =	vmul.f32 v58, v14;
	v18 =	vadd.f32 v22, v18;
	v60 =	vmul.f32 v63, v16;
	v63 =	vld [tilespmem:$0x109F0]  }
0x2d6: {  	[tilespmem:$0x15790] =	vst v7;
	v42 =	vld [tilespmem:$0x10AF0];
	v22 =	vadd.f32 v24, v44;
	v24 =	vadd.f32 v53, v52;
	v15 =	vmul.f32 v57, v15  }
0x2d7: {  	[tilespmem:$0x157A0] =	vst v6;
	v30 =	vld [tilespmem:$0x10BE0];
	v44 =	vmul.f32 v46, v12;
	v46 =	vadd.f32 v41, v35;
	v13 =	vmul.f32 v61, v13  }
0x2d8: {  	[tilespmem:$0x157B0] =	vst v5;
	v45 =	vld [tilespmem:$0x10B70];
	v52 =	vmul.f32 v34, v9;
	v22 =	vadd.f32 v48, v22;
	v59 =	vadd.f32 v56, v24  }
0x2d9: {  	[tilespmem:$0x157C0] =	vst v4;
	v48 =	vmul.f32 v49, v11;
	v49 =	vld [tilespmem:$0x10BF0];
	v50 =	vadd.f32 v44, v36;
	v54 =	vadd.f32 v13, v15  }
0x2da: {  	[tilespmem:$0x157D0] =	vst v3;
	v21 =	vadd.f32 v21, v22;
	v28 =	vadd.f32 v60, v59;
	v51 =	vmul.f32 v63, v12  }
0x2db: {  	[tilespmem:$0x157E0] =	vst v2;
	v58 =	vmul.f32 v42, v9;
	v53 =	vadd.f32 v48, v46;
	v56 =	vadd.f32 v52, v50  }
0x2dc: {  	[tilespmem:$0x157F0] =	vst v1;
	v59 =	vmul.f32 v38, v10;
	v4 =	vadd.f32 v55, v54;
	v57 =	vadd.f32 v51, v14  }
0x2dd: {  	[tilespmem:$0x15B80] =	vst v17;
	v60 =	vmul.f32 v30, v16;
	v40 =	vadd.f32 v62, v21;
	v43 =	vadd.f32 v28, v20  }
0x2de: {  	[tilespmem:$0x15B90] =	vst v0;
	v62 =	vmul.f32 v45, v10;
	v63 =	vmul.f32 v49, v16;
	v61 =	vadd.f32 v58, v57  }
0x2df: {  	[tilespmem:$0x15BB0] =	vst v19;
	v2 =	vadd.f32 v59, v53;
	v1 =	vadd.f32 v60, v56  }
0x2e0: {  	[tilespmem:$0x15BA0] =	vst v18;
	v3 =	vadd.f32 v62, v4;
	v0 =	vadd.f32 v63, v61  }
0x2e1: {  	[tilespmem:$0x15BC0] =	vst v40;
	v1 =	vadd.f32 v1, v2  }
0x2e2: {  	[tilespmem:$0x15BD0] =	vst v43;
	v0 =	vadd.f32 v0, v3  }
0x2e3: {  	s31 =	sshll.u32 s17, $0x5;
	[tilespmem:$0x15BE0] =	vst v1  }
0x2e4: {  	s7 =	simm.s32 $0x14C00;
	p1 =	seq.s32 s0, $0x13;
	s1 =	sadd.s32 s3, s31;
	[tilespmem:$0x15BF0] =	vst v0  }
0x2e5: {  	[hbm4b:s1+s4] =	stream.linear.scatter [tilespmem:s7], [sflag:$0x7], $0x1000, $0x38;
	[tilespmem:$0x16C00] =	vst v63  }
0x2e6: {  	s1 =	sadd.s32 @!p1 $0x2, s16  }
0x2e7: {  	s10 =	simm.s32 @!p1 $0x80;
	s7 =	sshll.u32 @!p1 s1, $0x7;
	s1 =	sshll.u32 @!p1 s1, $0xB  }
0x2e8: {  	s11 =	simm.s32 @!p1 $0x4C00;
	s8 =	sadd.s32 @!p1 $0x1400, s7;
	s1 =	sadd.s32 @!p1 s9, s1  }
0x2e9: {  	[tilespmem:s11], [sflag:$0x1] =	stream.indirect.gather @!p1 [hbm4b:s6+s10], $0x80, s8, s10, $0xb8;
	[tilespmem:$0x16C00] =	vst v63  }
0x2ea: {  	s7 =	sadd.s32 @!p1 $0x2800, s7;
	s8 =	simm.s32 @!p1 $0xCC00;
	s1 =	sshrl.u32 @!p1 s1, $0x3  }
0x2eb: {  	[tilespmem:s8], [sflag:$0x3] =	stream.indirect.gather @!p1 [hbm4b:s2+s10], $0x80, s7, s10, $0xb8;
	[tilespmem:$0x16C00] =	vst v63  }
0x2ec: {  	s1 =	sadd.s32 @!p1 s6, s1;
	s7 =	simm.s32 @!p1 $0x0;
	s8 =	simm.s32 @!p1 $0x3C00  }
0x2ed: {  	[tilespmem:s8], [sflag:$0x5] =	stream.linear.gather @!p1 [hbm4b:s1+s7], $0x800, $0x38;
	[tilespmem:$0x16C00] =	vst v63  }
0x2ee: {  	_ =	swait.ge [sflag:s25], $0x4000  }
0x2ef: {  	[sflag:s25] =	ssyncset.done $0x0  }
0x2f0: {  	[sflag:s25] =	ssyncadd.s32 $0xFFFFC000  }
0x2f1: {  	_ =	swait.ge [sflag:s26], $0x4000  }
0x2f2: {  	[sflag:s26] =	ssyncset.done $0x0  }
0x2f3: {  	[sflag:s26] =	ssyncadd.s32 $0xFFFFC000  }
0x2f4: {  	_ =	swait.ge [sflag:s28], $0x800  }
0x2f5: {  	[sflag:s28] =	ssyncset.done $0x0  }
0x2f6: {  	s1 =	simm.s32 @!p0 $0x8;
	[sflag:s28] =	ssyncadd.s32 $0xFFFFF800  }
0x2f7: {  	_ =	swait.ge @!p0 [sflag:s1], $0x1000  }
0x2f8: {  	[sflag:s1] =	ssyncset.done @!p0 $0x0  }
0x2f9: {  	s7 =	simm.s32 $0x0;
	[sflag:s1] =	ssyncadd.s32 @!p0 $0xFFFFF000  }
.LBB2_7:
0x2fa: {  	s1 =	sor.u32 $0x10, s7  }
0x2fb: {  	s8 =	sshll.u32 s1, $0x7  }
0x2fc: {  	s10 =	sand.u32 $0x3FFFFF80, s8  }
0x2fd: {  	v1 =	vld [tilespmem:s10+$0x3C00]  }
0x2fe: {  	v2 =	vld [tilespmem:s10+$0x3C10]  }
0x2ff: {  	v3 =	vld [tilespmem:s10+$0x3C20]  }
0x300: {  	v4 =	vld [tilespmem:s10+$0x3C30]  }
0x301: {  	v5 =	vld [tilespmem:s10+$0x3C40]  }
0x302: {  	v6 =	vld [tilespmem:s10+$0x3C50]  }
0x303: {  	v7 =	vld [tilespmem:s10+$0x3C60]  }
0x304: {  	s8 =	sshll.u32 s7, $0xA;
	v8 =	vld [tilespmem:s10+$0x3C70]  }
0x305: {  	v0 =	vld [tilespmem:s8+$0x8C00]  }
0x306: {  	v9 =	vld [tilespmem:s8+$0x8C10]  }
0x307: {  	v10 =	vld [tilespmem:s8+$0x8C20]  }
0x308: {  	v11 =	vld [tilespmem:s8+$0x8C30]  }
0x309: {  	v12 =	vld [tilespmem:s8+$0x8C40]  }
0x30a: {  	v13 =	vld [tilespmem:s8+$0x8C50]  }
0x30b: {  	v14 =	vld [tilespmem:s8+$0x8C60]  }
0x30c: {  	v15 =	vld [tilespmem:s8+$0x8C70]  }
0x30d: {  	v40 =	vld [tilespmem:s8+$0x8C80]  }
0x30e: {  	v41 =	vld [tilespmem:s8+$0x8C90]  }
0x30f: {  	v42 =	vld [tilespmem:s8+$0x8CA0]  }
0x310: {  	v43 =	vld [tilespmem:s8+$0x8CB0]  }
0x311: {  	v44 =	vld [tilespmem:s8+$0x8CC0]  }
0x312: {  	v45 =	vld [tilespmem:s8+$0x8CD0]  }
0x313: {  	v46 =	vld [tilespmem:s8+$0x8CE0]  }
0x314: {  	v16 =	vld [tilespmem:s8+$0x8CF0]  }
0x315: {  	v17 =	vld [tilespmem:s8+$0x8D00]  }
0x316: {  	v18 =	vld [tilespmem:s8+$0x8D10]  }
0x317: {  	v19 =	vld [tilespmem:s8+$0x8D20]  }
0x318: {  	v20 =	vld [tilespmem:s8+$0x8D30];
	v0 =	vmul.f32 v0, v1;
	v10 =	vmul.f32 v10, v3  }
0x319: {  	v21 =	vld [tilespmem:s8+$0x8D40];
	v9 =	vmul.f32 v9, v2;
	v11 =	vmul.f32 v11, v4  }
0x31a: {  	v22 =	vld [tilespmem:s8+$0x8D50];
	v36 =	vmul.f32 v12, v5  }
0x31b: {  	v23 =	vld [tilespmem:s8+$0x8D60];
	v37 =	vmul.f32 v13, v6;
	v0 =	vadd.f32 v10, v0;
	v9 =	vadd.f32 v11, v9  }
0x31c: {  	v24 =	vld [tilespmem:s8+$0x8D70];
	v38 =	vmul.f32 v14, v7  }
0x31d: {  	v25 =	vld [tilespmem:s8+$0x8D80];
	v39 =	vmul.f32 v15, v8;
	v0 =	vadd.f32 v36, v0;
	v9 =	vadd.f32 v37, v9  }
0x31e: {  	v26 =	vld [tilespmem:s8+$0x8D90]  }
0x31f: {  	v27 =	vld [tilespmem:s8+$0x8DA0];
	v0 =	vadd.f32 v38, v0;
	v9 =	vadd.f32 v39, v9  }
0x320: {  	v28 =	vld [tilespmem:s8+$0x8DB0]  }
0x321: {  	v29 =	vld [tilespmem:s8+$0x8DC0];
	v0 =	vadd.f32 v9, v0  }
0x322: {  	v30 =	vld [tilespmem:s8+$0x8DD0]  }
0x323: {  	v31 =	vld [tilespmem:s8+$0x8DE0];
	(xrf2) =	vadd.scan.msk.f32 $0xffff, v0  }
0x324: {  	v32 =	vld [tilespmem:s8+$0x8DF0]  }
0x325: {  	v33 =	vld [tilespmem:s8+$0x8E00]  }
0x326: {  	v34 =	vld [tilespmem:s8+$0x8E10];
	v12 =	vmul.f32 v43, v4;
	v48 =	vmul.f32 v44, v5  }
0x327: {  	v52 =	vld [tilespmem:s8+$0x8E50];
	v49 =	vmul.f32 v45, v6;
	v50 =	vmul.f32 v46, v7  }
0x328: {  	v35 =	vld [tilespmem:s8+$0x8E80];
	v51 =	vmul.f32 v16, v8;
	v53 =	vmul.f32 v17, v1  }
0x329: {  	v13 =	vld [tilespmem:s8+$0x8E20];
	v54 =	vmul.f32 v18, v2;
	v19 =	vmul.f32 v19, v3  }
0x32a: {  	v14 =	vld [tilespmem:s8+$0x8E30];
	v20 =	vmul.f32 v20, v4;
	v55 =	vmul.f32 v21, v5  }
0x32b: {  	v15 =	vld [tilespmem:s8+$0x8E40];
	v11 =	vmul.f32 v42, v3;
	v0 =	vmul.f32 v40, v1  }
0x32c: {  	v18 =	vld [tilespmem:s8+$0x8E70];
	v56 =	vmul.f32 v22, v6;
	v58 =	vmul.f32 v25, v1  }
0x32d: {  	v59 =	vmul.f32 v27, v3;
	v61 =	vmul.f32 v26, v2;
	v0 =	vadd.f32 v11, v0;
	v11 =	vld [tilespmem:s8+$0x8E60];
	v9, _, _ =	vpop (xrf2)  }
0x32e: {  	v62 =	vmul.f32 v28, v4;
	v23 =	vmul.f32 v23, v7;
	v57 =	vld [tilespmem:s8+$0x8E90]  }
0x32f: {  	v24 =	vmul.f32 v24, v8;
	v10 =	vmul.f32 v41, v2;
	v60 =	vld [tilespmem:s8+$0x8EA0]  }
0x330: {  	v43 =	vmul.f32 v32, v8;
	v16 =	vmul.f32 v52, v6;
	v17 =	vadd.f32 v20, v54;
	v63 =	vld [tilespmem:s8+$0x8EB0]  }
0x331: {  	v20 =	vadd.f32 v62, v61;
	v42 =	vmul.f32 v31, v7;
	v10 =	vadd.f32 v12, v10;
	v38 =	vld [tilespmem:s8+$0x8EC0]  }
0x332: {  	v12 =	vadd.f32 v19, v53;
	v36 =	vadd.f32 v59, v58;
	v37 =	vmul.f32 v29, v5;
	v40 =	vld [tilespmem:s8+$0x8ED0]  }
0x333: {  	v17 =	vadd.f32 v56, v17;
	v53 =	vmul.f32 v35, v1;
	v39 =	vmul.f32 v30, v6;
	v41 =	vld [tilespmem:s8+$0x8EE0]  }
0x334: {  	v13 =	vmul.f32 v13, v3;
	v10 =	vadd.f32 v49, v10;
	v0 =	vadd.f32 v48, v0;
	v44 =	vld [tilespmem:s8+$0x8EF0]  }
0x335: {  	v17 =	vadd.f32 v24, v17;
	v20 =	vadd.f32 v39, v20;
	v48 =	vmul.f32 v33, v1;
	v45 =	vld [tilespmem:s8+$0x8F00]  }
0x336: {  	v14 =	vmul.f32 v14, v4;
	v10 =	vadd.f32 v51, v10;
	v0 =	vadd.f32 v50, v0;
	v46 =	vld [tilespmem:s8+$0x8F10]  }
0x337: {  	v20 =	vadd.f32 v43, v20;
	v50 =	vmul.f32 v34, v2;
	v13 =	vadd.f32 v13, v48;
	v49 =	vld [tilespmem:s8+$0x8F20]  }
0x338: {  	v15 =	vmul.f32 v15, v5;
	v0 =	vadd.f32 v10, v0;
	v10 =	vadd.f32 v55, v12;
	v51 =	vld [tilespmem:s8+$0x8F30]  }
0x339: {  	v18 =	vmul.f32 v18, v8;
	v12 =	vadd.f32 v37, v36;
	v14 =	vadd.f32 v14, v50;
	v52 =	vld [tilespmem:s8+$0x8F40]  }
0x33a: {  	v11 =	vmul.f32 v11, v7;
	v13 =	vadd.f32 v15, v13;
	v10 =	vadd.f32 v23, v10;
	v54 =	vld [tilespmem:s8+$0x8F50]  }
0x33b: {  	v12 =	vadd.f32 v42, v12;
	v62 =	vld [tilespmem:s8+$0x8F80];
	v27 =	vmul.f32 v60, v3;
	v55 =	vmul.f32 v57, v2  }
0x33c: {  	v14 =	vadd.f32 v16, v14;
	v33 =	vld [tilespmem:s8+$0x8FA0];
	v56 =	vmul.f32 v63, v4;
	v59 =	vmul.f32 v38, v5  }
0x33d: {  	v11 =	vadd.f32 v11, v13;
	v34 =	vld [tilespmem:s8+$0x8FB0];
	v61 =	vmul.f32 v40, v6;
	v19 =	vmul.f32 v41, v7  }
0x33e: {  	v37 =	vld [tilespmem:s8+$0x8FC0];
	v10 =	vadd.f32 v17, v10;
	v32 =	vmul.f32 v44, v8;
	v35 =	vmul.f32 v45, v1  }
0x33f: {  	v43 =	vld [tilespmem:s8+$0x8FE0];
	v14 =	vadd.f32 v18, v14;
	v36 =	vmul.f32 v46, v2;
	v38 =	vmul.f32 v49, v3  }
0x340: {  	v12 =	vadd.f32 v20, v12;
	v63 =	vld [tilespmem:s8+$0x8F90];
	v39 =	vmul.f32 v51, v4;
	v41 =	vmul.f32 v52, v5  }
0x341: {  	v11 =	vadd.f32 v14, v11;
	v40 =	vld [tilespmem:s8+$0x8FD0];
	v42 =	vmul.f32 v54, v6;
	v44 =	vmul.f32 v62, v1  }
0x342: {  	v57 =	vld [tilespmem:s8+$0x8F60];
	v22 =	vmul.f32 v33, v3;
	v58 =	vadd.f32 v27, v53;
	v15 =	vadd.f32 v56, v55  }
0x343: {  	v60 =	vld [tilespmem:s8+$0x8F70];
	v18 =	vmul.f32 v34, v4;
	v46 =	vmul.f32 v37, v5;
	v14 =	vadd.f32 v38, v35  }
0x344: {  	v45 =	vld [tilespmem:s8+$0x8FF0];
	v52 =	vmul.f32 v43, v7;
	v16 =	vadd.f32 v59, v58;
	v27 =	vadd.f32 v61, v15  }
0x345: {  	v14 =	vadd.f32 v41, v14;
	v15 =	vadd.f32 v22, v44;
	v20 =	vmul.f32 v63, v2  }
0x346: {  	v48 =	vmul.f32 v40, v6;
	v16 =	vadd.f32 v19, v16;
	v19 =	vadd.f32 v39, v36  }
0x347: {  	v49 =	vmul.f32 v57, v7;
	v13 =	vadd.f32 v32, v27;
	v18 =	vadd.f32 v18, v20  }
0x348: {  	v50 =	vmul.f32 v60, v8;
	v15 =	vadd.f32 v46, v15;
	v17 =	vadd.f32 v42, v19  }
0x349: {  	(xrf2) =	vadd.scan.msk.f32 $0xffff, v0;
	v53 =	vmul.f32 v45, v8;
	v54 =	vadd.f32 v49, v14;
	v51 =	vadd.f32 v48, v18  }
0x34a: {  	(xrf2) =	vadd.scan.msk.f32 $0xffff, v10;
	v13 =	vadd.f32 v13, v16;
	v55 =	vadd.f32 v50, v17  }
0x34b: {  	(xrf2) =	vadd.scan.msk.f32 $0xffff, v12;
	v56 =	vadd.f32 v52, v15;
	v0 =	vadd.f32 v53, v51  }
0x34c: {  	(xrf2) =	vadd.scan.msk.f32 $0xffff, v11;
	v10 =	vadd.f32 v55, v54  }
0x34d: {  	(xrf2) =	vadd.scan.msk.f32 $0xffff, v13;
	v0 =	vadd.f32 v0, v56  }
0x34e: {  	(xrf2) =	vadd.scan.msk.f32 $0xffff, v10  }
0x34f: {  	(xrf2) =	vadd.scan.msk.f32 $0xffff, v0;
	_ =	sdelay $0x3  }
0x350: {  	v57 =	vbroadcast v9, $0xF;
	v58, _, _ =	vpop (xrf2)  }
0x351: {  	v9 =	vbroadcast v58, $0xF;
	v59, _, _ =	vpop (xrf2)  }
0x352: {  	v60, _, _ =	vpop (xrf2);
	v10 =	vbroadcast v59, $0xF;
	v0 =	vnsel vm0, $0xF149F2CA, v57  }
0x353: {  	v61 =	vbroadcast v60, $0xF;
	v62, _, _ =	vpop (xrf2);
	v0 =	vsel vm1, v0, v9  }
0x354: {  	v63 =	vbroadcast v62, $0xF;
	v0 =	vsel vm2, v0, v10;
	v12, _, _ =	vpop (xrf2)  }
0x355: {  	v0 =	vsel vm3, v0, v61;
	v13 =	vbroadcast v12, $0xF;
	v14, _, _ =	vpop (xrf2)  }
0x356: {  	v0 =	vsel vm4, v0, v63;
	v15 =	vbroadcast v14, $0xF;
	v16, _, _ =	vpop (xrf2)  }
0x357: {  	v0 =	vsel vm5, v0, v13;
	v17 =	vbroadcast v16, $0xF  }
0x358: {  	v0 =	vsel vm6, v0, v15  }
0x359: {  	v0 =	vsel vm7, v0, v17  }
0x35a: {  	v0 =	vmul.f32 $1.442695020e+00, v0;
	_ =	sdelay $0x1  }
0x35b: {  	(erf) = vpow2.f32 v0;
	_ =	sdelay $0x5  }
0x35c: {  	s18 =	sadd.s32 s15, s7  }
0x35d: {  	s10 =	sshll.u32 s18, $0x3  }
0x35e: {  	v18 =	vmov s10  }
0x35f: {  	v9 =	vbroadcast v18, $0x0;
	v0 =	vpop (erf)  }
0x360: {  	s20 =	sadd.s32 $0x1, s7;
	(xrf2) =	vadd.scan.msk.f32 $0xffff, v0  }
0x361: {  	s11 =	sshll.u32 s20, $0xA  }
0x362: {  	s19 =	sshll.u32 s7, $0x7;
	s1 =	sshll.u32 s1, $0x8;
	v28 =	vld [tilespmem:s11+$0x8EE0]  }
0x363: {  	s1 =	sand.u32 $0x1800, s1;
	v29 =	vld [tilespmem:s11+$0x8EF0];
	s10 =	sand.u32 $0x380, s19  }
0x364: {  	v33 =	vld [tilespmem:s11+$0x8C90];
	s1 =	sor.u32 s10, s1  }
0x365: {  	s17 =	sadd.s32 $0x11, s7;
	s10 =	sadd.s32 $0x14C00, s1;
	v9 =	vld.idx.msk [tilespmem:v9+s4+$0x0], $0xffff;
	[tilespmem:s1+$0x14C00] =	vst v1  }
0x366: {  	s30 =	sshll.u32 s17, $0x7;
	v18 =	vld [tilespmem:s11+$0x8C20];
	[tilespmem:s10+$0x40] =	vst v5  }
0x367: {  	v12 =	vld [tilespmem:s30+$0x3C40];
	[tilespmem:s10+$0x50] =	vst v6  }
0x368: {  	[tilespmem:s10+$0x60] =	vst v7;
	v7 =	vld [tilespmem:s11+$0x8E80]  }
0x369: {  	[tilespmem:s10+$0x70] =	vst v8;
	v5 =	vld [tilespmem:s11+$0x8F10]  }
0x36a: {  	v1 =	vld [tilespmem:s11+$0x8F20];
	[tilespmem:s10+$0x10] =	vst v2;
	v19, _, _ =	vpop (xrf2)  }
0x36b: {  	[tilespmem:s10+$0x20] =	vst v3;
	v13 =	vld [tilespmem:s30+$0x3C30];
	v10 =	vbroadcast v19, $0xF  }
0x36c: {  	[tilespmem:s10+$0x30] =	vst v4;
	v4 =	vld [tilespmem:s11+$0x8F00]  }
0x36d: {  	v21 =	vld [tilespmem:s8+$0x10C00];
	(erf) = vrcp.f32 v10  }
0x36e: {  	v6 =	vld [tilespmem:s8+$0x10C80]  }
0x36f: {  	v3 =	vld [tilespmem:s8+$0x10D00]  }
0x370: {  	v8 =	vld [tilespmem:s8+$0x10D80]  }
0x371: {  	v14 =	vld [tilespmem:s30+$0x3C20]  }
0x372: {  	v16 =	vld [tilespmem:s30+$0x3C00]  }
0x373: {  	v24 =	vld [tilespmem:s8+$0x10E00]  }
0x374: {  	v26 =	vld [tilespmem:s8+$0x10E80]  }
0x375: {  	v35 =	vld [tilespmem:s8+$0x10F00]  }
0x376: {  	v38 =	vld [tilespmem:s8+$0x10F80];
	v1 =	vmul.f32 v1, v14;
	v20 =	vpop (erf)  }
0x377: {  	s19 =	sadd.s32 $0x2, s7;
	vm8 =	vlt.u32 v9, $0x20000000;
	v15 =	vld [tilespmem:s30+$0x3C10];
	v4 =	vmul.f32 v4, v16;
	v0 =	vmul.f32 v20, v0  }
0x378: {  	s16 =	sshll.u32 s19, $0xA;
	v22 =	vsel vm8, $0x0, v47;
	v17 =	vld [tilespmem:s11+$0x8C10]  }
0x379: {  	v1 =	vadd.f32 v1, v4;
	v4 =	vld [tilespmem:s16+$0x8C70];
	v0 =	vmul.f32 v0, v22  }
0x37a: {  	v19 =	vld [tilespmem:s11+$0x8C30]  }
0x37b: {  	v20 =	vld [tilespmem:s11+$0x8C40];
	v23 =	vbroadcast v0, $0x0  }
0x37c: {  	v22 =	vld [tilespmem:s11+$0x8C60];
	v25 =	vbroadcast v0, $0x2;
	v36 =	vbroadcast v0, $0x4  }
0x37d: {  	v30 =	vbroadcast v0, $0x6;
	v27 =	vmul.f32 v23, v21;
	v21 =	vld [tilespmem:s11+$0x8C50]  }
0x37e: {  	v37 =	vbroadcast v0, $0x5;
	v9 =	vmul.f32 v36, v24;
	v24 =	vld [tilespmem:s11+$0x8C80]  }
0x37f: {  	v41 =	vbroadcast v0, $0x7;
	v44 =	vmul.f32 v35, v30;
	v35 =	vld [tilespmem:s11+$0x8CB0]  }
0x380: {  	v32 =	vbroadcast v0, $0x1;
	v10 =	vmul.f32 v37, v26;
	v39 =	vmov v37;
	[tilespmem:$0x1FEE0] =	vst v37;
	v37 =	vld [tilespmem:s11+$0x8CD0]  }
0x381: {  	v31 =	vbroadcast v0, $0x3;
	v45 =	vmul.f32 v38, v41;
	v38 =	vld [tilespmem:s11+$0x8CE0]  }
0x382: {  	v34 =	vmul.f32 v25, v3;
	v26 =	vld [tilespmem:s11+$0x8E90]  }
0x383: {  	v6 =	vmul.f32 v32, v6;
	v8 =	vmul.f32 v31, v8;
	v3 =	vld [tilespmem:s11+$0x8F40]  }
0x384: {  	v11 =	vadd.f32 v34, v27;
	v34 =	vld [tilespmem:s11+$0x8CA0]  }
0x385: {  	v40 =	vadd.f32 v8, v6;
	v6 =	vld [tilespmem:s11+$0x8EA0]  }
0x386: {  	v27 =	vld [tilespmem:s11+$0x8EC0]  }
0x387: {  	v8 =	vld [tilespmem:s11+$0x8ED0]  }
0x388: {  	v42 =	vadd.f32 v11, v9;
	v43 =	vadd.f32 v40, v10;
	v40 =	vld [tilespmem:s11+$0x8D00]  }
0x389: {  	v2 =	vmul.f32 v20, v12;
	v20 =	vmul.f32 v35, v13;
	v35 =	vld [tilespmem:s11+$0x8F70]  }
0x38a: {  	v0 =	vadd.f32 v42, v44;
	v42 =	vld [tilespmem:s11+$0x8D20]  }
0x38b: {  	v9 =	vadd.f32 v43, v45;
	v43 =	vld [tilespmem:s11+$0x8D30]  }
0x38c: {  	v3 =	vmul.f32 v3, v12;
	v44 =	vld [tilespmem:s11+$0x8D40]  }
0x38d: {  	v7 =	vmul.f32 v7, v16;
	v45 =	vld [tilespmem:s11+$0x8D50];
	v6 =	vmul.f32 v6, v14;
	v0 =	vadd.f32 v9, v0  }
0x38e: {  	v1 =	vadd.f32 v3, v1;
	v3 =	vld [tilespmem:s16+$0x8CB0]  }
0x38f: {  	v6 =	vadd.f32 v6, v7;
	v7 =	vld [tilespmem:s16+$0x8C60];
	[tilespmem:s10+$0x400] =	vst v0  }
0x390: {  	v0 =	vld [tilespmem:s8+$0x10C10]  }
0x391: {  	v46 =	vld [tilespmem:s8+$0x10C90]  }
0x392: {  	v47 =	vld [tilespmem:s8+$0x10D10]  }
0x393: {  	v48 =	vld [tilespmem:s8+$0x10D90]  }
0x394: {  	v49 =	vld [tilespmem:s8+$0x10E10]  }
0x395: {  	v50 =	vld [tilespmem:s8+$0x10E90]  }
0x396: {  	v52 =	vld [tilespmem:s8+$0x10F90]  }
0x397: {  	v51 =	vld [tilespmem:s8+$0x10F10]  }
0x398: {  	[tilespmem:$0x1FE60] =	vst v23;
	v0 =	vmul.f32 v0, v23;
	v23 =	vld [tilespmem:s11+$0x8C70]  }
0x399: {  	[tilespmem:$0x1FEC0] =	vst v36;
	v53 =	vmul.f32 v49, v36;
	v36 =	vld [tilespmem:s11+$0x8CC0]  }
0x39a: {  	v54 =	vmul.f32 v50, v39;
	v39 =	vld [tilespmem:s11+$0x8CF0]  }
0x39b: {  	[tilespmem:$0x1FF10] =	vst v41;
	v56 =	vmul.f32 v52, v41;
	v41 =	vld [tilespmem:s11+$0x8D10]  }
0x39c: {  	v9 =	vmul.f32 v46, v32;
	v46 =	vld [tilespmem:s11+$0x8D60]  }
0x39d: {  	v10 =	vmul.f32 v47, v25;
	v47 =	vld [tilespmem:s11+$0x8D70]  }
0x39e: {  	v11 =	vmul.f32 v48, v31;
	v48 =	vld [tilespmem:s11+$0x8D80]  }
0x39f: {  	v49 =	vld [tilespmem:s11+$0x8D90]  }
0x3a0: {  	v50 =	vld [tilespmem:s11+$0x8DA0]  }
0x3a1: {  	v55 =	vmul.f32 v51, v30;
	v51 =	vld [tilespmem:s11+$0x8DB0]  }
0x3a2: {  	v52 =	vld [tilespmem:s11+$0x8DC0]  }
0x3a3: {  	[tilespmem:$0x1FE80] =	vst v25;
	v25 =	vld [tilespmem:s11+$0x8EB0]  }
0x3a4: {  	v0 =	vadd.f32 v10, v0;
	v9 =	vadd.f32 v11, v9;
	v11 =	vld [tilespmem:s30+$0x3C50]  }
0x3a5: {  	v10 =	vld [tilespmem:s30+$0x3C60]  }
0x3a6: {  	v17 =	vmul.f32 v17, v15;
	v19 =	vmul.f32 v19, v13;
	v0 =	vadd.f32 v53, v0;
	v53 =	vld [tilespmem:s11+$0x8DD0]  }
0x3a7: {  	v9 =	vadd.f32 v54, v9;
	v54 =	vld [tilespmem:s11+$0x8DE0]  }
0x3a8: {  	v17 =	vadd.f32 v19, v17;
	v26 =	vmul.f32 v26, v15;
	v19 =	vmul.f32 v36, v12;
	v36 =	vld [tilespmem:s11+$0x8F80]  }
0x3a9: {  	v25 =	vmul.f32 v25, v13;
	v0 =	vadd.f32 v55, v0;
	v9 =	vadd.f32 v56, v9;
	v55 =	vld [tilespmem:s11+$0x8DF0]  }
0x3aa: {  	v48 =	vmul.f32 v48, v16;
	v50 =	vmul.f32 v50, v14;
	v56 =	vld [tilespmem:s11+$0x8E00]  }
0x3ab: {  	v21 =	vmul.f32 v21, v11;
	v25 =	vadd.f32 v25, v26;
	v26 =	vld [tilespmem:s16+$0x8C50];
	v0 =	vadd.f32 v9, v0  }
0x3ac: {  	v9 =	vld [tilespmem:s30+$0x3C70]  }
0x3ad: {  	v17 =	vadd.f32 v21, v17;
	v21 =	vadd.f32 v50, v48;
	v50 =	vld [tilespmem:s16+$0x8C00];
	[tilespmem:s10+$0x410] =	vst v0  }
0x3ae: {  	v0 =	vld [tilespmem:s8+$0x10C20]  }
0x3af: {  	v57 =	vld [tilespmem:s8+$0x10CA0]  }
0x3b0: {  	v58 =	vld [tilespmem:s8+$0x10D20]  }
0x3b1: {  	v59 =	vld [tilespmem:s8+$0x10DA0]  }
0x3b2: {  	v60 =	vld [tilespmem:s8+$0x10E20]  }
0x3b3: {  	v61 =	vld [tilespmem:s8+$0x10EA0]  }
0x3b4: {  	v8 =	vmul.f32 v8, v11;
	[tilespmem:$0x1FE70] =	vst v0;
	v0 =	vld [tilespmem:s11+$0x8C00]  }
0x3b5: {  	v62 =	vld [tilespmem:s8+$0x10F20];
	v23 =	vmul.f32 v23, v9  }
0x3b6: {  	v8 =	vadd.f32 v8, v25;
	v63 =	vld [tilespmem:s8+$0x10FA0];
	v29 =	vmul.f32 v29, v9  }
0x3b7: {  	v17 =	vadd.f32 v23, v17;
	v23 =	vmul.f32 v43, v13;
	v43 =	vmul.f32 v38, v10;
	v38 =	vld [tilespmem:s11+$0x8FB0]  }
0x3b8: {  	v8 =	vadd.f32 v29, v8;
	v29 =	vld [tilespmem:s16+$0x8CC0]  }
0x3b9: {  	v18 =	vmul.f32 v18, v14;
	[tilespmem:$0x1FEA0] =	vst v57;
	v57 =	vld [tilespmem:s11+$0x8E10];
	v0 =	vmul.f32 v0, v16  }
0x3ba: {  	[tilespmem:$0x1FE90] =	vst v58;
	v58 =	vld [tilespmem:s11+$0x8E20]  }
0x3bb: {  	[tilespmem:$0x1FEB0] =	vst v59;
	v59 =	vld [tilespmem:s11+$0x8E30];
	v0 =	vadd.f32 v18, v0  }
0x3bc: {  	[tilespmem:$0x1FED0] =	vst v60;
	v60 =	vld [tilespmem:s11+$0x8E40]  }
0x3bd: {  	v22 =	vmul.f32 v22, v10;
	[tilespmem:$0x1FEF0] =	vst v61;
	v61 =	vld [tilespmem:s11+$0x8E50];
	v0 =	vadd.f32 v2, v0  }
0x3be: {  	[tilespmem:$0x1FF00] =	vst v62;
	v62 =	vld [tilespmem:s11+$0x8E60];
	v18 =	vmul.f32 v24, v16;
	v24 =	vmul.f32 v34, v14  }
0x3bf: {  	v2 =	vld [tilespmem:s11+$0x8F30];
	v0 =	vadd.f32 v22, v0  }
0x3c0: {  	[tilespmem:$0x1FF20] =	vst v63;
	v63 =	vld [tilespmem:s11+$0x8E70];
	v18 =	vadd.f32 v24, v18  }
0x3c1: {  	v5 =	vmul.f32 v5, v15;
	v34 =	vld [tilespmem:s11+$0x8F50];
	v0 =	vadd.f32 v17, v0;
	v17 =	vmul.f32 v33, v15  }
0x3c2: {  	v40 =	vmul.f32 v40, v16;
	v24 =	vmul.f32 v37, v11;
	v37 =	vld [tilespmem:s11+$0x8F90];
	v18 =	vadd.f32 v19, v18  }
0x3c3: {  	v42 =	vmul.f32 v42, v14;
	v19 =	vmul.f32 v41, v15;
	v41 =	vld [tilespmem:s11+$0x8FD0];
	v17 =	vadd.f32 v20, v17  }
0x3c4: {  	v46 =	vmul.f32 v46, v10;
	v33 =	vld [tilespmem:s11+$0x8F60];
	v18 =	vadd.f32 v43, v18;
	v2 =	vmul.f32 v2, v13  }
0x3c5: {  	v43 =	vld [tilespmem:s11+$0x8FF0];
	v20 =	vadd.f32 v42, v40;
	v17 =	vadd.f32 v24, v17;
	v24 =	vmul.f32 v44, v12  }
0x3c6: {  	v19 =	vadd.f32 v23, v19;
	v40 =	vld [tilespmem:s11+$0x8FA0];
	v44 =	vmul.f32 v45, v11;
	v45 =	vmul.f32 v39, v9  }
0x3c7: {  	v47 =	vmul.f32 v47, v9;
	v42 =	vld [tilespmem:s11+$0x8FE0];
	v2 =	vadd.f32 v2, v5;
	v20 =	vadd.f32 v24, v20  }
0x3c8: {  	v22 =	vmul.f32 v49, v15;
	v5 =	vld [tilespmem:s16+$0x8D30];
	v19 =	vadd.f32 v44, v19;
	v17 =	vadd.f32 v45, v17  }
0x3c9: {  	s18 =	sadd.s32 $0x12, s7;
	v39 =	vld [tilespmem:s11+$0x8FC0];
	v24 =	vmul.f32 v51, v13;
	v20 =	vadd.f32 v46, v20;
	v46 =	vmul.f32 v52, v12  }
0x3ca: {  	s31 =	sshll.u32 s18, $0x7;
	v51 =	vld [tilespmem:s16+$0x8C10];
	v19 =	vadd.f32 v47, v19;
	v47 =	vmul.f32 v53, v11;
	v52 =	vmul.f32 v56, v16  }
0x3cb: {  	v44 =	vadd.f32 v17, v18;
	v17 =	vld [tilespmem:s31+$0x3C00];
	v53 =	vmul.f32 v58, v14;
	v56 =	vmul.f32 v57, v15  }
0x3cc: {  	v18 =	vld [tilespmem:s31+$0x3C10];
	v57 =	vmul.f32 v59, v13;
	v59 =	vmul.f32 v61, v11  }
0x3cd: {  	v61 =	vmul.f32 v55, v9;
	v55 =	vmul.f32 v27, v12;
	v27 =	vld [tilespmem:s16+$0x8C40]  }
0x3ce: {  	v58 =	vmul.f32 v60, v12;
	v60 =	vmul.f32 v54, v10;
	v54 =	vld [tilespmem:$0x1FEE0]  }
0x3cf: {  	v45 =	vadd.f32 v19, v20;
	v19 =	vld [tilespmem:s31+$0x3C20]  }
0x3d0: {  	v22 =	vadd.f32 v24, v22;
	v20 =	vld [tilespmem:s31+$0x3C30]  }
0x3d1: {  	v46 =	vadd.f32 v46, v21;
	v21 =	vld [tilespmem:s31+$0x3C40]  }
0x3d2: {  	v47 =	vadd.f32 v47, v22;
	v22 =	vld [tilespmem:s31+$0x3C50]  }
0x3d3: {  	v24 =	vadd.f32 v57, v56;
	v56 =	vmul.f32 v28, v10;
	v28 =	vld [tilespmem:s16+$0x8C80]  }
0x3d4: {  	v57 =	vmul.f32 v34, v11;
	v34 =	vld [tilespmem:s16+$0x8CF0]  }
0x3d5: {  	v6 =	vadd.f32 v55, v6;
	v55 =	vld [tilespmem:$0x1FE60]  }
0x3d6: {  	v23 =	vadd.f32 v53, v52;
	v53 =	vld [tilespmem:$0x1FEC0]  }
0x3d7: {  	v52 =	vld [tilespmem:$0x1FF10]  }
0x3d8: {  	v48 =	vadd.f32 v58, v23;
	v23 =	vld [tilespmem:s31+$0x3C60]  }
0x3d9: {  	v49 =	vadd.f32 v59, v24;
	v24 =	vld [tilespmem:s31+$0x3C70]  }
0x3da: {  	v58 =	vmul.f32 v33, v10;
	v33 =	vld [tilespmem:s16+$0x8C90]  }
0x3db: {  	v59 =	vadd.f32 v56, v6;
	v6 =	vld [tilespmem:s16+$0x8CA0]  }
0x3dc: {  	v46 =	vadd.f32 v60, v46;
	v60 =	vmul.f32 v35, v9;
	v35 =	vld [tilespmem:s16+$0x8CD0]  }
0x3dd: {  	v47 =	vadd.f32 v61, v47;
	v61 =	vmul.f32 v36, v16;
	v36 =	vld [tilespmem:s16+$0x8CE0]  }
0x3de: {  	v56 =	vld [tilespmem:$0x1FE80]  }
0x3df: {  	v62 =	vmul.f32 v62, v10;
	v2 =	vadd.f32 v57, v2;
	v57 =	vld [tilespmem:$0x1FEF0]  }
0x3e0: {  	v63 =	vmul.f32 v63, v9;
	v46 =	vadd.f32 v47, v46;
	v47 =	vld [tilespmem:s16+$0x8C20]  }
0x3e1: {  	(xrf2) =	vadd.scan.msk.f32 $0xffff, v0;
	v48 =	vadd.f32 v62, v48;
	v0 =	vadd.f32 v8, v59;
	v59 =	vld [tilespmem:$0x1FE70]  }
0x3e2: {  	v49 =	vadd.f32 v63, v49;
	v2 =	vadd.f32 v60, v2;
	v60 =	vld [tilespmem:$0x1FE90]  }
0x3e3: {  	v1 =	vadd.f32 v58, v1;
	v62 =	vmul.f32 v40, v14;
	v40 =	vmul.f32 v38, v13;
	v38 =	vld [tilespmem:s16+$0x8D10]  }
0x3e4: {  	(xrf2) =	vadd.scan.msk.f32 $0xffff, v44;
	v63 =	vmul.f32 v37, v15;
	v48 =	vadd.f32 v49, v48;
	v49 =	vld [tilespmem:s16+$0x8C30]  }
0x3e5: {  	(xrf2) =	vadd.scan.msk.f32 $0xffff, v45;
	v1 =	vadd.f32 v2, v1;
	v2 =	vld [tilespmem:s16+$0x8D00]  }
0x3e6: {  	v45 =	vmul.f32 v39, v12;
	(xrf2) =	vadd.scan.msk.f32 $0xffff, v46;
	v44 =	vadd.f32 v62, v61;
	v46 =	vadd.f32 v40, v63;
	v40 =	vld [tilespmem:s16+$0x8D20]  }
0x3e7: {  	v27 =	vmul.f32 v27, v21;
	v62 =	vmul.f32 v42, v10;
	v42 =	vld [tilespmem:s16+$0x8D40]  }
0x3e8: {  	v26 =	vmul.f32 v26, v22;
	v28 =	vmul.f32 v28, v17;
	v61 =	vadd.f32 v45, v44;
	v44 =	vld [tilespmem:$0x1FEA0]  }
0x3e9: {  	v3 =	vmul.f32 v3, v20;
	(xrf2) =	vadd.scan.msk.f32 $0xffff, v48;
	v48 =	vmul.f32 v41, v11;
	v45 =	vld [tilespmem:$0x1FEB0]  }
0x3ea: {  	v5 =	vmul.f32 v5, v20;
	v63 =	vmul.f32 v43, v9;
	v43 =	vld [tilespmem:s16+$0x8DB0]  }
0x3eb: {  	v6 =	vmul.f32 v6, v19;
	v33 =	vmul.f32 v33, v18;
	(xrf2) =	vadd.scan.msk.f32 $0xffff, v0;
	v0 =	vadd.f32 v48, v46;
	v46 =	vld [tilespmem:$0x1FED0]  }
0x3ec: {  	v25 =	vmul.f32 v59, v55;
	v37 =	vmul.f32 v60, v56;
	v59 =	vld [tilespmem:$0x1FF00]  }
0x3ed: {  	v7 =	vmul.f32 v7, v23;
	v6 =	vadd.f32 v6, v28;
	v28 =	vld [tilespmem:s16+$0x8E30];
	(xrf2) =	vadd.scan.msk.f32 $0xffff, v1;
	v1 =	vadd.f32 v62, v61  }
0x3ee: {  	v61 =	vld [tilespmem:$0x1FF20];
	v25 =	vadd.f32 v37, v25;
	v39 =	vmul.f32 v44, v32;
	v37 =	vmul.f32 v45, v31  }
0x3ef: {  	v4 =	vmul.f32 v4, v24;
	v3 =	vadd.f32 v3, v33;
	v33 =	vld [tilespmem:s16+$0x8E70];
	v0 =	vadd.f32 v63, v0  }
0x3f0: {  	v34 =	vmul.f32 v34, v24;
	v45 =	vld [tilespmem:s16+$0x8D60];
	v41 =	vmul.f32 v46, v53;
	v48 =	vadd.f32 v37, v39  }
0x3f1: {  	v58, _, _ =	vpop (xrf2);
	v47 =	vmul.f32 v47, v19;
	v44 =	vld [tilespmem:s16+$0x8DA0];
	v0 =	vadd.f32 v0, v1;
	v37 =	vmul.f32 v57, v54  }
0x3f2: {  	v60, _, _ =	vpop (xrf2);
	v1 =	vld [tilespmem:s16+$0x8D50];
	v39 =	vbroadcast v58, $0xF;
	v25 =	vadd.f32 v41, v25;
	v41 =	vmul.f32 v59, v30  }
0x3f3: {  	v62, _, _ =	vpop (xrf2);
	v63 =	vbroadcast v60, $0xF;
	v46 =	vld [tilespmem:s16+$0x8D80];
	v8 =	vadd.f32 v37, v48;
	v37 =	vmul.f32 v61, v52  }
0x3f4: {  	v58 =	vbroadcast v62, $0xF;
	(xrf2) =	vadd.scan.msk.f32 $0xffff, v0;
	v0 =	vld [tilespmem:s16+$0x8D70];
	v57 =	vnsel vm0, $0xF149F2CA, v39;
	v25 =	vadd.f32 v41, v25;
	v48, _, _ =	vpop (xrf2)  }
0x3f5: {  	v8 =	vadd.f32 v37, v8;
	v37 =	vsel vm1, v57, v63;
	v59, _, _ =	vpop (xrf2);
	v60 =	vbroadcast v48, $0xF;
	v48 =	vld [tilespmem:s16+$0x8D90]  }
0x3f6: {  	v62 =	vsel vm2, v37, v58;
	v63 =	vbroadcast v59, $0xF;
	v59 =	vmul.f32 v50, v17;
	v50 =	vld [tilespmem:s16+$0x8DC0]  }
0x3f7: {  	v25 =	vadd.f32 v8, v25;
	v8 =	vsel vm3, v62, v60;
	v60 =	vmul.f32 v51, v18;
	v51 =	vld [tilespmem:s16+$0x8DD0]  }
0x3f8: {  	v49 =	vmul.f32 v49, v20;
	v62 =	vmul.f32 v29, v21;
	v29 =	vld [tilespmem:s16+$0x8E10]  }
0x3f9: {  	v2 =	vmul.f32 v2, v17;
	v28 =	vmul.f32 v28, v20;
	v61, _, _ =	vpop (xrf2);
	v37 =	vadd.f32 v47, v59;
	v47 =	vld [tilespmem:s16+$0x8DE0]  }
0x3fa: {  	v33 =	vmul.f32 v33, v24;
	v57, _, _ =	vpop (xrf2);
	v8 =	vsel vm4, v8, v63;
	v63 =	vmul.f32 v35, v22;
	v35 =	vld [tilespmem:s16+$0x8E20]  }
0x3fb: {  	v39 =	vbroadcast v57, $0xF;
	v57 =	vmul.f32 v36, v23;
	v36 =	vld [tilespmem:s16+$0x8E40]  }
0x3fc: {  	v58 =	vbroadcast v61, $0xF;
	v59 =	vmul.f32 v38, v18;
	v38 =	vld [tilespmem:s16+$0x8E90]  }
0x3fd: {  	v1 =	vmul.f32 v1, v22;
	v0 =	vmul.f32 v0, v24;
	v41 =	vadd.f32 v49, v60;
	v49 =	vld [tilespmem:s16+$0x8DF0]  }
0x3fe: {  	v8 =	vsel vm5, v8, v58;
	v6 =	vadd.f32 v62, v6;
	v58 =	vmul.f32 v40, v19;
	v40 =	vld [tilespmem:s16+$0x8EA0]  }
0x3ff: {  	v60 =	vmul.f32 v42, v21;
	v62 =	vmul.f32 v44, v19;
	v42 =	vld [tilespmem:s16+$0x8EB0];
	v27 =	vadd.f32 v27, v37  }
0x400: {  	v37 =	vld [tilespmem:s16+$0x8E00];
	v3 =	vadd.f32 v63, v3;
	v8 =	vsel vm6, v8, v39;
	v5 =	vadd.f32 v5, v59  }
0x401: {  	v63 =	vmul.f32 v48, v18;
	v39 =	vld [tilespmem:s16+$0x8EC0];
	v26 =	vadd.f32 v26, v41;
	v61, _, _ =	vpop (xrf2);
	v6 =	vadd.f32 v57, v6  }
0x402: {  	v59 =	vld [tilespmem:s16+$0x8ED0];
	v2 =	vadd.f32 v58, v2;
	v57 =	vmul.f32 v50, v21;
	v41 =	vbroadcast v61, $0xF  }
0x403: {  	v7 =	vadd.f32 v7, v27;
	v3 =	vadd.f32 v34, v3;
	v27 =	vld [tilespmem:s16+$0x8E60];
	v61 =	vmul.f32 v46, v17  }
0x404: {  	v34 =	vld [tilespmem:s16+$0x8E80];
	v46 =	vmul.f32 v43, v20;
	v58 =	vmul.f32 v51, v22;
	v4 =	vadd.f32 v4, v26  }
0x405: {  	v26 =	vld [tilespmem:s16+$0x8E50];
	v2 =	vadd.f32 v60, v2;
	v60 =	vmul.f32 v45, v23;
	v35 =	vmul.f32 v35, v19  }
0x406: {  	v1 =	vadd.f32 v1, v5;
	v44 =	vmul.f32 v36, v21;
	v36 =	vld [tilespmem:s16+$0x8F40];
	v50 =	vmul.f32 v38, v18  }
0x407: {  	v8 =	vsel vm7, v8, v41;
	v3 =	vadd.f32 v3, v6;
	v48 =	vadd.f32 v62, v61;
	v6 =	vld [tilespmem:s16+$0x8EE0]  }
0x408: {  	v61 =	vmul.f32 v47, v23;
	v62 =	vmul.f32 v49, v24;
	v0 =	vadd.f32 v0, v1;
	v1 =	vld [tilespmem:s16+$0x8F00]  }
0x409: {  	v41 =	vmul.f32 v29, v18;
	v29 =	vld [tilespmem:s16+$0x8F30];
	v51 =	vmul.f32 v42, v20;
	v4 =	vadd.f32 v4, v7  }
0x40a: {  	v49 =	vld [tilespmem:s16+$0x8F50];
	v8 =	vmul.f32 $1.442695020e+00, v8;
	v7 =	vadd.f32 v46, v63;
	v2 =	vadd.f32 v60, v2  }
0x40b: {  	v42 =	vld [tilespmem:s16+$0x8FA0];
	v63 =	vmul.f32 v37, v17;
	v59 =	vmul.f32 v59, v22;
	v5 =	vadd.f32 v57, v48  }
0x40c: {  	v46 =	vld [tilespmem:s16+$0x8EF0];
	v48 =	vmul.f32 v40, v19;
	v7 =	vadd.f32 v58, v7;
	(erf) = vpow2.f32 v8  }
0x40d: {  	v37 =	vld [tilespmem:s16+$0x8F20];
	v0 =	vadd.f32 v0, v2;
	v2 =	vadd.f32 v35, v63;
	v45 =	vmul.f32 v34, v17  }
0x40e: {  	v60 =	vld [tilespmem:s16+$0x8F80];
	v58 =	vmul.f32 v39, v21;
	v27 =	vmul.f32 v27, v23;
	v35 =	vadd.f32 v51, v50  }
0x40f: {  	v8 =	vld [tilespmem:s16+$0x8F10];
	v5 =	vadd.f32 v61, v5;
	v26 =	vmul.f32 v26, v22;
	v7 =	vadd.f32 v62, v7  }
0x410: {  	v34 =	vld [tilespmem:s16+$0x8F70];
	v2 =	vadd.f32 v44, v2;
	v6 =	vmul.f32 v6, v23;
	v1 =	vmul.f32 v1, v17  }
0x411: {  	v50 =	vld [tilespmem:s16+$0x8FE0];
	v57 =	vadd.f32 v48, v45;
	v29 =	vmul.f32 v29, v20;
	v48 =	vmul.f32 v36, v21  }
0x412: {  	v61 =	vld [tilespmem:s16+$0x8F90];
	v62 =	vadd.f32 v59, v35;
	v49 =	vmul.f32 v49, v22;
	v38 =	vmul.f32 v42, v19  }
0x413: {  	v43 =	vld [tilespmem:s16+$0x8FB0];
	v63 =	vmul.f32 v46, v24;
	v5 =	vadd.f32 v7, v5;
	v7 =	vadd.f32 v28, v41  }
0x414: {  	v44 =	vld [tilespmem:s16+$0x8FC0];
	v45 =	vmul.f32 v37, v19;
	v51 =	vmul.f32 v60, v17;
	v2 =	vadd.f32 v27, v2  }
0x415: {  	v46 =	vld [tilespmem:s16+$0x8FD0];
	v27 =	vadd.f32 v63, v62;
	v8 =	vmul.f32 v8, v18;
	v7 =	vadd.f32 v26, v7  }
0x416: {  	v41 =	vld [tilespmem:s16+$0x8F60];
	v1 =	vadd.f32 v45, v1;
	v63 =	vmul.f32 v34, v24;
	v26 =	vadd.f32 v58, v57  }
0x417: {  	v37 =	vmul.f32 v50, v23;
	v57 =	vld [tilespmem:s16+$0x8FF0];
	v28 =	vmul.f32 v61, v18;
	v7 =	vadd.f32 v33, v7  }
0x418: {  	v8 =	vadd.f32 v29, v8;
	v6 =	vadd.f32 v6, v26;
	v26 =	vmul.f32 v43, v20  }
0x419: {  	[tilespmem:s10+$0x420] =	vst v25;
	v1 =	vadd.f32 v48, v1;
	v58 =	vmul.f32 v44, v21;
	v25 =	vpop (erf);
	v2 =	vadd.f32 v7, v2  }
0x41a: {  	v59 =	vmul.f32 v46, v22;
	v7 =	vadd.f32 v38, v51;
	v26 =	vadd.f32 v26, v28;
	(xrf2) =	vadd.scan.msk.f32 $0xffff, v25  }
0x41b: {  	v8 =	vadd.f32 v49, v8;
	v62 =	vmul.f32 v41, v23;
	v6 =	vadd.f32 v27, v6;
	(xrf2) =	vadd.scan.msk.f32 $0xffff, v4  }
0x41c: {  	v39 =	vld [tilespmem:s8+$0x10D30];
	v38 =	vmul.f32 v57, v24;
	v60 =	vadd.f32 v58, v7;
	(xrf2) =	vadd.scan.msk.f32 $0xffff, v3;
	v26 =	vadd.f32 v59, v26  }
0x41d: {  	v36 =	vld [tilespmem:s8+$0x10CB0];
	v40 =	vadd.f32 v62, v1;
	v41 =	vadd.f32 v63, v8;
	(xrf2) =	vadd.scan.msk.f32 $0xffff, v0  }
0x41e: {  	v42 =	vld [tilespmem:s8+$0x10DB0];
	(xrf2) =	vadd.scan.msk.f32 $0xffff, v5;
	v4 =	vadd.f32 v37, v60;
	v43 =	vadd.f32 v38, v26  }
0x41f: {  	v45 =	vld [tilespmem:s8+$0x10EB0];
	v0 =	vadd.f32 v41, v40;
	(xrf2) =	vadd.scan.msk.f32 $0xffff, v2  }
0x420: {  	v61 =	vld [tilespmem:s8+$0x10C30];
	(xrf2) =	vadd.scan.msk.f32 $0xffff, v6;
	v46 =	vadd.f32 v43, v4  }
0x421: {  	v44 =	vld [tilespmem:s8+$0x10E30];
	(xrf2) =	vadd.scan.msk.f32 $0xffff, v0  }
0x422: {  	v57 =	vld [tilespmem:s8+$0x10F30];
	(xrf2) =	vadd.scan.msk.f32 $0xffff, v46  }
0x423: {  	v50 =	vmul.f32 v36, v32  }
0x424: {  	v49 =	vmul.f32 v39, v56;
	v51 =	vmul.f32 v42, v31;
	v59 =	vld [tilespmem:s8+$0x10FB0];
	v58, _, _ =	vpop (xrf2)  }
0x425: {  	v48 =	vmul.f32 v61, v55;
	v1 =	vmul.f32 v45, v54;
	v60, _, _ =	vpop (xrf2)  }
0x426: {  	v61 =	vmul.f32 v44, v53;
	v2 =	vadd.f32 v51, v50;
	v62, _, _ =	vpop (xrf2);
	v7 =	vbroadcast v60, $0xF  }
0x427: {  	v5 =	vmul.f32 v57, v30;
	v0 =	vadd.f32 v49, v48;
	v63, _, _ =	vpop (xrf2);
	v28 =	vbroadcast v62, $0xF  }
0x428: {  	v1 =	vadd.f32 v1, v2;
	v29, _, _ =	vpop (xrf2);
	v7 =	vnsel vm0, $0xF149F2CA, v7;
	v33 =	vbroadcast v63, $0xF  }
0x429: {  	v4 =	vmul.f32 v59, v52;
	v34, _, _ =	vpop (xrf2);
	v2 =	vsel vm1, v7, v28;
	v3 =	vbroadcast v29, $0xF  }
0x42a: {  	v0 =	vadd.f32 v61, v0;
	v35, _, _ =	vpop (xrf2);
	v2 =	vsel vm2, v2, v33;
	v36 =	vbroadcast v34, $0xF  }
0x42b: {  	v1 =	vadd.f32 v4, v1;
	v37, _, _ =	vpop (xrf2);
	v2 =	vsel vm3, v2, v3;
	v38 =	vbroadcast v35, $0xF  }
0x42c: {  	v0 =	vadd.f32 v5, v0;
	v2 =	vsel vm4, v2, v36;
	v39 =	vbroadcast v37, $0xF;
	v40, _, _ =	vpop (xrf2)  }
0x42d: {  	v41 =	vsel vm5, v2, v38;
	v42 =	vbroadcast v40, $0xF  }
0x42e: {  	v0 =	vadd.f32 v1, v0;
	v1 =	vsel vm6, v41, v39  }
0x42f: {  	v43 =	vbroadcast v58, $0xF;
	v1 =	vsel vm7, v1, v42  }
0x430: {  	v1 =	vmul.f32 $1.442695020e+00, v1  }
0x431: {  	(erf) = vrcp.f32 v43  }
0x432: {  	(erf) = vpow2.f32 v1;
	_ =	sdelay $0x1  }
0x433: {  	[tilespmem:s10+$0x430] =	vst v0  }
0x434: {  	s1 =	sadd.s32 s15, s20;
	v44 =	vld [tilespmem:s8+$0x10C40]  }
0x435: {  	s1 =	sshll.u32 s1, $0x3;
	v45 =	vld [tilespmem:s8+$0x10CC0]  }
0x436: {  	v61 =	vmov s1;
	v46 =	vld [tilespmem:s8+$0x10D40]  }
0x437: {  	v5 =	vbroadcast v61, $0x0;
	v48 =	vld [tilespmem:s8+$0x10DC0]  }
0x438: {  	v49 =	vld [tilespmem:s8+$0x10E40]  }
0x439: {  	v50 =	vld [tilespmem:s8+$0x10EC0];
	v59 =	vpop (erf)  }
0x43a: {  	s24 =	sshll.u32 s17, $0x8;
	v51 =	vld [tilespmem:s8+$0x10F40];
	v63 =	vpop (erf)  }
0x43b: {  	s30 =	sand.u32 $0x380, s30;
	s1 =	sand.u32 $0x3800, s24;
	v57 =	vld [tilespmem:s8+$0x10FC0];
	v2 =	vmul.f32 v44, v55;
	v0 =	vmul.f32 v46, v56;
	(xrf2) =	vadd.scan.msk.f32 $0xffff, v63  }
0x43c: {  	s1 =	sor.u32 s30, s1;
	v3 =	vmul.f32 v45, v32;
	v1 =	vmul.f32 v48, v31  }
0x43d: {  	v27 =	vld.idx.msk [tilespmem:v5+s4+$0x0], $0xffff;
	[tilespmem:s1+$0x14C00] =	vst v16;
	s1 =	sadd.s32 $0x14C00, s1;
	v58 =	vmul.f32 v49, v53  }
0x43e: {  	[tilespmem:s1+$0x10] =	vst v15;
	v60 =	vmul.f32 v50, v54;
	v0 =	vadd.f32 v0, v2;
	v1 =	vadd.f32 v1, v3  }
0x43f: {  	[tilespmem:s1+$0x20] =	vst v14;
	v62 =	vmul.f32 v51, v30  }
0x440: {  	[tilespmem:s1+$0x30] =	vst v13;
	v26 =	vmul.f32 v57, v52;
	v0 =	vadd.f32 v58, v0;
	v1 =	vadd.f32 v60, v1  }
0x441: {  	s19 =	sadd.s32 s15, s19;
	[tilespmem:s1+$0x40] =	vst v12  }
0x442: {  	s20 =	sshll.u32 s19, $0x3;
	[tilespmem:s1+$0x50] =	vst v11;
	v0 =	vadd.f32 v62, v0;
	v1 =	vadd.f32 v26, v1  }
0x443: {  	v28 =	vmov s20;
	[tilespmem:s1+$0x60] =	vst v10  }
0x444: {  	[tilespmem:s1+$0x70] =	vst v9;
	v0 =	vadd.f32 v1, v0;
	v1 =	vbroadcast v28, $0x0  }
0x445: {  	v35 =	vld [tilespmem:s11+$0x10C00];
	v29, _, _ =	vpop (xrf2)  }
0x446: {  	v36 =	vld [tilespmem:s11+$0x10C80];
	v3 =	vbroadcast v29, $0xF  }
0x447: {  	s24 =	sshll.u32 s18, $0x8;
	v12 =	vld [tilespmem:s11+$0x10D00]  }
0x448: {  	s17 =	sand.u32 $0x3800, s24;
	s30 =	sand.u32 $0x380, s31;
	v15 =	vld [tilespmem:s11+$0x10D80];
	(erf) = vrcp.f32 v3  }
0x449: {  	v47 =	vimm.f32 $1.000000000e+00;
	s17 =	sor.u32 s30, s17;
	v16 =	vld [tilespmem:s11+$0x10E00];
	vm8 =	vlt.u32 v27, $0x20000000;
	v33 =	vmul.f32 v59, v25;
	[tilespmem:s10+$0x440] =	vst v0  }
0x44a: {  	v34 =	vsel vm8, $0x0, v47;
	v1 =	vld.idx.msk [tilespmem:v1+s4+$0x0], $0xffff;
	[tilespmem:s17+$0x14C00] =	vst v17;
	s17 =	sadd.s32 $0x14C00, s17  }
0x44b: {  	v37 =	vld [tilespmem:s11+$0x10E80];
	v0 =	vmul.f32 v33, v34;
	[tilespmem:s17+$0x10] =	vst v18  }
0x44c: {  	v38 =	vld [tilespmem:s11+$0x10F00];
	[tilespmem:s17+$0x20] =	vst v19  }
0x44d: {  	v39 =	vld [tilespmem:s11+$0x10F80];
	v9 =	vbroadcast v0, $0x0;
	v10 =	vbroadcast v0, $0x1;
	[tilespmem:s17+$0x30] =	vst v20  }
0x44e: {  	v2 =	vld [tilespmem:s8+$0x10C50];
	v11 =	vbroadcast v0, $0x2;
	v13 =	vbroadcast v0, $0x3;
	[tilespmem:s17+$0x40] =	vst v21  }
0x44f: {  	v5 =	vld [tilespmem:s8+$0x10CD0];
	v14 =	vbroadcast v0, $0x4;
	v4 =	vmul.f32 v9, v35;
	[tilespmem:s17+$0x50] =	vst v22  }
0x450: {  	v7 =	vld [tilespmem:s8+$0x10D50];
	v12 =	vmul.f32 v11, v12;
	v15 =	vmul.f32 v13, v15;
	[tilespmem:s17+$0x60] =	vst v23  }
0x451: {  	v8 =	vld [tilespmem:s8+$0x10DD0];
	v43 =	vmul.f32 v14, v16;
	v16 =	vbroadcast v0, $0x5;
	[tilespmem:s17+$0x70] =	vst v24;
	v40 =	vpop (erf)  }
0x452: {  	v42 =	vld [tilespmem:s16+$0x10C00];
	vm8 =	vlt.u32 v1, $0x20000000;
	v3 =	vmul.f32 v10, v36;
	v41 =	vmul.f32 v40, v63  }
0x453: {  	v23 =	vld [tilespmem:s16+$0x10C80];
	v4 =	vadd.f32 v12, v4;
	v12 =	vbroadcast v0, $0x6;
	v44 =	vsel vm8, $0x0, v47  }
0x454: {  	v45 =	vld [tilespmem:s16+$0x10D00];
	v3 =	vadd.f32 v15, v3;
	v15 =	vbroadcast v0, $0x7;
	v1 =	vmul.f32 v41, v44  }
0x455: {  	v46 =	vmul.f32 v16, v37;
	v48 =	vld [tilespmem:s16+$0x10D80];
	v49 =	vmul.f32 v38, v12  }
0x456: {  	v24 =	vld [tilespmem:s16+$0x10E00];
	v4 =	vadd.f32 v4, v43;
	v19 =	vmul.f32 v39, v15;
	v17 =	vbroadcast v1, $0x0  }
0x457: {  	v50 =	vld [tilespmem:s16+$0x10E80];
	v3 =	vadd.f32 v3, v46;
	v18 =	vbroadcast v1, $0x2;
	v20 =	vbroadcast v1, $0x1  }
0x458: {  	v51 =	vld [tilespmem:s8+$0x10E50];
	v4 =	vadd.f32 v4, v49;
	v22 =	vbroadcast v1, $0x3;
	v21 =	vbroadcast v1, $0x4  }
0x459: {  	v58 =	vld [tilespmem:s16+$0x10F00];
	v3 =	vadd.f32 v3, v19;
	v19 =	vbroadcast v1, $0x5;
	v6 =	vmul.f32 v17, v42  }
0x45a: {  	v59 =	vld [tilespmem:s16+$0x10F80];
	v57 =	vmul.f32 v18, v45;
	v61 =	vmul.f32 v20, v23  }
0x45b: {  	v60 =	vld [tilespmem:s8+$0x10ED0];
	v3 =	vadd.f32 v3, v4;
	v0 =	vmul.f32 v22, v48;
	v63 =	vmul.f32 v21, v24  }
0x45c: {  	v62 =	vld [tilespmem:s8+$0x10F50];
	v25 =	vmul.f32 v19, v50;
	v23 =	vbroadcast v1, $0x6  }
0x45d: {  	v36 =	vld [tilespmem:s8+$0x10FD0];
	[tilespmem:s1+$0x400] =	vst v3;
	v24 =	vbroadcast v1, $0x7;
	v6 =	vadd.f32 v57, v6;
	v0 =	vadd.f32 v0, v61  }
0x45e: {  	v37 =	vld [tilespmem:s11+$0x10C10];
	v40 =	vmul.f32 v58, v23  }
0x45f: {  	v39 =	vld [tilespmem:s11+$0x10C90];
	v41 =	vmul.f32 v59, v24;
	v38 =	vadd.f32 v6, v63;
	v0 =	vadd.f32 v0, v25  }
0x460: {  	v2 =	vmul.f32 v2, v55;
	v42 =	vld [tilespmem:s11+$0x10D10]  }
0x461: {  	v7 =	vmul.f32 v7, v56;
	v43 =	vld [tilespmem:s11+$0x10D90];
	v3 =	vadd.f32 v38, v40;
	v0 =	vadd.f32 v0, v41  }
0x462: {  	v5 =	vmul.f32 v5, v32;
	v46 =	vmul.f32 v51, v53;
	v45 =	vld [tilespmem:s11+$0x10E10]  }
0x463: {  	v51 =	vmul.f32 v62, v30;
	v33 =	vmul.f32 v36, v52;
	v48 =	vld [tilespmem:s11+$0x10E90];
	v0 =	vadd.f32 v0, v3  }
0x464: {  	v44 =	vmul.f32 v8, v31;
	v50 =	vmul.f32 v60, v54;
	v57 =	vld [tilespmem:s11+$0x10F10]  }
0x465: {  	v2 =	vadd.f32 v7, v2;
	v1 =	vmul.f32 v37, v9;
	v59 =	vld [tilespmem:s11+$0x10F90];
	v58 =	vmul.f32 v42, v11;
	[tilespmem:s17+$0x400] =	vst v0  }
0x466: {  	v49 =	vadd.f32 v44, v5;
	v62 =	vmul.f32 v43, v13;
	v61 =	vmul.f32 v39, v10;
	v63 =	vld [tilespmem:s16+$0x10C10]  }
0x467: {  	v2 =	vadd.f32 v46, v2;
	v34 =	vmul.f32 v45, v14;
	v1 =	vadd.f32 v58, v1;
	v35 =	vld [tilespmem:s16+$0x10C90]  }
0x468: {  	v60 =	vadd.f32 v50, v49;
	v36 =	vmul.f32 v48, v16;
	v3 =	vadd.f32 v62, v61;
	v37 =	vld [tilespmem:s16+$0x10D10]  }
0x469: {  	v2 =	vadd.f32 v51, v2;
	v39 =	vmul.f32 v57, v12;
	v1 =	vadd.f32 v34, v1;
	v38 =	vld [tilespmem:s16+$0x10D90]  }
0x46a: {  	v40 =	vmul.f32 v59, v15;
	v0 =	vadd.f32 v33, v60;
	v3 =	vadd.f32 v36, v3;
	v41 =	vld [tilespmem:s16+$0x10E10]  }
0x46b: {  	v42 =	vld [tilespmem:s16+$0x10E90];
	v1 =	vadd.f32 v39, v1  }
0x46c: {  	v43 =	vld [tilespmem:s16+$0x10F10];
	v0 =	vadd.f32 v0, v2;
	v3 =	vadd.f32 v40, v3  }
0x46d: {  	v44 =	vld [tilespmem:s16+$0x10F90];
	v5 =	vmul.f32 v63, v17;
	v6 =	vmul.f32 v37, v18  }
0x46e: {  	[tilespmem:s10+$0x450] =	vst v0;
	v45 =	vadd.f32 v3, v1;
	v46 =	vmul.f32 v35, v20;
	v48 =	vmul.f32 v38, v22  }
0x46f: {  	v7 =	vld [tilespmem:s8+$0x10C60];
	v49 =	vmul.f32 v41, v21  }
0x470: {  	v8 =	vld [tilespmem:s8+$0x10CE0];
	[tilespmem:s1+$0x410] =	vst v45;
	v51 =	vmul.f32 v42, v19;
	v5 =	vadd.f32 v6, v5;
	v50 =	vadd.f32 v48, v46  }
0x471: {  	v60 =	vmul.f32 v43, v23;
	v57 =	vld [tilespmem:s11+$0x10C20]  }
0x472: {  	v61 =	vmul.f32 v44, v24;
	v59 =	vld [tilespmem:s11+$0x10CA0];
	v58 =	vadd.f32 v49, v5;
	v0 =	vadd.f32 v51, v50  }
0x473: {  	v62 =	vld [tilespmem:s11+$0x10D20]  }
0x474: {  	v63 =	vld [tilespmem:s11+$0x10DA0];
	v1 =	vadd.f32 v60, v58;
	v0 =	vadd.f32 v61, v0  }
0x475: {  	v28 =	vld [tilespmem:s11+$0x10E20]  }
0x476: {  	v29 =	vld [tilespmem:s11+$0x10EA0];
	v0 =	vadd.f32 v0, v1  }
0x477: {  	v34 =	vld [tilespmem:s11+$0x10FA0]  }
0x478: {  	v33 =	vld [tilespmem:s11+$0x10F20];
	v2 =	vmul.f32 v57, v9;
	v6 =	vmul.f32 v62, v11;
	[tilespmem:s17+$0x410] =	vst v0  }
0x479: {  	v35 =	vmul.f32 v59, v10;
	v36 =	vmul.f32 v63, v13;
	v37 =	vld [tilespmem:s16+$0x10C20]  }
0x47a: {  	v3 =	vmul.f32 v28, v14;
	v38 =	vld [tilespmem:s16+$0x10CA0]  }
0x47b: {  	v4 =	vmul.f32 v29, v16;
	v2 =	vadd.f32 v6, v2;
	v0 =	vadd.f32 v36, v35;
	v39 =	vld [tilespmem:s16+$0x10D20]  }
0x47c: {  	v41 =	vmul.f32 v34, v15;
	v40 =	vld [tilespmem:s16+$0x10DA0]  }
0x47d: {  	v1 =	vmul.f32 v33, v12;
	v2 =	vadd.f32 v3, v2;
	v42 =	vld [tilespmem:s16+$0x10E20];
	v0 =	vadd.f32 v4, v0  }
0x47e: {  	v43 =	vld [tilespmem:s16+$0x10EA0]  }
0x47f: {  	v44 =	vld [tilespmem:s16+$0x10F20];
	v1 =	vadd.f32 v1, v2;
	v0 =	vadd.f32 v41, v0  }
0x480: {  	v46 =	vld [tilespmem:s16+$0x10FA0];
	v45 =	vmul.f32 v37, v17;
	v5 =	vmul.f32 v39, v18  }
0x481: {  	v26 =	vld [tilespmem:s8+$0x10E60];
	v0 =	vadd.f32 v0, v1;
	v48 =	vmul.f32 v38, v20;
	v3 =	vmul.f32 v40, v22  }
0x482: {  	v28 =	vld [tilespmem:s8+$0x10D60];
	v49 =	vmul.f32 v42, v21  }
0x483: {  	v29 =	vld [tilespmem:s8+$0x10FE0];
	v51 =	vmul.f32 v43, v19;
	v4 =	vadd.f32 v5, v45;
	[tilespmem:s1+$0x420] =	vst v0;
	v50 =	vadd.f32 v3, v48  }
0x484: {  	v59 =	vmul.f32 v44, v23;
	v57 =	vld [tilespmem:s11+$0x10C30]  }
0x485: {  	v60 =	vmul.f32 v46, v24;
	v58 =	vld [tilespmem:s11+$0x10CB0];
	v4 =	vadd.f32 v49, v4;
	v0 =	vadd.f32 v51, v50  }
0x486: {  	v61 =	vld [tilespmem:s11+$0x10D30]  }
0x487: {  	v62 =	vld [tilespmem:s11+$0x10DB0];
	v1 =	vadd.f32 v59, v4;
	v0 =	vadd.f32 v60, v0  }
0x488: {  	v63 =	vld [tilespmem:s11+$0x10E30]  }
0x489: {  	v33 =	vld [tilespmem:s11+$0x10EB0];
	v0 =	vadd.f32 v0, v1  }
0x48a: {  	v34 =	vld [tilespmem:s11+$0x10F30]  }
0x48b: {  	v35 =	vld [tilespmem:s11+$0x10FB0];
	v3 =	vmul.f32 v57, v9;
	v25 =	vmul.f32 v61, v11;
	[tilespmem:s17+$0x420] =	vst v0  }
0x48c: {  	v36 =	vmul.f32 v58, v10;
	v37 =	vmul.f32 v62, v13;
	v38 =	vld [tilespmem:s16+$0x10C30]  }
0x48d: {  	v2 =	vmul.f32 v63, v14;
	v39 =	vld [tilespmem:s16+$0x10CB0]  }
0x48e: {  	v4 =	vmul.f32 v33, v16;
	v3 =	vadd.f32 v25, v3;
	v0 =	vadd.f32 v37, v36;
	v40 =	vld [tilespmem:s16+$0x10D30]  }
0x48f: {  	v1 =	vmul.f32 v34, v12;
	v41 =	vld [tilespmem:s16+$0x10DB0]  }
0x490: {  	v42 =	vmul.f32 v35, v15;
	v43 =	vld [tilespmem:s16+$0x10E30];
	v2 =	vadd.f32 v2, v3;
	v0 =	vadd.f32 v4, v0  }
0x491: {  	v44 =	vld [tilespmem:s16+$0x10EB0]  }
0x492: {  	v45 =	vld [tilespmem:s16+$0x10F30];
	v1 =	vadd.f32 v1, v2;
	v0 =	vadd.f32 v42, v0  }
0x493: {  	v48 =	vld [tilespmem:s16+$0x10FB0];
	v46 =	vmul.f32 v38, v17;
	v5 =	vmul.f32 v40, v18  }
0x494: {  	v6 =	vld [tilespmem:s8+$0x10DE0];
	v0 =	vadd.f32 v0, v1;
	v50 =	vmul.f32 v39, v20;
	v3 =	vmul.f32 v41, v22  }
0x495: {  	v49 =	vld [tilespmem:s8+$0x10EE0];
	v57 =	vmul.f32 v43, v21  }
0x496: {  	v51 =	vld [tilespmem:s8+$0x10F60];
	v59 =	vmul.f32 v44, v19;
	v4 =	vadd.f32 v5, v46;
	[tilespmem:s1+$0x430] =	vst v0;
	v58 =	vadd.f32 v3, v50  }
0x497: {  	v62 =	vmul.f32 v45, v23;
	v60 =	vld [tilespmem:s11+$0x10C40]  }
0x498: {  	v63 =	vmul.f32 v48, v24;
	v61 =	vld [tilespmem:s11+$0x10CC0];
	v4 =	vadd.f32 v57, v4;
	v0 =	vadd.f32 v59, v58  }
0x499: {  	v36 =	vld [tilespmem:s11+$0x10D40]  }
0x49a: {  	v7 =	vmul.f32 v7, v55;
	v37 =	vld [tilespmem:s11+$0x10DC0];
	v1 =	vadd.f32 v62, v4;
	v0 =	vadd.f32 v63, v0  }
0x49b: {  	v28 =	vmul.f32 v28, v56;
	v38 =	vmul.f32 v8, v32;
	v40 =	vld [tilespmem:s11+$0x10E40]  }
0x49c: {  	v39 =	vmul.f32 v6, v31;
	v41 =	vmul.f32 v26, v53;
	v42 =	vld [tilespmem:s11+$0x10EC0];
	v0 =	vadd.f32 v0, v1  }
0x49d: {  	v7 =	vadd.f32 v28, v7;
	v44 =	vmul.f32 v49, v54;
	v45 =	vmul.f32 v51, v30;
	v46 =	vld [tilespmem:s11+$0x10F40]  }
0x49e: {  	v43 =	vadd.f32 v39, v38;
	v49 =	vld [tilespmem:s11+$0x10FC0];
	v3 =	vmul.f32 v60, v9;
	v48 =	vmul.f32 v36, v11;
	[tilespmem:s17+$0x430] =	vst v0  }
0x49f: {  	v7 =	vadd.f32 v41, v7;
	v51 =	vmul.f32 v61, v10;
	v57 =	vmul.f32 v37, v13;
	v58 =	vld [tilespmem:s16+$0x10C40]  }
0x4a0: {  	v50 =	vadd.f32 v44, v43;
	v59 =	vmul.f32 v29, v52;
	v6 =	vmul.f32 v40, v14;
	v60 =	vld [tilespmem:s16+$0x10CC0]  }
0x4a1: {  	v61 =	vmul.f32 v42, v16;
	v3 =	vadd.f32 v48, v3;
	v1 =	vadd.f32 v57, v51;
	v62 =	vld [tilespmem:s16+$0x10D40]  }
0x4a2: {  	v4 =	vadd.f32 v45, v7;
	v28 =	vmul.f32 v46, v12;
	v0 =	vadd.f32 v59, v50;
	v63 =	vld [tilespmem:s16+$0x10DC0]  }
0x4a3: {  	v29 =	vmul.f32 v49, v15;
	v33 =	vld [tilespmem:s16+$0x10E40];
	v3 =	vadd.f32 v6, v3;
	v1 =	vadd.f32 v61, v1  }
0x4a4: {  	v34 =	vld [tilespmem:s16+$0x10EC0];
	v0 =	vadd.f32 v0, v4  }
0x4a5: {  	v35 =	vld [tilespmem:s16+$0x10F40];
	v2 =	vadd.f32 v28, v3;
	v1 =	vadd.f32 v29, v1  }
0x4a6: {  	v36 =	vld [tilespmem:s16+$0x10FC0];
	v5 =	vmul.f32 v58, v17;
	v7 =	vmul.f32 v62, v18  }
0x4a7: {  	[tilespmem:s10+$0x460] =	vst v0;
	v37 =	vadd.f32 v1, v2;
	v38 =	vmul.f32 v60, v20;
	v39 =	vmul.f32 v63, v22  }
0x4a8: {  	v6 =	vld [tilespmem:s8+$0x10C70];
	v40 =	vmul.f32 v33, v21  }
0x4a9: {  	v8 =	vld [tilespmem:s8+$0x10CF0];
	v42 =	vmul.f32 v34, v19;
	v5 =	vadd.f32 v7, v5;
	[tilespmem:s1+$0x440] =	vst v37;
	v41 =	vadd.f32 v39, v38  }
0x4aa: {  	v46 =	vmul.f32 v35, v23;
	v43 =	vld [tilespmem:s11+$0x10C50]  }
0x4ab: {  	v48 =	vmul.f32 v36, v24;
	v45 =	vld [tilespmem:s11+$0x10CD0];
	v44 =	vadd.f32 v40, v5;
	v0 =	vadd.f32 v42, v41  }
0x4ac: {  	v49 =	vld [tilespmem:s11+$0x10D50]  }
0x4ad: {  	v50 =	vld [tilespmem:s11+$0x10DD0];
	v1 =	vadd.f32 v46, v44;
	v0 =	vadd.f32 v48, v0  }
0x4ae: {  	v51 =	vld [tilespmem:s11+$0x10E50]  }
0x4af: {  	v57 =	vld [tilespmem:s11+$0x10ED0];
	v0 =	vadd.f32 v0, v1  }
0x4b0: {  	v58 =	vld [tilespmem:s11+$0x10F50]  }
0x4b1: {  	v59 =	vld [tilespmem:s11+$0x10FD0];
	v2 =	vmul.f32 v43, v9;
	v7 =	vmul.f32 v49, v11;
	[tilespmem:s17+$0x440] =	vst v0  }
0x4b2: {  	v60 =	vmul.f32 v45, v10;
	v61 =	vmul.f32 v50, v13;
	v62 =	vld [tilespmem:s16+$0x10C50]  }
0x4b3: {  	v3 =	vmul.f32 v51, v14;
	v63 =	vld [tilespmem:s16+$0x10CD0]  }
0x4b4: {  	v4 =	vmul.f32 v57, v16;
	v2 =	vadd.f32 v7, v2;
	v0 =	vadd.f32 v61, v60;
	v33 =	vld [tilespmem:s16+$0x10D50]  }
0x4b5: {  	v1 =	vmul.f32 v58, v12;
	v34 =	vld [tilespmem:s16+$0x10DD0]  }
0x4b6: {  	v35 =	vmul.f32 v59, v15;
	v36 =	vld [tilespmem:s16+$0x10E50];
	v2 =	vadd.f32 v3, v2;
	v0 =	vadd.f32 v4, v0  }
0x4b7: {  	v37 =	vld [tilespmem:s16+$0x10ED0]  }
0x4b8: {  	v38 =	vld [tilespmem:s16+$0x10F50];
	v1 =	vadd.f32 v1, v2;
	v0 =	vadd.f32 v35, v0  }
0x4b9: {  	v40 =	vld [tilespmem:s16+$0x10FD0];
	v39 =	vmul.f32 v62, v17;
	v5 =	vmul.f32 v33, v18  }
0x4ba: {  	v28 =	vld [tilespmem:s8+$0x10D70];
	v0 =	vadd.f32 v0, v1;
	v41 =	vmul.f32 v63, v20;
	v3 =	vmul.f32 v34, v22  }
0x4bb: {  	v26 =	vld [tilespmem:s8+$0x10E70];
	v42 =	vmul.f32 v36, v21  }
0x4bc: {  	v7 =	vld [tilespmem:s8+$0x10DF0];
	v44 =	vmul.f32 v37, v19;
	v4 =	vadd.f32 v5, v39;
	[tilespmem:s1+$0x450] =	vst v0;
	v43 =	vadd.f32 v3, v41  }
0x4bd: {  	v48 =	vmul.f32 v38, v23;
	v45 =	vld [tilespmem:s11+$0x10C60]  }
0x4be: {  	v49 =	vmul.f32 v40, v24;
	v46 =	vld [tilespmem:s11+$0x10CE0];
	v4 =	vadd.f32 v42, v4;
	v0 =	vadd.f32 v44, v43  }
0x4bf: {  	v50 =	vld [tilespmem:s11+$0x10D60]  }
0x4c0: {  	v51 =	vld [tilespmem:s11+$0x10DE0];
	v1 =	vadd.f32 v48, v4;
	v0 =	vadd.f32 v49, v0  }
0x4c1: {  	v57 =	vld [tilespmem:s11+$0x10E60]  }
0x4c2: {  	v58 =	vld [tilespmem:s11+$0x10EE0];
	v0 =	vadd.f32 v0, v1  }
0x4c3: {  	v59 =	vld [tilespmem:s11+$0x10F60]  }
0x4c4: {  	v60 =	vld [tilespmem:s11+$0x10FE0];
	v3 =	vmul.f32 v45, v9;
	v25 =	vmul.f32 v50, v11;
	[tilespmem:s17+$0x450] =	vst v0  }
0x4c5: {  	v61 =	vmul.f32 v46, v10;
	v62 =	vmul.f32 v51, v13;
	v63 =	vld [tilespmem:s16+$0x10C60]  }
0x4c6: {  	v2 =	vmul.f32 v57, v14;
	v36 =	vld [tilespmem:s16+$0x10CE0]  }
0x4c7: {  	v4 =	vmul.f32 v58, v16;
	v3 =	vadd.f32 v25, v3;
	v0 =	vadd.f32 v62, v61;
	v37 =	vld [tilespmem:s16+$0x10D60]  }
0x4c8: {  	v1 =	vmul.f32 v59, v12;
	v38 =	vld [tilespmem:s16+$0x10DE0]  }
0x4c9: {  	v39 =	vmul.f32 v60, v15;
	v40 =	vld [tilespmem:s16+$0x10E60];
	v2 =	vadd.f32 v2, v3;
	v0 =	vadd.f32 v4, v0  }
0x4ca: {  	v41 =	vld [tilespmem:s16+$0x10EE0]  }
0x4cb: {  	v42 =	vld [tilespmem:s16+$0x10F60];
	v1 =	vadd.f32 v1, v2;
	v0 =	vadd.f32 v39, v0  }
0x4cc: {  	v44 =	vld [tilespmem:s16+$0x10FE0];
	v43 =	vmul.f32 v63, v17;
	v5 =	vmul.f32 v37, v18  }
0x4cd: {  	v48 =	vld [tilespmem:s8+$0x10F70];
	v0 =	vadd.f32 v0, v1;
	v46 =	vmul.f32 v36, v20;
	v3 =	vmul.f32 v38, v22  }
0x4ce: {  	v45 =	vld [tilespmem:s8+$0x10EF0];
	v49 =	vmul.f32 v40, v21  }
0x4cf: {  	v50 =	vld [tilespmem:s8+$0x10FF0];
	v57 =	vmul.f32 v41, v19;
	v4 =	vadd.f32 v5, v43;
	[tilespmem:s1+$0x460] =	vst v0;
	v51 =	vadd.f32 v3, v46  }
0x4d0: {  	v60 =	vmul.f32 v42, v23;
	v58 =	vld [tilespmem:s11+$0x10C70]  }
0x4d1: {  	v61 =	vmul.f32 v44, v24;
	v59 =	vld [tilespmem:s11+$0x10CF0];
	v4 =	vadd.f32 v49, v4;
	v0 =	vadd.f32 v57, v51  }
0x4d2: {  	v62 =	vld [tilespmem:s11+$0x10D70]  }
0x4d3: {  	v63 =	vld [tilespmem:s11+$0x10DF0];
	v1 =	vadd.f32 v60, v4;
	v0 =	vadd.f32 v61, v0  }
0x4d4: {  	v36 =	vld [tilespmem:s11+$0x10E70]  }
0x4d5: {  	v37 =	vld [tilespmem:s11+$0x10EF0];
	v0 =	vadd.f32 v0, v1  }
0x4d6: {  	v38 =	vld [tilespmem:s11+$0x10F70]  }
0x4d7: {  	v6 =	vmul.f32 v6, v55;
	v28 =	vmul.f32 v28, v56;
	v39 =	vld [tilespmem:s11+$0x10FF0];
	[tilespmem:s17+$0x460] =	vst v0  }
0x4d8: {  	v8 =	vmul.f32 v8, v32;
	v26 =	vmul.f32 v26, v53;
	v42 =	vld [tilespmem:s16+$0x10C70]  }
0x4d9: {  	v6 =	vadd.f32 v28, v6;
	v7 =	vmul.f32 v7, v31;
	v25 =	vmul.f32 v48, v30;
	v43 =	vld [tilespmem:s16+$0x10CF0]  }
0x4da: {  	v41 =	vmul.f32 v45, v54;
	v44 =	vmul.f32 v50, v52;
	v45 =	vld [tilespmem:s16+$0x10D70]  }
0x4db: {  	v6 =	vadd.f32 v26, v6;
	v3 =	vmul.f32 v58, v9;
	v5 =	vmul.f32 v59, v10;
	v46 =	vld [tilespmem:s16+$0x10DF0]  }
0x4dc: {  	v40 =	vadd.f32 v7, v8;
	v49 =	vmul.f32 v62, v11;
	v4 =	vmul.f32 v63, v13;
	v48 =	vld [tilespmem:s16+$0x10E70]  }
0x4dd: {  	v6 =	vadd.f32 v25, v6;
	v2 =	vmul.f32 v36, v14;
	v1 =	vmul.f32 v37, v16;
	v50 =	vld [tilespmem:s16+$0x10EF0]  }
0x4de: {  	v59 =	vmul.f32 v38, v12;
	v60 =	vmul.f32 v39, v15;
	v0 =	vadd.f32 v41, v40;
	v51 =	vld [tilespmem:s16+$0x10F70]  }
0x4df: {  	v3 =	vadd.f32 v49, v3;
	v53 =	vld [tilespmem:s16+$0x10FF0];
	v8 =	vmul.f32 v42, v17;
	v52 =	vmul.f32 v45, v18  }
0x4e0: {  	v4 =	vadd.f32 v4, v5;
	v54 =	vmul.f32 v43, v20;
	v55 =	vmul.f32 v46, v22  }
0x4e1: {  	v0 =	vadd.f32 v44, v0;
	v2 =	vadd.f32 v2, v3;
	v7 =	vmul.f32 v48, v21  }
0x4e2: {  	v58 =	vmul.f32 v50, v19;
	v56 =	vadd.f32 v52, v8;
	v57 =	vadd.f32 v55, v54  }
0x4e3: {  	v1 =	vadd.f32 v1, v4;
	v0 =	vadd.f32 v0, v6;
	v61 =	vmul.f32 v51, v23  }
0x4e4: {  	v62 =	vmul.f32 v53, v24;
	v3 =	vadd.f32 v7, v56;
	v4 =	vadd.f32 v58, v57  }
0x4e5: {  	p0 =	slt.u32 s7, $0xC;
	v2 =	vadd.f32 v59, v2;
	v1 =	vadd.f32 v60, v1  }
.Ltmp2:
0x4e6: {  	v3 =	vadd.f32 v61, v3;
	v4 =	vadd.f32 v62, v4;
	(pc) =	sbr.rel @p0 .LBB2_7-.Ltmp2, $4  }
0x4e7: {  	v1 =	vadd.f32 v1, v2  }
0x4e8: {  	[tilespmem:s10+$0x470] =	vst v0;
	v63 =	vadd.f32 v4, v3  }
0x4e9: {  	s31 =	sadd.s32 $0x3, s7;
	[tilespmem:s1+$0x470] =	vst v1  }
0x4ea: {  	s7 =	smov.u32 s31;
	[tilespmem:s17+$0x470] =	vst v63  }
0x4eb: {  	v8 =	vld [tilespmem:$0x4B80]  }
0x4ec: {  	v7 =	vld [tilespmem:$0x4B90]  }
0x4ed: {  	v6 =	vld [tilespmem:$0x4BA0]  }
0x4ee: {  	v5 =	vld [tilespmem:$0x4BB0]  }
0x4ef: {  	v4 =	vld [tilespmem:$0x4BC0]  }
0x4f0: {  	v3 =	vld [tilespmem:$0x4BD0]  }
0x4f1: {  	v2 =	vld [tilespmem:$0x4BE0]  }
0x4f2: {  	v1 =	vld [tilespmem:$0x4BF0]  }
0x4f3: {  	v0 =	vld [tilespmem:$0xC800]  }
0x4f4: {  	v9 =	vld [tilespmem:$0xC810]  }
0x4f5: {  	v10 =	vld [tilespmem:$0xC820]  }
0x4f6: {  	v11 =	vld [tilespmem:$0xC830]  }
0x4f7: {  	v12 =	vld [tilespmem:$0xC840]  }
0x4f8: {  	v13 =	vld [tilespmem:$0xC850]  }
0x4f9: {  	v14 =	vld [tilespmem:$0xC860]  }
0x4fa: {  	v15 =	vld [tilespmem:$0xC870]  }
0x4fb: {  	v16 =	vld [tilespmem:$0xC880]  }
0x4fc: {  	v17 =	vld [tilespmem:$0xC890]  }
0x4fd: {  	v18 =	vld [tilespmem:$0xC8A0]  }
0x4fe: {  	v19 =	vld [tilespmem:$0xC8B0]  }
0x4ff: {  	v20 =	vld [tilespmem:$0xC8C0]  }
0x500: {  	v21 =	vld [tilespmem:$0xC8D0]  }
0x501: {  	v22 =	vld [tilespmem:$0xC8E0]  }
0x502: {  	v23 =	vld [tilespmem:$0xC8F0]  }
0x503: {  	v24 =	vld [tilespmem:$0xC900]  }
0x504: {  	v25 =	vld [tilespmem:$0xC910]  }
0x505: {  	v26 =	vld [tilespmem:$0xC920]  }
0x506: {  	v27 =	vld [tilespmem:$0xC930]  }
0x507: {  	v28 =	vld [tilespmem:$0xC940]  }
0x508: {  	v29 =	vld [tilespmem:$0xC950]  }
0x509: {  	v30 =	vld [tilespmem:$0xC960]  }
0x50a: {  	v31 =	vld [tilespmem:$0xC970]  }
0x50b: {  	v32 =	vld [tilespmem:$0xC980]  }
0x50c: {  	v33 =	vld [tilespmem:$0xC990]  }
0x50d: {  	v34 =	vld [tilespmem:$0xC9A0];
	v0 =	vmul.f32 v0, v8  }
0x50e: {  	v35 =	vld [tilespmem:$0xC9B0];
	v10 =	vmul.f32 v10, v6;
	v9 =	vmul.f32 v9, v7  }
0x50f: {  	v36 =	vld [tilespmem:$0xC9C0];
	v11 =	vmul.f32 v11, v5;
	v45 =	vmul.f32 v12, v4  }
0x510: {  	v37 =	vld [tilespmem:$0xC9D0];
	v46 =	vmul.f32 v13, v3;
	v48 =	vmul.f32 v16, v8  }
0x511: {  	v38 =	vld [tilespmem:$0xC9E0];
	v49 =	vmul.f32 v18, v6;
	v50 =	vmul.f32 v17, v7  }
0x512: {  	v39 =	vld [tilespmem:$0xCAA0];
	v51 =	vmul.f32 v19, v5;
	v52 =	vmul.f32 v20, v4  }
0x513: {  	v42 =	vld [tilespmem:$0xCAB0];
	v14 =	vmul.f32 v14, v2;
	v53 =	vmul.f32 v21, v3  }
0x514: {  	v13 =	vld [tilespmem:$0xC9F0];
	v15 =	vmul.f32 v15, v1;
	v54 =	vmul.f32 v22, v2  }
0x515: {  	v18 =	vld [tilespmem:$0xCA00];
	v55 =	vmul.f32 v23, v1;
	v56 =	vmul.f32 v24, v8  }
0x516: {  	v19 =	vld [tilespmem:$0xCA10];
	v57 =	vmul.f32 v25, v7;
	v58 =	vmul.f32 v26, v6  }
0x517: {  	v16 =	vld [tilespmem:$0xCA20];
	v59 =	vmul.f32 v27, v5;
	v60 =	vmul.f32 v28, v4  }
0x518: {  	v20 =	vld [tilespmem:$0xCA30];
	v61 =	vmul.f32 v29, v3;
	v62 =	vmul.f32 v32, v8  }
0x519: {  	v21 =	vld [tilespmem:$0xCA40];
	v63 =	vmul.f32 v34, v6;
	v40 =	vmul.f32 v33, v7  }
0x51a: {  	v17 =	vld [tilespmem:$0xCA50];
	v41 =	vmul.f32 v35, v5;
	v44 =	vmul.f32 v36, v4  }
0x51b: {  	v12 =	vld [tilespmem:$0xCA60];
	v30 =	vmul.f32 v30, v2;
	v0 =	vadd.f32 v10, v0;
	v9 =	vadd.f32 v11, v9  }
0x51c: {  	v26 =	vld [tilespmem:$0xCA90];
	v31 =	vmul.f32 v31, v1;
	v11 =	vadd.f32 v49, v48;
	v10 =	vadd.f32 v51, v50  }
0x51d: {  	v22 =	vld [tilespmem:$0xCA70];
	v35 =	vmul.f32 v42, v5;
	v43 =	vadd.f32 v63, v62;
	v23 =	vadd.f32 v41, v40  }
0x51e: {  	v24 =	vld [tilespmem:$0xCA80];
	v50 =	vmul.f32 v38, v2;
	v62 =	vmul.f32 v39, v6;
	v0 =	vadd.f32 v45, v0  }
0x51f: {  	v36 =	vld [tilespmem:$0xCB60];
	v9 =	vadd.f32 v46, v9;
	v11 =	vadd.f32 v52, v11;
	v46 =	vmul.f32 v37, v3  }
0x520: {  	v48 =	vld [tilespmem:$0xCAD0];
	v10 =	vadd.f32 v53, v10;
	v13 =	vmul.f32 v13, v1;
	v16 =	vmul.f32 v16, v6  }
0x521: {  	v49 =	vld [tilespmem:$0xCAE0];
	v17 =	vmul.f32 v17, v3;
	v34 =	vmul.f32 v26, v7;
	v0 =	vadd.f32 v14, v0  }
0x522: {  	v42 =	vld [tilespmem:$0xCB90];
	v12 =	vmul.f32 v12, v2;
	v9 =	vadd.f32 v15, v9;
	v11 =	vadd.f32 v54, v11  }
0x523: {  	v51 =	vld [tilespmem:$0xCAF0];
	v22 =	vmul.f32 v22, v1;
	v10 =	vadd.f32 v55, v10;
	v15 =	vadd.f32 v59, v57  }
0x524: {  	v45 =	vld [tilespmem:$0xCAC0];
	v23 =	vadd.f32 v46, v23;
	v54 =	vmul.f32 v18, v8;
	v57 =	vmul.f32 v20, v5  }
0x525: {  	v52 =	vld [tilespmem:$0xCB00];
	v59 =	vmul.f32 v21, v4;
	v40 =	vmul.f32 v48, v3;
	v0 =	vadd.f32 v9, v0  }
0x526: {  	v53 =	vld [tilespmem:$0xCB10];
	v14 =	vmul.f32 v49, v2;
	v10 =	vadd.f32 v10, v11;
	v9 =	vadd.f32 v58, v56  }
0x527: {  	v63 =	vld [tilespmem:$0xCB50];
	v15 =	vadd.f32 v61, v15;
	v11 =	vadd.f32 v44, v43;
	v56 =	vmul.f32 v19, v7  }
0x528: {  	v55 =	vld [tilespmem:$0xCB20];
	v13 =	vadd.f32 v13, v23;
	v61 =	vmul.f32 v24, v8;
	v44 =	vmul.f32 v51, v1  }
0x529: {  	v58 =	vld [tilespmem:$0xCB30];
	v19 =	vmul.f32 v42, v7;
	v38 =	vmul.f32 v45, v4;
	v9 =	vadd.f32 v60, v9  }
0x52a: {  	v39 =	vld [tilespmem:$0xCB70];
	v48 =	vmul.f32 v52, v8;
	v15 =	vadd.f32 v31, v15;
	v11 =	vadd.f32 v50, v11  }
0x52b: {  	v41 =	vld [tilespmem:$0xCB80];
	v49 =	vmul.f32 v53, v7;
	v37 =	vadd.f32 v62, v61;
	v9 =	vadd.f32 v30, v9  }
0x52c: {  	v45 =	vld [tilespmem:$0xCBA0];
	v62 =	vmul.f32 v36, v2;
	v11 =	vadd.f32 v13, v11;
	v13 =	vadd.f32 v57, v56  }
0x52d: {  	v53 =	vld [tilespmem:$0xCBD0];
	v51 =	vmul.f32 v55, v6;
	v55 =	vmul.f32 v63, v3;
	v9 =	vadd.f32 v15, v9  }
0x52e: {  	v46 =	vld [tilespmem:$0xCBB0];
	v52 =	vmul.f32 v58, v5;
	v15 =	vadd.f32 v16, v54;
	v13 =	vadd.f32 v17, v13  }
0x52f: {  	v60 =	vld [tilespmem:$0xCB40];
	v63 =	vmul.f32 v39, v1;
	v16 =	vadd.f32 v35, v34;
	v17 =	vadd.f32 v38, v37  }
0x530: {  	v50 =	vld [tilespmem:$0xCBC0];
	v57 =	vmul.f32 v41, v8;
	v18 =	vadd.f32 v52, v49;
	v15 =	vadd.f32 v59, v15  }
0x531: {  	v56 =	vld [tilespmem:$0xCBE0];
	v26 =	vmul.f32 v45, v6;
	v43 =	vadd.f32 v40, v16;
	v13 =	vadd.f32 v22, v13  }
0x532: {  	v58 =	vld [tilespmem:$0xCBF0];
	v61 =	vmul.f32 v53, v3;
	v14 =	vadd.f32 v14, v17;
	v12 =	vadd.f32 v12, v15  }
0x533: {  	v17 =	vmul.f32 v46, v5;
	v59 =	vadd.f32 v26, v57;
	v15 =	vadd.f32 v44, v43  }
0x534: {  	v54 =	vmul.f32 v60, v4;
	v12 =	vadd.f32 v13, v12;
	v13 =	vadd.f32 v51, v48  }
0x535: {  	v60 =	vmul.f32 v50, v4;
	v18 =	vadd.f32 v55, v18;
	v17 =	vadd.f32 v17, v19  }
0x536: {  	(xrf2) =	vadd.scan.msk.f32 $0xffff, v0;
	v24 =	vmul.f32 v56, v2;
	v14 =	vadd.f32 v15, v14;
	v13 =	vadd.f32 v54, v13  }
0x537: {  	(xrf2) =	vadd.scan.msk.f32 $0xffff, v10;
	v25 =	vmul.f32 v58, v1;
	v15 =	vadd.f32 v60, v59;
	v23 =	vadd.f32 v61, v17  }
0x538: {  	(xrf2) =	vadd.scan.msk.f32 $0xffff, v9;
	v26 =	vadd.f32 v63, v18;
	v0 =	vadd.f32 v62, v13  }
0x539: {  	(xrf2) =	vadd.scan.msk.f32 $0xffff, v11;
	v27 =	vadd.f32 v24, v15;
	v10 =	vadd.f32 v25, v23  }
0x53a: {  	(xrf2) =	vadd.scan.msk.f32 $0xffff, v12;
	v0 =	vadd.f32 v26, v0  }
0x53b: {  	(xrf2) =	vadd.scan.msk.f32 $0xffff, v14;
	v28 =	vadd.f32 v10, v27  }
0x53c: {  	(xrf2) =	vadd.scan.msk.f32 $0xffff, v0  }
0x53d: {  	(xrf2) =	vadd.scan.msk.f32 $0xffff, v28;
	_ =	sdelay $0x2  }
0x53e: {  	v29, _, _ =	vpop (xrf2)  }
0x53f: {  	v30, _, _ =	vpop (xrf2);
	v0 =	vbroadcast v29, $0xF  }
0x540: {  	v9 =	vbroadcast v30, $0xF;
	v31, _, _ =	vpop (xrf2)  }
0x541: {  	v32, _, _ =	vpop (xrf2);
	v10 =	vbroadcast v31, $0xF;
	v0 =	vnsel vm0, $0xF149F2CA, v0  }
0x542: {  	v33 =	vbroadcast v32, $0xF;
	v0 =	vsel vm1, v0, v9;
	v12, _, _ =	vpop (xrf2)  }
0x543: {  	v0 =	vsel vm2, v0, v10;
	v34, _, _ =	vpop (xrf2);
	v35 =	vbroadcast v12, $0xF  }
0x544: {  	v0 =	vsel vm3, v0, v33;
	v37 =	vbroadcast v34, $0xF;
	v36, _, _ =	vpop (xrf2)  }
0x545: {  	v0 =	vsel vm4, v0, v35;
	v38 =	vbroadcast v36, $0xF;
	v39, _, _ =	vpop (xrf2)  }
0x546: {  	v0 =	vsel vm5, v0, v37;
	v40 =	vbroadcast v39, $0xF  }
0x547: {  	v0 =	vsel vm6, v0, v38  }
0x548: {  	v0 =	vsel vm7, v0, v40  }
0x549: {  	v0 =	vmul.f32 $1.442695020e+00, v0;
	_ =	sdelay $0x1  }
0x54a: {  	(erf) = vpow2.f32 v0;
	_ =	sdelay $0x8  }
0x54b: {  	v42 =	vpop (erf)  }
0x54c: {  	(xrf2) =	vadd.scan.msk.f32 $0xffff, v42  }
0x54d: {  	v20 =	vld [tilespmem:$0x14B00]  }
0x54e: {  	v21 =	vld [tilespmem:$0x14B80]  }
0x54f: {  	v45 =	vld [tilespmem:$0x14980]  }
0x550: {  	v53 =	vld [tilespmem:$0x14890]  }
0x551: {  	v52 =	vld [tilespmem:$0x14810]  }
0x552: {  	v50 =	vld [tilespmem:$0x14AA0]  }
0x553: {  	v16 =	vld [tilespmem:$0x14900]  }
0x554: {  	v41 =	vmov s14;
	v57 =	vld [tilespmem:$0x14A90]  }
0x555: {  	v55 =	vld [tilespmem:$0x14990];
	v0 =	vshrl.u32 v41, $0x7  }
0x556: {  	v56 =	vld [tilespmem:$0x14A10];
	v0 =	vshll.u32 v0, $0x7;
	v51, _, _ =	vpop (xrf2)  }
0x557: {  	v43 =	vld [tilespmem:$0x14800];
	v0 =	vor.u32 $0x78, v0;
	v12 =	vbroadcast v51, $0xF  }
0x558: {  	v44 =	vld [tilespmem:$0x14880];
	v0 =	vbroadcast v0, $0x0  }
0x559: {  	v19 =	vld [tilespmem:$0x14A80];
	(erf) = vrcp.f32 v12  }
0x55a: {  	v58 =	vld [tilespmem:$0x14B10]  }
0x55b: {  	v18 =	vld [tilespmem:$0x14A00]  }
0x55c: {  	v63 =	vld [tilespmem:$0x149A0]  }
0x55d: {  	v59 =	vld [tilespmem:$0x14B90]  }
0x55e: {  	v0 =	vld.idx.msk [tilespmem:v0+s4+$0x0], $0xffff  }
0x55f: {  	v60 =	vld [tilespmem:$0x14820]  }
0x560: {  	v61 =	vld [tilespmem:$0x148A0]  }
0x561: {  	v48 =	vld [tilespmem:$0x14A20]  }
0x562: {  	v54 =	vld [tilespmem:$0x14910];
	v12 =	vpop (erf)  }
0x563: {  	v25 =	vld [tilespmem:$0x148C0];
	vm8 =	vlt.u32 v0, $0x20000000;
	v46 =	vmul.f32 v12, v42  }
0x564: {  	v23 =	vld [tilespmem:$0x14AC0];
	v49 =	vsel vm8, $0x0, v47  }
0x565: {  	v30 =	vld [tilespmem:$0x14850];
	v0 =	vmul.f32 v46, v49  }
0x566: {  	v62 =	vld [tilespmem:$0x14920]  }
0x567: {  	v27 =	vld [tilespmem:$0x14A40];
	v15 =	vbroadcast v0, $0x0  }
0x568: {  	v26 =	vld [tilespmem:$0x149C0];
	v14 =	vbroadcast v0, $0x1;
	v13 =	vbroadcast v0, $0x2  }
0x569: {  	v32 =	vld [tilespmem:$0x148D0];
	v12 =	vbroadcast v0, $0x3;
	v11 =	vbroadcast v0, $0x4  }
0x56a: {  	v28 =	vld [tilespmem:$0x14BC0];
	v9 =	vbroadcast v0, $0x5;
	v10 =	vmul.f32 v15, v43  }
0x56b: {  	v51 =	vld [tilespmem:$0x14830];
	v41 =	vmul.f32 v14, v44;
	v16 =	vmul.f32 v13, v16  }
0x56c: {  	v34 =	vld [tilespmem:$0x14AE0];
	v17 =	vmul.f32 v12, v45;
	v18 =	vmul.f32 v11, v18  }
0x56d: {  	v37 =	vld [tilespmem:$0x14BA0];
	v19 =	vmul.f32 v9, v19;
	v22 =	vmul.f32 v52, v15  }
0x56e: {  	v36 =	vld [tilespmem:$0x14B20];
	v24 =	vmul.f32 v54, v13;
	v52 =	vmul.f32 v53, v14  }
0x56f: {  	v39 =	vld [tilespmem:$0x148B0];
	v53 =	vmul.f32 v55, v12;
	v55 =	vmul.f32 v56, v11  }
0x570: {  	v42 =	vld [tilespmem:$0x149B0];
	v56 =	vmul.f32 v57, v9;
	v49 =	vmul.f32 v51, v15;
	v16 =	vadd.f32 v16, v10  }
0x571: {  	v51 =	vld [tilespmem:$0x14950];
	v25 =	vmul.f32 v25, v14;
	v17 =	vadd.f32 v17, v41;
	v10 =	vbroadcast v0, $0x6  }
0x572: {  	v40 =	vld [tilespmem:$0x14930];
	v26 =	vmul.f32 v26, v12;
	v23 =	vmul.f32 v23, v9;
	v18 =	vadd.f32 v16, v18  }
0x573: {  	v46 =	vld [tilespmem:$0x14840];
	v17 =	vadd.f32 v17, v19;
	v16 =	vbroadcast v0, $0x7;
	v20 =	vmul.f32 v20, v10  }
0x574: {  	v43 =	vld [tilespmem:$0x14A30];
	v19 =	vadd.f32 v53, v52;
	v57 =	vmul.f32 v58, v10;
	v52 =	vmul.f32 v39, v14  }
0x575: {  	v44 =	vld [tilespmem:$0x14AB0];
	v54 =	vadd.f32 v24, v22;
	v53 =	vmul.f32 v42, v12;
	v36 =	vmul.f32 v36, v10  }
0x576: {  	v45 =	vld [tilespmem:$0x14B30];
	v25 =	vadd.f32 v26, v25;
	v51 =	vmul.f32 v51, v13;
	v21 =	vmul.f32 v21, v16  }
0x577: {  	v41 =	vld [tilespmem:$0x14BB0];
	v0 =	vadd.f32 v55, v54;
	v58 =	vmul.f32 v59, v16;
	v59 =	vmul.f32 v60, v15  }
0x578: {  	v24 =	vld [tilespmem:$0x14940];
	v23 =	vadd.f32 v23, v25;
	v60 =	vmul.f32 v61, v14;
	v61 =	vmul.f32 v62, v13  }
0x579: {  	v54 =	vld [tilespmem:$0x149D0];
	v18 =	vadd.f32 v18, v20;
	v62 =	vmul.f32 v63, v12;
	v63 =	vmul.f32 v48, v11  }
0x57a: {  	v42 =	vld [tilespmem:$0x14860];
	v19 =	vadd.f32 v56, v19;
	v48 =	vmul.f32 v50, v9;
	v50 =	vmul.f32 v40, v13  }
0x57b: {  	v39 =	vld [tilespmem:$0x14A70];
	v0 =	vadd.f32 v57, v0;
	v56 =	vmul.f32 v43, v11;
	v37 =	vmul.f32 v37, v16  }
0x57c: {  	v57 =	vld [tilespmem:$0x14A50];
	v29 =	vadd.f32 v53, v52;
	v52 =	vmul.f32 v32, v14;
	v28 =	vmul.f32 v28, v16  }
0x57d: {  	v43 =	vld [tilespmem:$0x148E0];
	v24 =	vmul.f32 v24, v13;
	v17 =	vadd.f32 v17, v21;
	v19 =	vadd.f32 v58, v19  }
0x57e: {  	v21 =	vld [tilespmem:$0x14B40];
	v22 =	vadd.f32 v62, v60;
	v58 =	vmul.f32 v44, v9;
	v62 =	vmul.f32 v41, v16  }
0x57f: {  	v55 =	vadd.f32 v50, v49;
	v60 =	vld [tilespmem:$0x14B50];
	v44 =	vmul.f32 v46, v15;
	v50 =	vmul.f32 v30, v15  }
0x580: {  	v46 =	vld [tilespmem:$0x149E0];
	v53 =	vmul.f32 v54, v12;
	v17 =	vadd.f32 v17, v18;
	v0 =	vadd.f32 v19, v0  }
0x581: {  	v35 =	vmul.f32 v42, v15;
	v18 =	vadd.f32 v61, v59;
	v22 =	vadd.f32 v48, v22;
	v59 =	vld [tilespmem:$0x14AD0]  }
0x582: {  	v19 =	vadd.f32 v56, v55;
	v29 =	vadd.f32 v58, v29;
	v61 =	vmul.f32 v45, v10;
	v45 =	vld [tilespmem:$0x14960]  }
0x583: {  	v48 =	vmul.f32 v27, v11;
	v54 =	vadd.f32 v51, v50;
	v58 =	vld [tilespmem:$0x148F0];
	v18 =	vadd.f32 v63, v18  }
0x584: {  	v55 =	vmul.f32 v57, v11;
	v63 =	vld [tilespmem:$0x14BD0];
	v22 =	vadd.f32 v37, v22;
	v19 =	vadd.f32 v61, v19  }
0x585: {  	v57 =	vld [tilespmem:$0x14870];
	v29 =	vadd.f32 v62, v29;
	v62 =	vadd.f32 v28, v23;
	v21 =	vmul.f32 v21, v10  }
0x586: {  	v61 =	vld [tilespmem:$0x14970];
	v25 =	vadd.f32 v55, v54;
	v20 =	vmul.f32 v60, v10;
	v55 =	vmul.f32 v39, v11  }
0x587: {  	v38 =	vld [tilespmem:$0x14B60];
	v18 =	vadd.f32 v36, v18;
	v19 =	vadd.f32 v29, v19;
	v36 =	vmul.f32 v43, v14  }
0x588: {  	v49 =	vld [tilespmem:$0x14A60];
	v56 =	vmul.f32 v59, v9;
	v20 =	vadd.f32 v20, v25;
	v41 =	vmul.f32 v45, v13  }
0x589: {  	[tilespmem:$0x16780] =	vst v8;
	v14 =	vmul.f32 v58, v14;
	v18 =	vadd.f32 v22, v18;
	v60 =	vmul.f32 v63, v16;
	v63 =	vld [tilespmem:$0x149F0]  }
0x58a: {  	[tilespmem:$0x16790] =	vst v7;
	v42 =	vld [tilespmem:$0x14AF0];
	v22 =	vadd.f32 v24, v44;
	v24 =	vadd.f32 v53, v52;
	v15 =	vmul.f32 v57, v15  }
0x58b: {  	[tilespmem:$0x167A0] =	vst v6;
	v30 =	vld [tilespmem:$0x14BE0];
	v44 =	vmul.f32 v46, v12;
	v46 =	vadd.f32 v41, v35;
	v13 =	vmul.f32 v61, v13  }
0x58c: {  	[tilespmem:$0x167B0] =	vst v5;
	v45 =	vld [tilespmem:$0x14B70];
	v52 =	vmul.f32 v34, v9;
	v22 =	vadd.f32 v48, v22;
	v59 =	vadd.f32 v56, v24  }
0x58d: {  	[tilespmem:$0x167C0] =	vst v4;
	v48 =	vmul.f32 v49, v11;
	v49 =	vld [tilespmem:$0x14BF0];
	v50 =	vadd.f32 v44, v36;
	v54 =	vadd.f32 v13, v15  }
0x58e: {  	[tilespmem:$0x167D0] =	vst v3;
	v21 =	vadd.f32 v21, v22;
	v28 =	vadd.f32 v60, v59;
	v51 =	vmul.f32 v63, v12  }
0x58f: {  	[tilespmem:$0x167E0] =	vst v2;
	v58 =	vmul.f32 v42, v9;
	v53 =	vadd.f32 v48, v46;
	v56 =	vadd.f32 v52, v50  }
0x590: {  	[tilespmem:$0x167F0] =	vst v1;
	v59 =	vmul.f32 v38, v10;
	v4 =	vadd.f32 v55, v54;
	v57 =	vadd.f32 v51, v14  }
0x591: {  	[tilespmem:$0x16B80] =	vst v17;
	v60 =	vmul.f32 v30, v16;
	v40 =	vadd.f32 v62, v21;
	v43 =	vadd.f32 v28, v20  }
0x592: {  	[tilespmem:$0x16B90] =	vst v0;
	v62 =	vmul.f32 v45, v10;
	v63 =	vmul.f32 v49, v16;
	v61 =	vadd.f32 v58, v57  }
0x593: {  	s0 =	sadd.s32 $0x1, s0;
	[tilespmem:$0x16BB0] =	vst v19;
	v2 =	vadd.f32 v59, v53;
	v1 =	vadd.f32 v60, v56  }
0x594: {  	p0 =	sne.s32 s0, $0x14;
	[tilespmem:$0x16BA0] =	vst v18;
	v3 =	vadd.f32 v62, v4;
	v0 =	vadd.f32 v63, v61  }
.Ltmp3:
0x595: {  	[tilespmem:$0x16BC0] =	vst v40;
	v1 =	vadd.f32 v1, v2;
	(pc) =	sbr.rel @p0 .LBB2_4-.Ltmp3, $4  }
0x596: {  	[tilespmem:$0x16BD0] =	vst v43;
	v0 =	vadd.f32 v0, v3  }
0x597: {  	s1 =	sshll.u32 s13, $0x5;
	[tilespmem:$0x16BE0] =	vst v1  }
0x598: {  	s1 =	sadd.s32 s3, s1;
	[tilespmem:$0x16BF0] =	vst v0  }
0x599: {  	[hbm4b:s1+s4] =	stream.linear.scatter [tilespmem:s29], [sflag:$0x8], $0x1000, $0x38;
	[tilespmem:$0x16C00] =	vst v63  }
0x59a: {  	s0 =	simm.s32 $0x7  }
0x59b: {  	_ =	swait.ge [sflag:s0], $0x1000  }
0x59c: {  	[sflag:s0] =	ssyncset.done $0x0  }
0x59d: {  	s1 =	simm.s32 $0x8;
	[sflag:s0] =	ssyncadd.s32 $0xFFFFF000  }
0x59e: {  	_ =	swait.ge [sflag:s1], $0x1000  }
0x59f: {  	s7 =	rddreg [dreg:$0x7]  }
0x5a0: {  	s31 =	rddreg [dreg:$0x6];
	s7 =	sadd.s32 $0x1, s7  }
0x5a1: {  	p0 =	sne.s32 s7, s31  }
.Ltmp4:
0x5a2: {  	_ = 	snop;
	(pc) =	sbr.rel @p0 .LBB2_1-.Ltmp4, $3  }
0x5a3: {  	_ =	sdelay $0x1  }
0x5a4: {  	[sflag:s1] =	ssyncset.done $0x0  }
0x5a5: {  	[sflag:s1] =	ssyncadd.s32 $0xFFFFF000  }
0x5a6: {  	_ =	sfence.sel $0x180000  }
0x5a7: {  	[bflag:$0x0] =	sbarrier.arrive $0xFFFF  }
0x5a8: {  	_ =	strace $0x90000047  }
0x5a9: {  	s0 =	stileid.u32;
	[bflag:$0x2] =	sbarrier.arrive $0xFFFF  }
0x5aa: {  	p0 =	sne.s32 s0, $0x0;
	s0 =	rddreg [dreg:$0x3]  }
0x5ab: {  	s0 =	sadd.s32 @!p0 $0x100000, s0  }
0x5ac: {  	[sflag:s0] =	ssyncadd.tile.s32 @!p0 $0x1;
	_ =	shalt  }
.Lfunc_end2:
_tile_overlayer_lowered:
.L_overlay_start_2:
0x5ad: {  	(tag) =	ssettag $0x2  }
0x5ae: {  	s0 =	rddreg [dreg:$0x0];
	s2 =	stileid.u32  }
0x5af: {  	s1 =	rddreg [dreg:$0x1];
	p0 =	sne.s32 s2, $0x0  }
0x5b0: {  	s3 =	rddreg [dreg:$0x2];
	[bflag:$0x3] =	sbarrier.arrive $0xFFFF;
	s2 =	simm.s32 @!p0 $0x1C09  }
0x5b1: {  	[timem:s3], [sflag:s2] =	dma.local @!p0 [hbm:s0], s1  }
0x5b2: {  	s0 =	simm.s32 @!p0 $0x9  }
0x5b3: {  	_ =	swait.ge @!p0 [sflag:s0], s1  }
0x5b4: {  	s1 =	ssub.s32 @!p0 $0x0, s1;
	[sflag:s0] =	ssyncset.done @!p0 $0x0  }
0x5b5: {  	[sflag:s0] =	ssyncadd.s32 @!p0 s1  }
0x5b6: {  	[bflag:$0x3] =	sbarrier.arrive $0xFFFF  }
0x5b7: {  	_ =	shalt  }

</sc_bundles>
